<compile_context>
chip_gen: v7x
topology: tpu7x:2x2x1
jax: 0.10.2.dev20260603
libtpu: 0.0.44.dev20260713+nightly
codegen_flags: <defaults>
</compile_context>

<pallas_src>
import functools

import jax
import jax.numpy as jnp
from jax import lax
from jax.experimental import pallas as pl
from jax.experimental.pallas import tpu as pltpu
from jax.experimental.pallas import tpu_sc as plsc

N_CHANNELS = 192
N_KNOTS = 65
INV_GRID = 32.0

N = 4
H = W = 224
SLAB = H * W

NUM_CORES = 2
NUM_SUBCORES = 16
NW = NUM_CORES * NUM_SUBCORES

ROWS = 112
CHUNKS_PER_SLAB = H // ROWS
SLABS = N * N_CHANNELS
SLABS_PER_W = SLABS // NW
CHUNKS_PER_W = SLABS_PER_W * CHUNKS_PER_SLAB
VPR = W // 16

TAB = N_CHANNELS * N_KNOTS


def _body(x_hbm, btab_hbm, d0tab_hbm, d2tab_hbm, out_hbm,
          btab, d0tab, d2tab, buf0, buf1, buf2,
          si0, si1, si2, so0, so1, so2):
    cid = lax.axis_index("c")
    sid = lax.axis_index("s")
    wid = sid * NUM_CORES + cid

    pltpu.sync_copy(btab_hbm, btab)
    pltpu.sync_copy(d0tab_hbm, d0tab)
    pltpu.sync_copy(d2tab_hbm, d2tab)

    base_chunk = wid * CHUNKS_PER_W

    def src_of(g):
        slab = (base_chunk + g) // CHUNKS_PER_SLAB
        r0 = (base_chunk + g) % CHUNKS_PER_SLAB * ROWS
        n = slab // N_CHANNELS
        c = slab % N_CHANNELS
        return n, c, r0

    bufs = (buf0, buf1, buf2)
    sis = (si0, si1, si2)
    sos = (so0, so1, so2)

    def start_in(g, b):
        n, c, r0 = src_of(g)
        pltpu.async_copy(
            x_hbm.at[n, c, pl.ds(r0, ROWS), :], bufs[b], sis[b])

    start_in(0, 0)
    start_in(1, 1)

    def chunk_triple(j, carry):
        for b in range(3):
            g = j * 3 + b
            buf, si, so = bufs[b], sis[b], sos[b]
            n, c, r0 = src_of(g)
            c65 = c * N_KNOTS

            pltpu.make_async_copy(
                x_hbm.at[n, c, pl.ds(r0, ROWS), :], buf, si).wait()

            @plsc.parallel_loop(0, ROWS, unroll=1)
            def _(r):
                for v in range(VPR):
                    col = v * 16
                    x = buf[r, pl.ds(col, 16)]
                    xb = x * INV_GRID + (N_KNOTS // 2) * 1.0
                    xcb = jnp.minimum(jnp.maximum(xb, 0.0),
                                      (N_KNOTS - 3) * 1.0)
                    ti = xcb.astype(jnp.int32)
                    s = xb - ti.astype(jnp.float32)
                    ki = ti + c65
                    g0 = plsc.load_gather(btab, [ki])
                    g1 = plsc.load_gather(d0tab, [ki])
                    g2 = plsc.load_gather(d2tab, [ki])
                    buf[r, pl.ds(col, 16)] = g0 + s * (g1 + s * g2)

            pltpu.async_copy(buf, out_hbm.at[n, c, pl.ds(r0, ROWS), :], so)

            pb = (b + 2) % 3
            if b == 0:
                @pl.when(j > 0)
                def _():
                    np_, cp, rp = src_of(g - 1)
                    pltpu.make_async_copy(
                        bufs[pb], out_hbm.at[np_, cp, pl.ds(rp, ROWS), :],
                        sos[pb]).wait()

                start_in(g + 2, pb)
            else:
                np_, cp, rp = src_of(g - 1)
                pltpu.make_async_copy(
                    bufs[pb], out_hbm.at[np_, cp, pl.ds(rp, ROWS), :],
                    sos[pb]).wait()

                @pl.when(j < CHUNKS_PER_W // 3 - 1)
                def _():
                    start_in(g + 2, pb)
        return carry

    lax.fori_loop(0, CHUNKS_PER_W // 3, chunk_triple, 0)

    n, c, r0 = src_of(CHUNKS_PER_W - 1)
    pltpu.make_async_copy(
        bufs[(CHUNKS_PER_W - 1) % 3],
        out_hbm.at[n, c, pl.ds(r0, ROWS), :],
        sos[(CHUNKS_PER_W - 1) % 3]).wait()


_mesh = plsc.VectorSubcoreMesh(core_axis_name="c", subcore_axis_name="s")

_sc_call = functools.partial(
    pl.kernel,
    out_type=jax.ShapeDtypeStruct((N, N_CHANNELS, H, W), jnp.float32),
    mesh=_mesh,
    compiler_params=pltpu.CompilerParams(
        needs_layout_passes=False, use_tc_tiling_on_sc=True),
    scratch_types=[
        pltpu.VMEM((TAB,), jnp.float32),
        pltpu.VMEM((TAB,), jnp.float32),
        pltpu.VMEM((TAB,), jnp.float32),
        pltpu.VMEM((ROWS, W), jnp.float32),
        pltpu.VMEM((ROWS, W), jnp.float32),
        pltpu.VMEM((ROWS, W), jnp.float32),
        pltpu.SemaphoreType.DMA,
        pltpu.SemaphoreType.DMA,
        pltpu.SemaphoreType.DMA,
        pltpu.SemaphoreType.DMA,
        pltpu.SemaphoreType.DMA,
        pltpu.SemaphoreType.DMA,
    ],
)(_body)


@jax.jit
def kernel(x, coefficients_vect, zero_knot_indexes):
    base = zero_knot_indexes.astype(jnp.int32) - (N_KNOTS // 2)
    offs = base[:, None] + jnp.arange(N_KNOTS, dtype=jnp.int32)[None, :]
    c0 = jnp.take(coefficients_vect, offs)
    c1 = jnp.take(coefficients_vect, offs + 1)
    c2 = jnp.take(coefficients_vect, offs + 2)
    btab = (0.5 * (c0 + c1)).reshape(-1)
    d0tab = (c1 - c0).reshape(-1)
    d2tab = (0.5 * (c0 + c2) - c1).reshape(-1)
    return _sc_call(x, btab, d0tab, d2tab)

# --- scband reference (transcript-rebuilt; emitter-appended) ---
"""Pipeline reference for scband-quadratic-spline-57354993270930 (READ-ONLY COPY).

The authoritative reference and input builder live on the scoring server;
editing this copy changes nothing except your own understanding.
"""

import jax, jax.numpy as jnp
import numpy as np

N_CHANNELS = 192
N_KNOTS = 65
T_RANGE = 1.0
ROUND_TO = 1e-06
GRID = (T_RANGE / (N_KNOTS // 2)) // ROUND_TO * ROUND_TO  # 0.03125


def setup_inputs(seed: int = 0) -> dict:
    key = jax.random.key(seed)
    k1, k2 = jax.random.split(key)
    x = jax.random.normal(k1, (4, N_CHANNELS, 224, 224), dtype=jnp.float32)
    # learned spline coefficients, flattened as in the torch module (n_channels * n_knots,)
    coefficients_vect = jax.random.normal(k2, (N_CHANNELS * N_KNOTS,), dtype=jnp.float32) * 0.1
    zero_knot_indexes = jnp.arange(N_CHANNELS, dtype=jnp.int32) * N_KNOTS + N_KNOTS // 2
    return {"x": x, "coefficients_vect": coefficients_vect, "zero_knot_indexes": zero_knot_indexes}


def reference(x, coefficients_vect, zero_knot_indexes):
    grid = jnp.float32(GRID)
    size = N_KNOTS
    x_clamped = jnp.clip(x, -(GRID * (size // 2)), GRID * (size // 2 - 2))
    floored_x = jnp.floor(x_clamped / grid)
    indexes = (zero_knot_indexes.reshape(1, -1, 1, 1) + floored_x).astype(jnp.int32)
    shift1 = (x - floored_x * grid) / grid
    frac1 = (shift1 - 1) ** 2 / 2
    frac2 = (-2 * shift1 ** 2 + 2 * shift1 + 1) / 2
    frac3 = shift1 ** 2 / 2
    activation_output = (
        jnp.take(coefficients_vect, indexes + 2) * frac3
        + jnp.take(coefficients_vect, indexes + 1) * frac2
        + jnp.take(coefficients_vect, indexes) * frac1
    )
    return activation_output

if __name__ == "__main__":
    import jax
    _d = setup_inputs()
    print(jax.jit(kernel)(*tuple(_d.values())))

</pallas_src>

<mosaic_0001>
#map = affine_map<(d0, d1) -> (0, 0, 0, 0)>
#map1 = affine_map<(d0, d1) -> (0)>
module attributes {stable_mosaic.version = 14 : i64} {
  func.func @_body(%arg0: i32, %arg1: i32, %arg2: memref<4x192x224x224xf32, #tpu.memory_space<hbm>>, %arg3: memref<12480xf32, #tpu.memory_space<hbm>>, %arg4: memref<12480xf32, #tpu.memory_space<hbm>>, %arg5: memref<12480xf32, #tpu.memory_space<hbm>>, %arg6: memref<4x192x224x224xf32, #tpu.memory_space<hbm>>, %arg7: memref<12480xf32, #tpu.memory_space<vmem>>, %arg8: memref<12480xf32, #tpu.memory_space<vmem>>, %arg9: memref<12480xf32, #tpu.memory_space<vmem>>, %arg10: memref<112x224xf32, #tpu.memory_space<vmem>>, %arg11: memref<112x224xf32, #tpu.memory_space<vmem>>, %arg12: memref<112x224xf32, #tpu.memory_space<vmem>>, %arg13: memref<!tpu.dma_semaphore, #tpu.memory_space<semaphore_mem>>, %arg14: memref<!tpu.dma_semaphore, #tpu.memory_space<semaphore_mem>>, %arg15: memref<!tpu.dma_semaphore, #tpu.memory_space<semaphore_mem>>, %arg16: memref<!tpu.dma_semaphore, #tpu.memory_space<semaphore_mem>>, %arg17: memref<!tpu.dma_semaphore, #tpu.memory_space<semaphore_mem>>, %arg18: memref<!tpu.dma_semaphore, #tpu.memory_space<semaphore_mem>>) attributes {dimension_semantics = [#tpu.dimension_semantics<core_parallel>, #tpu.dimension_semantics<subcore_parallel>], iteration_bounds = array<i64: 2, 16>, scalar_prefetch = 0 : i64, scratch_operands = 12 : i64, tpu.core_type = #tpu.core_type<sc_vector_subcore>, window_params = [{transform_indices = #map}, {transform_indices = #map1}, {transform_indices = #map1}, {transform_indices = #map1}, {transform_indices = #map}]} {
    %mul3A = arith.constant 2 : i32
    %mul3A_0 = arith.muli %arg1, %mul3A : i32
    %add3A = arith.addi %mul3A_0, %arg0 : i32
    "tpu.region"() ({
      %run_scoped3A = tpu.sem_alloc : memref<!tpu.dma_semaphore, #tpu.memory_space<semaphore_mem>>
      tpu.enqueue_dma source(%arg3 : memref<12480xf32, #tpu.memory_space<hbm>>) target(%arg7 : memref<12480xf32, #tpu.memory_space<vmem>>) target_semaphore(%run_scoped3A : memref<!tpu.dma_semaphore, #tpu.memory_space<semaphore_mem>>)
      tpu.wait_dma2 semaphore(%run_scoped3A : memref<!tpu.dma_semaphore, #tpu.memory_space<semaphore_mem>>) src(%arg3 : memref<12480xf32, #tpu.memory_space<hbm>>) dst(%arg7 : memref<12480xf32, #tpu.memory_space<vmem>>)
      tpu.yield
    }) : () -> ()
    "tpu.region"() ({
      %run_scoped3A = tpu.sem_alloc : memref<!tpu.dma_semaphore, #tpu.memory_space<semaphore_mem>>
      tpu.enqueue_dma source(%arg4 : memref<12480xf32, #tpu.memory_space<hbm>>) target(%arg8 : memref<12480xf32, #tpu.memory_space<vmem>>) target_semaphore(%run_scoped3A : memref<!tpu.dma_semaphore, #tpu.memory_space<semaphore_mem>>)
      tpu.wait_dma2 semaphore(%run_scoped3A : memref<!tpu.dma_semaphore, #tpu.memory_space<semaphore_mem>>) src(%arg4 : memref<12480xf32, #tpu.memory_space<hbm>>) dst(%arg8 : memref<12480xf32, #tpu.memory_space<vmem>>)
      tpu.yield
    }) : () -> ()
    "tpu.region"() ({
      %run_scoped3A = tpu.sem_alloc : memref<!tpu.dma_semaphore, #tpu.memory_space<semaphore_mem>>
      tpu.enqueue_dma source(%arg5 : memref<12480xf32, #tpu.memory_space<hbm>>) target(%arg9 : memref<12480xf32, #tpu.memory_space<vmem>>) target_semaphore(%run_scoped3A : memref<!tpu.dma_semaphore, #tpu.memory_space<semaphore_mem>>)
      tpu.wait_dma2 semaphore(%run_scoped3A : memref<!tpu.dma_semaphore, #tpu.memory_space<semaphore_mem>>) src(%arg5 : memref<12480xf32, #tpu.memory_space<hbm>>) dst(%arg9 : memref<12480xf32, #tpu.memory_space<vmem>>)
      tpu.yield
    }) : () -> ()
    %mul3A_1 = arith.constant 48 : i32
    %mul3A_2 = arith.muli %add3A, %mul3A_1 : i32
    %add3A_3 = arith.constant 0 : i32
    %add3A_4 = arith.addi %mul3A_2, %add3A_3 : i32
    %jit3A = arith.constant 2 : i32
    %div3A = arith.divsi %add3A_4, %jit3A : i32
    %sign3A = arith.constant 0 : i32
    %sign3A_5 = arith.cmpi sgt, %add3A_4, %sign3A : i32
    %sign3A_6 = arith.extui %sign3A_5 : i1 to i32
    %sign3A_7 = arith.constant 0 : i32
    %sign3A_8 = arith.cmpi slt, %add3A_4, %sign3A_7 : i32
    %sign3A_9 = arith.extui %sign3A_8 : i1 to i32
    %sign3A_10 = arith.subi %sign3A_6, %sign3A_9 : i32
    %sign3A_11 = arith.constant 0 : i32
    %sign3A_12 = arith.cmpi sgt, %jit3A, %sign3A_11 : i32
    %sign3A_13 = arith.extui %sign3A_12 : i1 to i32
    %sign3A_14 = arith.constant 0 : i32
    %sign3A_15 = arith.cmpi slt, %jit3A, %sign3A_14 : i32
    %sign3A_16 = arith.extui %sign3A_15 : i1 to i32
    %sign3A_17 = arith.subi %sign3A_13, %sign3A_16 : i32
    %ne3A = arith.cmpi ne, %sign3A_10, %sign3A_17 : i32
    %rem3A = arith.remsi %add3A_4, %jit3A : i32
    %ne3A_18 = arith.constant 0 : i32
    %ne3A_19 = arith.cmpi ne, %rem3A, %ne3A_18 : i32
    %and3A = arith.andi %ne3A, %ne3A_19 : i1
    %sub3A = arith.constant 1 : i32
    %sub3A_20 = arith.subi %div3A, %sub3A : i32
    %select_n3A = arith.select %and3A, %sub3A_20, %div3A : i32
    %add3A_21 = arith.constant 0 : i32
    %add3A_22 = arith.addi %mul3A_2, %add3A_21 : i32
    %jit3A_23 = arith.constant 2 : i32
    %eq3A = arith.constant 0 : i32
    %eq3A_24 = arith.cmpi eq, %jit3A_23, %eq3A : i32
    %jit3A_25 = arith.constant 1 : i32
    %select_n3A_26 = arith.select %eq3A_24, %jit3A_25, %jit3A_23 : i32
    %rem3A_27 = arith.remsi %add3A_22, %select_n3A_26 : i32
    %ne3A_28 = arith.constant 0 : i32
    %ne3A_29 = arith.cmpi ne, %rem3A_27, %ne3A_28 : i32
    %lt3A = arith.constant 0 : i32
    %lt3A_30 = arith.cmpi slt, %rem3A_27, %lt3A : i32
    %lt3A_31 = arith.constant 0 : i32
    %lt3A_32 = arith.cmpi slt, %select_n3A_26, %lt3A_31 : i32
    %ne3A_33 = arith.xori %lt3A_30, %lt3A_32 : i1
    %and3A_34 = arith.andi %ne3A_33, %ne3A_29 : i1
    %add3A_35 = arith.addi %rem3A_27, %select_n3A_26 : i32
    %select_n3A_36 = arith.select %and3A_34, %add3A_35, %rem3A_27 : i32
    %mul3A_37 = arith.constant 112 : i32
    %mul3A_38 = arith.muli %select_n3A_36, %mul3A_37 : i32
    %jit3A_39 = arith.constant 192 : i32
    %div3A_40 = arith.divsi %select_n3A, %jit3A_39 : i32
    %sign3A_41 = arith.constant 0 : i32
    %sign3A_42 = arith.cmpi sgt, %select_n3A, %sign3A_41 : i32
    %sign3A_43 = arith.extui %sign3A_42 : i1 to i32
    %sign3A_44 = arith.constant 0 : i32
    %sign3A_45 = arith.cmpi slt, %select_n3A, %sign3A_44 : i32
    %sign3A_46 = arith.extui %sign3A_45 : i1 to i32
    %sign3A_47 = arith.subi %sign3A_43, %sign3A_46 : i32
    %sign3A_48 = arith.constant 0 : i32
    %sign3A_49 = arith.cmpi sgt, %jit3A_39, %sign3A_48 : i32
    %sign3A_50 = arith.extui %sign3A_49 : i1 to i32
    %sign3A_51 = arith.constant 0 : i32
    %sign3A_52 = arith.cmpi slt, %jit3A_39, %sign3A_51 : i32
    %sign3A_53 = arith.extui %sign3A_52 : i1 to i32
    %sign3A_54 = arith.subi %sign3A_50, %sign3A_53 : i32
    %ne3A_55 = arith.cmpi ne, %sign3A_47, %sign3A_54 : i32
    %rem3A_56 = arith.remsi %select_n3A, %jit3A_39 : i32
    %ne3A_57 = arith.constant 0 : i32
    %ne3A_58 = arith.cmpi ne, %rem3A_56, %ne3A_57 : i32
    %and3A_59 = arith.andi %ne3A_55, %ne3A_58 : i1
    %sub3A_60 = arith.constant 1 : i32
    %sub3A_61 = arith.subi %div3A_40, %sub3A_60 : i32
    %select_n3A_62 = arith.select %and3A_59, %sub3A_61, %div3A_40 : i32
    %jit3A_63 = arith.constant 192 : i32
    %eq3A_64 = arith.constant 0 : i32
    %eq3A_65 = arith.cmpi eq, %jit3A_63, %eq3A_64 : i32
    %jit3A_66 = arith.constant 1 : i32
    %select_n3A_67 = arith.select %eq3A_65, %jit3A_66, %jit3A_63 : i32
    %rem3A_68 = arith.remsi %select_n3A, %select_n3A_67 : i32
    %ne3A_69 = arith.constant 0 : i32
    %ne3A_70 = arith.cmpi ne, %rem3A_68, %ne3A_69 : i32
    %lt3A_71 = arith.constant 0 : i32
    %lt3A_72 = arith.cmpi slt, %rem3A_68, %lt3A_71 : i32
    %lt3A_73 = arith.constant 0 : i32
    %lt3A_74 = arith.cmpi slt, %select_n3A_67, %lt3A_73 : i32
    %ne3A_75 = arith.xori %lt3A_72, %lt3A_74 : i1
    %and3A_76 = arith.andi %ne3A_75, %ne3A_70 : i1
    %add3A_77 = arith.addi %rem3A_68, %select_n3A_67 : i32
    %select_n3A_78 = arith.select %and3A_76, %add3A_77, %rem3A_68 : i32
    %dma_start3A = arith.constant 0 : i32
    %dma_start3A_79 = tpu.memref_slice %arg2[%select_n3A_62, %select_n3A_78, %mul3A_38, %dma_start3A] : memref<4x192x224x224xf32, #tpu.memory_space<hbm>> -> memref<1x1x112x224xf32, #tpu.memory_space<hbm>>
    %dma_start3A_80 = tpu.memref_squeeze %dma_start3A_79 : memref<1x1x112x224xf32, #tpu.memory_space<hbm>> -> memref<112x224xf32, #tpu.memory_space<hbm>>
    %dma_start3A_81 = arith.constant 0 : i32
    %dma_start3A_82 = tpu.memref_slice %arg2[%select_n3A_62, %select_n3A_78, %mul3A_38, %dma_start3A_81] : memref<4x192x224x224xf32, #tpu.memory_space<hbm>> -> memref<1x1x112x224xf32, #tpu.memory_space<hbm>>
    %dma_start3A_83 = tpu.memref_squeeze %dma_start3A_82 : memref<1x1x112x224xf32, #tpu.memory_space<hbm>> -> memref<112x224xf32, #tpu.memory_space<hbm>>
    tpu.enqueue_dma source(%dma_start3A_83 : memref<112x224xf32, #tpu.memory_space<hbm>>) target(%arg10 : memref<112x224xf32, #tpu.memory_space<vmem>>) target_semaphore(%arg13 : memref<!tpu.dma_semaphore, #tpu.memory_space<semaphore_mem>>)
    %add3A_84 = arith.constant 1 : i32
    %add3A_85 = arith.addi %mul3A_2, %add3A_84 : i32
    %jit3A_86 = arith.constant 2 : i32
    %div3A_87 = arith.divsi %add3A_85, %jit3A_86 : i32
    %sign3A_88 = arith.constant 0 : i32
    %sign3A_89 = arith.cmpi sgt, %add3A_85, %sign3A_88 : i32
    %sign3A_90 = arith.extui %sign3A_89 : i1 to i32
    %sign3A_91 = arith.constant 0 : i32
    %sign3A_92 = arith.cmpi slt, %add3A_85, %sign3A_91 : i32
    %sign3A_93 = arith.extui %sign3A_92 : i1 to i32
    %sign3A_94 = arith.subi %sign3A_90, %sign3A_93 : i32
    %sign3A_95 = arith.constant 0 : i32
    %sign3A_96 = arith.cmpi sgt, %jit3A_86, %sign3A_95 : i32
    %sign3A_97 = arith.extui %sign3A_96 : i1 to i32
    %sign3A_98 = arith.constant 0 : i32
    %sign3A_99 = arith.cmpi slt, %jit3A_86, %sign3A_98 : i32
    %sign3A_100 = arith.extui %sign3A_99 : i1 to i32
    %sign3A_101 = arith.subi %sign3A_97, %sign3A_100 : i32
    %ne3A_102 = arith.cmpi ne, %sign3A_94, %sign3A_101 : i32
    %rem3A_103 = arith.remsi %add3A_85, %jit3A_86 : i32
    %ne3A_104 = arith.constant 0 : i32
    %ne3A_105 = arith.cmpi ne, %rem3A_103, %ne3A_104 : i32
    %and3A_106 = arith.andi %ne3A_102, %ne3A_105 : i1
    %sub3A_107 = arith.constant 1 : i32
    %sub3A_108 = arith.subi %div3A_87, %sub3A_107 : i32
    %select_n3A_109 = arith.select %and3A_106, %sub3A_108, %div3A_87 : i32
    %add3A_110 = arith.constant 1 : i32
    %add3A_111 = arith.addi %mul3A_2, %add3A_110 : i32
    %jit3A_112 = arith.constant 2 : i32
    %eq3A_113 = arith.constant 0 : i32
    %eq3A_114 = arith.cmpi eq, %jit3A_112, %eq3A_113 : i32
    %jit3A_115 = arith.constant 1 : i32
    %select_n3A_116 = arith.select %eq3A_114, %jit3A_115, %jit3A_112 : i32
    %rem3A_117 = arith.remsi %add3A_111, %select_n3A_116 : i32
    %ne3A_118 = arith.constant 0 : i32
    %ne3A_119 = arith.cmpi ne, %rem3A_117, %ne3A_118 : i32
    %lt3A_120 = arith.constant 0 : i32
    %lt3A_121 = arith.cmpi slt, %rem3A_117, %lt3A_120 : i32
    %lt3A_122 = arith.constant 0 : i32
    %lt3A_123 = arith.cmpi slt, %select_n3A_116, %lt3A_122 : i32
    %ne3A_124 = arith.xori %lt3A_121, %lt3A_123 : i1
    %and3A_125 = arith.andi %ne3A_124, %ne3A_119 : i1
    %add3A_126 = arith.addi %rem3A_117, %select_n3A_116 : i32
    %select_n3A_127 = arith.select %and3A_125, %add3A_126, %rem3A_117 : i32
    %mul3A_128 = arith.constant 112 : i32
    %mul3A_129 = arith.muli %select_n3A_127, %mul3A_128 : i32
    %jit3A_130 = arith.constant 192 : i32
    %div3A_131 = arith.divsi %select_n3A_109, %jit3A_130 : i32
    %sign3A_132 = arith.constant 0 : i32
    %sign3A_133 = arith.cmpi sgt, %select_n3A_109, %sign3A_132 : i32
    %sign3A_134 = arith.extui %sign3A_133 : i1 to i32
    %sign3A_135 = arith.constant 0 : i32
    %sign3A_136 = arith.cmpi slt, %select_n3A_109, %sign3A_135 : i32
    %sign3A_137 = arith.extui %sign3A_136 : i1 to i32
    %sign3A_138 = arith.subi %sign3A_134, %sign3A_137 : i32
    %sign3A_139 = arith.constant 0 : i32
    %sign3A_140 = arith.cmpi sgt, %jit3A_130, %sign3A_139 : i32
    %sign3A_141 = arith.extui %sign3A_140 : i1 to i32
    %sign3A_142 = arith.constant 0 : i32
    %sign3A_143 = arith.cmpi slt, %jit3A_130, %sign3A_142 : i32
    %sign3A_144 = arith.extui %sign3A_143 : i1 to i32
    %sign3A_145 = arith.subi %sign3A_141, %sign3A_144 : i32
    %ne3A_146 = arith.cmpi ne, %sign3A_138, %sign3A_145 : i32
    %rem3A_147 = arith.remsi %select_n3A_109, %jit3A_130 : i32
    %ne3A_148 = arith.constant 0 : i32
    %ne3A_149 = arith.cmpi ne, %rem3A_147, %ne3A_148 : i32
    %and3A_150 = arith.andi %ne3A_146, %ne3A_149 : i1
    %sub3A_151 = arith.constant 1 : i32
    %sub3A_152 = arith.subi %div3A_131, %sub3A_151 : i32
    %select_n3A_153 = arith.select %and3A_150, %sub3A_152, %div3A_131 : i32
    %jit3A_154 = arith.constant 192 : i32
    %eq3A_155 = arith.constant 0 : i32
    %eq3A_156 = arith.cmpi eq, %jit3A_154, %eq3A_155 : i32
    %jit3A_157 = arith.constant 1 : i32
    %select_n3A_158 = arith.select %eq3A_156, %jit3A_157, %jit3A_154 : i32
    %rem3A_159 = arith.remsi %select_n3A_109, %select_n3A_158 : i32
    %ne3A_160 = arith.constant 0 : i32
    %ne3A_161 = arith.cmpi ne, %rem3A_159, %ne3A_160 : i32
    %lt3A_162 = arith.constant 0 : i32
    %lt3A_163 = arith.cmpi slt, %rem3A_159, %lt3A_162 : i32
    %lt3A_164 = arith.constant 0 : i32
    %lt3A_165 = arith.cmpi slt, %select_n3A_158, %lt3A_164 : i32
    %ne3A_166 = arith.xori %lt3A_163, %lt3A_165 : i1
    %and3A_167 = arith.andi %ne3A_166, %ne3A_161 : i1
    %add3A_168 = arith.addi %rem3A_159, %select_n3A_158 : i32
    %select_n3A_169 = arith.select %and3A_167, %add3A_168, %rem3A_159 : i32
    %dma_start3A_170 = arith.constant 0 : i32
    %dma_start3A_171 = tpu.memref_slice %arg2[%select_n3A_153, %select_n3A_169, %mul3A_129, %dma_start3A_170] : memref<4x192x224x224xf32, #tpu.memory_space<hbm>> -> memref<1x1x112x224xf32, #tpu.memory_space<hbm>>
    %dma_start3A_172 = tpu.memref_squeeze %dma_start3A_171 : memref<1x1x112x224xf32, #tpu.memory_space<hbm>> -> memref<112x224xf32, #tpu.memory_space<hbm>>
    %dma_start3A_173 = arith.constant 0 : i32
    %dma_start3A_174 = tpu.memref_slice %arg2[%select_n3A_153, %select_n3A_169, %mul3A_129, %dma_start3A_173] : memref<4x192x224x224xf32, #tpu.memory_space<hbm>> -> memref<1x1x112x224xf32, #tpu.memory_space<hbm>>
    %dma_start3A_175 = tpu.memref_squeeze %dma_start3A_174 : memref<1x1x112x224xf32, #tpu.memory_space<hbm>> -> memref<112x224xf32, #tpu.memory_space<hbm>>
    tpu.enqueue_dma source(%dma_start3A_175 : memref<112x224xf32, #tpu.memory_space<hbm>>) target(%arg11 : memref<112x224xf32, #tpu.memory_space<vmem>>) target_semaphore(%arg14 : memref<!tpu.dma_semaphore, #tpu.memory_space<semaphore_mem>>)
    %scan3A = arith.constant 0 : i32
    %scan3A_176 = arith.constant 0 : i32
    %scan3A_177 = arith.constant 16 : i32
    %scan3A_178 = arith.addi %scan3A_176, %scan3A_177 : i32
    %scan3A_179 = arith.constant 1 : i32
    scf.for %scan3A_272 = %scan3A_176 to %scan3A_178 step %scan3A_179  : i32 {
      %mul3A_273 = arith.constant 3 : i32
      %mul3A_274 = arith.muli %scan3A_272, %mul3A_273 : i32
      %add3A_275 = arith.constant 0 : i32
      %add3A_276 = arith.addi %mul3A_274, %add3A_275 : i32
      %add3A_277 = arith.addi %mul3A_2, %add3A_276 : i32
      %jit3A_278 = arith.constant 2 : i32
      %div3A_279 = arith.divsi %add3A_277, %jit3A_278 : i32
      %sign3A_280 = arith.constant 0 : i32
      %sign3A_281 = arith.cmpi sgt, %add3A_277, %sign3A_280 : i32
      %sign3A_282 = arith.extui %sign3A_281 : i1 to i32
      %sign3A_283 = arith.constant 0 : i32
      %sign3A_284 = arith.cmpi slt, %add3A_277, %sign3A_283 : i32
      %sign3A_285 = arith.extui %sign3A_284 : i1 to i32
      %sign3A_286 = arith.subi %sign3A_282, %sign3A_285 : i32
      %sign3A_287 = arith.constant 0 : i32
      %sign3A_288 = arith.cmpi sgt, %jit3A_278, %sign3A_287 : i32
      %sign3A_289 = arith.extui %sign3A_288 : i1 to i32
      %sign3A_290 = arith.constant 0 : i32
      %sign3A_291 = arith.cmpi slt, %jit3A_278, %sign3A_290 : i32
      %sign3A_292 = arith.extui %sign3A_291 : i1 to i32
      %sign3A_293 = arith.subi %sign3A_289, %sign3A_292 : i32
      %ne3A_294 = arith.cmpi ne, %sign3A_286, %sign3A_293 : i32
      %rem3A_295 = arith.remsi %add3A_277, %jit3A_278 : i32
      %ne3A_296 = arith.constant 0 : i32
      %ne3A_297 = arith.cmpi ne, %rem3A_295, %ne3A_296 : i32
      %and3A_298 = arith.andi %ne3A_294, %ne3A_297 : i1
      %sub3A_299 = arith.constant 1 : i32
      %sub3A_300 = arith.subi %div3A_279, %sub3A_299 : i32
      %select_n3A_301 = arith.select %and3A_298, %sub3A_300, %div3A_279 : i32
      %add3A_302 = arith.addi %mul3A_2, %add3A_276 : i32
      %jit3A_303 = arith.constant 2 : i32
      %eq3A_304 = arith.constant 0 : i32
      %eq3A_305 = arith.cmpi eq, %jit3A_303, %eq3A_304 : i32
      %jit3A_306 = arith.constant 1 : i32
      %select_n3A_307 = arith.select %eq3A_305, %jit3A_306, %jit3A_303 : i32
      %rem3A_308 = arith.remsi %add3A_302, %select_n3A_307 : i32
      %ne3A_309 = arith.constant 0 : i32
      %ne3A_310 = arith.cmpi ne, %rem3A_308, %ne3A_309 : i32
      %lt3A_311 = arith.constant 0 : i32
      %lt3A_312 = arith.cmpi slt, %rem3A_308, %lt3A_311 : i32
      %lt3A_313 = arith.constant 0 : i32
      %lt3A_314 = arith.cmpi slt, %select_n3A_307, %lt3A_313 : i32
      %ne3A_315 = arith.xori %lt3A_312, %lt3A_314 : i1
      %and3A_316 = arith.andi %ne3A_315, %ne3A_310 : i1
      %add3A_317 = arith.addi %rem3A_308, %select_n3A_307 : i32
      %select_n3A_318 = arith.select %and3A_316, %add3A_317, %rem3A_308 : i32
      %mul3A_319 = arith.constant 112 : i32
      %mul3A_320 = arith.muli %select_n3A_318, %mul3A_319 : i32
      %jit3A_321 = arith.constant 192 : i32
      %div3A_322 = arith.divsi %select_n3A_301, %jit3A_321 : i32
      %sign3A_323 = arith.constant 0 : i32
      %sign3A_324 = arith.cmpi sgt, %select_n3A_301, %sign3A_323 : i32
      %sign3A_325 = arith.extui %sign3A_324 : i1 to i32
      %sign3A_326 = arith.constant 0 : i32
      %sign3A_327 = arith.cmpi slt, %select_n3A_301, %sign3A_326 : i32
      %sign3A_328 = arith.extui %sign3A_327 : i1 to i32
      %sign3A_329 = arith.subi %sign3A_325, %sign3A_328 : i32
      %sign3A_330 = arith.constant 0 : i32
      %sign3A_331 = arith.cmpi sgt, %jit3A_321, %sign3A_330 : i32
      %sign3A_332 = arith.extui %sign3A_331 : i1 to i32
      %sign3A_333 = arith.constant 0 : i32
      %sign3A_334 = arith.cmpi slt, %jit3A_321, %sign3A_333 : i32
      %sign3A_335 = arith.extui %sign3A_334 : i1 to i32
      %sign3A_336 = arith.subi %sign3A_332, %sign3A_335 : i32
      %ne3A_337 = arith.cmpi ne, %sign3A_329, %sign3A_336 : i32
      %rem3A_338 = arith.remsi %select_n3A_301, %jit3A_321 : i32
      %ne3A_339 = arith.constant 0 : i32
      %ne3A_340 = arith.cmpi ne, %rem3A_338, %ne3A_339 : i32
      %and3A_341 = arith.andi %ne3A_337, %ne3A_340 : i1
      %sub3A_342 = arith.constant 1 : i32
      %sub3A_343 = arith.subi %div3A_322, %sub3A_342 : i32
      %select_n3A_344 = arith.select %and3A_341, %sub3A_343, %div3A_322 : i32
      %jit3A_345 = arith.constant 192 : i32
      %eq3A_346 = arith.constant 0 : i32
      %eq3A_347 = arith.cmpi eq, %jit3A_345, %eq3A_346 : i32
      %jit3A_348 = arith.constant 1 : i32
      %select_n3A_349 = arith.select %eq3A_347, %jit3A_348, %jit3A_345 : i32
      %rem3A_350 = arith.remsi %select_n3A_301, %select_n3A_349 : i32
      %ne3A_351 = arith.constant 0 : i32
      %ne3A_352 = arith.cmpi ne, %rem3A_350, %ne3A_351 : i32
      %lt3A_353 = arith.constant 0 : i32
      %lt3A_354 = arith.cmpi slt, %rem3A_350, %lt3A_353 : i32
      %lt3A_355 = arith.constant 0 : i32
      %lt3A_356 = arith.cmpi slt, %select_n3A_349, %lt3A_355 : i32
      %ne3A_357 = arith.xori %lt3A_354, %lt3A_356 : i1
      %and3A_358 = arith.andi %ne3A_357, %ne3A_352 : i1
      %add3A_359 = arith.addi %rem3A_350, %select_n3A_349 : i32
      %select_n3A_360 = arith.select %and3A_358, %add3A_359, %rem3A_350 : i32
      %mul3A_361 = arith.constant 65 : i32
      %mul3A_362 = arith.muli %select_n3A_360, %mul3A_361 : i32
      %dma_wait3A_363 = arith.constant 0 : i32
      %dma_wait3A_364 = tpu.memref_slice %arg2[%select_n3A_344, %select_n3A_360, %mul3A_320, %dma_wait3A_363] : memref<4x192x224x224xf32, #tpu.memory_space<hbm>> -> memref<1x1x112x224xf32, #tpu.memory_space<hbm>>
      %dma_wait3A_365 = tpu.memref_squeeze %dma_wait3A_364 : memref<1x1x112x224xf32, #tpu.memory_space<hbm>> -> memref<112x224xf32, #tpu.memory_space<hbm>>
      %dma_wait3A_366 = arith.constant 0 : i32
      %dma_wait3A_367 = tpu.memref_slice %arg2[%select_n3A_344, %select_n3A_360, %mul3A_320, %dma_wait3A_366] : memref<4x192x224x224xf32, #tpu.memory_space<hbm>> -> memref<1x1x112x224xf32, #tpu.memory_space<hbm>>
      %dma_wait3A_368 = tpu.memref_squeeze %dma_wait3A_367 : memref<1x1x112x224xf32, #tpu.memory_space<hbm>> -> memref<112x224xf32, #tpu.memory_space<hbm>>
      tpu.wait_dma2 semaphore(%arg13 : memref<!tpu.dma_semaphore, #tpu.memory_space<semaphore_mem>>) src(%dma_wait3A_368 : memref<112x224xf32, #tpu.memory_space<hbm>>) dst(%arg10 : memref<112x224xf32, #tpu.memory_space<vmem>>)
      %parallel_loop3A = arith.constant 0 : i32
      %parallel_loop3A_369 = arith.constant 112 : i32
      %parallel_loop3A_370 = arith.constant 1 : i32
      scf.for %parallel_loop3A_875 = %parallel_loop3A to %parallel_loop3A_369 step %parallel_loop3A_370  : i32 {
        %parallel_loop3A_876 = arith.index_cast %parallel_loop3A_875 : i32 to index
        %parallel_loop3A_877 = arith.constant 0 : index
        %parallel_loop3A_878 = tpu.vector_load %arg10[%parallel_loop3A_876, %parallel_loop3A_877] {strides = array<i32>} : memref<112x224xf32, #tpu.memory_space<vmem>>, vector<16xf32>,
        %parallel_loop3A_879 = arith.constant 3.200000e+01 : f32
        %parallel_loop3A_880 = vector.broadcast %parallel_loop3A_879 : f32 to vector<16xf32>
        %parallel_loop3A_881 = arith.mulf %parallel_loop3A_878, %parallel_loop3A_880 : vector<16xf32>
        %parallel_loop3A_882 = arith.constant 3.200000e+01 : f32
        %parallel_loop3A_883 = vector.broadcast %parallel_loop3A_882 : f32 to vector<16xf32>
        %parallel_loop3A_884 = arith.addf %parallel_loop3A_881, %parallel_loop3A_883 : vector<16xf32>
        %parallel_loop3A_885 = arith.constant 0.000000e+00 : f32
        %parallel_loop3A_886 = vector.broadcast %parallel_loop3A_885 : f32 to vector<16xf32>
        %parallel_loop3A_887 = arith.maximumf %parallel_loop3A_884, %parallel_loop3A_886 : vector<16xf32>
        %parallel_loop3A_888 = arith.constant 6.200000e+01 : f32
        %parallel_loop3A_889 = vector.broadcast %parallel_loop3A_888 : f32 to vector<16xf32>
        %parallel_loop3A_890 = arith.minimumf %parallel_loop3A_887, %parallel_loop3A_889 : vector<16xf32>
        %parallel_loop3A_891 = arith.fptosi %parallel_loop3A_890 : vector<16xf32> to vector<16xi32>
        %parallel_loop3A_892 = arith.sitofp %parallel_loop3A_891 : vector<16xi32> to vector<16xf32>
        %parallel_loop3A_893 = arith.subf %parallel_loop3A_884, %parallel_loop3A_892 : vector<16xf32>
        %parallel_loop3A_894 = vector.broadcast %mul3A_362 : i32 to vector<16xi32>
        %parallel_loop3A_895 = arith.addi %parallel_loop3A_891, %parallel_loop3A_894 : vector<16xi32>
        %parallel_loop3A_896 = tpu.vector_load_idx %arg7[%parallel_loop3A_895] : memref<12480xf32, #tpu.memory_space<vmem>>[vector<16xi32>], vector<16xf32>,
        %parallel_loop3A_897 = tpu.vector_load_idx %arg8[%parallel_loop3A_895] : memref<12480xf32, #tpu.memory_space<vmem>>[vector<16xi32>], vector<16xf32>,
        %parallel_loop3A_898 = tpu.vector_load_idx %arg9[%parallel_loop3A_895] : memref<12480xf32, #tpu.memory_space<vmem>>[vector<16xi32>], vector<16xf32>,
        %parallel_loop3A_899 = arith.mulf %parallel_loop3A_893, %parallel_loop3A_898 : vector<16xf32>
        %parallel_loop3A_900 = arith.addf %parallel_loop3A_897, %parallel_loop3A_899 : vector<16xf32>
        %parallel_loop3A_901 = arith.mulf %parallel_loop3A_893, %parallel_loop3A_900 : vector<16xf32>
        %parallel_loop3A_902 = arith.addf %parallel_loop3A_896, %parallel_loop3A_901 : vector<16xf32>
        %parallel_loop3A_903 = arith.index_cast %parallel_loop3A_875 : i32 to index
        %parallel_loop3A_904 = arith.constant 0 : index
        %parallel_loop3A_905 = tpu.vector_load %arg10[%parallel_loop3A_903, %parallel_loop3A_904] {strides = array<i32>} : memref<112x224xf32, #tpu.memory_space<vmem>>, vector<16xf32>,
        tpu.vector_store %arg10[%parallel_loop3A_903, %parallel_loop3A_904], %parallel_loop3A_902 {strides = array<i32>} : memref<112x224xf32, #tpu.memory_space<vmem>>, vector<16xf32>,
        %parallel_loop3A_906 = arith.index_cast %parallel_loop3A_875 : i32 to index
        %parallel_loop3A_907 = arith.constant 16 : index
        %parallel_loop3A_908 = tpu.vector_load %arg10[%parallel_loop3A_906, %parallel_loop3A_907] {strides = array<i32>} : memref<112x224xf32, #tpu.memory_space<vmem>>, vector<16xf32>,
        %parallel_loop3A_909 = arith.constant 3.200000e+01 : f32
        %parallel_loop3A_910 = vector.broadcast %parallel_loop3A_909 : f32 to vector<16xf32>
        %parallel_loop3A_911 = arith.mulf %parallel_loop3A_908, %parallel_loop3A_910 : vector<16xf32>
        %parallel_loop3A_912 = arith.constant 3.200000e+01 : f32
        %parallel_loop3A_913 = vector.broadcast %parallel_loop3A_912 : f32 to vector<16xf32>
        %parallel_loop3A_914 = arith.addf %parallel_loop3A_911, %parallel_loop3A_913 : vector<16xf32>
        %parallel_loop3A_915 = arith.constant 0.000000e+00 : f32
        %parallel_loop3A_916 = vector.broadcast %parallel_loop3A_915 : f32 to vector<16xf32>
        %parallel_loop3A_917 = arith.maximumf %parallel_loop3A_914, %parallel_loop3A_916 : vector<16xf32>
        %parallel_loop3A_918 = arith.constant 6.200000e+01 : f32
        %parallel_loop3A_919 = vector.broadcast %parallel_loop3A_918 : f32 to vector<16xf32>
        %parallel_loop3A_920 = arith.minimumf %parallel_loop3A_917, %parallel_loop3A_919 : vector<16xf32>
        %parallel_loop3A_921 = arith.fptosi %parallel_loop3A_920 : vector<16xf32> to vector<16xi32>
        %parallel_loop3A_922 = arith.sitofp %parallel_loop3A_921 : vector<16xi32> to vector<16xf32>
        %parallel_loop3A_923 = arith.subf %parallel_loop3A_914, %parallel_loop3A_922 : vector<16xf32>
        %parallel_loop3A_924 = vector.broadcast %mul3A_362 : i32 to vector<16xi32>
        %parallel_loop3A_925 = arith.addi %parallel_loop3A_921, %parallel_loop3A_924 : vector<16xi32>
        %parallel_loop3A_926 = tpu.vector_load_idx %arg7[%parallel_loop3A_925] : memref<12480xf32, #tpu.memory_space<vmem>>[vector<16xi32>], vector<16xf32>,
        %parallel_loop3A_927 = tpu.vector_load_idx %arg8[%parallel_loop3A_925] : memref<12480xf32, #tpu.memory_space<vmem>>[vector<16xi32>], vector<16xf32>,
        %parallel_loop3A_928 = tpu.vector_load_idx %arg9[%parallel_loop3A_925] : memref<12480xf32, #tpu.memory_space<vmem>>[vector<16xi32>], vector<16xf32>,
        %parallel_loop3A_929 = arith.mulf %parallel_loop3A_923, %parallel_loop3A_928 : vector<16xf32>
        %parallel_loop3A_930 = arith.addf %parallel_loop3A_927, %parallel_loop3A_929 : vector<16xf32>
        %parallel_loop3A_931 = arith.mulf %parallel_loop3A_923, %parallel_loop3A_930 : vector<16xf32>
        %parallel_loop3A_932 = arith.addf %parallel_loop3A_926, %parallel_loop3A_931 : vector<16xf32>
        %parallel_loop3A_933 = arith.index_cast %parallel_loop3A_875 : i32 to index
        %parallel_loop3A_934 = arith.constant 16 : index
        %parallel_loop3A_935 = tpu.vector_load %arg10[%parallel_loop3A_933, %parallel_loop3A_934] {strides = array<i32>} : memref<112x224xf32, #tpu.memory_space<vmem>>, vector<16xf32>,
        tpu.vector_store %arg10[%parallel_loop3A_933, %parallel_loop3A_934], %parallel_loop3A_932 {strides = array<i32>} : memref<112x224xf32, #tpu.memory_space<vmem>>, vector<16xf32>,
        %parallel_loop3A_936 = arith.index_cast %parallel_loop3A_875 : i32 to index
        %parallel_loop3A_937 = arith.constant 32 : index
        %parallel_loop3A_938 = tpu.vector_load %arg10[%parallel_loop3A_936, %parallel_loop3A_937] {strides = array<i32>} : memref<112x224xf32, #tpu.memory_space<vmem>>, vector<16xf32>,
        %parallel_loop3A_939 = arith.constant 3.200000e+01 : f32
        %parallel_loop3A_940 = vector.broadcast %parallel_loop3A_939 : f32 to vector<16xf32>
        %parallel_loop3A_941 = arith.mulf %parallel_loop3A_938, %parallel_loop3A_940 : vector<16xf32>
        %parallel_loop3A_942 = arith.constant 3.200000e+01 : f32
        %parallel_loop3A_943 = vector.broadcast %parallel_loop3A_942 : f32 to vector<16xf32>
        %parallel_loop3A_944 = arith.addf %parallel_loop3A_941, %parallel_loop3A_943 : vector<16xf32>
        %parallel_loop3A_945 = arith.constant 0.000000e+00 : f32
        %parallel_loop3A_946 = vector.broadcast %parallel_loop3A_945 : f32 to vector<16xf32>
        %parallel_loop3A_947 = arith.maximumf %parallel_loop3A_944, %parallel_loop3A_946 : vector<16xf32>
        %parallel_loop3A_948 = arith.constant 6.200000e+01 : f32
        %parallel_loop3A_949 = vector.broadcast %parallel_loop3A_948 : f32 to vector<16xf32>
        %parallel_loop3A_950 = arith.minimumf %parallel_loop3A_947, %parallel_loop3A_949 : vector<16xf32>
        %parallel_loop3A_951 = arith.fptosi %parallel_loop3A_950 : vector<16xf32> to vector<16xi32>
        %parallel_loop3A_952 = arith.sitofp %parallel_loop3A_951 : vector<16xi32> to vector<16xf32>
        %parallel_loop3A_953 = arith.subf %parallel_loop3A_944, %parallel_loop3A_952 : vector<16xf32>
        %parallel_loop3A_954 = vector.broadcast %mul3A_362 : i32 to vector<16xi32>
        %parallel_loop3A_955 = arith.addi %parallel_loop3A_951, %parallel_loop3A_954 : vector<16xi32>
        %parallel_loop3A_956 = tpu.vector_load_idx %arg7[%parallel_loop3A_955] : memref<12480xf32, #tpu.memory_space<vmem>>[vector<16xi32>], vector<16xf32>,
        %parallel_loop3A_957 = tpu.vector_load_idx %arg8[%parallel_loop3A_955] : memref<12480xf32, #tpu.memory_space<vmem>>[vector<16xi32>], vector<16xf32>,
        %parallel_loop3A_958 = tpu.vector_load_idx %arg9[%parallel_loop3A_955] : memref<12480xf32, #tpu.memory_space<vmem>>[vector<16xi32>], vector<16xf32>,
        %parallel_loop3A_959 = arith.mulf %parallel_loop3A_953, %parallel_loop3A_958 : vector<16xf32>
        %parallel_loop3A_960 = arith.addf %parallel_loop3A_957, %parallel_loop3A_959 : vector<16xf32>
        %parallel_loop3A_961 = arith.mulf %parallel_loop3A_953, %parallel_loop3A_960 : vector<16xf32>
        %parallel_loop3A_962 = arith.addf %parallel_loop3A_956, %parallel_loop3A_961 : vector<16xf32>
        %parallel_loop3A_963 = arith.index_cast %parallel_loop3A_875 : i32 to index
        %parallel_loop3A_964 = arith.constant 32 : index
        %parallel_loop3A_965 = tpu.vector_load %arg10[%parallel_loop3A_963, %parallel_loop3A_964] {strides = array<i32>} : memref<112x224xf32, #tpu.memory_space<vmem>>, vector<16xf32>,
        tpu.vector_store %arg10[%parallel_loop3A_963, %parallel_loop3A_964], %parallel_loop3A_962 {strides = array<i32>} : memref<112x224xf32, #tpu.memory_space<vmem>>, vector<16xf32>,
        %parallel_loop3A_966 = arith.index_cast %parallel_loop3A_875 : i32 to index
        %parallel_loop3A_967 = arith.constant 48 : index
        %parallel_loop3A_968 = tpu.vector_load %arg10[%parallel_loop3A_966, %parallel_loop3A_967] {strides = array<i32>} : memref<112x224xf32, #tpu.memory_space<vmem>>, vector<16xf32>,
        %parallel_loop3A_969 = arith.constant 3.200000e+01 : f32
        %parallel_loop3A_970 = vector.broadcast %parallel_loop3A_969 : f32 to vector<16xf32>
        %parallel_loop3A_971 = arith.mulf %parallel_loop3A_968, %parallel_loop3A_970 : vector<16xf32>
        %parallel_loop3A_972 = arith.constant 3.200000e+01 : f32
        %parallel_loop3A_973 = vector.broadcast %parallel_loop3A_972 : f32 to vector<16xf32>
        %parallel_loop3A_974 = arith.addf %parallel_loop3A_971, %parallel_loop3A_973 : vector<16xf32>
        %parallel_loop3A_975 = arith.constant 0.000000e+00 : f32
        %parallel_loop3A_976 = vector.broadcast %parallel_loop3A_975 : f32 to vector<16xf32>
        %parallel_loop3A_977 = arith.maximumf %parallel_loop3A_974, %parallel_loop3A_976 : vector<16xf32>
        %parallel_loop3A_978 = arith.constant 6.200000e+01 : f32
        %parallel_loop3A_979 = vector.broadcast %parallel_loop3A_978 : f32 to vector<16xf32>
        %parallel_loop3A_980 = arith.minimumf %parallel_loop3A_977, %parallel_loop3A_979 : vector<16xf32>
        %parallel_loop3A_981 = arith.fptosi %parallel_loop3A_980 : vector<16xf32> to vector<16xi32>
        %parallel_loop3A_982 = arith.sitofp %parallel_loop3A_981 : vector<16xi32> to vector<16xf32>
        %parallel_loop3A_983 = arith.subf %parallel_loop3A_974, %parallel_loop3A_982 : vector<16xf32>
        %parallel_loop3A_984 = vector.broadcast %mul3A_362 : i32 to vector<16xi32>
        %parallel_loop3A_985 = arith.addi %parallel_loop3A_981, %parallel_loop3A_984 : vector<16xi32>
        %parallel_loop3A_986 = tpu.vector_load_idx %arg7[%parallel_loop3A_985] : memref<12480xf32, #tpu.memory_space<vmem>>[vector<16xi32>], vector<16xf32>,
        %parallel_loop3A_987 = tpu.vector_load_idx %arg8[%parallel_loop3A_985] : memref<12480xf32, #tpu.memory_space<vmem>>[vector<16xi32>], vector<16xf32>,
        %parallel_loop3A_988 = tpu.vector_load_idx %arg9[%parallel_loop3A_985] : memref<12480xf32, #tpu.memory_space<vmem>>[vector<16xi32>], vector<16xf32>,
        %parallel_loop3A_989 = arith.mulf %parallel_loop3A_983, %parallel_loop3A_988 : vector<16xf32>
        %parallel_loop3A_990 = arith.addf %parallel_loop3A_987, %parallel_loop3A_989 : vector<16xf32>
        %parallel_loop3A_991 = arith.mulf %parallel_loop3A_983, %parallel_loop3A_990 : vector<16xf32>
        %parallel_loop3A_992 = arith.addf %parallel_loop3A_986, %parallel_loop3A_991 : vector<16xf32>
        %parallel_loop3A_993 = arith.index_cast %parallel_loop3A_875 : i32 to index
        %parallel_loop3A_994 = arith.constant 48 : index
        %parallel_loop3A_995 = tpu.vector_load %arg10[%parallel_loop3A_993, %parallel_loop3A_994] {strides = array<i32>} : memref<112x224xf32, #tpu.memory_space<vmem>>, vector<16xf32>,
        tpu.vector_store %arg10[%parallel_loop3A_993, %parallel_loop3A_994], %parallel_loop3A_992 {strides = array<i32>} : memref<112x224xf32, #tpu.memory_space<vmem>>, vector<16xf32>,
        %parallel_loop3A_996 = arith.index_cast %parallel_loop3A_875 : i32 to index
        %parallel_loop3A_997 = arith.constant 64 : index
        %parallel_loop3A_998 = tpu.vector_load %arg10[%parallel_loop3A_996, %parallel_loop3A_997] {strides = array<i32>} : memref<112x224xf32, #tpu.memory_space<vmem>>, vector<16xf32>,
        %parallel_loop3A_999 = arith.constant 3.200000e+01 : f32
        %parallel_loop3A_1000 = vector.broadcast %parallel_loop3A_999 : f32 to vector<16xf32>
        %parallel_loop3A_1001 = arith.mulf %parallel_loop3A_998, %parallel_loop3A_1000 : vector<16xf32>
        %parallel_loop3A_1002 = arith.constant 3.200000e+01 : f32
        %parallel_loop3A_1003 = vector.broadcast %parallel_loop3A_1002 : f32 to vector<16xf32>
        %parallel_loop3A_1004 = arith.addf %parallel_loop3A_1001, %parallel_loop3A_1003 : vector<16xf32>
        %parallel_loop3A_1005 = arith.constant 0.000000e+00 : f32
        %parallel_loop3A_1006 = vector.broadcast %parallel_loop3A_1005 : f32 to vector<16xf32>
        %parallel_loop3A_1007 = arith.maximumf %parallel_loop3A_1004, %parallel_loop3A_1006 : vector<16xf32>
        %parallel_loop3A_1008 = arith.constant 6.200000e+01 : f32
        %parallel_loop3A_1009 = vector.broadcast %parallel_loop3A_1008 : f32 to vector<16xf32>
        %parallel_loop3A_1010 = arith.minimumf %parallel_loop3A_1007, %parallel_loop3A_1009 : vector<16xf32>
        %parallel_loop3A_1011 = arith.fptosi %parallel_loop3A_1010 : vector<16xf32> to vector<16xi32>
        %parallel_loop3A_1012 = arith.sitofp %parallel_loop3A_1011 : vector<16xi32> to vector<16xf32>
        %parallel_loop3A_1013 = arith.subf %parallel_loop3A_1004, %parallel_loop3A_1012 : vector<16xf32>
        %parallel_loop3A_1014 = vector.broadcast %mul3A_362 : i32 to vector<16xi32>
        %parallel_loop3A_1015 = arith.addi %parallel_loop3A_1011, %parallel_loop3A_1014 : vector<16xi32>
        %parallel_loop3A_1016 = tpu.vector_load_idx %arg7[%parallel_loop3A_1015] : memref<12480xf32, #tpu.memory_space<vmem>>[vector<16xi32>], vector<16xf32>,
        %parallel_loop3A_1017 = tpu.vector_load_idx %arg8[%parallel_loop3A_1015] : memref<12480xf32, #tpu.memory_space<vmem>>[vector<16xi32>], vector<16xf32>,
        %parallel_loop3A_1018 = tpu.vector_load_idx %arg9[%parallel_loop3A_1015] : memref<12480xf32, #tpu.memory_space<vmem>>[vector<16xi32>], vector<16xf32>,
        %parallel_loop3A_1019 = arith.mulf %parallel_loop3A_1013, %parallel_loop3A_1018 : vector<16xf32>
        %parallel_loop3A_1020 = arith.addf %parallel_loop3A_1017, %parallel_loop3A_1019 : vector<16xf32>
        %parallel_loop3A_1021 = arith.mulf %parallel_loop3A_1013, %parallel_loop3A_1020 : vector<16xf32>
        %parallel_loop3A_1022 = arith.addf %parallel_loop3A_1016, %parallel_loop3A_1021 : vector<16xf32>
        %parallel_loop3A_1023 = arith.index_cast %parallel_loop3A_875 : i32 to index
        %parallel_loop3A_1024 = arith.constant 64 : index
        %parallel_loop3A_1025 = tpu.vector_load %arg10[%parallel_loop3A_1023, %parallel_loop3A_1024] {strides = array<i32>} : memref<112x224xf32, #tpu.memory_space<vmem>>, vector<16xf32>,
        tpu.vector_store %arg10[%parallel_loop3A_1023, %parallel_loop3A_1024], %parallel_loop3A_1022 {strides = array<i32>} : memref<112x224xf32, #tpu.memory_space<vmem>>, vector<16xf32>,
        %parallel_loop3A_1026 = arith.index_cast %parallel_loop3A_875 : i32 to index
        %parallel_loop3A_1027 = arith.constant 80 : index
        %parallel_loop3A_1028 = tpu.vector_load %arg10[%parallel_loop3A_1026, %parallel_loop3A_1027] {strides = array<i32>} : memref<112x224xf32, #tpu.memory_space<vmem>>, vector<16xf32>,
        %parallel_loop3A_1029 = arith.constant 3.200000e+01 : f32
        %parallel_loop3A_1030 = vector.broadcast %parallel_loop3A_1029 : f32 to vector<16xf32>
        %parallel_loop3A_1031 = arith.mulf %parallel_loop3A_1028, %parallel_loop3A_1030 : vector<16xf32>
        %parallel_loop3A_1032 = arith.constant 3.200000e+01 : f32
        %parallel_loop3A_1033 = vector.broadcast %parallel_loop3A_1032 : f32 to vector<16xf32>
        %parallel_loop3A_1034 = arith.addf %parallel_loop3A_1031, %parallel_loop3A_1033 : vector<16xf32>
        %parallel_loop3A_1035 = arith.constant 0.000000e+00 : f32
        %parallel_loop3A_1036 = vector.broadcast %parallel_loop3A_1035 : f32 to vector<16xf32>
        %parallel_loop3A_1037 = arith.maximumf %parallel_loop3A_1034, %parallel_loop3A_1036 : vector<16xf32>
        %parallel_loop3A_1038 = arith.constant 6.200000e+01 : f32
        %parallel_loop3A_1039 = vector.broadcast %parallel_loop3A_1038 : f32 to vector<16xf32>
        %parallel_loop3A_1040 = arith.minimumf %parallel_loop3A_1037, %parallel_loop3A_1039 : vector<16xf32>
        %parallel_loop3A_1041 = arith.fptosi %parallel_loop3A_1040 : vector<16xf32> to vector<16xi32>
        %parallel_loop3A_1042 = arith.sitofp %parallel_loop3A_1041 : vector<16xi32> to vector<16xf32>
        %parallel_loop3A_1043 = arith.subf %parallel_loop3A_1034, %parallel_loop3A_1042 : vector<16xf32>
        %parallel_loop3A_1044 = vector.broadcast %mul3A_362 : i32 to vector<16xi32>
        %parallel_loop3A_1045 = arith.addi %parallel_loop3A_1041, %parallel_loop3A_1044 : vector<16xi32>
        %parallel_loop3A_1046 = tpu.vector_load_idx %arg7[%parallel_loop3A_1045] : memref<12480xf32, #tpu.memory_space<vmem>>[vector<16xi32>], vector<16xf32>,
        %parallel_loop3A_1047 = tpu.vector_load_idx %arg8[%parallel_loop3A_1045] : memref<12480xf32, #tpu.memory_space<vmem>>[vector<16xi32>], vector<16xf32>,
        %parallel_loop3A_1048 = tpu.vector_load_idx %arg9[%parallel_loop3A_1045] : memref<12480xf32, #tpu.memory_space<vmem>>[vector<16xi32>], vector<16xf32>,
        %parallel_loop3A_1049 = arith.mulf %parallel_loop3A_1043, %parallel_loop3A_1048 : vector<16xf32>
        %parallel_loop3A_1050 = arith.addf %parallel_loop3A_1047, %parallel_loop3A_1049 : vector<16xf32>
        %parallel_loop3A_1051 = arith.mulf %parallel_loop3A_1043, %parallel_loop3A_1050 : vector<16xf32>
        %parallel_loop3A_1052 = arith.addf %parallel_loop3A_1046, %parallel_loop3A_1051 : vector<16xf32>
        %parallel_loop3A_1053 = arith.index_cast %parallel_loop3A_875 : i32 to index
        %parallel_loop3A_1054 = arith.constant 80 : index
        %parallel_loop3A_1055 = tpu.vector_load %arg10[%parallel_loop3A_1053, %parallel_loop3A_1054] {strides = array<i32>} : memref<112x224xf32, #tpu.memory_space<vmem>>, vector<16xf32>,
        tpu.vector_store %arg10[%parallel_loop3A_1053, %parallel_loop3A_1054], %parallel_loop3A_1052 {strides = array<i32>} : memref<112x224xf32, #tpu.memory_space<vmem>>, vector<16xf32>,
        %parallel_loop3A_1056 = arith.index_cast %parallel_loop3A_875 : i32 to index
        %parallel_loop3A_1057 = arith.constant 96 : index
        %parallel_loop3A_1058 = tpu.vector_load %arg10[%parallel_loop3A_1056, %parallel_loop3A_1057] {strides = array<i32>} : memref<112x224xf32, #tpu.memory_space<vmem>>, vector<16xf32>,
        %parallel_loop3A_1059 = arith.constant 3.200000e+01 : f32
        %parallel_loop3A_1060 = vector.broadcast %parallel_loop3A_1059 : f32 to vector<16xf32>
        %parallel_loop3A_1061 = arith.mulf %parallel_loop3A_1058, %parallel_loop3A_1060 : vector<16xf32>
        %parallel_loop3A_1062 = arith.constant 3.200000e+01 : f32
        %parallel_loop3A_1063 = vector.broadcast %parallel_loop3A_1062 : f32 to vector<16xf32>
        %parallel_loop3A_1064 = arith.addf %parallel_loop3A_1061, %parallel_loop3A_1063 : vector<16xf32>
        %parallel_loop3A_1065 = arith.constant 0.000000e+00 : f32
        %parallel_loop3A_1066 = vector.broadcast %parallel_loop3A_1065 : f32 to vector<16xf32>
        %parallel_loop3A_1067 = arith.maximumf %parallel_loop3A_1064, %parallel_loop3A_1066 : vector<16xf32>
        %parallel_loop3A_1068 = arith.constant 6.200000e+01 : f32
        %parallel_loop3A_1069 = vector.broadcast %parallel_loop3A_1068 : f32 to vector<16xf32>
        %parallel_loop3A_1070 = arith.minimumf %parallel_loop3A_1067, %parallel_loop3A_1069 : vector<16xf32>
        %parallel_loop3A_1071 = arith.fptosi %parallel_loop3A_1070 : vector<16xf32> to vector<16xi32>
        %parallel_loop3A_1072 = arith.sitofp %parallel_loop3A_1071 : vector<16xi32> to vector<16xf32>
        %parallel_loop3A_1073 = arith.subf %parallel_loop3A_1064, %parallel_loop3A_1072 : vector<16xf32>
        %parallel_loop3A_1074 = vector.broadcast %mul3A_362 : i32 to vector<16xi32>
        %parallel_loop3A_1075 = arith.addi %parallel_loop3A_1071, %parallel_loop3A_1074 : vector<16xi32>
        %parallel_loop3A_1076 = tpu.vector_load_idx %arg7[%parallel_loop3A_1075] : memref<12480xf32, #tpu.memory_space<vmem>>[vector<16xi32>], vector<16xf32>,
        %parallel_loop3A_1077 = tpu.vector_load_idx %arg8[%parallel_loop3A_1075] : memref<12480xf32, #tpu.memory_space<vmem>>[vector<16xi32>], vector<16xf32>,
        %parallel_loop3A_1078 = tpu.vector_load_idx %arg9[%parallel_loop3A_1075] : memref<12480xf32, #tpu.memory_space<vmem>>[vector<16xi32>], vector<16xf32>,
        %parallel_loop3A_1079 = arith.mulf %parallel_loop3A_1073, %parallel_loop3A_1078 : vector<16xf32>
        %parallel_loop3A_1080 = arith.addf %parallel_loop3A_1077, %parallel_loop3A_1079 : vector<16xf32>
        %parallel_loop3A_1081 = arith.mulf %parallel_loop3A_1073, %parallel_loop3A_1080 : vector<16xf32>
        %parallel_loop3A_1082 = arith.addf %parallel_loop3A_1076, %parallel_loop3A_1081 : vector<16xf32>
        %parallel_loop3A_1083 = arith.index_cast %parallel_loop3A_875 : i32 to index
        %parallel_loop3A_1084 = arith.constant 96 : index
        %parallel_loop3A_1085 = tpu.vector_load %arg10[%parallel_loop3A_1083, %parallel_loop3A_1084] {strides = array<i32>} : memref<112x224xf32, #tpu.memory_space<vmem>>, vector<16xf32>,
        tpu.vector_store %arg10[%parallel_loop3A_1083, %parallel_loop3A_1084], %parallel_loop3A_1082 {strides = array<i32>} : memref<112x224xf32, #tpu.memory_space<vmem>>, vector<16xf32>,
        %parallel_loop3A_1086 = arith.index_cast %parallel_loop3A_875 : i32 to index
        %parallel_loop3A_1087 = arith.constant 112 : index
        %parallel_loop3A_1088 = tpu.vector_load %arg10[%parallel_loop3A_1086, %parallel_loop3A_1087] {strides = array<i32>} : memref<112x224xf32, #tpu.memory_space<vmem>>, vector<16xf32>,
        %parallel_loop3A_1089 = arith.constant 3.200000e+01 : f32
        %parallel_loop3A_1090 = vector.broadcast %parallel_loop3A_1089 : f32 to vector<16xf32>
        %parallel_loop3A_1091 = arith.mulf %parallel_loop3A_1088, %parallel_loop3A_1090 : vector<16xf32>
        %parallel_loop3A_1092 = arith.constant 3.200000e+01 : f32
        %parallel_loop3A_1093 = vector.broadcast %parallel_loop3A_1092 : f32 to vector<16xf32>
        %parallel_loop3A_1094 = arith.addf %parallel_loop3A_1091, %parallel_loop3A_1093 : vector<16xf32>
        %parallel_loop3A_1095 = arith.constant 0.000000e+00 : f32
        %parallel_loop3A_1096 = vector.broadcast %parallel_loop3A_1095 : f32 to vector<16xf32>
        %parallel_loop3A_1097 = arith.maximumf %parallel_loop3A_1094, %parallel_loop3A_1096 : vector<16xf32>
        %parallel_loop3A_1098 = arith.constant 6.200000e+01 : f32
        %parallel_loop3A_1099 = vector.broadcast %parallel_loop3A_1098 : f32 to vector<16xf32>
        %parallel_loop3A_1100 = arith.minimumf %parallel_loop3A_1097, %parallel_loop3A_1099 : vector<16xf32>
        %parallel_loop3A_1101 = arith.fptosi %parallel_loop3A_1100 : vector<16xf32> to vector<16xi32>
        %parallel_loop3A_1102 = arith.sitofp %parallel_loop3A_1101 : vector<16xi32> to vector<16xf32>
        %parallel_loop3A_1103 = arith.subf %parallel_loop3A_1094, %parallel_loop3A_1102 : vector<16xf32>
        %parallel_loop3A_1104 = vector.broadcast %mul3A_362 : i32 to vector<16xi32>
        %parallel_loop3A_1105 = arith.addi %parallel_loop3A_1101, %parallel_loop3A_1104 : vector<16xi32>
        %parallel_loop3A_1106 = tpu.vector_load_idx %arg7[%parallel_loop3A_1105] : memref<12480xf32, #tpu.memory_space<vmem>>[vector<16xi32>], vector<16xf32>,
        %parallel_loop3A_1107 = tpu.vector_load_idx %arg8[%parallel_loop3A_1105] : memref<12480xf32, #tpu.memory_space<vmem>>[vector<16xi32>], vector<16xf32>,
        %parallel_loop3A_1108 = tpu.vector_load_idx %arg9[%parallel_loop3A_1105] : memref<12480xf32, #tpu.memory_space<vmem>>[vector<16xi32>], vector<16xf32>,
        %parallel_loop3A_1109 = arith.mulf %parallel_loop3A_1103, %parallel_loop3A_1108 : vector<16xf32>
        %parallel_loop3A_1110 = arith.addf %parallel_loop3A_1107, %parallel_loop3A_1109 : vector<16xf32>
        %parallel_loop3A_1111 = arith.mulf %parallel_loop3A_1103, %parallel_loop3A_1110 : vector<16xf32>
        %parallel_loop3A_1112 = arith.addf %parallel_loop3A_1106, %parallel_loop3A_1111 : vector<16xf32>
        %parallel_loop3A_1113 = arith.index_cast %parallel_loop3A_875 : i32 to index
        %parallel_loop3A_1114 = arith.constant 112 : index
        %parallel_loop3A_1115 = tpu.vector_load %arg10[%parallel_loop3A_1113, %parallel_loop3A_1114] {strides = array<i32>} : memref<112x224xf32, #tpu.memory_space<vmem>>, vector<16xf32>,
        tpu.vector_store %arg10[%parallel_loop3A_1113, %parallel_loop3A_1114], %parallel_loop3A_1112 {strides = array<i32>} : memref<112x224xf32, #tpu.memory_space<vmem>>, vector<16xf32>,
        %parallel_loop3A_1116 = arith.index_cast %parallel_loop3A_875 : i32 to index
        %parallel_loop3A_1117 = arith.constant 128 : index
        %parallel_loop3A_1118 = tpu.vector_load %arg10[%parallel_loop3A_1116, %parallel_loop3A_1117] {strides = array<i32>} : memref<112x224xf32, #tpu.memory_space<vmem>>, vector<16xf32>,
        %parallel_loop3A_1119 = arith.constant 3.200000e+01 : f32
        %parallel_loop3A_1120 = vector.broadcast %parallel_loop3A_1119 : f32 to vector<16xf32>
        %parallel_loop3A_1121 = arith.mulf %parallel_loop3A_1118, %parallel_loop3A_1120 : vector<16xf32>
        %parallel_loop3A_1122 = arith.constant 3.200000e+01 : f32
        %parallel_loop3A_1123 = vector.broadcast %parallel_loop3A_1122 : f32 to vector<16xf32>
        %parallel_loop3A_1124 = arith.addf %parallel_loop3A_1121, %parallel_loop3A_1123 : vector<16xf32>
        %parallel_loop3A_1125 = arith.constant 0.000000e+00 : f32
        %parallel_loop3A_1126 = vector.broadcast %parallel_loop3A_1125 : f32 to vector<16xf32>
        %parallel_loop3A_1127 = arith.maximumf %parallel_loop3A_1124, %parallel_loop3A_1126 : vector<16xf32>
        %parallel_loop3A_1128 = arith.constant 6.200000e+01 : f32
        %parallel_loop3A_1129 = vector.broadcast %parallel_loop3A_1128 : f32 to vector<16xf32>
        %parallel_loop3A_1130 = arith.minimumf %parallel_loop3A_1127, %parallel_loop3A_1129 : vector<16xf32>
        %parallel_loop3A_1131 = arith.fptosi %parallel_loop3A_1130 : vector<16xf32> to vector<16xi32>
        %parallel_loop3A_1132 = arith.sitofp %parallel_loop3A_1131 : vector<16xi32> to vector<16xf32>
        %parallel_loop3A_1133 = arith.subf %parallel_loop3A_1124, %parallel_loop3A_1132 : vector<16xf32>
        %parallel_loop3A_1134 = vector.broadcast %mul3A_362 : i32 to vector<16xi32>
        %parallel_loop3A_1135 = arith.addi %parallel_loop3A_1131, %parallel_loop3A_1134 : vector<16xi32>
        %parallel_loop3A_1136 = tpu.vector_load_idx %arg7[%parallel_loop3A_1135] : memref<12480xf32, #tpu.memory_space<vmem>>[vector<16xi32>], vector<16xf32>,
        %parallel_loop3A_1137 = tpu.vector_load_idx %arg8[%parallel_loop3A_1135] : memref<12480xf32, #tpu.memory_space<vmem>>[vector<16xi32>], vector<16xf32>,
        %parallel_loop3A_1138 = tpu.vector_load_idx %arg9[%parallel_loop3A_1135] : memref<12480xf32, #tpu.memory_space<vmem>>[vector<16xi32>], vector<16xf32>,
        %parallel_loop3A_1139 = arith.mulf %parallel_loop3A_1133, %parallel_loop3A_1138 : vector<16xf32>
        %parallel_loop3A_1140 = arith.addf %parallel_loop3A_1137, %parallel_loop3A_1139 : vector<16xf32>
        %parallel_loop3A_1141 = arith.mulf %parallel_loop3A_1133, %parallel_loop3A_1140 : vector<16xf32>
        %parallel_loop3A_1142 = arith.addf %parallel_loop3A_1136, %parallel_loop3A_1141 : vector<16xf32>
        %parallel_loop3A_1143 = arith.index_cast %parallel_loop3A_875 : i32 to index
        %parallel_loop3A_1144 = arith.constant 128 : index
        %parallel_loop3A_1145 = tpu.vector_load %arg10[%parallel_loop3A_1143, %parallel_loop3A_1144] {strides = array<i32>} : memref<112x224xf32, #tpu.memory_space<vmem>>, vector<16xf32>,
        tpu.vector_store %arg10[%parallel_loop3A_1143, %parallel_loop3A_1144], %parallel_loop3A_1142 {strides = array<i32>} : memref<112x224xf32, #tpu.memory_space<vmem>>, vector<16xf32>,
        %parallel_loop3A_1146 = arith.index_cast %parallel_loop3A_875 : i32 to index
        %parallel_loop3A_1147 = arith.constant 144 : index
        %parallel_loop3A_1148 = tpu.vector_load %arg10[%parallel_loop3A_1146, %parallel_loop3A_1147] {strides = array<i32>} : memref<112x224xf32, #tpu.memory_space<vmem>>, vector<16xf32>,
        %parallel_loop3A_1149 = arith.constant 3.200000e+01 : f32
        %parallel_loop3A_1150 = vector.broadcast %parallel_loop3A_1149 : f32 to vector<16xf32>
        %parallel_loop3A_1151 = arith.mulf %parallel_loop3A_1148, %parallel_loop3A_1150 : vector<16xf32>
        %parallel_loop3A_1152 = arith.constant 3.200000e+01 : f32
        %parallel_loop3A_1153 = vector.broadcast %parallel_loop3A_1152 : f32 to vector<16xf32>
        %parallel_loop3A_1154 = arith.addf %parallel_loop3A_1151, %parallel_loop3A_1153 : vector<16xf32>
        %parallel_loop3A_1155 = arith.constant 0.000000e+00 : f32
        %parallel_loop3A_1156 = vector.broadcast %parallel_loop3A_1155 : f32 to vector<16xf32>
        %parallel_loop3A_1157 = arith.maximumf %parallel_loop3A_1154, %parallel_loop3A_1156 : vector<16xf32>
        %parallel_loop3A_1158 = arith.constant 6.200000e+01 : f32
        %parallel_loop3A_1159 = vector.broadcast %parallel_loop3A_1158 : f32 to vector<16xf32>
        %parallel_loop3A_1160 = arith.minimumf %parallel_loop3A_1157, %parallel_loop3A_1159 : vector<16xf32>
        %parallel_loop3A_1161 = arith.fptosi %parallel_loop3A_1160 : vector<16xf32> to vector<16xi32>
        %parallel_loop3A_1162 = arith.sitofp %parallel_loop3A_1161 : vector<16xi32> to vector<16xf32>
        %parallel_loop3A_1163 = arith.subf %parallel_loop3A_1154, %parallel_loop3A_1162 : vector<16xf32>
        %parallel_loop3A_1164 = vector.broadcast %mul3A_362 : i32 to vector<16xi32>
        %parallel_loop3A_1165 = arith.addi %parallel_loop3A_1161, %parallel_loop3A_1164 : vector<16xi32>
        %parallel_loop3A_1166 = tpu.vector_load_idx %arg7[%parallel_loop3A_1165] : memref<12480xf32, #tpu.memory_space<vmem>>[vector<16xi32>], vector<16xf32>,
        %parallel_loop3A_1167 = tpu.vector_load_idx %arg8[%parallel_loop3A_1165] : memref<12480xf32, #tpu.memory_space<vmem>>[vector<16xi32>], vector<16xf32>,
        %parallel_loop3A_1168 = tpu.vector_load_idx %arg9[%parallel_loop3A_1165] : memref<12480xf32, #tpu.memory_space<vmem>>[vector<16xi32>], vector<16xf32>,
        %parallel_loop3A_1169 = arith.mulf %parallel_loop3A_1163, %parallel_loop3A_1168 : vector<16xf32>
        %parallel_loop3A_1170 = arith.addf %parallel_loop3A_1167, %parallel_loop3A_1169 : vector<16xf32>
        %parallel_loop3A_1171 = arith.mulf %parallel_loop3A_1163, %parallel_loop3A_1170 : vector<16xf32>
        %parallel_loop3A_1172 = arith.addf %parallel_loop3A_1166, %parallel_loop3A_1171 : vector<16xf32>
        %parallel_loop3A_1173 = arith.index_cast %parallel_loop3A_875 : i32 to index
        %parallel_loop3A_1174 = arith.constant 144 : index
        %parallel_loop3A_1175 = tpu.vector_load %arg10[%parallel_loop3A_1173, %parallel_loop3A_1174] {strides = array<i32>} : memref<112x224xf32, #tpu.memory_space<vmem>>, vector<16xf32>,
        tpu.vector_store %arg10[%parallel_loop3A_1173, %parallel_loop3A_1174], %parallel_loop3A_1172 {strides = array<i32>} : memref<112x224xf32, #tpu.memory_space<vmem>>, vector<16xf32>,
        %parallel_loop3A_1176 = arith.index_cast %parallel_loop3A_875 : i32 to index
        %parallel_loop3A_1177 = arith.constant 160 : index
        %parallel_loop3A_1178 = tpu.vector_load %arg10[%parallel_loop3A_1176, %parallel_loop3A_1177] {strides = array<i32>} : memref<112x224xf32, #tpu.memory_space<vmem>>, vector<16xf32>,
        %parallel_loop3A_1179 = arith.constant 3.200000e+01 : f32
        %parallel_loop3A_1180 = vector.broadcast %parallel_loop3A_1179 : f32 to vector<16xf32>
        %parallel_loop3A_1181 = arith.mulf %parallel_loop3A_1178, %parallel_loop3A_1180 : vector<16xf32>
        %parallel_loop3A_1182 = arith.constant 3.200000e+01 : f32
        %parallel_loop3A_1183 = vector.broadcast %parallel_loop3A_1182 : f32 to vector<16xf32>
        %parallel_loop3A_1184 = arith.addf %parallel_loop3A_1181, %parallel_loop3A_1183 : vector<16xf32>
        %parallel_loop3A_1185 = arith.constant 0.000000e+00 : f32
        %parallel_loop3A_1186 = vector.broadcast %parallel_loop3A_1185 : f32 to vector<16xf32>
        %parallel_loop3A_1187 = arith.maximumf %parallel_loop3A_1184, %parallel_loop3A_1186 : vector<16xf32>
        %parallel_loop3A_1188 = arith.constant 6.200000e+01 : f32
        %parallel_loop3A_1189 = vector.broadcast %parallel_loop3A_1188 : f32 to vector<16xf32>
        %parallel_loop3A_1190 = arith.minimumf %parallel_loop3A_1187, %parallel_loop3A_1189 : vector<16xf32>
        %parallel_loop3A_1191 = arith.fptosi %parallel_loop3A_1190 : vector<16xf32> to vector<16xi32>
        %parallel_loop3A_1192 = arith.sitofp %parallel_loop3A_1191 : vector<16xi32> to vector<16xf32>
        %parallel_loop3A_1193 = arith.subf %parallel_loop3A_1184, %parallel_loop3A_1192 : vector<16xf32>
        %parallel_loop3A_1194 = vector.broadcast %mul3A_362 : i32 to vector<16xi32>
        %parallel_loop3A_1195 = arith.addi %parallel_loop3A_1191, %parallel_loop3A_1194 : vector<16xi32>
        %parallel_loop3A_1196 = tpu.vector_load_idx %arg7[%parallel_loop3A_1195] : memref<12480xf32, #tpu.memory_space<vmem>>[vector<16xi32>], vector<16xf32>,
        %parallel_loop3A_1197 = tpu.vector_load_idx %arg8[%parallel_loop3A_1195] : memref<12480xf32, #tpu.memory_space<vmem>>[vector<16xi32>], vector<16xf32>,
        %parallel_loop3A_1198 = tpu.vector_load_idx %arg9[%parallel_loop3A_1195] : memref<12480xf32, #tpu.memory_space<vmem>>[vector<16xi32>], vector<16xf32>,
        %parallel_loop3A_1199 = arith.mulf %parallel_loop3A_1193, %parallel_loop3A_1198 : vector<16xf32>
        %parallel_loop3A_1200 = arith.addf %parallel_loop3A_1197, %parallel_loop3A_1199 : vector<16xf32>
        %parallel_loop3A_1201 = arith.mulf %parallel_loop3A_1193, %parallel_loop3A_1200 : vector<16xf32>
        %parallel_loop3A_1202 = arith.addf %parallel_loop3A_1196, %parallel_loop3A_1201 : vector<16xf32>
        %parallel_loop3A_1203 = arith.index_cast %parallel_loop3A_875 : i32 to index
        %parallel_loop3A_1204 = arith.constant 160 : index
        %parallel_loop3A_1205 = tpu.vector_load %arg10[%parallel_loop3A_1203, %parallel_loop3A_1204] {strides = array<i32>} : memref<112x224xf32, #tpu.memory_space<vmem>>, vector<16xf32>,
        tpu.vector_store %arg10[%parallel_loop3A_1203, %parallel_loop3A_1204], %parallel_loop3A_1202 {strides = array<i32>} : memref<112x224xf32, #tpu.memory_space<vmem>>, vector<16xf32>,
        %parallel_loop3A_1206 = arith.index_cast %parallel_loop3A_875 : i32 to index
        %parallel_loop3A_1207 = arith.constant 176 : index
        %parallel_loop3A_1208 = tpu.vector_load %arg10[%parallel_loop3A_1206, %parallel_loop3A_1207] {strides = array<i32>} : memref<112x224xf32, #tpu.memory_space<vmem>>, vector<16xf32>,
        %parallel_loop3A_1209 = arith.constant 3.200000e+01 : f32
        %parallel_loop3A_1210 = vector.broadcast %parallel_loop3A_1209 : f32 to vector<16xf32>
        %parallel_loop3A_1211 = arith.mulf %parallel_loop3A_1208, %parallel_loop3A_1210 : vector<16xf32>
        %parallel_loop3A_1212 = arith.constant 3.200000e+01 : f32
        %parallel_loop3A_1213 = vector.broadcast %parallel_loop3A_1212 : f32 to vector<16xf32>
        %parallel_loop3A_1214 = arith.addf %parallel_loop3A_1211, %parallel_loop3A_1213 : vector<16xf32>
        %parallel_loop3A_1215 = arith.constant 0.000000e+00 : f32
        %parallel_loop3A_1216 = vector.broadcast %parallel_loop3A_1215 : f32 to vector<16xf32>
        %parallel_loop3A_1217 = arith.maximumf %parallel_loop3A_1214, %parallel_loop3A_1216 : vector<16xf32>
        %parallel_loop3A_1218 = arith.constant 6.200000e+01 : f32
        %parallel_loop3A_1219 = vector.broadcast %parallel_loop3A_1218 : f32 to vector<16xf32>
        %parallel_loop3A_1220 = arith.minimumf %parallel_loop3A_1217, %parallel_loop3A_1219 : vector<16xf32>
        %parallel_loop3A_1221 = arith.fptosi %parallel_loop3A_1220 : vector<16xf32> to vector<16xi32>
        %parallel_loop3A_1222 = arith.sitofp %parallel_loop3A_1221 : vector<16xi32> to vector<16xf32>
        %parallel_loop3A_1223 = arith.subf %parallel_loop3A_1214, %parallel_loop3A_1222 : vector<16xf32>
        %parallel_loop3A_1224 = vector.broadcast %mul3A_362 : i32 to vector<16xi32>
        %parallel_loop3A_1225 = arith.addi %parallel_loop3A_1221, %parallel_loop3A_1224 : vector<16xi32>
        %parallel_loop3A_1226 = tpu.vector_load_idx %arg7[%parallel_loop3A_1225] : memref<12480xf32, #tpu.memory_space<vmem>>[vector<16xi32>], vector<16xf32>,
        %parallel_loop3A_1227 = tpu.vector_load_idx %arg8[%parallel_loop3A_1225] : memref<12480xf32, #tpu.memory_space<vmem>>[vector<16xi32>], vector<16xf32>,
        %parallel_loop3A_1228 = tpu.vector_load_idx %arg9[%parallel_loop3A_1225] : memref<12480xf32, #tpu.memory_space<vmem>>[vector<16xi32>], vector<16xf32>,
        %parallel_loop3A_1229 = arith.mulf %parallel_loop3A_1223, %parallel_loop3A_1228 : vector<16xf32>
        %parallel_loop3A_1230 = arith.addf %parallel_loop3A_1227, %parallel_loop3A_1229 : vector<16xf32>
        %parallel_loop3A_1231 = arith.mulf %parallel_loop3A_1223, %parallel_loop3A_1230 : vector<16xf32>
        %parallel_loop3A_1232 = arith.addf %parallel_loop3A_1226, %parallel_loop3A_1231 : vector<16xf32>
        %parallel_loop3A_1233 = arith.index_cast %parallel_loop3A_875 : i32 to index
        %parallel_loop3A_1234 = arith.constant 176 : index
        %parallel_loop3A_1235 = tpu.vector_load %arg10[%parallel_loop3A_1233, %parallel_loop3A_1234] {strides = array<i32>} : memref<112x224xf32, #tpu.memory_space<vmem>>, vector<16xf32>,
        tpu.vector_store %arg10[%parallel_loop3A_1233, %parallel_loop3A_1234], %parallel_loop3A_1232 {strides = array<i32>} : memref<112x224xf32, #tpu.memory_space<vmem>>, vector<16xf32>,
        %parallel_loop3A_1236 = arith.index_cast %parallel_loop3A_875 : i32 to index
        %parallel_loop3A_1237 = arith.constant 192 : index
        %parallel_loop3A_1238 = tpu.vector_load %arg10[%parallel_loop3A_1236, %parallel_loop3A_1237] {strides = array<i32>} : memref<112x224xf32, #tpu.memory_space<vmem>>, vector<16xf32>,
        %parallel_loop3A_1239 = arith.constant 3.200000e+01 : f32
        %parallel_loop3A_1240 = vector.broadcast %parallel_loop3A_1239 : f32 to vector<16xf32>
        %parallel_loop3A_1241 = arith.mulf %parallel_loop3A_1238, %parallel_loop3A_1240 : vector<16xf32>
        %parallel_loop3A_1242 = arith.constant 3.200000e+01 : f32
        %parallel_loop3A_1243 = vector.broadcast %parallel_loop3A_1242 : f32 to vector<16xf32>
        %parallel_loop3A_1244 = arith.addf %parallel_loop3A_1241, %parallel_loop3A_1243 : vector<16xf32>
        %parallel_loop3A_1245 = arith.constant 0.000000e+00 : f32
        %parallel_loop3A_1246 = vector.broadcast %parallel_loop3A_1245 : f32 to vector<16xf32>
        %parallel_loop3A_1247 = arith.maximumf %parallel_loop3A_1244, %parallel_loop3A_1246 : vector<16xf32>
        %parallel_loop3A_1248 = arith.constant 6.200000e+01 : f32
        %parallel_loop3A_1249 = vector.broadcast %parallel_loop3A_1248 : f32 to vector<16xf32>
        %parallel_loop3A_1250 = arith.minimumf %parallel_loop3A_1247, %parallel_loop3A_1249 : vector<16xf32>
        %parallel_loop3A_1251 = arith.fptosi %parallel_loop3A_1250 : vector<16xf32> to vector<16xi32>
        %parallel_loop3A_1252 = arith.sitofp %parallel_loop3A_1251 : vector<16xi32> to vector<16xf32>
        %parallel_loop3A_1253 = arith.subf %parallel_loop3A_1244, %parallel_loop3A_1252 : vector<16xf32>
        %parallel_loop3A_1254 = vector.broadcast %mul3A_362 : i32 to vector<16xi32>
        %parallel_loop3A_1255 = arith.addi %parallel_loop3A_1251, %parallel_loop3A_1254 : vector<16xi32>
        %parallel_loop3A_1256 = tpu.vector_load_idx %arg7[%parallel_loop3A_1255] : memref<12480xf32, #tpu.memory_space<vmem>>[vector<16xi32>], vector<16xf32>,
        %parallel_loop3A_1257 = tpu.vector_load_idx %arg8[%parallel_loop3A_1255] : memref<12480xf32, #tpu.memory_space<vmem>>[vector<16xi32>], vector<16xf32>,
        %parallel_loop3A_1258 = tpu.vector_load_idx %arg9[%parallel_loop3A_1255] : memref<12480xf32, #tpu.memory_space<vmem>>[vector<16xi32>], vector<16xf32>,
        %parallel_loop3A_1259 = arith.mulf %parallel_loop3A_1253, %parallel_loop3A_1258 : vector<16xf32>
        %parallel_loop3A_1260 = arith.addf %parallel_loop3A_1257, %parallel_loop3A_1259 : vector<16xf32>
        %parallel_loop3A_1261 = arith.mulf %parallel_loop3A_1253, %parallel_loop3A_1260 : vector<16xf32>
        %parallel_loop3A_1262 = arith.addf %parallel_loop3A_1256, %parallel_loop3A_1261 : vector<16xf32>
        %parallel_loop3A_1263 = arith.index_cast %parallel_loop3A_875 : i32 to index
        %parallel_loop3A_1264 = arith.constant 192 : index
        %parallel_loop3A_1265 = tpu.vector_load %arg10[%parallel_loop3A_1263, %parallel_loop3A_1264] {strides = array<i32>} : memref<112x224xf32, #tpu.memory_space<vmem>>, vector<16xf32>,
        tpu.vector_store %arg10[%parallel_loop3A_1263, %parallel_loop3A_1264], %parallel_loop3A_1262 {strides = array<i32>} : memref<112x224xf32, #tpu.memory_space<vmem>>, vector<16xf32>,
        %parallel_loop3A_1266 = arith.index_cast %parallel_loop3A_875 : i32 to index
        %parallel_loop3A_1267 = arith.constant 208 : index
        %parallel_loop3A_1268 = tpu.vector_load %arg10[%parallel_loop3A_1266, %parallel_loop3A_1267] {strides = array<i32>} : memref<112x224xf32, #tpu.memory_space<vmem>>, vector<16xf32>,
        %parallel_loop3A_1269 = arith.constant 3.200000e+01 : f32
        %parallel_loop3A_1270 = vector.broadcast %parallel_loop3A_1269 : f32 to vector<16xf32>
        %parallel_loop3A_1271 = arith.mulf %parallel_loop3A_1268, %parallel_loop3A_1270 : vector<16xf32>
        %parallel_loop3A_1272 = arith.constant 3.200000e+01 : f32
        %parallel_loop3A_1273 = vector.broadcast %parallel_loop3A_1272 : f32 to vector<16xf32>
        %parallel_loop3A_1274 = arith.addf %parallel_loop3A_1271, %parallel_loop3A_1273 : vector<16xf32>
        %parallel_loop3A_1275 = arith.constant 0.000000e+00 : f32
        %parallel_loop3A_1276 = vector.broadcast %parallel_loop3A_1275 : f32 to vector<16xf32>
        %parallel_loop3A_1277 = arith.maximumf %parallel_loop3A_1274, %parallel_loop3A_1276 : vector<16xf32>
        %parallel_loop3A_1278 = arith.constant 6.200000e+01 : f32
        %parallel_loop3A_1279 = vector.broadcast %parallel_loop3A_1278 : f32 to vector<16xf32>
        %parallel_loop3A_1280 = arith.minimumf %parallel_loop3A_1277, %parallel_loop3A_1279 : vector<16xf32>
        %parallel_loop3A_1281 = arith.fptosi %parallel_loop3A_1280 : vector<16xf32> to vector<16xi32>
        %parallel_loop3A_1282 = arith.sitofp %parallel_loop3A_1281 : vector<16xi32> to vector<16xf32>
        %parallel_loop3A_1283 = arith.subf %parallel_loop3A_1274, %parallel_loop3A_1282 : vector<16xf32>
        %parallel_loop3A_1284 = vector.broadcast %mul3A_362 : i32 to vector<16xi32>
        %parallel_loop3A_1285 = arith.addi %parallel_loop3A_1281, %parallel_loop3A_1284 : vector<16xi32>
        %parallel_loop3A_1286 = tpu.vector_load_idx %arg7[%parallel_loop3A_1285] : memref<12480xf32, #tpu.memory_space<vmem>>[vector<16xi32>], vector<16xf32>,
        %parallel_loop3A_1287 = tpu.vector_load_idx %arg8[%parallel_loop3A_1285] : memref<12480xf32, #tpu.memory_space<vmem>>[vector<16xi32>], vector<16xf32>,
        %parallel_loop3A_1288 = tpu.vector_load_idx %arg9[%parallel_loop3A_1285] : memref<12480xf32, #tpu.memory_space<vmem>>[vector<16xi32>], vector<16xf32>,
        %parallel_loop3A_1289 = arith.mulf %parallel_loop3A_1283, %parallel_loop3A_1288 : vector<16xf32>
        %parallel_loop3A_1290 = arith.addf %parallel_loop3A_1287, %parallel_loop3A_1289 : vector<16xf32>
        %parallel_loop3A_1291 = arith.mulf %parallel_loop3A_1283, %parallel_loop3A_1290 : vector<16xf32>
        %parallel_loop3A_1292 = arith.addf %parallel_loop3A_1286, %parallel_loop3A_1291 : vector<16xf32>
        %parallel_loop3A_1293 = arith.index_cast %parallel_loop3A_875 : i32 to index
        %parallel_loop3A_1294 = arith.constant 208 : index
        %parallel_loop3A_1295 = tpu.vector_load %arg10[%parallel_loop3A_1293, %parallel_loop3A_1294] {strides = array<i32>} : memref<112x224xf32, #tpu.memory_space<vmem>>, vector<16xf32>,
        tpu.vector_store %arg10[%parallel_loop3A_1293, %parallel_loop3A_1294], %parallel_loop3A_1292 {strides = array<i32>} : memref<112x224xf32, #tpu.memory_space<vmem>>, vector<16xf32>,
      } {sc.loop_unroll_factor = 1 : i64, sc.parallel_access}
      %dma_start3A_371 = arith.constant 0 : i32
      %dma_start3A_372 = tpu.memref_slice %arg6[%select_n3A_344, %select_n3A_360, %mul3A_320, %dma_start3A_371] : memref<4x192x224x224xf32, #tpu.memory_space<hbm>> -> memref<1x1x112x224xf32, #tpu.memory_space<hbm>>
      %dma_start3A_373 = tpu.memref_squeeze %dma_start3A_372 : memref<1x1x112x224xf32, #tpu.memory_space<hbm>> -> memref<112x224xf32, #tpu.memory_space<hbm>>
      %dma_start3A_374 = arith.constant 0 : i32
      %dma_start3A_375 = tpu.memref_slice %arg6[%select_n3A_344, %select_n3A_360, %mul3A_320, %dma_start3A_374] : memref<4x192x224x224xf32, #tpu.memory_space<hbm>> -> memref<1x1x112x224xf32, #tpu.memory_space<hbm>>
      %dma_start3A_376 = tpu.memref_squeeze %dma_start3A_375 : memref<1x1x112x224xf32, #tpu.memory_space<hbm>> -> memref<112x224xf32, #tpu.memory_space<hbm>>
      tpu.enqueue_dma source(%arg10 : memref<112x224xf32, #tpu.memory_space<vmem>>) target(%dma_start3A_376 : memref<112x224xf32, #tpu.memory_space<hbm>>) target_semaphore(%arg16 : memref<!tpu.dma_semaphore, #tpu.memory_space<semaphore_mem>>)
      %gt3A = arith.constant 0 : i32
      %gt3A_377 = arith.cmpi sgt, %scan3A_272, %gt3A : i32
      %convert_element_type3A = arith.extui %gt3A_377 : i1 to i32
      %cond3A = arith.constant 0 : i32
      %cond3A_378 = arith.cmpi ne, %convert_element_type3A, %cond3A : i32
      scf.if %cond3A_378 {
        %sub3A_875 = arith.constant 1 : i32
        %sub3A_876 = arith.subi %add3A_276, %sub3A_875 : i32
        %add3A_877 = arith.addi %mul3A_2, %sub3A_876 : i32
        %jit3A_878 = arith.constant 2 : i32
        %div3A_879 = arith.divsi %add3A_877, %jit3A_878 : i32
        %sign3A_880 = arith.constant 0 : i32
        %sign3A_881 = arith.cmpi sgt, %add3A_877, %sign3A_880 : i32
        %sign3A_882 = arith.extui %sign3A_881 : i1 to i32
        %sign3A_883 = arith.constant 0 : i32
        %sign3A_884 = arith.cmpi slt, %add3A_877, %sign3A_883 : i32
        %sign3A_885 = arith.extui %sign3A_884 : i1 to i32
        %sign3A_886 = arith.subi %sign3A_882, %sign3A_885 : i32
        %sign3A_887 = arith.constant 0 : i32
        %sign3A_888 = arith.cmpi sgt, %jit3A_878, %sign3A_887 : i32
        %sign3A_889 = arith.extui %sign3A_888 : i1 to i32
        %sign3A_890 = arith.constant 0 : i32
        %sign3A_891 = arith.cmpi slt, %jit3A_878, %sign3A_890 : i32
        %sign3A_892 = arith.extui %sign3A_891 : i1 to i32
        %sign3A_893 = arith.subi %sign3A_889, %sign3A_892 : i32
        %ne3A_894 = arith.cmpi ne, %sign3A_886, %sign3A_893 : i32
        %rem3A_895 = arith.remsi %add3A_877, %jit3A_878 : i32
        %ne3A_896 = arith.constant 0 : i32
        %ne3A_897 = arith.cmpi ne, %rem3A_895, %ne3A_896 : i32
        %and3A_898 = arith.andi %ne3A_894, %ne3A_897 : i1
        %sub3A_899 = arith.constant 1 : i32
        %sub3A_900 = arith.subi %div3A_879, %sub3A_899 : i32
        %select_n3A_901 = arith.select %and3A_898, %sub3A_900, %div3A_879 : i32
        %add3A_902 = arith.addi %mul3A_2, %sub3A_876 : i32
        %jit3A_903 = arith.constant 2 : i32
        %eq3A_904 = arith.constant 0 : i32
        %eq3A_905 = arith.cmpi eq, %jit3A_903, %eq3A_904 : i32
        %jit3A_906 = arith.constant 1 : i32
        %select_n3A_907 = arith.select %eq3A_905, %jit3A_906, %jit3A_903 : i32
        %rem3A_908 = arith.remsi %add3A_902, %select_n3A_907 : i32
        %ne3A_909 = arith.constant 0 : i32
        %ne3A_910 = arith.cmpi ne, %rem3A_908, %ne3A_909 : i32
        %lt3A_911 = arith.constant 0 : i32
        %lt3A_912 = arith.cmpi slt, %rem3A_908, %lt3A_911 : i32
        %lt3A_913 = arith.constant 0 : i32
        %lt3A_914 = arith.cmpi slt, %select_n3A_907, %lt3A_913 : i32
        %ne3A_915 = arith.xori %lt3A_912, %lt3A_914 : i1
        %and3A_916 = arith.andi %ne3A_915, %ne3A_910 : i1
        %add3A_917 = arith.addi %rem3A_908, %select_n3A_907 : i32
        %select_n3A_918 = arith.select %and3A_916, %add3A_917, %rem3A_908 : i32
        %mul3A_919 = arith.constant 112 : i32
        %mul3A_920 = arith.muli %select_n3A_918, %mul3A_919 : i32
        %jit3A_921 = arith.constant 192 : i32
        %div3A_922 = arith.divsi %select_n3A_901, %jit3A_921 : i32
        %sign3A_923 = arith.constant 0 : i32
        %sign3A_924 = arith.cmpi sgt, %select_n3A_901, %sign3A_923 : i32
        %sign3A_925 = arith.extui %sign3A_924 : i1 to i32
        %sign3A_926 = arith.constant 0 : i32
        %sign3A_927 = arith.cmpi slt, %select_n3A_901, %sign3A_926 : i32
        %sign3A_928 = arith.extui %sign3A_927 : i1 to i32
        %sign3A_929 = arith.subi %sign3A_925, %sign3A_928 : i32
        %sign3A_930 = arith.constant 0 : i32
        %sign3A_931 = arith.cmpi sgt, %jit3A_921, %sign3A_930 : i32
        %sign3A_932 = arith.extui %sign3A_931 : i1 to i32
        %sign3A_933 = arith.constant 0 : i32
        %sign3A_934 = arith.cmpi slt, %jit3A_921, %sign3A_933 : i32
        %sign3A_935 = arith.extui %sign3A_934 : i1 to i32
        %sign3A_936 = arith.subi %sign3A_932, %sign3A_935 : i32
        %ne3A_937 = arith.cmpi ne, %sign3A_929, %sign3A_936 : i32
        %rem3A_938 = arith.remsi %select_n3A_901, %jit3A_921 : i32
        %ne3A_939 = arith.constant 0 : i32
        %ne3A_940 = arith.cmpi ne, %rem3A_938, %ne3A_939 : i32
        %and3A_941 = arith.andi %ne3A_937, %ne3A_940 : i1
        %sub3A_942 = arith.constant 1 : i32
        %sub3A_943 = arith.subi %div3A_922, %sub3A_942 : i32
        %select_n3A_944 = arith.select %and3A_941, %sub3A_943, %div3A_922 : i32
        %jit3A_945 = arith.constant 192 : i32
        %eq3A_946 = arith.constant 0 : i32
        %eq3A_947 = arith.cmpi eq, %jit3A_945, %eq3A_946 : i32
        %jit3A_948 = arith.constant 1 : i32
        %select_n3A_949 = arith.select %eq3A_947, %jit3A_948, %jit3A_945 : i32
        %rem3A_950 = arith.remsi %select_n3A_901, %select_n3A_949 : i32
        %ne3A_951 = arith.constant 0 : i32
        %ne3A_952 = arith.cmpi ne, %rem3A_950, %ne3A_951 : i32
        %lt3A_953 = arith.constant 0 : i32
        %lt3A_954 = arith.cmpi slt, %rem3A_950, %lt3A_953 : i32
        %lt3A_955 = arith.constant 0 : i32
        %lt3A_956 = arith.cmpi slt, %select_n3A_949, %lt3A_955 : i32
        %ne3A_957 = arith.xori %lt3A_954, %lt3A_956 : i1
        %and3A_958 = arith.andi %ne3A_957, %ne3A_952 : i1
        %add3A_959 = arith.addi %rem3A_950, %select_n3A_949 : i32
        %select_n3A_960 = arith.select %and3A_958, %add3A_959, %rem3A_950 : i32
        %dma_wait3A_961 = arith.constant 0 : i32
        %dma_wait3A_962 = tpu.memref_slice %arg6[%select_n3A_944, %select_n3A_960, %mul3A_920, %dma_wait3A_961] : memref<4x192x224x224xf32, #tpu.memory_space<hbm>> -> memref<1x1x112x224xf32, #tpu.memory_space<hbm>>
        %dma_wait3A_963 = tpu.memref_squeeze %dma_wait3A_962 : memref<1x1x112x224xf32, #tpu.memory_space<hbm>> -> memref<112x224xf32, #tpu.memory_space<hbm>>
        %dma_wait3A_964 = arith.constant 0 : i32
        %dma_wait3A_965 = tpu.memref_slice %arg6[%select_n3A_944, %select_n3A_960, %mul3A_920, %dma_wait3A_964] : memref<4x192x224x224xf32, #tpu.memory_space<hbm>> -> memref<1x1x112x224xf32, #tpu.memory_space<hbm>>
        %dma_wait3A_966 = tpu.memref_squeeze %dma_wait3A_965 : memref<1x1x112x224xf32, #tpu.memory_space<hbm>> -> memref<112x224xf32, #tpu.memory_space<hbm>>
        tpu.wait_dma2 semaphore(%arg18 : memref<!tpu.dma_semaphore, #tpu.memory_space<semaphore_mem>>) src(%arg12 : memref<112x224xf32, #tpu.memory_space<vmem>>) dst(%dma_wait3A_966 : memref<112x224xf32, #tpu.memory_space<hbm>>)
      } else {
      }
      %add3A_379 = arith.constant 2 : i32
      %add3A_380 = arith.addi %add3A_276, %add3A_379 : i32
      %add3A_381 = arith.addi %mul3A_2, %add3A_380 : i32
      %jit3A_382 = arith.constant 2 : i32
      %div3A_383 = arith.divsi %add3A_381, %jit3A_382 : i32
      %sign3A_384 = arith.constant 0 : i32
      %sign3A_385 = arith.cmpi sgt, %add3A_381, %sign3A_384 : i32
      %sign3A_386 = arith.extui %sign3A_385 : i1 to i32
      %sign3A_387 = arith.constant 0 : i32
      %sign3A_388 = arith.cmpi slt, %add3A_381, %sign3A_387 : i32
      %sign3A_389 = arith.extui %sign3A_388 : i1 to i32
      %sign3A_390 = arith.subi %sign3A_386, %sign3A_389 : i32
      %sign3A_391 = arith.constant 0 : i32
      %sign3A_392 = arith.cmpi sgt, %jit3A_382, %sign3A_391 : i32
      %sign3A_393 = arith.extui %sign3A_392 : i1 to i32
      %sign3A_394 = arith.constant 0 : i32
      %sign3A_395 = arith.cmpi slt, %jit3A_382, %sign3A_394 : i32
      %sign3A_396 = arith.extui %sign3A_395 : i1 to i32
      %sign3A_397 = arith.subi %sign3A_393, %sign3A_396 : i32
      %ne3A_398 = arith.cmpi ne, %sign3A_390, %sign3A_397 : i32
      %rem3A_399 = arith.remsi %add3A_381, %jit3A_382 : i32
      %ne3A_400 = arith.constant 0 : i32
      %ne3A_401 = arith.cmpi ne, %rem3A_399, %ne3A_400 : i32
      %and3A_402 = arith.andi %ne3A_398, %ne3A_401 : i1
      %sub3A_403 = arith.constant 1 : i32
      %sub3A_404 = arith.subi %div3A_383, %sub3A_403 : i32
      %select_n3A_405 = arith.select %and3A_402, %sub3A_404, %div3A_383 : i32
      %add3A_406 = arith.addi %mul3A_2, %add3A_380 : i32
      %jit3A_407 = arith.constant 2 : i32
      %eq3A_408 = arith.constant 0 : i32
      %eq3A_409 = arith.cmpi eq, %jit3A_407, %eq3A_408 : i32
      %jit3A_410 = arith.constant 1 : i32
      %select_n3A_411 = arith.select %eq3A_409, %jit3A_410, %jit3A_407 : i32
      %rem3A_412 = arith.remsi %add3A_406, %select_n3A_411 : i32
      %ne3A_413 = arith.constant 0 : i32
      %ne3A_414 = arith.cmpi ne, %rem3A_412, %ne3A_413 : i32
      %lt3A_415 = arith.constant 0 : i32
      %lt3A_416 = arith.cmpi slt, %rem3A_412, %lt3A_415 : i32
      %lt3A_417 = arith.constant 0 : i32
      %lt3A_418 = arith.cmpi slt, %select_n3A_411, %lt3A_417 : i32
      %ne3A_419 = arith.xori %lt3A_416, %lt3A_418 : i1
      %and3A_420 = arith.andi %ne3A_419, %ne3A_414 : i1
      %add3A_421 = arith.addi %rem3A_412, %select_n3A_411 : i32
      %select_n3A_422 = arith.select %and3A_420, %add3A_421, %rem3A_412 : i32
      %mul3A_423 = arith.constant 112 : i32
      %mul3A_424 = arith.muli %select_n3A_422, %mul3A_423 : i32
      %jit3A_425 = arith.constant 192 : i32
      %div3A_426 = arith.divsi %select_n3A_405, %jit3A_425 : i32
      %sign3A_427 = arith.constant 0 : i32
      %sign3A_428 = arith.cmpi sgt, %select_n3A_405, %sign3A_427 : i32
      %sign3A_429 = arith.extui %sign3A_428 : i1 to i32
      %sign3A_430 = arith.constant 0 : i32
      %sign3A_431 = arith.cmpi slt, %select_n3A_405, %sign3A_430 : i32
      %sign3A_432 = arith.extui %sign3A_431 : i1 to i32
      %sign3A_433 = arith.subi %sign3A_429, %sign3A_432 : i32
      %sign3A_434 = arith.constant 0 : i32
      %sign3A_435 = arith.cmpi sgt, %jit3A_425, %sign3A_434 : i32
      %sign3A_436 = arith.extui %sign3A_435 : i1 to i32
      %sign3A_437 = arith.constant 0 : i32
      %sign3A_438 = arith.cmpi slt, %jit3A_425, %sign3A_437 : i32
      %sign3A_439 = arith.extui %sign3A_438 : i1 to i32
      %sign3A_440 = arith.subi %sign3A_436, %sign3A_439 : i32
      %ne3A_441 = arith.cmpi ne, %sign3A_433, %sign3A_440 : i32
      %rem3A_442 = arith.remsi %select_n3A_405, %jit3A_425 : i32
      %ne3A_443 = arith.constant 0 : i32
      %ne3A_444 = arith.cmpi ne, %rem3A_442, %ne3A_443 : i32
      %and3A_445 = arith.andi %ne3A_441, %ne3A_444 : i1
      %sub3A_446 = arith.constant 1 : i32
      %sub3A_447 = arith.subi %div3A_426, %sub3A_446 : i32
      %select_n3A_448 = arith.select %and3A_445, %sub3A_447, %div3A_426 : i32
      %jit3A_449 = arith.constant 192 : i32
      %eq3A_450 = arith.constant 0 : i32
      %eq3A_451 = arith.cmpi eq, %jit3A_449, %eq3A_450 : i32
      %jit3A_452 = arith.constant 1 : i32
      %select_n3A_453 = arith.select %eq3A_451, %jit3A_452, %jit3A_449 : i32
      %rem3A_454 = arith.remsi %select_n3A_405, %select_n3A_453 : i32
      %ne3A_455 = arith.constant 0 : i32
      %ne3A_456 = arith.cmpi ne, %rem3A_454, %ne3A_455 : i32
      %lt3A_457 = arith.constant 0 : i32
      %lt3A_458 = arith.cmpi slt, %rem3A_454, %lt3A_457 : i32
      %lt3A_459 = arith.constant 0 : i32
      %lt3A_460 = arith.cmpi slt, %select_n3A_453, %lt3A_459 : i32
      %ne3A_461 = arith.xori %lt3A_458, %lt3A_460 : i1
      %and3A_462 = arith.andi %ne3A_461, %ne3A_456 : i1
      %add3A_463 = arith.addi %rem3A_454, %select_n3A_453 : i32
      %select_n3A_464 = arith.select %and3A_462, %add3A_463, %rem3A_454 : i32
      %dma_start3A_465 = arith.constant 0 : i32
      %dma_start3A_466 = tpu.memref_slice %arg2[%select_n3A_448, %select_n3A_464, %mul3A_424, %dma_start3A_465] : memref<4x192x224x224xf32, #tpu.memory_space<hbm>> -> memref<1x1x112x224xf32, #tpu.memory_space<hbm>>
      %dma_start3A_467 = tpu.memref_squeeze %dma_start3A_466 : memref<1x1x112x224xf32, #tpu.memory_space<hbm>> -> memref<112x224xf32, #tpu.memory_space<hbm>>
      %dma_start3A_468 = arith.constant 0 : i32
      %dma_start3A_469 = tpu.memref_slice %arg2[%select_n3A_448, %select_n3A_464, %mul3A_424, %dma_start3A_468] : memref<4x192x224x224xf32, #tpu.memory_space<hbm>> -> memref<1x1x112x224xf32, #tpu.memory_space<hbm>>
      %dma_start3A_470 = tpu.memref_squeeze %dma_start3A_469 : memref<1x1x112x224xf32, #tpu.memory_space<hbm>> -> memref<112x224xf32, #tpu.memory_space<hbm>>
      tpu.enqueue_dma source(%dma_start3A_470 : memref<112x224xf32, #tpu.memory_space<hbm>>) target(%arg12 : memref<112x224xf32, #tpu.memory_space<vmem>>) target_semaphore(%arg15 : memref<!tpu.dma_semaphore, #tpu.memory_space<semaphore_mem>>)
      %mul3A_471 = arith.constant 3 : i32
      %mul3A_472 = arith.muli %scan3A_272, %mul3A_471 : i32
      %add3A_473 = arith.constant 1 : i32
      %add3A_474 = arith.addi %mul3A_472, %add3A_473 : i32
      %add3A_475 = arith.addi %mul3A_2, %add3A_474 : i32
      %jit3A_476 = arith.constant 2 : i32
      %div3A_477 = arith.divsi %add3A_475, %jit3A_476 : i32
      %sign3A_478 = arith.constant 0 : i32
      %sign3A_479 = arith.cmpi sgt, %add3A_475, %sign3A_478 : i32
      %sign3A_480 = arith.extui %sign3A_479 : i1 to i32
      %sign3A_481 = arith.constant 0 : i32
      %sign3A_482 = arith.cmpi slt, %add3A_475, %sign3A_481 : i32
      %sign3A_483 = arith.extui %sign3A_482 : i1 to i32
      %sign3A_484 = arith.subi %sign3A_480, %sign3A_483 : i32
      %sign3A_485 = arith.constant 0 : i32
      %sign3A_486 = arith.cmpi sgt, %jit3A_476, %sign3A_485 : i32
      %sign3A_487 = arith.extui %sign3A_486 : i1 to i32
      %sign3A_488 = arith.constant 0 : i32
      %sign3A_489 = arith.cmpi slt, %jit3A_476, %sign3A_488 : i32
      %sign3A_490 = arith.extui %sign3A_489 : i1 to i32
      %sign3A_491 = arith.subi %sign3A_487, %sign3A_490 : i32
      %ne3A_492 = arith.cmpi ne, %sign3A_484, %sign3A_491 : i32
      %rem3A_493 = arith.remsi %add3A_475, %jit3A_476 : i32
      %ne3A_494 = arith.constant 0 : i32
      %ne3A_495 = arith.cmpi ne, %rem3A_493, %ne3A_494 : i32
      %and3A_496 = arith.andi %ne3A_492, %ne3A_495 : i1
      %sub3A_497 = arith.constant 1 : i32
      %sub3A_498 = arith.subi %div3A_477, %sub3A_497 : i32
      %select_n3A_499 = arith.select %and3A_496, %sub3A_498, %div3A_477 : i32
      %add3A_500 = arith.addi %mul3A_2, %add3A_474 : i32
      %jit3A_501 = arith.constant 2 : i32
      %eq3A_502 = arith.constant 0 : i32
      %eq3A_503 = arith.cmpi eq, %jit3A_501, %eq3A_502 : i32
      %jit3A_504 = arith.constant 1 : i32
      %select_n3A_505 = arith.select %eq3A_503, %jit3A_504, %jit3A_501 : i32
      %rem3A_506 = arith.remsi %add3A_500, %select_n3A_505 : i32
      %ne3A_507 = arith.constant 0 : i32
      %ne3A_508 = arith.cmpi ne, %rem3A_506, %ne3A_507 : i32
      %lt3A_509 = arith.constant 0 : i32
      %lt3A_510 = arith.cmpi slt, %rem3A_506, %lt3A_509 : i32
      %lt3A_511 = arith.constant 0 : i32
      %lt3A_512 = arith.cmpi slt, %select_n3A_505, %lt3A_511 : i32
      %ne3A_513 = arith.xori %lt3A_510, %lt3A_512 : i1
      %and3A_514 = arith.andi %ne3A_513, %ne3A_508 : i1
      %add3A_515 = arith.addi %rem3A_506, %select_n3A_505 : i32
      %select_n3A_516 = arith.select %and3A_514, %add3A_515, %rem3A_506 : i32
      %mul3A_517 = arith.constant 112 : i32
      %mul3A_518 = arith.muli %select_n3A_516, %mul3A_517 : i32
      %jit3A_519 = arith.constant 192 : i32
      %div3A_520 = arith.divsi %select_n3A_499, %jit3A_519 : i32
      %sign3A_521 = arith.constant 0 : i32
      %sign3A_522 = arith.cmpi sgt, %select_n3A_499, %sign3A_521 : i32
      %sign3A_523 = arith.extui %sign3A_522 : i1 to i32
      %sign3A_524 = arith.constant 0 : i32
      %sign3A_525 = arith.cmpi slt, %select_n3A_499, %sign3A_524 : i32
      %sign3A_526 = arith.extui %sign3A_525 : i1 to i32
      %sign3A_527 = arith.subi %sign3A_523, %sign3A_526 : i32
      %sign3A_528 = arith.constant 0 : i32
      %sign3A_529 = arith.cmpi sgt, %jit3A_519, %sign3A_528 : i32
      %sign3A_530 = arith.extui %sign3A_529 : i1 to i32
      %sign3A_531 = arith.constant 0 : i32
      %sign3A_532 = arith.cmpi slt, %jit3A_519, %sign3A_531 : i32
      %sign3A_533 = arith.extui %sign3A_532 : i1 to i32
      %sign3A_534 = arith.subi %sign3A_530, %sign3A_533 : i32
      %ne3A_535 = arith.cmpi ne, %sign3A_527, %sign3A_534 : i32
      %rem3A_536 = arith.remsi %select_n3A_499, %jit3A_519 : i32
      %ne3A_537 = arith.constant 0 : i32
      %ne3A_538 = arith.cmpi ne, %rem3A_536, %ne3A_537 : i32
      %and3A_539 = arith.andi %ne3A_535, %ne3A_538 : i1
      %sub3A_540 = arith.constant 1 : i32
      %sub3A_541 = arith.subi %div3A_520, %sub3A_540 : i32
      %select_n3A_542 = arith.select %and3A_539, %sub3A_541, %div3A_520 : i32
      %jit3A_543 = arith.constant 192 : i32
      %eq3A_544 = arith.constant 0 : i32
      %eq3A_545 = arith.cmpi eq, %jit3A_543, %eq3A_544 : i32
      %jit3A_546 = arith.constant 1 : i32
      %select_n3A_547 = arith.select %eq3A_545, %jit3A_546, %jit3A_543 : i32
      %rem3A_548 = arith.remsi %select_n3A_499, %select_n3A_547 : i32
      %ne3A_549 = arith.constant 0 : i32
      %ne3A_550 = arith.cmpi ne, %rem3A_548, %ne3A_549 : i32
      %lt3A_551 = arith.constant 0 : i32
      %lt3A_552 = arith.cmpi slt, %rem3A_548, %lt3A_551 : i32
      %lt3A_553 = arith.constant 0 : i32
      %lt3A_554 = arith.cmpi slt, %select_n3A_547, %lt3A_553 : i32
      %ne3A_555 = arith.xori %lt3A_552, %lt3A_554 : i1
      %and3A_556 = arith.andi %ne3A_555, %ne3A_550 : i1
      %add3A_557 = arith.addi %rem3A_548, %select_n3A_547 : i32
      %select_n3A_558 = arith.select %and3A_556, %add3A_557, %rem3A_548 : i32
      %mul3A_559 = arith.constant 65 : i32
      %mul3A_560 = arith.muli %select_n3A_558, %mul3A_559 : i32
      %dma_wait3A_561 = arith.constant 0 : i32
      %dma_wait3A_562 = tpu.memref_slice %arg2[%select_n3A_542, %select_n3A_558, %mul3A_518, %dma_wait3A_561] : memref<4x192x224x224xf32, #tpu.memory_space<hbm>> -> memref<1x1x112x224xf32, #tpu.memory_space<hbm>>
      %dma_wait3A_563 = tpu.memref_squeeze %dma_wait3A_562 : memref<1x1x112x224xf32, #tpu.memory_space<hbm>> -> memref<112x224xf32, #tpu.memory_space<hbm>>
      %dma_wait3A_564 = arith.constant 0 : i32
      %dma_wait3A_565 = tpu.memref_slice %arg2[%select_n3A_542, %select_n3A_558, %mul3A_518, %dma_wait3A_564] : memref<4x192x224x224xf32, #tpu.memory_space<hbm>> -> memref<1x1x112x224xf32, #tpu.memory_space<hbm>>
      %dma_wait3A_566 = tpu.memref_squeeze %dma_wait3A_565 : memref<1x1x112x224xf32, #tpu.memory_space<hbm>> -> memref<112x224xf32, #tpu.memory_space<hbm>>
      tpu.wait_dma2 semaphore(%arg14 : memref<!tpu.dma_semaphore, #tpu.memory_space<semaphore_mem>>) src(%dma_wait3A_566 : memref<112x224xf32, #tpu.memory_space<hbm>>) dst(%arg11 : memref<112x224xf32, #tpu.memory_space<vmem>>)
      %parallel_loop3A_567 = arith.constant 0 : i32
      %parallel_loop3A_568 = arith.constant 112 : i32
      %parallel_loop3A_569 = arith.constant 1 : i32
      scf.for %parallel_loop3A_875 = %parallel_loop3A_567 to %parallel_loop3A_568 step %parallel_loop3A_569  : i32 {
        %parallel_loop3A_876 = arith.index_cast %parallel_loop3A_875 : i32 to index
        %parallel_loop3A_877 = arith.constant 0 : index
        %parallel_loop3A_878 = tpu.vector_load %arg11[%parallel_loop3A_876, %parallel_loop3A_877] {strides = array<i32>} : memref<112x224xf32, #tpu.memory_space<vmem>>, vector<16xf32>,
        %parallel_loop3A_879 = arith.constant 3.200000e+01 : f32
        %parallel_loop3A_880 = vector.broadcast %parallel_loop3A_879 : f32 to vector<16xf32>
        %parallel_loop3A_881 = arith.mulf %parallel_loop3A_878, %parallel_loop3A_880 : vector<16xf32>
        %parallel_loop3A_882 = arith.constant 3.200000e+01 : f32
        %parallel_loop3A_883 = vector.broadcast %parallel_loop3A_882 : f32 to vector<16xf32>
        %parallel_loop3A_884 = arith.addf %parallel_loop3A_881, %parallel_loop3A_883 : vector<16xf32>
        %parallel_loop3A_885 = arith.constant 0.000000e+00 : f32
        %parallel_loop3A_886 = vector.broadcast %parallel_loop3A_885 : f32 to vector<16xf32>
        %parallel_loop3A_887 = arith.maximumf %parallel_loop3A_884, %parallel_loop3A_886 : vector<16xf32>
        %parallel_loop3A_888 = arith.constant 6.200000e+01 : f32
        %parallel_loop3A_889 = vector.broadcast %parallel_loop3A_888 : f32 to vector<16xf32>
        %parallel_loop3A_890 = arith.minimumf %parallel_loop3A_887, %parallel_loop3A_889 : vector<16xf32>
        %parallel_loop3A_891 = arith.fptosi %parallel_loop3A_890 : vector<16xf32> to vector<16xi32>
        %parallel_loop3A_892 = arith.sitofp %parallel_loop3A_891 : vector<16xi32> to vector<16xf32>
        %parallel_loop3A_893 = arith.subf %parallel_loop3A_884, %parallel_loop3A_892 : vector<16xf32>
        %parallel_loop3A_894 = vector.broadcast %mul3A_560 : i32 to vector<16xi32>
        %parallel_loop3A_895 = arith.addi %parallel_loop3A_891, %parallel_loop3A_894 : vector<16xi32>
        %parallel_loop3A_896 = tpu.vector_load_idx %arg7[%parallel_loop3A_895] : memref<12480xf32, #tpu.memory_space<vmem>>[vector<16xi32>], vector<16xf32>,
        %parallel_loop3A_897 = tpu.vector_load_idx %arg8[%parallel_loop3A_895] : memref<12480xf32, #tpu.memory_space<vmem>>[vector<16xi32>], vector<16xf32>,
        %parallel_loop3A_898 = tpu.vector_load_idx %arg9[%parallel_loop3A_895] : memref<12480xf32, #tpu.memory_space<vmem>>[vector<16xi32>], vector<16xf32>,
        %parallel_loop3A_899 = arith.mulf %parallel_loop3A_893, %parallel_loop3A_898 : vector<16xf32>
        %parallel_loop3A_900 = arith.addf %parallel_loop3A_897, %parallel_loop3A_899 : vector<16xf32>
        %parallel_loop3A_901 = arith.mulf %parallel_loop3A_893, %parallel_loop3A_900 : vector<16xf32>
        %parallel_loop3A_902 = arith.addf %parallel_loop3A_896, %parallel_loop3A_901 : vector<16xf32>
        %parallel_loop3A_903 = arith.index_cast %parallel_loop3A_875 : i32 to index
        %parallel_loop3A_904 = arith.constant 0 : index
        %parallel_loop3A_905 = tpu.vector_load %arg11[%parallel_loop3A_903, %parallel_loop3A_904] {strides = array<i32>} : memref<112x224xf32, #tpu.memory_space<vmem>>, vector<16xf32>,
        tpu.vector_store %arg11[%parallel_loop3A_903, %parallel_loop3A_904], %parallel_loop3A_902 {strides = array<i32>} : memref<112x224xf32, #tpu.memory_space<vmem>>, vector<16xf32>,
        %parallel_loop3A_906 = arith.index_cast %parallel_loop3A_875 : i32 to index
        %parallel_loop3A_907 = arith.constant 16 : index
        %parallel_loop3A_908 = tpu.vector_load %arg11[%parallel_loop3A_906, %parallel_loop3A_907] {strides = array<i32>} : memref<112x224xf32, #tpu.memory_space<vmem>>, vector<16xf32>,
        %parallel_loop3A_909 = arith.constant 3.200000e+01 : f32
        %parallel_loop3A_910 = vector.broadcast %parallel_loop3A_909 : f32 to vector<16xf32>
        %parallel_loop3A_911 = arith.mulf %parallel_loop3A_908, %parallel_loop3A_910 : vector<16xf32>
        %parallel_loop3A_912 = arith.constant 3.200000e+01 : f32
        %parallel_loop3A_913 = vector.broadcast %parallel_loop3A_912 : f32 to vector<16xf32>
        %parallel_loop3A_914 = arith.addf %parallel_loop3A_911, %parallel_loop3A_913 : vector<16xf32>
        %parallel_loop3A_915 = arith.constant 0.000000e+00 : f32
        %parallel_loop3A_916 = vector.broadcast %parallel_loop3A_915 : f32 to vector<16xf32>
        %parallel_loop3A_917 = arith.maximumf %parallel_loop3A_914, %parallel_loop3A_916 : vector<16xf32>
        %parallel_loop3A_918 = arith.constant 6.200000e+01 : f32
        %parallel_loop3A_919 = vector.broadcast %parallel_loop3A_918 : f32 to vector<16xf32>
        %parallel_loop3A_920 = arith.minimumf %parallel_loop3A_917, %parallel_loop3A_919 : vector<16xf32>
        %parallel_loop3A_921 = arith.fptosi %parallel_loop3A_920 : vector<16xf32> to vector<16xi32>
        %parallel_loop3A_922 = arith.sitofp %parallel_loop3A_921 : vector<16xi32> to vector<16xf32>
        %parallel_loop3A_923 = arith.subf %parallel_loop3A_914, %parallel_loop3A_922 : vector<16xf32>
        %parallel_loop3A_924 = vector.broadcast %mul3A_560 : i32 to vector<16xi32>
        %parallel_loop3A_925 = arith.addi %parallel_loop3A_921, %parallel_loop3A_924 : vector<16xi32>
        %parallel_loop3A_926 = tpu.vector_load_idx %arg7[%parallel_loop3A_925] : memref<12480xf32, #tpu.memory_space<vmem>>[vector<16xi32>], vector<16xf32>,
        %parallel_loop3A_927 = tpu.vector_load_idx %arg8[%parallel_loop3A_925] : memref<12480xf32, #tpu.memory_space<vmem>>[vector<16xi32>], vector<16xf32>,
        %parallel_loop3A_928 = tpu.vector_load_idx %arg9[%parallel_loop3A_925] : memref<12480xf32, #tpu.memory_space<vmem>>[vector<16xi32>], vector<16xf32>,
        %parallel_loop3A_929 = arith.mulf %parallel_loop3A_923, %parallel_loop3A_928 : vector<16xf32>
        %parallel_loop3A_930 = arith.addf %parallel_loop3A_927, %parallel_loop3A_929 : vector<16xf32>
        %parallel_loop3A_931 = arith.mulf %parallel_loop3A_923, %parallel_loop3A_930 : vector<16xf32>
        %parallel_loop3A_932 = arith.addf %parallel_loop3A_926, %parallel_loop3A_931 : vector<16xf32>
        %parallel_loop3A_933 = arith.index_cast %parallel_loop3A_875 : i32 to index
        %parallel_loop3A_934 = arith.constant 16 : index
        %parallel_loop3A_935 = tpu.vector_load %arg11[%parallel_loop3A_933, %parallel_loop3A_934] {strides = array<i32>} : memref<112x224xf32, #tpu.memory_space<vmem>>, vector<16xf32>,
        tpu.vector_store %arg11[%parallel_loop3A_933, %parallel_loop3A_934], %parallel_loop3A_932 {strides = array<i32>} : memref<112x224xf32, #tpu.memory_space<vmem>>, vector<16xf32>,
        %parallel_loop3A_936 = arith.index_cast %parallel_loop3A_875 : i32 to index
        %parallel_loop3A_937 = arith.constant 32 : index
        %parallel_loop3A_938 = tpu.vector_load %arg11[%parallel_loop3A_936, %parallel_loop3A_937] {strides = array<i32>} : memref<112x224xf32, #tpu.memory_space<vmem>>, vector<16xf32>,
        %parallel_loop3A_939 = arith.constant 3.200000e+01 : f32
        %parallel_loop3A_940 = vector.broadcast %parallel_loop3A_939 : f32 to vector<16xf32>
        %parallel_loop3A_941 = arith.mulf %parallel_loop3A_938, %parallel_loop3A_940 : vector<16xf32>
        %parallel_loop3A_942 = arith.constant 3.200000e+01 : f32
        %parallel_loop3A_943 = vector.broadcast %parallel_loop3A_942 : f32 to vector<16xf32>
        %parallel_loop3A_944 = arith.addf %parallel_loop3A_941, %parallel_loop3A_943 : vector<16xf32>
        %parallel_loop3A_945 = arith.constant 0.000000e+00 : f32
        %parallel_loop3A_946 = vector.broadcast %parallel_loop3A_945 : f32 to vector<16xf32>
        %parallel_loop3A_947 = arith.maximumf %parallel_loop3A_944, %parallel_loop3A_946 : vector<16xf32>
        %parallel_loop3A_948 = arith.constant 6.200000e+01 : f32
        %parallel_loop3A_949 = vector.broadcast %parallel_loop3A_948 : f32 to vector<16xf32>
        %parallel_loop3A_950 = arith.minimumf %parallel_loop3A_947, %parallel_loop3A_949 : vector<16xf32>
        %parallel_loop3A_951 = arith.fptosi %parallel_loop3A_950 : vector<16xf32> to vector<16xi32>
        %parallel_loop3A_952 = arith.sitofp %parallel_loop3A_951 : vector<16xi32> to vector<16xf32>
        %parallel_loop3A_953 = arith.subf %parallel_loop3A_944, %parallel_loop3A_952 : vector<16xf32>
        %parallel_loop3A_954 = vector.broadcast %mul3A_560 : i32 to vector<16xi32>
        %parallel_loop3A_955 = arith.addi %parallel_loop3A_951, %parallel_loop3A_954 : vector<16xi32>
        %parallel_loop3A_956 = tpu.vector_load_idx %arg7[%parallel_loop3A_955] : memref<12480xf32, #tpu.memory_space<vmem>>[vector<16xi32>], vector<16xf32>,
        %parallel_loop3A_957 = tpu.vector_load_idx %arg8[%parallel_loop3A_955] : memref<12480xf32, #tpu.memory_space<vmem>>[vector<16xi32>], vector<16xf32>,
        %parallel_loop3A_958 = tpu.vector_load_idx %arg9[%parallel_loop3A_955] : memref<12480xf32, #tpu.memory_space<vmem>>[vector<16xi32>], vector<16xf32>,
        %parallel_loop3A_959 = arith.mulf %parallel_loop3A_953, %parallel_loop3A_958 : vector<16xf32>
        %parallel_loop3A_960 = arith.addf %parallel_loop3A_957, %parallel_loop3A_959 : vector<16xf32>
        %parallel_loop3A_961 = arith.mulf %parallel_loop3A_953, %parallel_loop3A_960 : vector<16xf32>
        %parallel_loop3A_962 = arith.addf %parallel_loop3A_956, %parallel_loop3A_961 : vector<16xf32>
        %parallel_loop3A_963 = arith.index_cast %parallel_loop3A_875 : i32 to index
        %parallel_loop3A_964 = arith.constant 32 : index
        %parallel_loop3A_965 = tpu.vector_load %arg11[%parallel_loop3A_963, %parallel_loop3A_964] {strides = array<i32>} : memref<112x224xf32, #tpu.memory_space<vmem>>, vector<16xf32>,
        tpu.vector_store %arg11[%parallel_loop3A_963, %parallel_loop3A_964], %parallel_loop3A_962 {strides = array<i32>} : memref<112x224xf32, #tpu.memory_space<vmem>>, vector<16xf32>,
        %parallel_loop3A_966 = arith.index_cast %parallel_loop3A_875 : i32 to index
        %parallel_loop3A_967 = arith.constant 48 : index
        %parallel_loop3A_968 = tpu.vector_load %arg11[%parallel_loop3A_966, %parallel_loop3A_967] {strides = array<i32>} : memref<112x224xf32, #tpu.memory_space<vmem>>, vector<16xf32>,
        %parallel_loop3A_969 = arith.constant 3.200000e+01 : f32
        %parallel_loop3A_970 = vector.broadcast %parallel_loop3A_969 : f32 to vector<16xf32>
        %parallel_loop3A_971 = arith.mulf %parallel_loop3A_968, %parallel_loop3A_970 : vector<16xf32>
        %parallel_loop3A_972 = arith.constant 3.200000e+01 : f32
        %parallel_loop3A_973 = vector.broadcast %parallel_loop3A_972 : f32 to vector<16xf32>
        %parallel_loop3A_974 = arith.addf %parallel_loop3A_971, %parallel_loop3A_973 : vector<16xf32>
        %parallel_loop3A_975 = arith.constant 0.000000e+00 : f32
        %parallel_loop3A_976 = vector.broadcast %parallel_loop3A_975 : f32 to vector<16xf32>
        %parallel_loop3A_977 = arith.maximumf %parallel_loop3A_974, %parallel_loop3A_976 : vector<16xf32>
        %parallel_loop3A_978 = arith.constant 6.200000e+01 : f32
        %parallel_loop3A_979 = vector.broadcast %parallel_loop3A_978 : f32 to vector<16xf32>
        %parallel_loop3A_980 = arith.minimumf %parallel_loop3A_977, %parallel_loop3A_979 : vector<16xf32>
        %parallel_loop3A_981 = arith.fptosi %parallel_loop3A_980 : vector<16xf32> to vector<16xi32>
        %parallel_loop3A_982 = arith.sitofp %parallel_loop3A_981 : vector<16xi32> to vector<16xf32>
        %parallel_loop3A_983 = arith.subf %parallel_loop3A_974, %parallel_loop3A_982 : vector<16xf32>
        %parallel_loop3A_984 = vector.broadcast %mul3A_560 : i32 to vector<16xi32>
        %parallel_loop3A_985 = arith.addi %parallel_loop3A_981, %parallel_loop3A_984 : vector<16xi32>
        %parallel_loop3A_986 = tpu.vector_load_idx %arg7[%parallel_loop3A_985] : memref<12480xf32, #tpu.memory_space<vmem>>[vector<16xi32>], vector<16xf32>,
        %parallel_loop3A_987 = tpu.vector_load_idx %arg8[%parallel_loop3A_985] : memref<12480xf32, #tpu.memory_space<vmem>>[vector<16xi32>], vector<16xf32>,
        %parallel_loop3A_988 = tpu.vector_load_idx %arg9[%parallel_loop3A_985] : memref<12480xf32, #tpu.memory_space<vmem>>[vector<16xi32>], vector<16xf32>,
        %parallel_loop3A_989 = arith.mulf %parallel_loop3A_983, %parallel_loop3A_988 : vector<16xf32>
        %parallel_loop3A_990 = arith.addf %parallel_loop3A_987, %parallel_loop3A_989 : vector<16xf32>
        %parallel_loop3A_991 = arith.mulf %parallel_loop3A_983, %parallel_loop3A_990 : vector<16xf32>
        %parallel_loop3A_992 = arith.addf %parallel_loop3A_986, %parallel_loop3A_991 : vector<16xf32>
        %parallel_loop3A_993 = arith.index_cast %parallel_loop3A_875 : i32 to index
        %parallel_loop3A_994 = arith.constant 48 : index
        %parallel_loop3A_995 = tpu.vector_load %arg11[%parallel_loop3A_993, %parallel_loop3A_994] {strides = array<i32>} : memref<112x224xf32, #tpu.memory_space<vmem>>, vector<16xf32>,
        tpu.vector_store %arg11[%parallel_loop3A_993, %parallel_loop3A_994], %parallel_loop3A_992 {strides = array<i32>} : memref<112x224xf32, #tpu.memory_space<vmem>>, vector<16xf32>,
        %parallel_loop3A_996 = arith.index_cast %parallel_loop3A_875 : i32 to index
        %parallel_loop3A_997 = arith.constant 64 : index
        %parallel_loop3A_998 = tpu.vector_load %arg11[%parallel_loop3A_996, %parallel_loop3A_997] {strides = array<i32>} : memref<112x224xf32, #tpu.memory_space<vmem>>, vector<16xf32>,
        %parallel_loop3A_999 = arith.constant 3.200000e+01 : f32
        %parallel_loop3A_1000 = vector.broadcast %parallel_loop3A_999 : f32 to vector<16xf32>
        %parallel_loop3A_1001 = arith.mulf %parallel_loop3A_998, %parallel_loop3A_1000 : vector<16xf32>
        %parallel_loop3A_1002 = arith.constant 3.200000e+01 : f32
        %parallel_loop3A_1003 = vector.broadcast %parallel_loop3A_1002 : f32 to vector<16xf32>
        %parallel_loop3A_1004 = arith.addf %parallel_loop3A_1001, %parallel_loop3A_1003 : vector<16xf32>
        %parallel_loop3A_1005 = arith.constant 0.000000e+00 : f32
        %parallel_loop3A_1006 = vector.broadcast %parallel_loop3A_1005 : f32 to vector<16xf32>
        %parallel_loop3A_1007 = arith.maximumf %parallel_loop3A_1004, %parallel_loop3A_1006 : vector<16xf32>
        %parallel_loop3A_1008 = arith.constant 6.200000e+01 : f32
        %parallel_loop3A_1009 = vector.broadcast %parallel_loop3A_1008 : f32 to vector<16xf32>
        %parallel_loop3A_1010 = arith.minimumf %parallel_loop3A_1007, %parallel_loop3A_1009 : vector<16xf32>
        %parallel_loop3A_1011 = arith.fptosi %parallel_loop3A_1010 : vector<16xf32> to vector<16xi32>
        %parallel_loop3A_1012 = arith.sitofp %parallel_loop3A_1011 : vector<16xi32> to vector<16xf32>
        %parallel_loop3A_1013 = arith.subf %parallel_loop3A_1004, %parallel_loop3A_1012 : vector<16xf32>
        %parallel_loop3A_1014 = vector.broadcast %mul3A_560 : i32 to vector<16xi32>
        %parallel_loop3A_1015 = arith.addi %parallel_loop3A_1011, %parallel_loop3A_1014 : vector<16xi32>
        %parallel_loop3A_1016 = tpu.vector_load_idx %arg7[%parallel_loop3A_1015] : memref<12480xf32, #tpu.memory_space<vmem>>[vector<16xi32>], vector<16xf32>,
        %parallel_loop3A_1017 = tpu.vector_load_idx %arg8[%parallel_loop3A_1015] : memref<12480xf32, #tpu.memory_space<vmem>>[vector<16xi32>], vector<16xf32>,
        %parallel_loop3A_1018 = tpu.vector_load_idx %arg9[%parallel_loop3A_1015] : memref<12480xf32, #tpu.memory_space<vmem>>[vector<16xi32>], vector<16xf32>,
        %parallel_loop3A_1019 = arith.mulf %parallel_loop3A_1013, %parallel_loop3A_1018 : vector<16xf32>
        %parallel_loop3A_1020 = arith.addf %parallel_loop3A_1017, %parallel_loop3A_1019 : vector<16xf32>
        %parallel_loop3A_1021 = arith.mulf %parallel_loop3A_1013, %parallel_loop3A_1020 : vector<16xf32>
        %parallel_loop3A_1022 = arith.addf %parallel_loop3A_1016, %parallel_loop3A_1021 : vector<16xf32>
        %parallel_loop3A_1023 = arith.index_cast %parallel_loop3A_875 : i32 to index
        %parallel_loop3A_1024 = arith.constant 64 : index
        %parallel_loop3A_1025 = tpu.vector_load %arg11[%parallel_loop3A_1023, %parallel_loop3A_1024] {strides = array<i32>} : memref<112x224xf32, #tpu.memory_space<vmem>>, vector<16xf32>,
        tpu.vector_store %arg11[%parallel_loop3A_1023, %parallel_loop3A_1024], %parallel_loop3A_1022 {strides = array<i32>} : memref<112x224xf32, #tpu.memory_space<vmem>>, vector<16xf32>,
        %parallel_loop3A_1026 = arith.index_cast %parallel_loop3A_875 : i32 to index
        %parallel_loop3A_1027 = arith.constant 80 : index
        %parallel_loop3A_1028 = tpu.vector_load %arg11[%parallel_loop3A_1026, %parallel_loop3A_1027] {strides = array<i32>} : memref<112x224xf32, #tpu.memory_space<vmem>>, vector<16xf32>,
        %parallel_loop3A_1029 = arith.constant 3.200000e+01 : f32
        %parallel_loop3A_1030 = vector.broadcast %parallel_loop3A_1029 : f32 to vector<16xf32>
        %parallel_loop3A_1031 = arith.mulf %parallel_loop3A_1028, %parallel_loop3A_1030 : vector<16xf32>
        %parallel_loop3A_1032 = arith.constant 3.200000e+01 : f32
        %parallel_loop3A_1033 = vector.broadcast %parallel_loop3A_1032 : f32 to vector<16xf32>
        %parallel_loop3A_1034 = arith.addf %parallel_loop3A_1031, %parallel_loop3A_1033 : vector<16xf32>
        %parallel_loop3A_1035 = arith.constant 0.000000e+00 : f32
        %parallel_loop3A_1036 = vector.broadcast %parallel_loop3A_1035 : f32 to vector<16xf32>
        %parallel_loop3A_1037 = arith.maximumf %parallel_loop3A_1034, %parallel_loop3A_1036 : vector<16xf32>
        %parallel_loop3A_1038 = arith.constant 6.200000e+01 : f32
        %parallel_loop3A_1039 = vector.broadcast %parallel_loop3A_1038 : f32 to vector<16xf32>
        %parallel_loop3A_1040 = arith.minimumf %parallel_loop3A_1037, %parallel_loop3A_1039 : vector<16xf32>
        %parallel_loop3A_1041 = arith.fptosi %parallel_loop3A_1040 : vector<16xf32> to vector<16xi32>
        %parallel_loop3A_1042 = arith.sitofp %parallel_loop3A_1041 : vector<16xi32> to vector<16xf32>
        %parallel_loop3A_1043 = arith.subf %parallel_loop3A_1034, %parallel_loop3A_1042 : vector<16xf32>
        %parallel_loop3A_1044 = vector.broadcast %mul3A_560 : i32 to vector<16xi32>
        %parallel_loop3A_1045 = arith.addi %parallel_loop3A_1041, %parallel_loop3A_1044 : vector<16xi32>
        %parallel_loop3A_1046 = tpu.vector_load_idx %arg7[%parallel_loop3A_1045] : memref<12480xf32, #tpu.memory_space<vmem>>[vector<16xi32>], vector<16xf32>,
        %parallel_loop3A_1047 = tpu.vector_load_idx %arg8[%parallel_loop3A_1045] : memref<12480xf32, #tpu.memory_space<vmem>>[vector<16xi32>], vector<16xf32>,
        %parallel_loop3A_1048 = tpu.vector_load_idx %arg9[%parallel_loop3A_1045] : memref<12480xf32, #tpu.memory_space<vmem>>[vector<16xi32>], vector<16xf32>,
        %parallel_loop3A_1049 = arith.mulf %parallel_loop3A_1043, %parallel_loop3A_1048 : vector<16xf32>
        %parallel_loop3A_1050 = arith.addf %parallel_loop3A_1047, %parallel_loop3A_1049 : vector<16xf32>
        %parallel_loop3A_1051 = arith.mulf %parallel_loop3A_1043, %parallel_loop3A_1050 : vector<16xf32>
        %parallel_loop3A_1052 = arith.addf %parallel_loop3A_1046, %parallel_loop3A_1051 : vector<16xf32>
        %parallel_loop3A_1053 = arith.index_cast %parallel_loop3A_875 : i32 to index
        %parallel_loop3A_1054 = arith.constant 80 : index
        %parallel_loop3A_1055 = tpu.vector_load %arg11[%parallel_loop3A_1053, %parallel_loop3A_1054] {strides = array<i32>} : memref<112x224xf32, #tpu.memory_space<vmem>>, vector<16xf32>,
        tpu.vector_store %arg11[%parallel_loop3A_1053, %parallel_loop3A_1054], %parallel_loop3A_1052 {strides = array<i32>} : memref<112x224xf32, #tpu.memory_space<vmem>>, vector<16xf32>,
        %parallel_loop3A_1056 = arith.index_cast %parallel_loop3A_875 : i32 to index
        %parallel_loop3A_1057 = arith.constant 96 : index
        %parallel_loop3A_1058 = tpu.vector_load %arg11[%parallel_loop3A_1056, %parallel_loop3A_1057] {strides = array<i32>} : memref<112x224xf32, #tpu.memory_space<vmem>>, vector<16xf32>,
        %parallel_loop3A_1059 = arith.constant 3.200000e+01 : f32
        %parallel_loop3A_1060 = vector.broadcast %parallel_loop3A_1059 : f32 to vector<16xf32>
        %parallel_loop3A_1061 = arith.mulf %parallel_loop3A_1058, %parallel_loop3A_1060 : vector<16xf32>
        %parallel_loop3A_1062 = arith.constant 3.200000e+01 : f32
        %parallel_loop3A_1063 = vector.broadcast %parallel_loop3A_1062 : f32 to vector<16xf32>
        %parallel_loop3A_1064 = arith.addf %parallel_loop3A_1061, %parallel_loop3A_1063 : vector<16xf32>
        %parallel_loop3A_1065 = arith.constant 0.000000e+00 : f32
        %parallel_loop3A_1066 = vector.broadcast %parallel_loop3A_1065 : f32 to vector<16xf32>
        %parallel_loop3A_1067 = arith.maximumf %parallel_loop3A_1064, %parallel_loop3A_1066 : vector<16xf32>
        %parallel_loop3A_1068 = arith.constant 6.200000e+01 : f32
        %parallel_loop3A_1069 = vector.broadcast %parallel_loop3A_1068 : f32 to vector<16xf32>
        %parallel_loop3A_1070 = arith.minimumf %parallel_loop3A_1067, %parallel_loop3A_1069 : vector<16xf32>
        %parallel_loop3A_1071 = arith.fptosi %parallel_loop3A_1070 : vector<16xf32> to vector<16xi32>
        %parallel_loop3A_1072 = arith.sitofp %parallel_loop3A_1071 : vector<16xi32> to vector<16xf32>
        %parallel_loop3A_1073 = arith.subf %parallel_loop3A_1064, %parallel_loop3A_1072 : vector<16xf32>
        %parallel_loop3A_1074 = vector.broadcast %mul3A_560 : i32 to vector<16xi32>
        %parallel_loop3A_1075 = arith.addi %parallel_loop3A_1071, %parallel_loop3A_1074 : vector<16xi32>
        %parallel_loop3A_1076 = tpu.vector_load_idx %arg7[%parallel_loop3A_1075] : memref<12480xf32, #tpu.memory_space<vmem>>[vector<16xi32>], vector<16xf32>,
        %parallel_loop3A_1077 = tpu.vector_load_idx %arg8[%parallel_loop3A_1075] : memref<12480xf32, #tpu.memory_space<vmem>>[vector<16xi32>], vector<16xf32>,
        %parallel_loop3A_1078 = tpu.vector_load_idx %arg9[%parallel_loop3A_1075] : memref<12480xf32, #tpu.memory_space<vmem>>[vector<16xi32>], vector<16xf32>,
        %parallel_loop3A_1079 = arith.mulf %parallel_loop3A_1073, %parallel_loop3A_1078 : vector<16xf32>
        %parallel_loop3A_1080 = arith.addf %parallel_loop3A_1077, %parallel_loop3A_1079 : vector<16xf32>
        %parallel_loop3A_1081 = arith.mulf %parallel_loop3A_1073, %parallel_loop3A_1080 : vector<16xf32>
        %parallel_loop3A_1082 = arith.addf %parallel_loop3A_1076, %parallel_loop3A_1081 : vector<16xf32>
        %parallel_loop3A_1083 = arith.index_cast %parallel_loop3A_875 : i32 to index
        %parallel_loop3A_1084 = arith.constant 96 : index
        %parallel_loop3A_1085 = tpu.vector_load %arg11[%parallel_loop3A_1083, %parallel_loop3A_1084] {strides = array<i32>} : memref<112x224xf32, #tpu.memory_space<vmem>>, vector<16xf32>,
        tpu.vector_store %arg11[%parallel_loop3A_1083, %parallel_loop3A_1084], %parallel_loop3A_1082 {strides = array<i32>} : memref<112x224xf32, #tpu.memory_space<vmem>>, vector<16xf32>,
        %parallel_loop3A_1086 = arith.index_cast %parallel_loop3A_875 : i32 to index
        %parallel_loop3A_1087 = arith.constant 112 : index
        %parallel_loop3A_1088 = tpu.vector_load %arg11[%parallel_loop3A_1086, %parallel_loop3A_1087] {strides = array<i32>} : memref<112x224xf32, #tpu.memory_space<vmem>>, vector<16xf32>,
        %parallel_loop3A_1089 = arith.constant 3.200000e+01 : f32
        %parallel_loop3A_1090 = vector.broadcast %parallel_loop3A_1089 : f32 to vector<16xf32>
        %parallel_loop3A_1091 = arith.mulf %parallel_loop3A_1088, %parallel_loop3A_1090 : vector<16xf32>
        %parallel_loop3A_1092 = arith.constant 3.200000e+01 : f32
        %parallel_loop3A_1093 = vector.broadcast %parallel_loop3A_1092 : f32 to vector<16xf32>
        %parallel_loop3A_1094 = arith.addf %parallel_loop3A_1091, %parallel_loop3A_1093 : vector<16xf32>
        %parallel_loop3A_1095 = arith.constant 0.000000e+00 : f32
        %parallel_loop3A_1096 = vector.broadcast %parallel_loop3A_1095 : f32 to vector<16xf32>
        %parallel_loop3A_1097 = arith.maximumf %parallel_loop3A_1094, %parallel_loop3A_1096 : vector<16xf32>
        %parallel_loop3A_1098 = arith.constant 6.200000e+01 : f32
        %parallel_loop3A_1099 = vector.broadcast %parallel_loop3A_1098 : f32 to vector<16xf32>
        %parallel_loop3A_1100 = arith.minimumf %parallel_loop3A_1097, %parallel_loop3A_1099 : vector<16xf32>
        %parallel_loop3A_1101 = arith.fptosi %parallel_loop3A_1100 : vector<16xf32> to vector<16xi32>
        %parallel_loop3A_1102 = arith.sitofp %parallel_loop3A_1101 : vector<16xi32> to vector<16xf32>
        %parallel_loop3A_1103 = arith.subf %parallel_loop3A_1094, %parallel_loop3A_1102 : vector<16xf32>
        %parallel_loop3A_1104 = vector.broadcast %mul3A_560 : i32 to vector<16xi32>
        %parallel_loop3A_1105 = arith.addi %parallel_loop3A_1101, %parallel_loop3A_1104 : vector<16xi32>
        %parallel_loop3A_1106 = tpu.vector_load_idx %arg7[%parallel_loop3A_1105] : memref<12480xf32, #tpu.memory_space<vmem>>[vector<16xi32>], vector<16xf32>,
        %parallel_loop3A_1107 = tpu.vector_load_idx %arg8[%parallel_loop3A_1105] : memref<12480xf32, #tpu.memory_space<vmem>>[vector<16xi32>], vector<16xf32>,
        %parallel_loop3A_1108 = tpu.vector_load_idx %arg9[%parallel_loop3A_1105] : memref<12480xf32, #tpu.memory_space<vmem>>[vector<16xi32>], vector<16xf32>,
        %parallel_loop3A_1109 = arith.mulf %parallel_loop3A_1103, %parallel_loop3A_1108 : vector<16xf32>
        %parallel_loop3A_1110 = arith.addf %parallel_loop3A_1107, %parallel_loop3A_1109 : vector<16xf32>
        %parallel_loop3A_1111 = arith.mulf %parallel_loop3A_1103, %parallel_loop3A_1110 : vector<16xf32>
        %parallel_loop3A_1112 = arith.addf %parallel_loop3A_1106, %parallel_loop3A_1111 : vector<16xf32>
        %parallel_loop3A_1113 = arith.index_cast %parallel_loop3A_875 : i32 to index
        %parallel_loop3A_1114 = arith.constant 112 : index
        %parallel_loop3A_1115 = tpu.vector_load %arg11[%parallel_loop3A_1113, %parallel_loop3A_1114] {strides = array<i32>} : memref<112x224xf32, #tpu.memory_space<vmem>>, vector<16xf32>,
        tpu.vector_store %arg11[%parallel_loop3A_1113, %parallel_loop3A_1114], %parallel_loop3A_1112 {strides = array<i32>} : memref<112x224xf32, #tpu.memory_space<vmem>>, vector<16xf32>,
        %parallel_loop3A_1116 = arith.index_cast %parallel_loop3A_875 : i32 to index
        %parallel_loop3A_1117 = arith.constant 128 : index
        %parallel_loop3A_1118 = tpu.vector_load %arg11[%parallel_loop3A_1116, %parallel_loop3A_1117] {strides = array<i32>} : memref<112x224xf32, #tpu.memory_space<vmem>>, vector<16xf32>,
        %parallel_loop3A_1119 = arith.constant 3.200000e+01 : f32
        %parallel_loop3A_1120 = vector.broadcast %parallel_loop3A_1119 : f32 to vector<16xf32>
        %parallel_loop3A_1121 = arith.mulf %parallel_loop3A_1118, %parallel_loop3A_1120 : vector<16xf32>
        %parallel_loop3A_1122 = arith.constant 3.200000e+01 : f32
        %parallel_loop3A_1123 = vector.broadcast %parallel_loop3A_1122 : f32 to vector<16xf32>
        %parallel_loop3A_1124 = arith.addf %parallel_loop3A_1121, %parallel_loop3A_1123 : vector<16xf32>
        %parallel_loop3A_1125 = arith.constant 0.000000e+00 : f32
        %parallel_loop3A_1126 = vector.broadcast %parallel_loop3A_1125 : f32 to vector<16xf32>
        %parallel_loop3A_1127 = arith.maximumf %parallel_loop3A_1124, %parallel_loop3A_1126 : vector<16xf32>
        %parallel_loop3A_1128 = arith.constant 6.200000e+01 : f32
        %parallel_loop3A_1129 = vector.broadcast %parallel_loop3A_1128 : f32 to vector<16xf32>
        %parallel_loop3A_1130 = arith.minimumf %parallel_loop3A_1127, %parallel_loop3A_1129 : vector<16xf32>
        %parallel_loop3A_1131 = arith.fptosi %parallel_loop3A_1130 : vector<16xf32> to vector<16xi32>
        %parallel_loop3A_1132 = arith.sitofp %parallel_loop3A_1131 : vector<16xi32> to vector<16xf32>
        %parallel_loop3A_1133 = arith.subf %parallel_loop3A_1124, %parallel_loop3A_1132 : vector<16xf32>
        %parallel_loop3A_1134 = vector.broadcast %mul3A_560 : i32 to vector<16xi32>
        %parallel_loop3A_1135 = arith.addi %parallel_loop3A_1131, %parallel_loop3A_1134 : vector<16xi32>
        %parallel_loop3A_1136 = tpu.vector_load_idx %arg7[%parallel_loop3A_1135] : memref<12480xf32, #tpu.memory_space<vmem>>[vector<16xi32>], vector<16xf32>,
        %parallel_loop3A_1137 = tpu.vector_load_idx %arg8[%parallel_loop3A_1135] : memref<12480xf32, #tpu.memory_space<vmem>>[vector<16xi32>], vector<16xf32>,
        %parallel_loop3A_1138 = tpu.vector_load_idx %arg9[%parallel_loop3A_1135] : memref<12480xf32, #tpu.memory_space<vmem>>[vector<16xi32>], vector<16xf32>,
        %parallel_loop3A_1139 = arith.mulf %parallel_loop3A_1133, %parallel_loop3A_1138 : vector<16xf32>
        %parallel_loop3A_1140 = arith.addf %parallel_loop3A_1137, %parallel_loop3A_1139 : vector<16xf32>
        %parallel_loop3A_1141 = arith.mulf %parallel_loop3A_1133, %parallel_loop3A_1140 : vector<16xf32>
        %parallel_loop3A_1142 = arith.addf %parallel_loop3A_1136, %parallel_loop3A_1141 : vector<16xf32>
        %parallel_loop3A_1143 = arith.index_cast %parallel_loop3A_875 : i32 to index
        %parallel_loop3A_1144 = arith.constant 128 : index
        %parallel_loop3A_1145 = tpu.vector_load %arg11[%parallel_loop3A_1143, %parallel_loop3A_1144] {strides = array<i32>} : memref<112x224xf32, #tpu.memory_space<vmem>>, vector<16xf32>,
        tpu.vector_store %arg11[%parallel_loop3A_1143, %parallel_loop3A_1144], %parallel_loop3A_1142 {strides = array<i32>} : memref<112x224xf32, #tpu.memory_space<vmem>>, vector<16xf32>,
        %parallel_loop3A_1146 = arith.index_cast %parallel_loop3A_875 : i32 to index
        %parallel_loop3A_1147 = arith.constant 144 : index
        %parallel_loop3A_1148 = tpu.vector_load %arg11[%parallel_loop3A_1146, %parallel_loop3A_1147] {strides = array<i32>} : memref<112x224xf32, #tpu.memory_space<vmem>>, vector<16xf32>,
        %parallel_loop3A_1149 = arith.constant 3.200000e+01 : f32
        %parallel_loop3A_1150 = vector.broadcast %parallel_loop3A_1149 : f32 to vector<16xf32>
        %parallel_loop3A_1151 = arith.mulf %parallel_loop3A_1148, %parallel_loop3A_1150 : vector<16xf32>
        %parallel_loop3A_1152 = arith.constant 3.200000e+01 : f32
        %parallel_loop3A_1153 = vector.broadcast %parallel_loop3A_1152 : f32 to vector<16xf32>
        %parallel_loop3A_1154 = arith.addf %parallel_loop3A_1151, %parallel_loop3A_1153 : vector<16xf32>
        %parallel_loop3A_1155 = arith.constant 0.000000e+00 : f32
        %parallel_loop3A_1156 = vector.broadcast %parallel_loop3A_1155 : f32 to vector<16xf32>
        %parallel_loop3A_1157 = arith.maximumf %parallel_loop3A_1154, %parallel_loop3A_1156 : vector<16xf32>
        %parallel_loop3A_1158 = arith.constant 6.200000e+01 : f32
        %parallel_loop3A_1159 = vector.broadcast %parallel_loop3A_1158 : f32 to vector<16xf32>
        %parallel_loop3A_1160 = arith.minimumf %parallel_loop3A_1157, %parallel_loop3A_1159 : vector<16xf32>
        %parallel_loop3A_1161 = arith.fptosi %parallel_loop3A_1160 : vector<16xf32> to vector<16xi32>
        %parallel_loop3A_1162 = arith.sitofp %parallel_loop3A_1161 : vector<16xi32> to vector<16xf32>
        %parallel_loop3A_1163 = arith.subf %parallel_loop3A_1154, %parallel_loop3A_1162 : vector<16xf32>
        %parallel_loop3A_1164 = vector.broadcast %mul3A_560 : i32 to vector<16xi32>
        %parallel_loop3A_1165 = arith.addi %parallel_loop3A_1161, %parallel_loop3A_1164 : vector<16xi32>
        %parallel_loop3A_1166 = tpu.vector_load_idx %arg7[%parallel_loop3A_1165] : memref<12480xf32, #tpu.memory_space<vmem>>[vector<16xi32>], vector<16xf32>,
        %parallel_loop3A_1167 = tpu.vector_load_idx %arg8[%parallel_loop3A_1165] : memref<12480xf32, #tpu.memory_space<vmem>>[vector<16xi32>], vector<16xf32>,
        %parallel_loop3A_1168 = tpu.vector_load_idx %arg9[%parallel_loop3A_1165] : memref<12480xf32, #tpu.memory_space<vmem>>[vector<16xi32>], vector<16xf32>,
        %parallel_loop3A_1169 = arith.mulf %parallel_loop3A_1163, %parallel_loop3A_1168 : vector<16xf32>
        %parallel_loop3A_1170 = arith.addf %parallel_loop3A_1167, %parallel_loop3A_1169 : vector<16xf32>
        %parallel_loop3A_1171 = arith.mulf %parallel_loop3A_1163, %parallel_loop3A_1170 : vector<16xf32>
        %parallel_loop3A_1172 = arith.addf %parallel_loop3A_1166, %parallel_loop3A_1171 : vector<16xf32>
        %parallel_loop3A_1173 = arith.index_cast %parallel_loop3A_875 : i32 to index
        %parallel_loop3A_1174 = arith.constant 144 : index
        %parallel_loop3A_1175 = tpu.vector_load %arg11[%parallel_loop3A_1173, %parallel_loop3A_1174] {strides = array<i32>} : memref<112x224xf32, #tpu.memory_space<vmem>>, vector<16xf32>,
        tpu.vector_store %arg11[%parallel_loop3A_1173, %parallel_loop3A_1174], %parallel_loop3A_1172 {strides = array<i32>} : memref<112x224xf32, #tpu.memory_space<vmem>>, vector<16xf32>,
        %parallel_loop3A_1176 = arith.index_cast %parallel_loop3A_875 : i32 to index
        %parallel_loop3A_1177 = arith.constant 160 : index
        %parallel_loop3A_1178 = tpu.vector_load %arg11[%parallel_loop3A_1176, %parallel_loop3A_1177] {strides = array<i32>} : memref<112x224xf32, #tpu.memory_space<vmem>>, vector<16xf32>,
        %parallel_loop3A_1179 = arith.constant 3.200000e+01 : f32
        %parallel_loop3A_1180 = vector.broadcast %parallel_loop3A_1179 : f32 to vector<16xf32>
        %parallel_loop3A_1181 = arith.mulf %parallel_loop3A_1178, %parallel_loop3A_1180 : vector<16xf32>
        %parallel_loop3A_1182 = arith.constant 3.200000e+01 : f32
        %parallel_loop3A_1183 = vector.broadcast %parallel_loop3A_1182 : f32 to vector<16xf32>
        %parallel_loop3A_1184 = arith.addf %parallel_loop3A_1181, %parallel_loop3A_1183 : vector<16xf32>
        %parallel_loop3A_1185 = arith.constant 0.000000e+00 : f32
        %parallel_loop3A_1186 = vector.broadcast %parallel_loop3A_1185 : f32 to vector<16xf32>
        %parallel_loop3A_1187 = arith.maximumf %parallel_loop3A_1184, %parallel_loop3A_1186 : vector<16xf32>
        %parallel_loop3A_1188 = arith.constant 6.200000e+01 : f32
        %parallel_loop3A_1189 = vector.broadcast %parallel_loop3A_1188 : f32 to vector<16xf32>
        %parallel_loop3A_1190 = arith.minimumf %parallel_loop3A_1187, %parallel_loop3A_1189 : vector<16xf32>
        %parallel_loop3A_1191 = arith.fptosi %parallel_loop3A_1190 : vector<16xf32> to vector<16xi32>
        %parallel_loop3A_1192 = arith.sitofp %parallel_loop3A_1191 : vector<16xi32> to vector<16xf32>
        %parallel_loop3A_1193 = arith.subf %parallel_loop3A_1184, %parallel_loop3A_1192 : vector<16xf32>
        %parallel_loop3A_1194 = vector.broadcast %mul3A_560 : i32 to vector<16xi32>
        %parallel_loop3A_1195 = arith.addi %parallel_loop3A_1191, %parallel_loop3A_1194 : vector<16xi32>
        %parallel_loop3A_1196 = tpu.vector_load_idx %arg7[%parallel_loop3A_1195] : memref<12480xf32, #tpu.memory_space<vmem>>[vector<16xi32>], vector<16xf32>,
        %parallel_loop3A_1197 = tpu.vector_load_idx %arg8[%parallel_loop3A_1195] : memref<12480xf32, #tpu.memory_space<vmem>>[vector<16xi32>], vector<16xf32>,
        %parallel_loop3A_1198 = tpu.vector_load_idx %arg9[%parallel_loop3A_1195] : memref<12480xf32, #tpu.memory_space<vmem>>[vector<16xi32>], vector<16xf32>,
        %parallel_loop3A_1199 = arith.mulf %parallel_loop3A_1193, %parallel_loop3A_1198 : vector<16xf32>
        %parallel_loop3A_1200 = arith.addf %parallel_loop3A_1197, %parallel_loop3A_1199 : vector<16xf32>
        %parallel_loop3A_1201 = arith.mulf %parallel_loop3A_1193, %parallel_loop3A_1200 : vector<16xf32>
        %parallel_loop3A_1202 = arith.addf %parallel_loop3A_1196, %parallel_loop3A_1201 : vector<16xf32>
        %parallel_loop3A_1203 = arith.index_cast %parallel_loop3A_875 : i32 to index
        %parallel_loop3A_1204 = arith.constant 160 : index
        %parallel_loop3A_1205 = tpu.vector_load %arg11[%parallel_loop3A_1203, %parallel_loop3A_1204] {strides = array<i32>} : memref<112x224xf32, #tpu.memory_space<vmem>>, vector<16xf32>,
        tpu.vector_store %arg11[%parallel_loop3A_1203, %parallel_loop3A_1204], %parallel_loop3A_1202 {strides = array<i32>} : memref<112x224xf32, #tpu.memory_space<vmem>>, vector<16xf32>,
        %parallel_loop3A_1206 = arith.index_cast %parallel_loop3A_875 : i32 to index
        %parallel_loop3A_1207 = arith.constant 176 : index
        %parallel_loop3A_1208 = tpu.vector_load %arg11[%parallel_loop3A_1206, %parallel_loop3A_1207] {strides = array<i32>} : memref<112x224xf32, #tpu.memory_space<vmem>>, vector<16xf32>,
        %parallel_loop3A_1209 = arith.constant 3.200000e+01 : f32
        %parallel_loop3A_1210 = vector.broadcast %parallel_loop3A_1209 : f32 to vector<16xf32>
        %parallel_loop3A_1211 = arith.mulf %parallel_loop3A_1208, %parallel_loop3A_1210 : vector<16xf32>
        %parallel_loop3A_1212 = arith.constant 3.200000e+01 : f32
        %parallel_loop3A_1213 = vector.broadcast %parallel_loop3A_1212 : f32 to vector<16xf32>
        %parallel_loop3A_1214 = arith.addf %parallel_loop3A_1211, %parallel_loop3A_1213 : vector<16xf32>
        %parallel_loop3A_1215 = arith.constant 0.000000e+00 : f32
        %parallel_loop3A_1216 = vector.broadcast %parallel_loop3A_1215 : f32 to vector<16xf32>
        %parallel_loop3A_1217 = arith.maximumf %parallel_loop3A_1214, %parallel_loop3A_1216 : vector<16xf32>
        %parallel_loop3A_1218 = arith.constant 6.200000e+01 : f32
        %parallel_loop3A_1219 = vector.broadcast %parallel_loop3A_1218 : f32 to vector<16xf32>
        %parallel_loop3A_1220 = arith.minimumf %parallel_loop3A_1217, %parallel_loop3A_1219 : vector<16xf32>
        %parallel_loop3A_1221 = arith.fptosi %parallel_loop3A_1220 : vector<16xf32> to vector<16xi32>
        %parallel_loop3A_1222 = arith.sitofp %parallel_loop3A_1221 : vector<16xi32> to vector<16xf32>
        %parallel_loop3A_1223 = arith.subf %parallel_loop3A_1214, %parallel_loop3A_1222 : vector<16xf32>
        %parallel_loop3A_1224 = vector.broadcast %mul3A_560 : i32 to vector<16xi32>
        %parallel_loop3A_1225 = arith.addi %parallel_loop3A_1221, %parallel_loop3A_1224 : vector<16xi32>
        %parallel_loop3A_1226 = tpu.vector_load_idx %arg7[%parallel_loop3A_1225] : memref<12480xf32, #tpu.memory_space<vmem>>[vector<16xi32>], vector<16xf32>,
        %parallel_loop3A_1227 = tpu.vector_load_idx %arg8[%parallel_loop3A_1225] : memref<12480xf32, #tpu.memory_space<vmem>>[vector<16xi32>], vector<16xf32>,
        %parallel_loop3A_1228 = tpu.vector_load_idx %arg9[%parallel_loop3A_1225] : memref<12480xf32, #tpu.memory_space<vmem>>[vector<16xi32>], vector<16xf32>,
        %parallel_loop3A_1229 = arith.mulf %parallel_loop3A_1223, %parallel_loop3A_1228 : vector<16xf32>
        %parallel_loop3A_1230 = arith.addf %parallel_loop3A_1227, %parallel_loop3A_1229 : vector<16xf32>
        %parallel_loop3A_1231 = arith.mulf %parallel_loop3A_1223, %parallel_loop3A_1230 : vector<16xf32>
        %parallel_loop3A_1232 = arith.addf %parallel_loop3A_1226, %parallel_loop3A_1231 : vector<16xf32>
        %parallel_loop3A_1233 = arith.index_cast %parallel_loop3A_875 : i32 to index
        %parallel_loop3A_1234 = arith.constant 176 : index
        %parallel_loop3A_1235 = tpu.vector_load %arg11[%parallel_loop3A_1233, %parallel_loop3A_1234] {strides = array<i32>} : memref<112x224xf32, #tpu.memory_space<vmem>>, vector<16xf32>,
        tpu.vector_store %arg11[%parallel_loop3A_1233, %parallel_loop3A_1234], %parallel_loop3A_1232 {strides = array<i32>} : memref<112x224xf32, #tpu.memory_space<vmem>>, vector<16xf32>,
        %parallel_loop3A_1236 = arith.index_cast %parallel_loop3A_875 : i32 to index
        %parallel_loop3A_1237 = arith.constant 192 : index
        %parallel_loop3A_1238 = tpu.vector_load %arg11[%parallel_loop3A_1236, %parallel_loop3A_1237] {strides = array<i32>} : memref<112x224xf32, #tpu.memory_space<vmem>>, vector<16xf32>,
        %parallel_loop3A_1239 = arith.constant 3.200000e+01 : f32
        %parallel_loop3A_1240 = vector.broadcast %parallel_loop3A_1239 : f32 to vector<16xf32>
        %parallel_loop3A_1241 = arith.mulf %parallel_loop3A_1238, %parallel_loop3A_1240 : vector<16xf32>
        %parallel_loop3A_1242 = arith.constant 3.200000e+01 : f32
        %parallel_loop3A_1243 = vector.broadcast %parallel_loop3A_1242 : f32 to vector<16xf32>
        %parallel_loop3A_1244 = arith.addf %parallel_loop3A_1241, %parallel_loop3A_1243 : vector<16xf32>
        %parallel_loop3A_1245 = arith.constant 0.000000e+00 : f32
        %parallel_loop3A_1246 = vector.broadcast %parallel_loop3A_1245 : f32 to vector<16xf32>
        %parallel_loop3A_1247 = arith.maximumf %parallel_loop3A_1244, %parallel_loop3A_1246 : vector<16xf32>
        %parallel_loop3A_1248 = arith.constant 6.200000e+01 : f32
        %parallel_loop3A_1249 = vector.broadcast %parallel_loop3A_1248 : f32 to vector<16xf32>
        %parallel_loop3A_1250 = arith.minimumf %parallel_loop3A_1247, %parallel_loop3A_1249 : vector<16xf32>
        %parallel_loop3A_1251 = arith.fptosi %parallel_loop3A_1250 : vector<16xf32> to vector<16xi32>
        %parallel_loop3A_1252 = arith.sitofp %parallel_loop3A_1251 : vector<16xi32> to vector<16xf32>
        %parallel_loop3A_1253 = arith.subf %parallel_loop3A_1244, %parallel_loop3A_1252 : vector<16xf32>
        %parallel_loop3A_1254 = vector.broadcast %mul3A_560 : i32 to vector<16xi32>
        %parallel_loop3A_1255 = arith.addi %parallel_loop3A_1251, %parallel_loop3A_1254 : vector<16xi32>
        %parallel_loop3A_1256 = tpu.vector_load_idx %arg7[%parallel_loop3A_1255] : memref<12480xf32, #tpu.memory_space<vmem>>[vector<16xi32>], vector<16xf32>,
        %parallel_loop3A_1257 = tpu.vector_load_idx %arg8[%parallel_loop3A_1255] : memref<12480xf32, #tpu.memory_space<vmem>>[vector<16xi32>], vector<16xf32>,
        %parallel_loop3A_1258 = tpu.vector_load_idx %arg9[%parallel_loop3A_1255] : memref<12480xf32, #tpu.memory_space<vmem>>[vector<16xi32>], vector<16xf32>,
        %parallel_loop3A_1259 = arith.mulf %parallel_loop3A_1253, %parallel_loop3A_1258 : vector<16xf32>
        %parallel_loop3A_1260 = arith.addf %parallel_loop3A_1257, %parallel_loop3A_1259 : vector<16xf32>
        %parallel_loop3A_1261 = arith.mulf %parallel_loop3A_1253, %parallel_loop3A_1260 : vector<16xf32>
        %parallel_loop3A_1262 = arith.addf %parallel_loop3A_1256, %parallel_loop3A_1261 : vector<16xf32>
        %parallel_loop3A_1263 = arith.index_cast %parallel_loop3A_875 : i32 to index
        %parallel_loop3A_1264 = arith.constant 192 : index
        %parallel_loop3A_1265 = tpu.vector_load %arg11[%parallel_loop3A_1263, %parallel_loop3A_1264] {strides = array<i32>} : memref<112x224xf32, #tpu.memory_space<vmem>>, vector<16xf32>,
        tpu.vector_store %arg11[%parallel_loop3A_1263, %parallel_loop3A_1264], %parallel_loop3A_1262 {strides = array<i32>} : memref<112x224xf32, #tpu.memory_space<vmem>>, vector<16xf32>,
        %parallel_loop3A_1266 = arith.index_cast %parallel_loop3A_875 : i32 to index
        %parallel_loop3A_1267 = arith.constant 208 : index
        %parallel_loop3A_1268 = tpu.vector_load %arg11[%parallel_loop3A_1266, %parallel_loop3A_1267] {strides = array<i32>} : memref<112x224xf32, #tpu.memory_space<vmem>>, vector<16xf32>,
        %parallel_loop3A_1269 = arith.constant 3.200000e+01 : f32
        %parallel_loop3A_1270 = vector.broadcast %parallel_loop3A_1269 : f32 to vector<16xf32>
        %parallel_loop3A_1271 = arith.mulf %parallel_loop3A_1268, %parallel_loop3A_1270 : vector<16xf32>
        %parallel_loop3A_1272 = arith.constant 3.200000e+01 : f32
        %parallel_loop3A_1273 = vector.broadcast %parallel_loop3A_1272 : f32 to vector<16xf32>
        %parallel_loop3A_1274 = arith.addf %parallel_loop3A_1271, %parallel_loop3A_1273 : vector<16xf32>
        %parallel_loop3A_1275 = arith.constant 0.000000e+00 : f32
        %parallel_loop3A_1276 = vector.broadcast %parallel_loop3A_1275 : f32 to vector<16xf32>
        %parallel_loop3A_1277 = arith.maximumf %parallel_loop3A_1274, %parallel_loop3A_1276 : vector<16xf32>
        %parallel_loop3A_1278 = arith.constant 6.200000e+01 : f32
        %parallel_loop3A_1279 = vector.broadcast %parallel_loop3A_1278 : f32 to vector<16xf32>
        %parallel_loop3A_1280 = arith.minimumf %parallel_loop3A_1277, %parallel_loop3A_1279 : vector<16xf32>
        %parallel_loop3A_1281 = arith.fptosi %parallel_loop3A_1280 : vector<16xf32> to vector<16xi32>
        %parallel_loop3A_1282 = arith.sitofp %parallel_loop3A_1281 : vector<16xi32> to vector<16xf32>
        %parallel_loop3A_1283 = arith.subf %parallel_loop3A_1274, %parallel_loop3A_1282 : vector<16xf32>
        %parallel_loop3A_1284 = vector.broadcast %mul3A_560 : i32 to vector<16xi32>
        %parallel_loop3A_1285 = arith.addi %parallel_loop3A_1281, %parallel_loop3A_1284 : vector<16xi32>
        %parallel_loop3A_1286 = tpu.vector_load_idx %arg7[%parallel_loop3A_1285] : memref<12480xf32, #tpu.memory_space<vmem>>[vector<16xi32>], vector<16xf32>,
        %parallel_loop3A_1287 = tpu.vector_load_idx %arg8[%parallel_loop3A_1285] : memref<12480xf32, #tpu.memory_space<vmem>>[vector<16xi32>], vector<16xf32>,
        %parallel_loop3A_1288 = tpu.vector_load_idx %arg9[%parallel_loop3A_1285] : memref<12480xf32, #tpu.memory_space<vmem>>[vector<16xi32>], vector<16xf32>,
        %parallel_loop3A_1289 = arith.mulf %parallel_loop3A_1283, %parallel_loop3A_1288 : vector<16xf32>
        %parallel_loop3A_1290 = arith.addf %parallel_loop3A_1287, %parallel_loop3A_1289 : vector<16xf32>
        %parallel_loop3A_1291 = arith.mulf %parallel_loop3A_1283, %parallel_loop3A_1290 : vector<16xf32>
        %parallel_loop3A_1292 = arith.addf %parallel_loop3A_1286, %parallel_loop3A_1291 : vector<16xf32>
        %parallel_loop3A_1293 = arith.index_cast %parallel_loop3A_875 : i32 to index
        %parallel_loop3A_1294 = arith.constant 208 : index
        %parallel_loop3A_1295 = tpu.vector_load %arg11[%parallel_loop3A_1293, %parallel_loop3A_1294] {strides = array<i32>} : memref<112x224xf32, #tpu.memory_space<vmem>>, vector<16xf32>,
        tpu.vector_store %arg11[%parallel_loop3A_1293, %parallel_loop3A_1294], %parallel_loop3A_1292 {strides = array<i32>} : memref<112x224xf32, #tpu.memory_space<vmem>>, vector<16xf32>,
      } {sc.loop_unroll_factor = 1 : i64, sc.parallel_access}
      %dma_start3A_570 = arith.constant 0 : i32
      %dma_start3A_571 = tpu.memref_slice %arg6[%select_n3A_542, %select_n3A_558, %mul3A_518, %dma_start3A_570] : memref<4x192x224x224xf32, #tpu.memory_space<hbm>> -> memref<1x1x112x224xf32, #tpu.memory_space<hbm>>
      %dma_start3A_572 = tpu.memref_squeeze %dma_start3A_571 : memref<1x1x112x224xf32, #tpu.memory_space<hbm>> -> memref<112x224xf32, #tpu.memory_space<hbm>>
      %dma_start3A_573 = arith.constant 0 : i32
      %dma_start3A_574 = tpu.memref_slice %arg6[%select_n3A_542, %select_n3A_558, %mul3A_518, %dma_start3A_573] : memref<4x192x224x224xf32, #tpu.memory_space<hbm>> -> memref<1x1x112x224xf32, #tpu.memory_space<hbm>>
      %dma_start3A_575 = tpu.memref_squeeze %dma_start3A_574 : memref<1x1x112x224xf32, #tpu.memory_space<hbm>> -> memref<112x224xf32, #tpu.memory_space<hbm>>
      tpu.enqueue_dma source(%arg11 : memref<112x224xf32, #tpu.memory_space<vmem>>) target(%dma_start3A_575 : memref<112x224xf32, #tpu.memory_space<hbm>>) target_semaphore(%arg17 : memref<!tpu.dma_semaphore, #tpu.memory_space<semaphore_mem>>)
      %sub3A_576 = arith.constant 1 : i32
      %sub3A_577 = arith.subi %add3A_474, %sub3A_576 : i32
      %add3A_578 = arith.addi %mul3A_2, %sub3A_577 : i32
      %jit3A_579 = arith.constant 2 : i32
      %div3A_580 = arith.divsi %add3A_578, %jit3A_579 : i32
      %sign3A_581 = arith.constant 0 : i32
      %sign3A_582 = arith.cmpi sgt, %add3A_578, %sign3A_581 : i32
      %sign3A_583 = arith.extui %sign3A_582 : i1 to i32
      %sign3A_584 = arith.constant 0 : i32
      %sign3A_585 = arith.cmpi slt, %add3A_578, %sign3A_584 : i32
      %sign3A_586 = arith.extui %sign3A_585 : i1 to i32
      %sign3A_587 = arith.subi %sign3A_583, %sign3A_586 : i32
      %sign3A_588 = arith.constant 0 : i32
      %sign3A_589 = arith.cmpi sgt, %jit3A_579, %sign3A_588 : i32
      %sign3A_590 = arith.extui %sign3A_589 : i1 to i32
      %sign3A_591 = arith.constant 0 : i32
      %sign3A_592 = arith.cmpi slt, %jit3A_579, %sign3A_591 : i32
      %sign3A_593 = arith.extui %sign3A_592 : i1 to i32
      %sign3A_594 = arith.subi %sign3A_590, %sign3A_593 : i32
      %ne3A_595 = arith.cmpi ne, %sign3A_587, %sign3A_594 : i32
      %rem3A_596 = arith.remsi %add3A_578, %jit3A_579 : i32
      %ne3A_597 = arith.constant 0 : i32
      %ne3A_598 = arith.cmpi ne, %rem3A_596, %ne3A_597 : i32
      %and3A_599 = arith.andi %ne3A_595, %ne3A_598 : i1
      %sub3A_600 = arith.constant 1 : i32
      %sub3A_601 = arith.subi %div3A_580, %sub3A_600 : i32
      %select_n3A_602 = arith.select %and3A_599, %sub3A_601, %div3A_580 : i32
      %add3A_603 = arith.addi %mul3A_2, %sub3A_577 : i32
      %jit3A_604 = arith.constant 2 : i32
      %eq3A_605 = arith.constant 0 : i32
      %eq3A_606 = arith.cmpi eq, %jit3A_604, %eq3A_605 : i32
      %jit3A_607 = arith.constant 1 : i32
      %select_n3A_608 = arith.select %eq3A_606, %jit3A_607, %jit3A_604 : i32
      %rem3A_609 = arith.remsi %add3A_603, %select_n3A_608 : i32
      %ne3A_610 = arith.constant 0 : i32
      %ne3A_611 = arith.cmpi ne, %rem3A_609, %ne3A_610 : i32
      %lt3A_612 = arith.constant 0 : i32
      %lt3A_613 = arith.cmpi slt, %rem3A_609, %lt3A_612 : i32
      %lt3A_614 = arith.constant 0 : i32
      %lt3A_615 = arith.cmpi slt, %select_n3A_608, %lt3A_614 : i32
      %ne3A_616 = arith.xori %lt3A_613, %lt3A_615 : i1
      %and3A_617 = arith.andi %ne3A_616, %ne3A_611 : i1
      %add3A_618 = arith.addi %rem3A_609, %select_n3A_608 : i32
      %select_n3A_619 = arith.select %and3A_617, %add3A_618, %rem3A_609 : i32
      %mul3A_620 = arith.constant 112 : i32
      %mul3A_621 = arith.muli %select_n3A_619, %mul3A_620 : i32
      %jit3A_622 = arith.constant 192 : i32
      %div3A_623 = arith.divsi %select_n3A_602, %jit3A_622 : i32
      %sign3A_624 = arith.constant 0 : i32
      %sign3A_625 = arith.cmpi sgt, %select_n3A_602, %sign3A_624 : i32
      %sign3A_626 = arith.extui %sign3A_625 : i1 to i32
      %sign3A_627 = arith.constant 0 : i32
      %sign3A_628 = arith.cmpi slt, %select_n3A_602, %sign3A_627 : i32
      %sign3A_629 = arith.extui %sign3A_628 : i1 to i32
      %sign3A_630 = arith.subi %sign3A_626, %sign3A_629 : i32
      %sign3A_631 = arith.constant 0 : i32
      %sign3A_632 = arith.cmpi sgt, %jit3A_622, %sign3A_631 : i32
      %sign3A_633 = arith.extui %sign3A_632 : i1 to i32
      %sign3A_634 = arith.constant 0 : i32
      %sign3A_635 = arith.cmpi slt, %jit3A_622, %sign3A_634 : i32
      %sign3A_636 = arith.extui %sign3A_635 : i1 to i32
      %sign3A_637 = arith.subi %sign3A_633, %sign3A_636 : i32
      %ne3A_638 = arith.cmpi ne, %sign3A_630, %sign3A_637 : i32
      %rem3A_639 = arith.remsi %select_n3A_602, %jit3A_622 : i32
      %ne3A_640 = arith.constant 0 : i32
      %ne3A_641 = arith.cmpi ne, %rem3A_639, %ne3A_640 : i32
      %and3A_642 = arith.andi %ne3A_638, %ne3A_641 : i1
      %sub3A_643 = arith.constant 1 : i32
      %sub3A_644 = arith.subi %div3A_623, %sub3A_643 : i32
      %select_n3A_645 = arith.select %and3A_642, %sub3A_644, %div3A_623 : i32
      %jit3A_646 = arith.constant 192 : i32
      %eq3A_647 = arith.constant 0 : i32
      %eq3A_648 = arith.cmpi eq, %jit3A_646, %eq3A_647 : i32
      %jit3A_649 = arith.constant 1 : i32
      %select_n3A_650 = arith.select %eq3A_648, %jit3A_649, %jit3A_646 : i32
      %rem3A_651 = arith.remsi %select_n3A_602, %select_n3A_650 : i32
      %ne3A_652 = arith.constant 0 : i32
      %ne3A_653 = arith.cmpi ne, %rem3A_651, %ne3A_652 : i32
      %lt3A_654 = arith.constant 0 : i32
      %lt3A_655 = arith.cmpi slt, %rem3A_651, %lt3A_654 : i32
      %lt3A_656 = arith.constant 0 : i32
      %lt3A_657 = arith.cmpi slt, %select_n3A_650, %lt3A_656 : i32
      %ne3A_658 = arith.xori %lt3A_655, %lt3A_657 : i1
      %and3A_659 = arith.andi %ne3A_658, %ne3A_653 : i1
      %add3A_660 = arith.addi %rem3A_651, %select_n3A_650 : i32
      %select_n3A_661 = arith.select %and3A_659, %add3A_660, %rem3A_651 : i32
      %dma_wait3A_662 = arith.constant 0 : i32
      %dma_wait3A_663 = tpu.memref_slice %arg6[%select_n3A_645, %select_n3A_661, %mul3A_621, %dma_wait3A_662] : memref<4x192x224x224xf32, #tpu.memory_space<hbm>> -> memref<1x1x112x224xf32, #tpu.memory_space<hbm>>
      %dma_wait3A_664 = tpu.memref_squeeze %dma_wait3A_663 : memref<1x1x112x224xf32, #tpu.memory_space<hbm>> -> memref<112x224xf32, #tpu.memory_space<hbm>>
      %dma_wait3A_665 = arith.constant 0 : i32
      %dma_wait3A_666 = tpu.memref_slice %arg6[%select_n3A_645, %select_n3A_661, %mul3A_621, %dma_wait3A_665] : memref<4x192x224x224xf32, #tpu.memory_space<hbm>> -> memref<1x1x112x224xf32, #tpu.memory_space<hbm>>
      %dma_wait3A_667 = tpu.memref_squeeze %dma_wait3A_666 : memref<1x1x112x224xf32, #tpu.memory_space<hbm>> -> memref<112x224xf32, #tpu.memory_space<hbm>>
      tpu.wait_dma2 semaphore(%arg16 : memref<!tpu.dma_semaphore, #tpu.memory_space<semaphore_mem>>) src(%arg10 : memref<112x224xf32, #tpu.memory_space<vmem>>) dst(%dma_wait3A_667 : memref<112x224xf32, #tpu.memory_space<hbm>>)
      %lt3A_668 = arith.constant 15 : i32
      %lt3A_669 = arith.cmpi slt, %scan3A_272, %lt3A_668 : i32
      %convert_element_type3A_670 = arith.extui %lt3A_669 : i1 to i32
      %cond3A_671 = arith.constant 0 : i32
      %cond3A_672 = arith.cmpi ne, %convert_element_type3A_670, %cond3A_671 : i32
      scf.if %cond3A_672 {
        %add3A_875 = arith.constant 2 : i32
        %add3A_876 = arith.addi %add3A_474, %add3A_875 : i32
        %add3A_877 = arith.addi %mul3A_2, %add3A_876 : i32
        %jit3A_878 = arith.constant 2 : i32
        %div3A_879 = arith.divsi %add3A_877, %jit3A_878 : i32
        %sign3A_880 = arith.constant 0 : i32
        %sign3A_881 = arith.cmpi sgt, %add3A_877, %sign3A_880 : i32
        %sign3A_882 = arith.extui %sign3A_881 : i1 to i32
        %sign3A_883 = arith.constant 0 : i32
        %sign3A_884 = arith.cmpi slt, %add3A_877, %sign3A_883 : i32
        %sign3A_885 = arith.extui %sign3A_884 : i1 to i32
        %sign3A_886 = arith.subi %sign3A_882, %sign3A_885 : i32
        %sign3A_887 = arith.constant 0 : i32
        %sign3A_888 = arith.cmpi sgt, %jit3A_878, %sign3A_887 : i32
        %sign3A_889 = arith.extui %sign3A_888 : i1 to i32
        %sign3A_890 = arith.constant 0 : i32
        %sign3A_891 = arith.cmpi slt, %jit3A_878, %sign3A_890 : i32
        %sign3A_892 = arith.extui %sign3A_891 : i1 to i32
        %sign3A_893 = arith.subi %sign3A_889, %sign3A_892 : i32
        %ne3A_894 = arith.cmpi ne, %sign3A_886, %sign3A_893 : i32
        %rem3A_895 = arith.remsi %add3A_877, %jit3A_878 : i32
        %ne3A_896 = arith.constant 0 : i32
        %ne3A_897 = arith.cmpi ne, %rem3A_895, %ne3A_896 : i32
        %and3A_898 = arith.andi %ne3A_894, %ne3A_897 : i1
        %sub3A_899 = arith.constant 1 : i32
        %sub3A_900 = arith.subi %div3A_879, %sub3A_899 : i32
        %select_n3A_901 = arith.select %and3A_898, %sub3A_900, %div3A_879 : i32
        %add3A_902 = arith.addi %mul3A_2, %add3A_876 : i32
        %jit3A_903 = arith.constant 2 : i32
        %eq3A_904 = arith.constant 0 : i32
        %eq3A_905 = arith.cmpi eq, %jit3A_903, %eq3A_904 : i32
        %jit3A_906 = arith.constant 1 : i32
        %select_n3A_907 = arith.select %eq3A_905, %jit3A_906, %jit3A_903 : i32
        %rem3A_908 = arith.remsi %add3A_902, %select_n3A_907 : i32
        %ne3A_909 = arith.constant 0 : i32
        %ne3A_910 = arith.cmpi ne, %rem3A_908, %ne3A_909 : i32
        %lt3A_911 = arith.constant 0 : i32
        %lt3A_912 = arith.cmpi slt, %rem3A_908, %lt3A_911 : i32
        %lt3A_913 = arith.constant 0 : i32
        %lt3A_914 = arith.cmpi slt, %select_n3A_907, %lt3A_913 : i32
        %ne3A_915 = arith.xori %lt3A_912, %lt3A_914 : i1
        %and3A_916 = arith.andi %ne3A_915, %ne3A_910 : i1
        %add3A_917 = arith.addi %rem3A_908, %select_n3A_907 : i32
        %select_n3A_918 = arith.select %and3A_916, %add3A_917, %rem3A_908 : i32
        %mul3A_919 = arith.constant 112 : i32
        %mul3A_920 = arith.muli %select_n3A_918, %mul3A_919 : i32
        %jit3A_921 = arith.constant 192 : i32
        %div3A_922 = arith.divsi %select_n3A_901, %jit3A_921 : i32
        %sign3A_923 = arith.constant 0 : i32
        %sign3A_924 = arith.cmpi sgt, %select_n3A_901, %sign3A_923 : i32
        %sign3A_925 = arith.extui %sign3A_924 : i1 to i32
        %sign3A_926 = arith.constant 0 : i32
        %sign3A_927 = arith.cmpi slt, %select_n3A_901, %sign3A_926 : i32
        %sign3A_928 = arith.extui %sign3A_927 : i1 to i32
        %sign3A_929 = arith.subi %sign3A_925, %sign3A_928 : i32
        %sign3A_930 = arith.constant 0 : i32
        %sign3A_931 = arith.cmpi sgt, %jit3A_921, %sign3A_930 : i32
        %sign3A_932 = arith.extui %sign3A_931 : i1 to i32
        %sign3A_933 = arith.constant 0 : i32
        %sign3A_934 = arith.cmpi slt, %jit3A_921, %sign3A_933 : i32
        %sign3A_935 = arith.extui %sign3A_934 : i1 to i32
        %sign3A_936 = arith.subi %sign3A_932, %sign3A_935 : i32
        %ne3A_937 = arith.cmpi ne, %sign3A_929, %sign3A_936 : i32
        %rem3A_938 = arith.remsi %select_n3A_901, %jit3A_921 : i32
        %ne3A_939 = arith.constant 0 : i32
        %ne3A_940 = arith.cmpi ne, %rem3A_938, %ne3A_939 : i32
        %and3A_941 = arith.andi %ne3A_937, %ne3A_940 : i1
        %sub3A_942 = arith.constant 1 : i32
        %sub3A_943 = arith.subi %div3A_922, %sub3A_942 : i32
        %select_n3A_944 = arith.select %and3A_941, %sub3A_943, %div3A_922 : i32
        %jit3A_945 = arith.constant 192 : i32
        %eq3A_946 = arith.constant 0 : i32
        %eq3A_947 = arith.cmpi eq, %jit3A_945, %eq3A_946 : i32
        %jit3A_948 = arith.constant 1 : i32
        %select_n3A_949 = arith.select %eq3A_947, %jit3A_948, %jit3A_945 : i32
        %rem3A_950 = arith.remsi %select_n3A_901, %select_n3A_949 : i32
        %ne3A_951 = arith.constant 0 : i32
        %ne3A_952 = arith.cmpi ne, %rem3A_950, %ne3A_951 : i32
        %lt3A_953 = arith.constant 0 : i32
        %lt3A_954 = arith.cmpi slt, %rem3A_950, %lt3A_953 : i32
        %lt3A_955 = arith.constant 0 : i32
        %lt3A_956 = arith.cmpi slt, %select_n3A_949, %lt3A_955 : i32
        %ne3A_957 = arith.xori %lt3A_954, %lt3A_956 : i1
        %and3A_958 = arith.andi %ne3A_957, %ne3A_952 : i1
        %add3A_959 = arith.addi %rem3A_950, %select_n3A_949 : i32
        %select_n3A_960 = arith.select %and3A_958, %add3A_959, %rem3A_950 : i32
        %dma_start3A_961 = arith.constant 0 : i32
        %dma_start3A_962 = tpu.memref_slice %arg2[%select_n3A_944, %select_n3A_960, %mul3A_920, %dma_start3A_961] : memref<4x192x224x224xf32, #tpu.memory_space<hbm>> -> memref<1x1x112x224xf32, #tpu.memory_space<hbm>>
        %dma_start3A_963 = tpu.memref_squeeze %dma_start3A_962 : memref<1x1x112x224xf32, #tpu.memory_space<hbm>> -> memref<112x224xf32, #tpu.memory_space<hbm>>
        %dma_start3A_964 = arith.constant 0 : i32
        %dma_start3A_965 = tpu.memref_slice %arg2[%select_n3A_944, %select_n3A_960, %mul3A_920, %dma_start3A_964] : memref<4x192x224x224xf32, #tpu.memory_space<hbm>> -> memref<1x1x112x224xf32, #tpu.memory_space<hbm>>
        %dma_start3A_966 = tpu.memref_squeeze %dma_start3A_965 : memref<1x1x112x224xf32, #tpu.memory_space<hbm>> -> memref<112x224xf32, #tpu.memory_space<hbm>>
        tpu.enqueue_dma source(%dma_start3A_966 : memref<112x224xf32, #tpu.memory_space<hbm>>) target(%arg10 : memref<112x224xf32, #tpu.memory_space<vmem>>) target_semaphore(%arg13 : memref<!tpu.dma_semaphore, #tpu.memory_space<semaphore_mem>>)
      } else {
      }
      %mul3A_673 = arith.constant 3 : i32
      %mul3A_674 = arith.muli %scan3A_272, %mul3A_673 : i32
      %add3A_675 = arith.constant 2 : i32
      %add3A_676 = arith.addi %mul3A_674, %add3A_675 : i32
      %add3A_677 = arith.addi %mul3A_2, %add3A_676 : i32
      %jit3A_678 = arith.constant 2 : i32
      %div3A_679 = arith.divsi %add3A_677, %jit3A_678 : i32
      %sign3A_680 = arith.constant 0 : i32
      %sign3A_681 = arith.cmpi sgt, %add3A_677, %sign3A_680 : i32
      %sign3A_682 = arith.extui %sign3A_681 : i1 to i32
      %sign3A_683 = arith.constant 0 : i32
      %sign3A_684 = arith.cmpi slt, %add3A_677, %sign3A_683 : i32
      %sign3A_685 = arith.extui %sign3A_684 : i1 to i32
      %sign3A_686 = arith.subi %sign3A_682, %sign3A_685 : i32
      %sign3A_687 = arith.constant 0 : i32
      %sign3A_688 = arith.cmpi sgt, %jit3A_678, %sign3A_687 : i32
      %sign3A_689 = arith.extui %sign3A_688 : i1 to i32
      %sign3A_690 = arith.constant 0 : i32
      %sign3A_691 = arith.cmpi slt, %jit3A_678, %sign3A_690 : i32
      %sign3A_692 = arith.extui %sign3A_691 : i1 to i32
      %sign3A_693 = arith.subi %sign3A_689, %sign3A_692 : i32
      %ne3A_694 = arith.cmpi ne, %sign3A_686, %sign3A_693 : i32
      %rem3A_695 = arith.remsi %add3A_677, %jit3A_678 : i32
      %ne3A_696 = arith.constant 0 : i32
      %ne3A_697 = arith.cmpi ne, %rem3A_695, %ne3A_696 : i32
      %and3A_698 = arith.andi %ne3A_694, %ne3A_697 : i1
      %sub3A_699 = arith.constant 1 : i32
      %sub3A_700 = arith.subi %div3A_679, %sub3A_699 : i32
      %select_n3A_701 = arith.select %and3A_698, %sub3A_700, %div3A_679 : i32
      %add3A_702 = arith.addi %mul3A_2, %add3A_676 : i32
      %jit3A_703 = arith.constant 2 : i32
      %eq3A_704 = arith.constant 0 : i32
      %eq3A_705 = arith.cmpi eq, %jit3A_703, %eq3A_704 : i32
      %jit3A_706 = arith.constant 1 : i32
      %select_n3A_707 = arith.select %eq3A_705, %jit3A_706, %jit3A_703 : i32
      %rem3A_708 = arith.remsi %add3A_702, %select_n3A_707 : i32
      %ne3A_709 = arith.constant 0 : i32
      %ne3A_710 = arith.cmpi ne, %rem3A_708, %ne3A_709 : i32
      %lt3A_711 = arith.constant 0 : i32
      %lt3A_712 = arith.cmpi slt, %rem3A_708, %lt3A_711 : i32
      %lt3A_713 = arith.constant 0 : i32
      %lt3A_714 = arith.cmpi slt, %select_n3A_707, %lt3A_713 : i32
      %ne3A_715 = arith.xori %lt3A_712, %lt3A_714 : i1
      %and3A_716 = arith.andi %ne3A_715, %ne3A_710 : i1
      %add3A_717 = arith.addi %rem3A_708, %select_n3A_707 : i32
      %select_n3A_718 = arith.select %and3A_716, %add3A_717, %rem3A_708 : i32
      %mul3A_719 = arith.constant 112 : i32
      %mul3A_720 = arith.muli %select_n3A_718, %mul3A_719 : i32
      %jit3A_721 = arith.constant 192 : i32
      %div3A_722 = arith.divsi %select_n3A_701, %jit3A_721 : i32
      %sign3A_723 = arith.constant 0 : i32
      %sign3A_724 = arith.cmpi sgt, %select_n3A_701, %sign3A_723 : i32
      %sign3A_725 = arith.extui %sign3A_724 : i1 to i32
      %sign3A_726 = arith.constant 0 : i32
      %sign3A_727 = arith.cmpi slt, %select_n3A_701, %sign3A_726 : i32
      %sign3A_728 = arith.extui %sign3A_727 : i1 to i32
      %sign3A_729 = arith.subi %sign3A_725, %sign3A_728 : i32
      %sign3A_730 = arith.constant 0 : i32
      %sign3A_731 = arith.cmpi sgt, %jit3A_721, %sign3A_730 : i32
      %sign3A_732 = arith.extui %sign3A_731 : i1 to i32
      %sign3A_733 = arith.constant 0 : i32
      %sign3A_734 = arith.cmpi slt, %jit3A_721, %sign3A_733 : i32
      %sign3A_735 = arith.extui %sign3A_734 : i1 to i32
      %sign3A_736 = arith.subi %sign3A_732, %sign3A_735 : i32
      %ne3A_737 = arith.cmpi ne, %sign3A_729, %sign3A_736 : i32
      %rem3A_738 = arith.remsi %select_n3A_701, %jit3A_721 : i32
      %ne3A_739 = arith.constant 0 : i32
      %ne3A_740 = arith.cmpi ne, %rem3A_738, %ne3A_739 : i32
      %and3A_741 = arith.andi %ne3A_737, %ne3A_740 : i1
      %sub3A_742 = arith.constant 1 : i32
      %sub3A_743 = arith.subi %div3A_722, %sub3A_742 : i32
      %select_n3A_744 = arith.select %and3A_741, %sub3A_743, %div3A_722 : i32
      %jit3A_745 = arith.constant 192 : i32
      %eq3A_746 = arith.constant 0 : i32
      %eq3A_747 = arith.cmpi eq, %jit3A_745, %eq3A_746 : i32
      %jit3A_748 = arith.constant 1 : i32
      %select_n3A_749 = arith.select %eq3A_747, %jit3A_748, %jit3A_745 : i32
      %rem3A_750 = arith.remsi %select_n3A_701, %select_n3A_749 : i32
      %ne3A_751 = arith.constant 0 : i32
      %ne3A_752 = arith.cmpi ne, %rem3A_750, %ne3A_751 : i32
      %lt3A_753 = arith.constant 0 : i32
      %lt3A_754 = arith.cmpi slt, %rem3A_750, %lt3A_753 : i32
      %lt3A_755 = arith.constant 0 : i32
      %lt3A_756 = arith.cmpi slt, %select_n3A_749, %lt3A_755 : i32
      %ne3A_757 = arith.xori %lt3A_754, %lt3A_756 : i1
      %and3A_758 = arith.andi %ne3A_757, %ne3A_752 : i1
      %add3A_759 = arith.addi %rem3A_750, %select_n3A_749 : i32
      %select_n3A_760 = arith.select %and3A_758, %add3A_759, %rem3A_750 : i32
      %mul3A_761 = arith.constant 65 : i32
      %mul3A_762 = arith.muli %select_n3A_760, %mul3A_761 : i32
      %dma_wait3A_763 = arith.constant 0 : i32
      %dma_wait3A_764 = tpu.memref_slice %arg2[%select_n3A_744, %select_n3A_760, %mul3A_720, %dma_wait3A_763] : memref<4x192x224x224xf32, #tpu.memory_space<hbm>> -> memref<1x1x112x224xf32, #tpu.memory_space<hbm>>
      %dma_wait3A_765 = tpu.memref_squeeze %dma_wait3A_764 : memref<1x1x112x224xf32, #tpu.memory_space<hbm>> -> memref<112x224xf32, #tpu.memory_space<hbm>>
      %dma_wait3A_766 = arith.constant 0 : i32
      %dma_wait3A_767 = tpu.memref_slice %arg2[%select_n3A_744, %select_n3A_760, %mul3A_720, %dma_wait3A_766] : memref<4x192x224x224xf32, #tpu.memory_space<hbm>> -> memref<1x1x112x224xf32, #tpu.memory_space<hbm>>
      %dma_wait3A_768 = tpu.memref_squeeze %dma_wait3A_767 : memref<1x1x112x224xf32, #tpu.memory_space<hbm>> -> memref<112x224xf32, #tpu.memory_space<hbm>>
      tpu.wait_dma2 semaphore(%arg15 : memref<!tpu.dma_semaphore, #tpu.memory_space<semaphore_mem>>) src(%dma_wait3A_768 : memref<112x224xf32, #tpu.memory_space<hbm>>) dst(%arg12 : memref<112x224xf32, #tpu.memory_space<vmem>>)
      %parallel_loop3A_769 = arith.constant 0 : i32
      %parallel_loop3A_770 = arith.constant 112 : i32
      %parallel_loop3A_771 = arith.constant 1 : i32
      scf.for %parallel_loop3A_875 = %parallel_loop3A_769 to %parallel_loop3A_770 step %parallel_loop3A_771  : i32 {
        %parallel_loop3A_876 = arith.index_cast %parallel_loop3A_875 : i32 to index
        %parallel_loop3A_877 = arith.constant 0 : index
        %parallel_loop3A_878 = tpu.vector_load %arg12[%parallel_loop3A_876, %parallel_loop3A_877] {strides = array<i32>} : memref<112x224xf32, #tpu.memory_space<vmem>>, vector<16xf32>,
        %parallel_loop3A_879 = arith.constant 3.200000e+01 : f32
        %parallel_loop3A_880 = vector.broadcast %parallel_loop3A_879 : f32 to vector<16xf32>
        %parallel_loop3A_881 = arith.mulf %parallel_loop3A_878, %parallel_loop3A_880 : vector<16xf32>
        %parallel_loop3A_882 = arith.constant 3.200000e+01 : f32
        %parallel_loop3A_883 = vector.broadcast %parallel_loop3A_882 : f32 to vector<16xf32>
        %parallel_loop3A_884 = arith.addf %parallel_loop3A_881, %parallel_loop3A_883 : vector<16xf32>
        %parallel_loop3A_885 = arith.constant 0.000000e+00 : f32
        %parallel_loop3A_886 = vector.broadcast %parallel_loop3A_885 : f32 to vector<16xf32>
        %parallel_loop3A_887 = arith.maximumf %parallel_loop3A_884, %parallel_loop3A_886 : vector<16xf32>
        %parallel_loop3A_888 = arith.constant 6.200000e+01 : f32
        %parallel_loop3A_889 = vector.broadcast %parallel_loop3A_888 : f32 to vector<16xf32>
        %parallel_loop3A_890 = arith.minimumf %parallel_loop3A_887, %parallel_loop3A_889 : vector<16xf32>
        %parallel_loop3A_891 = arith.fptosi %parallel_loop3A_890 : vector<16xf32> to vector<16xi32>
        %parallel_loop3A_892 = arith.sitofp %parallel_loop3A_891 : vector<16xi32> to vector<16xf32>
        %parallel_loop3A_893 = arith.subf %parallel_loop3A_884, %parallel_loop3A_892 : vector<16xf32>
        %parallel_loop3A_894 = vector.broadcast %mul3A_762 : i32 to vector<16xi32>
        %parallel_loop3A_895 = arith.addi %parallel_loop3A_891, %parallel_loop3A_894 : vector<16xi32>
        %parallel_loop3A_896 = tpu.vector_load_idx %arg7[%parallel_loop3A_895] : memref<12480xf32, #tpu.memory_space<vmem>>[vector<16xi32>], vector<16xf32>,
        %parallel_loop3A_897 = tpu.vector_load_idx %arg8[%parallel_loop3A_895] : memref<12480xf32, #tpu.memory_space<vmem>>[vector<16xi32>], vector<16xf32>,
        %parallel_loop3A_898 = tpu.vector_load_idx %arg9[%parallel_loop3A_895] : memref<12480xf32, #tpu.memory_space<vmem>>[vector<16xi32>], vector<16xf32>,
        %parallel_loop3A_899 = arith.mulf %parallel_loop3A_893, %parallel_loop3A_898 : vector<16xf32>
        %parallel_loop3A_900 = arith.addf %parallel_loop3A_897, %parallel_loop3A_899 : vector<16xf32>
        %parallel_loop3A_901 = arith.mulf %parallel_loop3A_893, %parallel_loop3A_900 : vector<16xf32>
        %parallel_loop3A_902 = arith.addf %parallel_loop3A_896, %parallel_loop3A_901 : vector<16xf32>
        %parallel_loop3A_903 = arith.index_cast %parallel_loop3A_875 : i32 to index
        %parallel_loop3A_904 = arith.constant 0 : index
        %parallel_loop3A_905 = tpu.vector_load %arg12[%parallel_loop3A_903, %parallel_loop3A_904] {strides = array<i32>} : memref<112x224xf32, #tpu.memory_space<vmem>>, vector<16xf32>,
        tpu.vector_store %arg12[%parallel_loop3A_903, %parallel_loop3A_904], %parallel_loop3A_902 {strides = array<i32>} : memref<112x224xf32, #tpu.memory_space<vmem>>, vector<16xf32>,
        %parallel_loop3A_906 = arith.index_cast %parallel_loop3A_875 : i32 to index
        %parallel_loop3A_907 = arith.constant 16 : index
        %parallel_loop3A_908 = tpu.vector_load %arg12[%parallel_loop3A_906, %parallel_loop3A_907] {strides = array<i32>} : memref<112x224xf32, #tpu.memory_space<vmem>>, vector<16xf32>,
        %parallel_loop3A_909 = arith.constant 3.200000e+01 : f32
        %parallel_loop3A_910 = vector.broadcast %parallel_loop3A_909 : f32 to vector<16xf32>
        %parallel_loop3A_911 = arith.mulf %parallel_loop3A_908, %parallel_loop3A_910 : vector<16xf32>
        %parallel_loop3A_912 = arith.constant 3.200000e+01 : f32
        %parallel_loop3A_913 = vector.broadcast %parallel_loop3A_912 : f32 to vector<16xf32>
        %parallel_loop3A_914 = arith.addf %parallel_loop3A_911, %parallel_loop3A_913 : vector<16xf32>
        %parallel_loop3A_915 = arith.constant 0.000000e+00 : f32
        %parallel_loop3A_916 = vector.broadcast %parallel_loop3A_915 : f32 to vector<16xf32>
        %parallel_loop3A_917 = arith.maximumf %parallel_loop3A_914, %parallel_loop3A_916 : vector<16xf32>
        %parallel_loop3A_918 = arith.constant 6.200000e+01 : f32
        %parallel_loop3A_919 = vector.broadcast %parallel_loop3A_918 : f32 to vector<16xf32>
        %parallel_loop3A_920 = arith.minimumf %parallel_loop3A_917, %parallel_loop3A_919 : vector<16xf32>
        %parallel_loop3A_921 = arith.fptosi %parallel_loop3A_920 : vector<16xf32> to vector<16xi32>
        %parallel_loop3A_922 = arith.sitofp %parallel_loop3A_921 : vector<16xi32> to vector<16xf32>
        %parallel_loop3A_923 = arith.subf %parallel_loop3A_914, %parallel_loop3A_922 : vector<16xf32>
        %parallel_loop3A_924 = vector.broadcast %mul3A_762 : i32 to vector<16xi32>
        %parallel_loop3A_925 = arith.addi %parallel_loop3A_921, %parallel_loop3A_924 : vector<16xi32>
        %parallel_loop3A_926 = tpu.vector_load_idx %arg7[%parallel_loop3A_925] : memref<12480xf32, #tpu.memory_space<vmem>>[vector<16xi32>], vector<16xf32>,
        %parallel_loop3A_927 = tpu.vector_load_idx %arg8[%parallel_loop3A_925] : memref<12480xf32, #tpu.memory_space<vmem>>[vector<16xi32>], vector<16xf32>,
        %parallel_loop3A_928 = tpu.vector_load_idx %arg9[%parallel_loop3A_925] : memref<12480xf32, #tpu.memory_space<vmem>>[vector<16xi32>], vector<16xf32>,
        %parallel_loop3A_929 = arith.mulf %parallel_loop3A_923, %parallel_loop3A_928 : vector<16xf32>
        %parallel_loop3A_930 = arith.addf %parallel_loop3A_927, %parallel_loop3A_929 : vector<16xf32>
        %parallel_loop3A_931 = arith.mulf %parallel_loop3A_923, %parallel_loop3A_930 : vector<16xf32>
        %parallel_loop3A_932 = arith.addf %parallel_loop3A_926, %parallel_loop3A_931 : vector<16xf32>
        %parallel_loop3A_933 = arith.index_cast %parallel_loop3A_875 : i32 to index
        %parallel_loop3A_934 = arith.constant 16 : index
        %parallel_loop3A_935 = tpu.vector_load %arg12[%parallel_loop3A_933, %parallel_loop3A_934] {strides = array<i32>} : memref<112x224xf32, #tpu.memory_space<vmem>>, vector<16xf32>,
        tpu.vector_store %arg12[%parallel_loop3A_933, %parallel_loop3A_934], %parallel_loop3A_932 {strides = array<i32>} : memref<112x224xf32, #tpu.memory_space<vmem>>, vector<16xf32>,
        %parallel_loop3A_936 = arith.index_cast %parallel_loop3A_875 : i32 to index
        %parallel_loop3A_937 = arith.constant 32 : index
        %parallel_loop3A_938 = tpu.vector_load %arg12[%parallel_loop3A_936, %parallel_loop3A_937] {strides = array<i32>} : memref<112x224xf32, #tpu.memory_space<vmem>>, vector<16xf32>,
        %parallel_loop3A_939 = arith.constant 3.200000e+01 : f32
        %parallel_loop3A_940 = vector.broadcast %parallel_loop3A_939 : f32 to vector<16xf32>
        %parallel_loop3A_941 = arith.mulf %parallel_loop3A_938, %parallel_loop3A_940 : vector<16xf32>
        %parallel_loop3A_942 = arith.constant 3.200000e+01 : f32
        %parallel_loop3A_943 = vector.broadcast %parallel_loop3A_942 : f32 to vector<16xf32>
        %parallel_loop3A_944 = arith.addf %parallel_loop3A_941, %parallel_loop3A_943 : vector<16xf32>
        %parallel_loop3A_945 = arith.constant 0.000000e+00 : f32
        %parallel_loop3A_946 = vector.broadcast %parallel_loop3A_945 : f32 to vector<16xf32>
        %parallel_loop3A_947 = arith.maximumf %parallel_loop3A_944, %parallel_loop3A_946 : vector<16xf32>
        %parallel_loop3A_948 = arith.constant 6.200000e+01 : f32
        %parallel_loop3A_949 = vector.broadcast %parallel_loop3A_948 : f32 to vector<16xf32>
        %parallel_loop3A_950 = arith.minimumf %parallel_loop3A_947, %parallel_loop3A_949 : vector<16xf32>
        %parallel_loop3A_951 = arith.fptosi %parallel_loop3A_950 : vector<16xf32> to vector<16xi32>
        %parallel_loop3A_952 = arith.sitofp %parallel_loop3A_951 : vector<16xi32> to vector<16xf32>
        %parallel_loop3A_953 = arith.subf %parallel_loop3A_944, %parallel_loop3A_952 : vector<16xf32>
        %parallel_loop3A_954 = vector.broadcast %mul3A_762 : i32 to vector<16xi32>
        %parallel_loop3A_955 = arith.addi %parallel_loop3A_951, %parallel_loop3A_954 : vector<16xi32>
        %parallel_loop3A_956 = tpu.vector_load_idx %arg7[%parallel_loop3A_955] : memref<12480xf32, #tpu.memory_space<vmem>>[vector<16xi32>], vector<16xf32>,
        %parallel_loop3A_957 = tpu.vector_load_idx %arg8[%parallel_loop3A_955] : memref<12480xf32, #tpu.memory_space<vmem>>[vector<16xi32>], vector<16xf32>,
        %parallel_loop3A_958 = tpu.vector_load_idx %arg9[%parallel_loop3A_955] : memref<12480xf32, #tpu.memory_space<vmem>>[vector<16xi32>], vector<16xf32>,
        %parallel_loop3A_959 = arith.mulf %parallel_loop3A_953, %parallel_loop3A_958 : vector<16xf32>
        %parallel_loop3A_960 = arith.addf %parallel_loop3A_957, %parallel_loop3A_959 : vector<16xf32>
        %parallel_loop3A_961 = arith.mulf %parallel_loop3A_953, %parallel_loop3A_960 : vector<16xf32>
        %parallel_loop3A_962 = arith.addf %parallel_loop3A_956, %parallel_loop3A_961 : vector<16xf32>
        %parallel_loop3A_963 = arith.index_cast %parallel_loop3A_875 : i32 to index
        %parallel_loop3A_964 = arith.constant 32 : index
        %parallel_loop3A_965 = tpu.vector_load %arg12[%parallel_loop3A_963, %parallel_loop3A_964] {strides = array<i32>} : memref<112x224xf32, #tpu.memory_space<vmem>>, vector<16xf32>,
        tpu.vector_store %arg12[%parallel_loop3A_963, %parallel_loop3A_964], %parallel_loop3A_962 {strides = array<i32>} : memref<112x224xf32, #tpu.memory_space<vmem>>, vector<16xf32>,
        %parallel_loop3A_966 = arith.index_cast %parallel_loop3A_875 : i32 to index
        %parallel_loop3A_967 = arith.constant 48 : index
        %parallel_loop3A_968 = tpu.vector_load %arg12[%parallel_loop3A_966, %parallel_loop3A_967] {strides = array<i32>} : memref<112x224xf32, #tpu.memory_space<vmem>>, vector<16xf32>,
        %parallel_loop3A_969 = arith.constant 3.200000e+01 : f32
        %parallel_loop3A_970 = vector.broadcast %parallel_loop3A_969 : f32 to vector<16xf32>
        %parallel_loop3A_971 = arith.mulf %parallel_loop3A_968, %parallel_loop3A_970 : vector<16xf32>
        %parallel_loop3A_972 = arith.constant 3.200000e+01 : f32
        %parallel_loop3A_973 = vector.broadcast %parallel_loop3A_972 : f32 to vector<16xf32>
        %parallel_loop3A_974 = arith.addf %parallel_loop3A_971, %parallel_loop3A_973 : vector<16xf32>
        %parallel_loop3A_975 = arith.constant 0.000000e+00 : f32
        %parallel_loop3A_976 = vector.broadcast %parallel_loop3A_975 : f32 to vector<16xf32>
        %parallel_loop3A_977 = arith.maximumf %parallel_loop3A_974, %parallel_loop3A_976 : vector<16xf32>
        %parallel_loop3A_978 = arith.constant 6.200000e+01 : f32
        %parallel_loop3A_979 = vector.broadcast %parallel_loop3A_978 : f32 to vector<16xf32>
        %parallel_loop3A_980 = arith.minimumf %parallel_loop3A_977, %parallel_loop3A_979 : vector<16xf32>
        %parallel_loop3A_981 = arith.fptosi %parallel_loop3A_980 : vector<16xf32> to vector<16xi32>
        %parallel_loop3A_982 = arith.sitofp %parallel_loop3A_981 : vector<16xi32> to vector<16xf32>
        %parallel_loop3A_983 = arith.subf %parallel_loop3A_974, %parallel_loop3A_982 : vector<16xf32>
        %parallel_loop3A_984 = vector.broadcast %mul3A_762 : i32 to vector<16xi32>
        %parallel_loop3A_985 = arith.addi %parallel_loop3A_981, %parallel_loop3A_984 : vector<16xi32>
        %parallel_loop3A_986 = tpu.vector_load_idx %arg7[%parallel_loop3A_985] : memref<12480xf32, #tpu.memory_space<vmem>>[vector<16xi32>], vector<16xf32>,
        %parallel_loop3A_987 = tpu.vector_load_idx %arg8[%parallel_loop3A_985] : memref<12480xf32, #tpu.memory_space<vmem>>[vector<16xi32>], vector<16xf32>,
        %parallel_loop3A_988 = tpu.vector_load_idx %arg9[%parallel_loop3A_985] : memref<12480xf32, #tpu.memory_space<vmem>>[vector<16xi32>], vector<16xf32>,
        %parallel_loop3A_989 = arith.mulf %parallel_loop3A_983, %parallel_loop3A_988 : vector<16xf32>
        %parallel_loop3A_990 = arith.addf %parallel_loop3A_987, %parallel_loop3A_989 : vector<16xf32>
        %parallel_loop3A_991 = arith.mulf %parallel_loop3A_983, %parallel_loop3A_990 : vector<16xf32>
        %parallel_loop3A_992 = arith.addf %parallel_loop3A_986, %parallel_loop3A_991 : vector<16xf32>
        %parallel_loop3A_993 = arith.index_cast %parallel_loop3A_875 : i32 to index
        %parallel_loop3A_994 = arith.constant 48 : index
        %parallel_loop3A_995 = tpu.vector_load %arg12[%parallel_loop3A_993, %parallel_loop3A_994] {strides = array<i32>} : memref<112x224xf32, #tpu.memory_space<vmem>>, vector<16xf32>,
        tpu.vector_store %arg12[%parallel_loop3A_993, %parallel_loop3A_994], %parallel_loop3A_992 {strides = array<i32>} : memref<112x224xf32, #tpu.memory_space<vmem>>, vector<16xf32>,
        %parallel_loop3A_996 = arith.index_cast %parallel_loop3A_875 : i32 to index
        %parallel_loop3A_997 = arith.constant 64 : index
        %parallel_loop3A_998 = tpu.vector_load %arg12[%parallel_loop3A_996, %parallel_loop3A_997] {strides = array<i32>} : memref<112x224xf32, #tpu.memory_space<vmem>>, vector<16xf32>,
        %parallel_loop3A_999 = arith.constant 3.200000e+01 : f32
        %parallel_loop3A_1000 = vector.broadcast %parallel_loop3A_999 : f32 to vector<16xf32>
        %parallel_loop3A_1001 = arith.mulf %parallel_loop3A_998, %parallel_loop3A_1000 : vector<16xf32>
        %parallel_loop3A_1002 = arith.constant 3.200000e+01 : f32
        %parallel_loop3A_1003 = vector.broadcast %parallel_loop3A_1002 : f32 to vector<16xf32>
        %parallel_loop3A_1004 = arith.addf %parallel_loop3A_1001, %parallel_loop3A_1003 : vector<16xf32>
        %parallel_loop3A_1005 = arith.constant 0.000000e+00 : f32
        %parallel_loop3A_1006 = vector.broadcast %parallel_loop3A_1005 : f32 to vector<16xf32>
        %parallel_loop3A_1007 = arith.maximumf %parallel_loop3A_1004, %parallel_loop3A_1006 : vector<16xf32>
        %parallel_loop3A_1008 = arith.constant 6.200000e+01 : f32
        %parallel_loop3A_1009 = vector.broadcast %parallel_loop3A_1008 : f32 to vector<16xf32>
        %parallel_loop3A_1010 = arith.minimumf %parallel_loop3A_1007, %parallel_loop3A_1009 : vector<16xf32>
        %parallel_loop3A_1011 = arith.fptosi %parallel_loop3A_1010 : vector<16xf32> to vector<16xi32>
        %parallel_loop3A_1012 = arith.sitofp %parallel_loop3A_1011 : vector<16xi32> to vector<16xf32>
        %parallel_loop3A_1013 = arith.subf %parallel_loop3A_1004, %parallel_loop3A_1012 : vector<16xf32>
        %parallel_loop3A_1014 = vector.broadcast %mul3A_762 : i32 to vector<16xi32>
        %parallel_loop3A_1015 = arith.addi %parallel_loop3A_1011, %parallel_loop3A_1014 : vector<16xi32>
        %parallel_loop3A_1016 = tpu.vector_load_idx %arg7[%parallel_loop3A_1015] : memref<12480xf32, #tpu.memory_space<vmem>>[vector<16xi32>], vector<16xf32>,
        %parallel_loop3A_1017 = tpu.vector_load_idx %arg8[%parallel_loop3A_1015] : memref<12480xf32, #tpu.memory_space<vmem>>[vector<16xi32>], vector<16xf32>,
        %parallel_loop3A_1018 = tpu.vector_load_idx %arg9[%parallel_loop3A_1015] : memref<12480xf32, #tpu.memory_space<vmem>>[vector<16xi32>], vector<16xf32>,
        %parallel_loop3A_1019 = arith.mulf %parallel_loop3A_1013, %parallel_loop3A_1018 : vector<16xf32>
        %parallel_loop3A_1020 = arith.addf %parallel_loop3A_1017, %parallel_loop3A_1019 : vector<16xf32>
        %parallel_loop3A_1021 = arith.mulf %parallel_loop3A_1013, %parallel_loop3A_1020 : vector<16xf32>
        %parallel_loop3A_1022 = arith.addf %parallel_loop3A_1016, %parallel_loop3A_1021 : vector<16xf32>
        %parallel_loop3A_1023 = arith.index_cast %parallel_loop3A_875 : i32 to index
        %parallel_loop3A_1024 = arith.constant 64 : index
        %parallel_loop3A_1025 = tpu.vector_load %arg12[%parallel_loop3A_1023, %parallel_loop3A_1024] {strides = array<i32>} : memref<112x224xf32, #tpu.memory_space<vmem>>, vector<16xf32>,
        tpu.vector_store %arg12[%parallel_loop3A_1023, %parallel_loop3A_1024], %parallel_loop3A_1022 {strides = array<i32>} : memref<112x224xf32, #tpu.memory_space<vmem>>, vector<16xf32>,
        %parallel_loop3A_1026 = arith.index_cast %parallel_loop3A_875 : i32 to index
        %parallel_loop3A_1027 = arith.constant 80 : index
        %parallel_loop3A_1028 = tpu.vector_load %arg12[%parallel_loop3A_1026, %parallel_loop3A_1027] {strides = array<i32>} : memref<112x224xf32, #tpu.memory_space<vmem>>, vector<16xf32>,
        %parallel_loop3A_1029 = arith.constant 3.200000e+01 : f32
        %parallel_loop3A_1030 = vector.broadcast %parallel_loop3A_1029 : f32 to vector<16xf32>
        %parallel_loop3A_1031 = arith.mulf %parallel_loop3A_1028, %parallel_loop3A_1030 : vector<16xf32>
        %parallel_loop3A_1032 = arith.constant 3.200000e+01 : f32
        %parallel_loop3A_1033 = vector.broadcast %parallel_loop3A_1032 : f32 to vector<16xf32>
        %parallel_loop3A_1034 = arith.addf %parallel_loop3A_1031, %parallel_loop3A_1033 : vector<16xf32>
        %parallel_loop3A_1035 = arith.constant 0.000000e+00 : f32
        %parallel_loop3A_1036 = vector.broadcast %parallel_loop3A_1035 : f32 to vector<16xf32>
        %parallel_loop3A_1037 = arith.maximumf %parallel_loop3A_1034, %parallel_loop3A_1036 : vector<16xf32>
        %parallel_loop3A_1038 = arith.constant 6.200000e+01 : f32
        %parallel_loop3A_1039 = vector.broadcast %parallel_loop3A_1038 : f32 to vector<16xf32>
        %parallel_loop3A_1040 = arith.minimumf %parallel_loop3A_1037, %parallel_loop3A_1039 : vector<16xf32>
        %parallel_loop3A_1041 = arith.fptosi %parallel_loop3A_1040 : vector<16xf32> to vector<16xi32>
        %parallel_loop3A_1042 = arith.sitofp %parallel_loop3A_1041 : vector<16xi32> to vector<16xf32>
        %parallel_loop3A_1043 = arith.subf %parallel_loop3A_1034, %parallel_loop3A_1042 : vector<16xf32>
        %parallel_loop3A_1044 = vector.broadcast %mul3A_762 : i32 to vector<16xi32>
        %parallel_loop3A_1045 = arith.addi %parallel_loop3A_1041, %parallel_loop3A_1044 : vector<16xi32>
        %parallel_loop3A_1046 = tpu.vector_load_idx %arg7[%parallel_loop3A_1045] : memref<12480xf32, #tpu.memory_space<vmem>>[vector<16xi32>], vector<16xf32>,
        %parallel_loop3A_1047 = tpu.vector_load_idx %arg8[%parallel_loop3A_1045] : memref<12480xf32, #tpu.memory_space<vmem>>[vector<16xi32>], vector<16xf32>,
        %parallel_loop3A_1048 = tpu.vector_load_idx %arg9[%parallel_loop3A_1045] : memref<12480xf32, #tpu.memory_space<vmem>>[vector<16xi32>], vector<16xf32>,
        %parallel_loop3A_1049 = arith.mulf %parallel_loop3A_1043, %parallel_loop3A_1048 : vector<16xf32>
        %parallel_loop3A_1050 = arith.addf %parallel_loop3A_1047, %parallel_loop3A_1049 : vector<16xf32>
        %parallel_loop3A_1051 = arith.mulf %parallel_loop3A_1043, %parallel_loop3A_1050 : vector<16xf32>
        %parallel_loop3A_1052 = arith.addf %parallel_loop3A_1046, %parallel_loop3A_1051 : vector<16xf32>
        %parallel_loop3A_1053 = arith.index_cast %parallel_loop3A_875 : i32 to index
        %parallel_loop3A_1054 = arith.constant 80 : index
        %parallel_loop3A_1055 = tpu.vector_load %arg12[%parallel_loop3A_1053, %parallel_loop3A_1054] {strides = array<i32>} : memref<112x224xf32, #tpu.memory_space<vmem>>, vector<16xf32>,
        tpu.vector_store %arg12[%parallel_loop3A_1053, %parallel_loop3A_1054], %parallel_loop3A_1052 {strides = array<i32>} : memref<112x224xf32, #tpu.memory_space<vmem>>, vector<16xf32>,
        %parallel_loop3A_1056 = arith.index_cast %parallel_loop3A_875 : i32 to index
        %parallel_loop3A_1057 = arith.constant 96 : index
        %parallel_loop3A_1058 = tpu.vector_load %arg12[%parallel_loop3A_1056, %parallel_loop3A_1057] {strides = array<i32>} : memref<112x224xf32, #tpu.memory_space<vmem>>, vector<16xf32>,
        %parallel_loop3A_1059 = arith.constant 3.200000e+01 : f32
        %parallel_loop3A_1060 = vector.broadcast %parallel_loop3A_1059 : f32 to vector<16xf32>
        %parallel_loop3A_1061 = arith.mulf %parallel_loop3A_1058, %parallel_loop3A_1060 : vector<16xf32>
        %parallel_loop3A_1062 = arith.constant 3.200000e+01 : f32
        %parallel_loop3A_1063 = vector.broadcast %parallel_loop3A_1062 : f32 to vector<16xf32>
        %parallel_loop3A_1064 = arith.addf %parallel_loop3A_1061, %parallel_loop3A_1063 : vector<16xf32>
        %parallel_loop3A_1065 = arith.constant 0.000000e+00 : f32
        %parallel_loop3A_1066 = vector.broadcast %parallel_loop3A_1065 : f32 to vector<16xf32>
        %parallel_loop3A_1067 = arith.maximumf %parallel_loop3A_1064, %parallel_loop3A_1066 : vector<16xf32>
        %parallel_loop3A_1068 = arith.constant 6.200000e+01 : f32
        %parallel_loop3A_1069 = vector.broadcast %parallel_loop3A_1068 : f32 to vector<16xf32>
        %parallel_loop3A_1070 = arith.minimumf %parallel_loop3A_1067, %parallel_loop3A_1069 : vector<16xf32>
        %parallel_loop3A_1071 = arith.fptosi %parallel_loop3A_1070 : vector<16xf32> to vector<16xi32>
        %parallel_loop3A_1072 = arith.sitofp %parallel_loop3A_1071 : vector<16xi32> to vector<16xf32>
        %parallel_loop3A_1073 = arith.subf %parallel_loop3A_1064, %parallel_loop3A_1072 : vector<16xf32>
        %parallel_loop3A_1074 = vector.broadcast %mul3A_762 : i32 to vector<16xi32>
        %parallel_loop3A_1075 = arith.addi %parallel_loop3A_1071, %parallel_loop3A_1074 : vector<16xi32>
        %parallel_loop3A_1076 = tpu.vector_load_idx %arg7[%parallel_loop3A_1075] : memref<12480xf32, #tpu.memory_space<vmem>>[vector<16xi32>], vector<16xf32>,
        %parallel_loop3A_1077 = tpu.vector_load_idx %arg8[%parallel_loop3A_1075] : memref<12480xf32, #tpu.memory_space<vmem>>[vector<16xi32>], vector<16xf32>,
        %parallel_loop3A_1078 = tpu.vector_load_idx %arg9[%parallel_loop3A_1075] : memref<12480xf32, #tpu.memory_space<vmem>>[vector<16xi32>], vector<16xf32>,
        %parallel_loop3A_1079 = arith.mulf %parallel_loop3A_1073, %parallel_loop3A_1078 : vector<16xf32>
        %parallel_loop3A_1080 = arith.addf %parallel_loop3A_1077, %parallel_loop3A_1079 : vector<16xf32>
        %parallel_loop3A_1081 = arith.mulf %parallel_loop3A_1073, %parallel_loop3A_1080 : vector<16xf32>
        %parallel_loop3A_1082 = arith.addf %parallel_loop3A_1076, %parallel_loop3A_1081 : vector<16xf32>
        %parallel_loop3A_1083 = arith.index_cast %parallel_loop3A_875 : i32 to index
        %parallel_loop3A_1084 = arith.constant 96 : index
        %parallel_loop3A_1085 = tpu.vector_load %arg12[%parallel_loop3A_1083, %parallel_loop3A_1084] {strides = array<i32>} : memref<112x224xf32, #tpu.memory_space<vmem>>, vector<16xf32>,
        tpu.vector_store %arg12[%parallel_loop3A_1083, %parallel_loop3A_1084], %parallel_loop3A_1082 {strides = array<i32>} : memref<112x224xf32, #tpu.memory_space<vmem>>, vector<16xf32>,
        %parallel_loop3A_1086 = arith.index_cast %parallel_loop3A_875 : i32 to index
        %parallel_loop3A_1087 = arith.constant 112 : index
        %parallel_loop3A_1088 = tpu.vector_load %arg12[%parallel_loop3A_1086, %parallel_loop3A_1087] {strides = array<i32>} : memref<112x224xf32, #tpu.memory_space<vmem>>, vector<16xf32>,
        %parallel_loop3A_1089 = arith.constant 3.200000e+01 : f32
        %parallel_loop3A_1090 = vector.broadcast %parallel_loop3A_1089 : f32 to vector<16xf32>
        %parallel_loop3A_1091 = arith.mulf %parallel_loop3A_1088, %parallel_loop3A_1090 : vector<16xf32>
        %parallel_loop3A_1092 = arith.constant 3.200000e+01 : f32
        %parallel_loop3A_1093 = vector.broadcast %parallel_loop3A_1092 : f32 to vector<16xf32>
        %parallel_loop3A_1094 = arith.addf %parallel_loop3A_1091, %parallel_loop3A_1093 : vector<16xf32>
        %parallel_loop3A_1095 = arith.constant 0.000000e+00 : f32
        %parallel_loop3A_1096 = vector.broadcast %parallel_loop3A_1095 : f32 to vector<16xf32>
        %parallel_loop3A_1097 = arith.maximumf %parallel_loop3A_1094, %parallel_loop3A_1096 : vector<16xf32>
        %parallel_loop3A_1098 = arith.constant 6.200000e+01 : f32
        %parallel_loop3A_1099 = vector.broadcast %parallel_loop3A_1098 : f32 to vector<16xf32>
        %parallel_loop3A_1100 = arith.minimumf %parallel_loop3A_1097, %parallel_loop3A_1099 : vector<16xf32>
        %parallel_loop3A_1101 = arith.fptosi %parallel_loop3A_1100 : vector<16xf32> to vector<16xi32>
        %parallel_loop3A_1102 = arith.sitofp %parallel_loop3A_1101 : vector<16xi32> to vector<16xf32>
        %parallel_loop3A_1103 = arith.subf %parallel_loop3A_1094, %parallel_loop3A_1102 : vector<16xf32>
        %parallel_loop3A_1104 = vector.broadcast %mul3A_762 : i32 to vector<16xi32>
        %parallel_loop3A_1105 = arith.addi %parallel_loop3A_1101, %parallel_loop3A_1104 : vector<16xi32>
        %parallel_loop3A_1106 = tpu.vector_load_idx %arg7[%parallel_loop3A_1105] : memref<12480xf32, #tpu.memory_space<vmem>>[vector<16xi32>], vector<16xf32>,
        %parallel_loop3A_1107 = tpu.vector_load_idx %arg8[%parallel_loop3A_1105] : memref<12480xf32, #tpu.memory_space<vmem>>[vector<16xi32>], vector<16xf32>,
        %parallel_loop3A_1108 = tpu.vector_load_idx %arg9[%parallel_loop3A_1105] : memref<12480xf32, #tpu.memory_space<vmem>>[vector<16xi32>], vector<16xf32>,
        %parallel_loop3A_1109 = arith.mulf %parallel_loop3A_1103, %parallel_loop3A_1108 : vector<16xf32>
        %parallel_loop3A_1110 = arith.addf %parallel_loop3A_1107, %parallel_loop3A_1109 : vector<16xf32>
        %parallel_loop3A_1111 = arith.mulf %parallel_loop3A_1103, %parallel_loop3A_1110 : vector<16xf32>
        %parallel_loop3A_1112 = arith.addf %parallel_loop3A_1106, %parallel_loop3A_1111 : vector<16xf32>
        %parallel_loop3A_1113 = arith.index_cast %parallel_loop3A_875 : i32 to index
        %parallel_loop3A_1114 = arith.constant 112 : index
        %parallel_loop3A_1115 = tpu.vector_load %arg12[%parallel_loop3A_1113, %parallel_loop3A_1114] {strides = array<i32>} : memref<112x224xf32, #tpu.memory_space<vmem>>, vector<16xf32>,
        tpu.vector_store %arg12[%parallel_loop3A_1113, %parallel_loop3A_1114], %parallel_loop3A_1112 {strides = array<i32>} : memref<112x224xf32, #tpu.memory_space<vmem>>, vector<16xf32>,
        %parallel_loop3A_1116 = arith.index_cast %parallel_loop3A_875 : i32 to index
        %parallel_loop3A_1117 = arith.constant 128 : index
        %parallel_loop3A_1118 = tpu.vector_load %arg12[%parallel_loop3A_1116, %parallel_loop3A_1117] {strides = array<i32>} : memref<112x224xf32, #tpu.memory_space<vmem>>, vector<16xf32>,
        %parallel_loop3A_1119 = arith.constant 3.200000e+01 : f32
        %parallel_loop3A_1120 = vector.broadcast %parallel_loop3A_1119 : f32 to vector<16xf32>
        %parallel_loop3A_1121 = arith.mulf %parallel_loop3A_1118, %parallel_loop3A_1120 : vector<16xf32>
        %parallel_loop3A_1122 = arith.constant 3.200000e+01 : f32
        %parallel_loop3A_1123 = vector.broadcast %parallel_loop3A_1122 : f32 to vector<16xf32>
        %parallel_loop3A_1124 = arith.addf %parallel_loop3A_1121, %parallel_loop3A_1123 : vector<16xf32>
        %parallel_loop3A_1125 = arith.constant 0.000000e+00 : f32
        %parallel_loop3A_1126 = vector.broadcast %parallel_loop3A_1125 : f32 to vector<16xf32>
        %parallel_loop3A_1127 = arith.maximumf %parallel_loop3A_1124, %parallel_loop3A_1126 : vector<16xf32>
        %parallel_loop3A_1128 = arith.constant 6.200000e+01 : f32
        %parallel_loop3A_1129 = vector.broadcast %parallel_loop3A_1128 : f32 to vector<16xf32>
        %parallel_loop3A_1130 = arith.minimumf %parallel_loop3A_1127, %parallel_loop3A_1129 : vector<16xf32>
        %parallel_loop3A_1131 = arith.fptosi %parallel_loop3A_1130 : vector<16xf32> to vector<16xi32>
        %parallel_loop3A_1132 = arith.sitofp %parallel_loop3A_1131 : vector<16xi32> to vector<16xf32>
        %parallel_loop3A_1133 = arith.subf %parallel_loop3A_1124, %parallel_loop3A_1132 : vector<16xf32>
        %parallel_loop3A_1134 = vector.broadcast %mul3A_762 : i32 to vector<16xi32>
        %parallel_loop3A_1135 = arith.addi %parallel_loop3A_1131, %parallel_loop3A_1134 : vector<16xi32>
        %parallel_loop3A_1136 = tpu.vector_load_idx %arg7[%parallel_loop3A_1135] : memref<12480xf32, #tpu.memory_space<vmem>>[vector<16xi32>], vector<16xf32>,
        %parallel_loop3A_1137 = tpu.vector_load_idx %arg8[%parallel_loop3A_1135] : memref<12480xf32, #tpu.memory_space<vmem>>[vector<16xi32>], vector<16xf32>,
        %parallel_loop3A_1138 = tpu.vector_load_idx %arg9[%parallel_loop3A_1135] : memref<12480xf32, #tpu.memory_space<vmem>>[vector<16xi32>], vector<16xf32>,
        %parallel_loop3A_1139 = arith.mulf %parallel_loop3A_1133, %parallel_loop3A_1138 : vector<16xf32>
        %parallel_loop3A_1140 = arith.addf %parallel_loop3A_1137, %parallel_loop3A_1139 : vector<16xf32>
        %parallel_loop3A_1141 = arith.mulf %parallel_loop3A_1133, %parallel_loop3A_1140 : vector<16xf32>
        %parallel_loop3A_1142 = arith.addf %parallel_loop3A_1136, %parallel_loop3A_1141 : vector<16xf32>
        %parallel_loop3A_1143 = arith.index_cast %parallel_loop3A_875 : i32 to index
        %parallel_loop3A_1144 = arith.constant 128 : index
        %parallel_loop3A_1145 = tpu.vector_load %arg12[%parallel_loop3A_1143, %parallel_loop3A_1144] {strides = array<i32>} : memref<112x224xf32, #tpu.memory_space<vmem>>, vector<16xf32>,
        tpu.vector_store %arg12[%parallel_loop3A_1143, %parallel_loop3A_1144], %parallel_loop3A_1142 {strides = array<i32>} : memref<112x224xf32, #tpu.memory_space<vmem>>, vector<16xf32>,
        %parallel_loop3A_1146 = arith.index_cast %parallel_loop3A_875 : i32 to index
        %parallel_loop3A_1147 = arith.constant 144 : index
        %parallel_loop3A_1148 = tpu.vector_load %arg12[%parallel_loop3A_1146, %parallel_loop3A_1147] {strides = array<i32>} : memref<112x224xf32, #tpu.memory_space<vmem>>, vector<16xf32>,
        %parallel_loop3A_1149 = arith.constant 3.200000e+01 : f32
        %parallel_loop3A_1150 = vector.broadcast %parallel_loop3A_1149 : f32 to vector<16xf32>
        %parallel_loop3A_1151 = arith.mulf %parallel_loop3A_1148, %parallel_loop3A_1150 : vector<16xf32>
        %parallel_loop3A_1152 = arith.constant 3.200000e+01 : f32
        %parallel_loop3A_1153 = vector.broadcast %parallel_loop3A_1152 : f32 to vector<16xf32>
        %parallel_loop3A_1154 = arith.addf %parallel_loop3A_1151, %parallel_loop3A_1153 : vector<16xf32>
        %parallel_loop3A_1155 = arith.constant 0.000000e+00 : f32
        %parallel_loop3A_1156 = vector.broadcast %parallel_loop3A_1155 : f32 to vector<16xf32>
        %parallel_loop3A_1157 = arith.maximumf %parallel_loop3A_1154, %parallel_loop3A_1156 : vector<16xf32>
        %parallel_loop3A_1158 = arith.constant 6.200000e+01 : f32
        %parallel_loop3A_1159 = vector.broadcast %parallel_loop3A_1158 : f32 to vector<16xf32>
        %parallel_loop3A_1160 = arith.minimumf %parallel_loop3A_1157, %parallel_loop3A_1159 : vector<16xf32>
        %parallel_loop3A_1161 = arith.fptosi %parallel_loop3A_1160 : vector<16xf32> to vector<16xi32>
        %parallel_loop3A_1162 = arith.sitofp %parallel_loop3A_1161 : vector<16xi32> to vector<16xf32>
        %parallel_loop3A_1163 = arith.subf %parallel_loop3A_1154, %parallel_loop3A_1162 : vector<16xf32>
        %parallel_loop3A_1164 = vector.broadcast %mul3A_762 : i32 to vector<16xi32>
        %parallel_loop3A_1165 = arith.addi %parallel_loop3A_1161, %parallel_loop3A_1164 : vector<16xi32>
        %parallel_loop3A_1166 = tpu.vector_load_idx %arg7[%parallel_loop3A_1165] : memref<12480xf32, #tpu.memory_space<vmem>>[vector<16xi32>], vector<16xf32>,
        %parallel_loop3A_1167 = tpu.vector_load_idx %arg8[%parallel_loop3A_1165] : memref<12480xf32, #tpu.memory_space<vmem>>[vector<16xi32>], vector<16xf32>,
        %parallel_loop3A_1168 = tpu.vector_load_idx %arg9[%parallel_loop3A_1165] : memref<12480xf32, #tpu.memory_space<vmem>>[vector<16xi32>], vector<16xf32>,
        %parallel_loop3A_1169 = arith.mulf %parallel_loop3A_1163, %parallel_loop3A_1168 : vector<16xf32>
        %parallel_loop3A_1170 = arith.addf %parallel_loop3A_1167, %parallel_loop3A_1169 : vector<16xf32>
        %parallel_loop3A_1171 = arith.mulf %parallel_loop3A_1163, %parallel_loop3A_1170 : vector<16xf32>
        %parallel_loop3A_1172 = arith.addf %parallel_loop3A_1166, %parallel_loop3A_1171 : vector<16xf32>
        %parallel_loop3A_1173 = arith.index_cast %parallel_loop3A_875 : i32 to index
        %parallel_loop3A_1174 = arith.constant 144 : index
        %parallel_loop3A_1175 = tpu.vector_load %arg12[%parallel_loop3A_1173, %parallel_loop3A_1174] {strides = array<i32>} : memref<112x224xf32, #tpu.memory_space<vmem>>, vector<16xf32>,
        tpu.vector_store %arg12[%parallel_loop3A_1173, %parallel_loop3A_1174], %parallel_loop3A_1172 {strides = array<i32>} : memref<112x224xf32, #tpu.memory_space<vmem>>, vector<16xf32>,
        %parallel_loop3A_1176 = arith.index_cast %parallel_loop3A_875 : i32 to index
        %parallel_loop3A_1177 = arith.constant 160 : index
        %parallel_loop3A_1178 = tpu.vector_load %arg12[%parallel_loop3A_1176, %parallel_loop3A_1177] {strides = array<i32>} : memref<112x224xf32, #tpu.memory_space<vmem>>, vector<16xf32>,
        %parallel_loop3A_1179 = arith.constant 3.200000e+01 : f32
        %parallel_loop3A_1180 = vector.broadcast %parallel_loop3A_1179 : f32 to vector<16xf32>
        %parallel_loop3A_1181 = arith.mulf %parallel_loop3A_1178, %parallel_loop3A_1180 : vector<16xf32>
        %parallel_loop3A_1182 = arith.constant 3.200000e+01 : f32
        %parallel_loop3A_1183 = vector.broadcast %parallel_loop3A_1182 : f32 to vector<16xf32>
        %parallel_loop3A_1184 = arith.addf %parallel_loop3A_1181, %parallel_loop3A_1183 : vector<16xf32>
        %parallel_loop3A_1185 = arith.constant 0.000000e+00 : f32
        %parallel_loop3A_1186 = vector.broadcast %parallel_loop3A_1185 : f32 to vector<16xf32>
        %parallel_loop3A_1187 = arith.maximumf %parallel_loop3A_1184, %parallel_loop3A_1186 : vector<16xf32>
        %parallel_loop3A_1188 = arith.constant 6.200000e+01 : f32
        %parallel_loop3A_1189 = vector.broadcast %parallel_loop3A_1188 : f32 to vector<16xf32>
        %parallel_loop3A_1190 = arith.minimumf %parallel_loop3A_1187, %parallel_loop3A_1189 : vector<16xf32>
        %parallel_loop3A_1191 = arith.fptosi %parallel_loop3A_1190 : vector<16xf32> to vector<16xi32>
        %parallel_loop3A_1192 = arith.sitofp %parallel_loop3A_1191 : vector<16xi32> to vector<16xf32>
        %parallel_loop3A_1193 = arith.subf %parallel_loop3A_1184, %parallel_loop3A_1192 : vector<16xf32>
        %parallel_loop3A_1194 = vector.broadcast %mul3A_762 : i32 to vector<16xi32>
        %parallel_loop3A_1195 = arith.addi %parallel_loop3A_1191, %parallel_loop3A_1194 : vector<16xi32>
        %parallel_loop3A_1196 = tpu.vector_load_idx %arg7[%parallel_loop3A_1195] : memref<12480xf32, #tpu.memory_space<vmem>>[vector<16xi32>], vector<16xf32>,
        %parallel_loop3A_1197 = tpu.vector_load_idx %arg8[%parallel_loop3A_1195] : memref<12480xf32, #tpu.memory_space<vmem>>[vector<16xi32>], vector<16xf32>,
        %parallel_loop3A_1198 = tpu.vector_load_idx %arg9[%parallel_loop3A_1195] : memref<12480xf32, #tpu.memory_space<vmem>>[vector<16xi32>], vector<16xf32>,
        %parallel_loop3A_1199 = arith.mulf %parallel_loop3A_1193, %parallel_loop3A_1198 : vector<16xf32>
        %parallel_loop3A_1200 = arith.addf %parallel_loop3A_1197, %parallel_loop3A_1199 : vector<16xf32>
        %parallel_loop3A_1201 = arith.mulf %parallel_loop3A_1193, %parallel_loop3A_1200 : vector<16xf32>
        %parallel_loop3A_1202 = arith.addf %parallel_loop3A_1196, %parallel_loop3A_1201 : vector<16xf32>
        %parallel_loop3A_1203 = arith.index_cast %parallel_loop3A_875 : i32 to index
        %parallel_loop3A_1204 = arith.constant 160 : index
        %parallel_loop3A_1205 = tpu.vector_load %arg12[%parallel_loop3A_1203, %parallel_loop3A_1204] {strides = array<i32>} : memref<112x224xf32, #tpu.memory_space<vmem>>, vector<16xf32>,
        tpu.vector_store %arg12[%parallel_loop3A_1203, %parallel_loop3A_1204], %parallel_loop3A_1202 {strides = array<i32>} : memref<112x224xf32, #tpu.memory_space<vmem>>, vector<16xf32>,
        %parallel_loop3A_1206 = arith.index_cast %parallel_loop3A_875 : i32 to index
        %parallel_loop3A_1207 = arith.constant 176 : index
        %parallel_loop3A_1208 = tpu.vector_load %arg12[%parallel_loop3A_1206, %parallel_loop3A_1207] {strides = array<i32>} : memref<112x224xf32, #tpu.memory_space<vmem>>, vector<16xf32>,
        %parallel_loop3A_1209 = arith.constant 3.200000e+01 : f32
        %parallel_loop3A_1210 = vector.broadcast %parallel_loop3A_1209 : f32 to vector<16xf32>
        %parallel_loop3A_1211 = arith.mulf %parallel_loop3A_1208, %parallel_loop3A_1210 : vector<16xf32>
        %parallel_loop3A_1212 = arith.constant 3.200000e+01 : f32
        %parallel_loop3A_1213 = vector.broadcast %parallel_loop3A_1212 : f32 to vector<16xf32>
        %parallel_loop3A_1214 = arith.addf %parallel_loop3A_1211, %parallel_loop3A_1213 : vector<16xf32>
        %parallel_loop3A_1215 = arith.constant 0.000000e+00 : f32
        %parallel_loop3A_1216 = vector.broadcast %parallel_loop3A_1215 : f32 to vector<16xf32>
        %parallel_loop3A_1217 = arith.maximumf %parallel_loop3A_1214, %parallel_loop3A_1216 : vector<16xf32>
        %parallel_loop3A_1218 = arith.constant 6.200000e+01 : f32
        %parallel_loop3A_1219 = vector.broadcast %parallel_loop3A_1218 : f32 to vector<16xf32>
        %parallel_loop3A_1220 = arith.minimumf %parallel_loop3A_1217, %parallel_loop3A_1219 : vector<16xf32>
        %parallel_loop3A_1221 = arith.fptosi %parallel_loop3A_1220 : vector<16xf32> to vector<16xi32>
        %parallel_loop3A_1222 = arith.sitofp %parallel_loop3A_1221 : vector<16xi32> to vector<16xf32>
        %parallel_loop3A_1223 = arith.subf %parallel_loop3A_1214, %parallel_loop3A_1222 : vector<16xf32>
        %parallel_loop3A_1224 = vector.broadcast %mul3A_762 : i32 to vector<16xi32>
        %parallel_loop3A_1225 = arith.addi %parallel_loop3A_1221, %parallel_loop3A_1224 : vector<16xi32>
        %parallel_loop3A_1226 = tpu.vector_load_idx %arg7[%parallel_loop3A_1225] : memref<12480xf32, #tpu.memory_space<vmem>>[vector<16xi32>], vector<16xf32>,
        %parallel_loop3A_1227 = tpu.vector_load_idx %arg8[%parallel_loop3A_1225] : memref<12480xf32, #tpu.memory_space<vmem>>[vector<16xi32>], vector<16xf32>,
        %parallel_loop3A_1228 = tpu.vector_load_idx %arg9[%parallel_loop3A_1225] : memref<12480xf32, #tpu.memory_space<vmem>>[vector<16xi32>], vector<16xf32>,
        %parallel_loop3A_1229 = arith.mulf %parallel_loop3A_1223, %parallel_loop3A_1228 : vector<16xf32>
        %parallel_loop3A_1230 = arith.addf %parallel_loop3A_1227, %parallel_loop3A_1229 : vector<16xf32>
        %parallel_loop3A_1231 = arith.mulf %parallel_loop3A_1223, %parallel_loop3A_1230 : vector<16xf32>
        %parallel_loop3A_1232 = arith.addf %parallel_loop3A_1226, %parallel_loop3A_1231 : vector<16xf32>
        %parallel_loop3A_1233 = arith.index_cast %parallel_loop3A_875 : i32 to index
        %parallel_loop3A_1234 = arith.constant 176 : index
        %parallel_loop3A_1235 = tpu.vector_load %arg12[%parallel_loop3A_1233, %parallel_loop3A_1234] {strides = array<i32>} : memref<112x224xf32, #tpu.memory_space<vmem>>, vector<16xf32>,
        tpu.vector_store %arg12[%parallel_loop3A_1233, %parallel_loop3A_1234], %parallel_loop3A_1232 {strides = array<i32>} : memref<112x224xf32, #tpu.memory_space<vmem>>, vector<16xf32>,
        %parallel_loop3A_1236 = arith.index_cast %parallel_loop3A_875 : i32 to index
        %parallel_loop3A_1237 = arith.constant 192 : index
        %parallel_loop3A_1238 = tpu.vector_load %arg12[%parallel_loop3A_1236, %parallel_loop3A_1237] {strides = array<i32>} : memref<112x224xf32, #tpu.memory_space<vmem>>, vector<16xf32>,
        %parallel_loop3A_1239 = arith.constant 3.200000e+01 : f32
        %parallel_loop3A_1240 = vector.broadcast %parallel_loop3A_1239 : f32 to vector<16xf32>
        %parallel_loop3A_1241 = arith.mulf %parallel_loop3A_1238, %parallel_loop3A_1240 : vector<16xf32>
        %parallel_loop3A_1242 = arith.constant 3.200000e+01 : f32
        %parallel_loop3A_1243 = vector.broadcast %parallel_loop3A_1242 : f32 to vector<16xf32>
        %parallel_loop3A_1244 = arith.addf %parallel_loop3A_1241, %parallel_loop3A_1243 : vector<16xf32>
        %parallel_loop3A_1245 = arith.constant 0.000000e+00 : f32
        %parallel_loop3A_1246 = vector.broadcast %parallel_loop3A_1245 : f32 to vector<16xf32>
        %parallel_loop3A_1247 = arith.maximumf %parallel_loop3A_1244, %parallel_loop3A_1246 : vector<16xf32>
        %parallel_loop3A_1248 = arith.constant 6.200000e+01 : f32
        %parallel_loop3A_1249 = vector.broadcast %parallel_loop3A_1248 : f32 to vector<16xf32>
        %parallel_loop3A_1250 = arith.minimumf %parallel_loop3A_1247, %parallel_loop3A_1249 : vector<16xf32>
        %parallel_loop3A_1251 = arith.fptosi %parallel_loop3A_1250 : vector<16xf32> to vector<16xi32>
        %parallel_loop3A_1252 = arith.sitofp %parallel_loop3A_1251 : vector<16xi32> to vector<16xf32>
        %parallel_loop3A_1253 = arith.subf %parallel_loop3A_1244, %parallel_loop3A_1252 : vector<16xf32>
        %parallel_loop3A_1254 = vector.broadcast %mul3A_762 : i32 to vector<16xi32>
        %parallel_loop3A_1255 = arith.addi %parallel_loop3A_1251, %parallel_loop3A_1254 : vector<16xi32>
        %parallel_loop3A_1256 = tpu.vector_load_idx %arg7[%parallel_loop3A_1255] : memref<12480xf32, #tpu.memory_space<vmem>>[vector<16xi32>], vector<16xf32>,
        %parallel_loop3A_1257 = tpu.vector_load_idx %arg8[%parallel_loop3A_1255] : memref<12480xf32, #tpu.memory_space<vmem>>[vector<16xi32>], vector<16xf32>,
        %parallel_loop3A_1258 = tpu.vector_load_idx %arg9[%parallel_loop3A_1255] : memref<12480xf32, #tpu.memory_space<vmem>>[vector<16xi32>], vector<16xf32>,
        %parallel_loop3A_1259 = arith.mulf %parallel_loop3A_1253, %parallel_loop3A_1258 : vector<16xf32>
        %parallel_loop3A_1260 = arith.addf %parallel_loop3A_1257, %parallel_loop3A_1259 : vector<16xf32>
        %parallel_loop3A_1261 = arith.mulf %parallel_loop3A_1253, %parallel_loop3A_1260 : vector<16xf32>
        %parallel_loop3A_1262 = arith.addf %parallel_loop3A_1256, %parallel_loop3A_1261 : vector<16xf32>
        %parallel_loop3A_1263 = arith.index_cast %parallel_loop3A_875 : i32 to index
        %parallel_loop3A_1264 = arith.constant 192 : index
        %parallel_loop3A_1265 = tpu.vector_load %arg12[%parallel_loop3A_1263, %parallel_loop3A_1264] {strides = array<i32>} : memref<112x224xf32, #tpu.memory_space<vmem>>, vector<16xf32>,
        tpu.vector_store %arg12[%parallel_loop3A_1263, %parallel_loop3A_1264], %parallel_loop3A_1262 {strides = array<i32>} : memref<112x224xf32, #tpu.memory_space<vmem>>, vector<16xf32>,
        %parallel_loop3A_1266 = arith.index_cast %parallel_loop3A_875 : i32 to index
        %parallel_loop3A_1267 = arith.constant 208 : index
        %parallel_loop3A_1268 = tpu.vector_load %arg12[%parallel_loop3A_1266, %parallel_loop3A_1267] {strides = array<i32>} : memref<112x224xf32, #tpu.memory_space<vmem>>, vector<16xf32>,
        %parallel_loop3A_1269 = arith.constant 3.200000e+01 : f32
        %parallel_loop3A_1270 = vector.broadcast %parallel_loop3A_1269 : f32 to vector<16xf32>
        %parallel_loop3A_1271 = arith.mulf %parallel_loop3A_1268, %parallel_loop3A_1270 : vector<16xf32>
        %parallel_loop3A_1272 = arith.constant 3.200000e+01 : f32
        %parallel_loop3A_1273 = vector.broadcast %parallel_loop3A_1272 : f32 to vector<16xf32>
        %parallel_loop3A_1274 = arith.addf %parallel_loop3A_1271, %parallel_loop3A_1273 : vector<16xf32>
        %parallel_loop3A_1275 = arith.constant 0.000000e+00 : f32
        %parallel_loop3A_1276 = vector.broadcast %parallel_loop3A_1275 : f32 to vector<16xf32>
        %parallel_loop3A_1277 = arith.maximumf %parallel_loop3A_1274, %parallel_loop3A_1276 : vector<16xf32>
        %parallel_loop3A_1278 = arith.constant 6.200000e+01 : f32
        %parallel_loop3A_1279 = vector.broadcast %parallel_loop3A_1278 : f32 to vector<16xf32>
        %parallel_loop3A_1280 = arith.minimumf %parallel_loop3A_1277, %parallel_loop3A_1279 : vector<16xf32>
        %parallel_loop3A_1281 = arith.fptosi %parallel_loop3A_1280 : vector<16xf32> to vector<16xi32>
        %parallel_loop3A_1282 = arith.sitofp %parallel_loop3A_1281 : vector<16xi32> to vector<16xf32>
        %parallel_loop3A_1283 = arith.subf %parallel_loop3A_1274, %parallel_loop3A_1282 : vector<16xf32>
        %parallel_loop3A_1284 = vector.broadcast %mul3A_762 : i32 to vector<16xi32>
        %parallel_loop3A_1285 = arith.addi %parallel_loop3A_1281, %parallel_loop3A_1284 : vector<16xi32>
        %parallel_loop3A_1286 = tpu.vector_load_idx %arg7[%parallel_loop3A_1285] : memref<12480xf32, #tpu.memory_space<vmem>>[vector<16xi32>], vector<16xf32>,
        %parallel_loop3A_1287 = tpu.vector_load_idx %arg8[%parallel_loop3A_1285] : memref<12480xf32, #tpu.memory_space<vmem>>[vector<16xi32>], vector<16xf32>,
        %parallel_loop3A_1288 = tpu.vector_load_idx %arg9[%parallel_loop3A_1285] : memref<12480xf32, #tpu.memory_space<vmem>>[vector<16xi32>], vector<16xf32>,
        %parallel_loop3A_1289 = arith.mulf %parallel_loop3A_1283, %parallel_loop3A_1288 : vector<16xf32>
        %parallel_loop3A_1290 = arith.addf %parallel_loop3A_1287, %parallel_loop3A_1289 : vector<16xf32>
        %parallel_loop3A_1291 = arith.mulf %parallel_loop3A_1283, %parallel_loop3A_1290 : vector<16xf32>
        %parallel_loop3A_1292 = arith.addf %parallel_loop3A_1286, %parallel_loop3A_1291 : vector<16xf32>
        %parallel_loop3A_1293 = arith.index_cast %parallel_loop3A_875 : i32 to index
        %parallel_loop3A_1294 = arith.constant 208 : index
        %parallel_loop3A_1295 = tpu.vector_load %arg12[%parallel_loop3A_1293, %parallel_loop3A_1294] {strides = array<i32>} : memref<112x224xf32, #tpu.memory_space<vmem>>, vector<16xf32>,
        tpu.vector_store %arg12[%parallel_loop3A_1293, %parallel_loop3A_1294], %parallel_loop3A_1292 {strides = array<i32>} : memref<112x224xf32, #tpu.memory_space<vmem>>, vector<16xf32>,
      } {sc.loop_unroll_factor = 1 : i64, sc.parallel_access}
      %dma_start3A_772 = arith.constant 0 : i32
      %dma_start3A_773 = tpu.memref_slice %arg6[%select_n3A_744, %select_n3A_760, %mul3A_720, %dma_start3A_772] : memref<4x192x224x224xf32, #tpu.memory_space<hbm>> -> memref<1x1x112x224xf32, #tpu.memory_space<hbm>>
      %dma_start3A_774 = tpu.memref_squeeze %dma_start3A_773 : memref<1x1x112x224xf32, #tpu.memory_space<hbm>> -> memref<112x224xf32, #tpu.memory_space<hbm>>
      %dma_start3A_775 = arith.constant 0 : i32
      %dma_start3A_776 = tpu.memref_slice %arg6[%select_n3A_744, %select_n3A_760, %mul3A_720, %dma_start3A_775] : memref<4x192x224x224xf32, #tpu.memory_space<hbm>> -> memref<1x1x112x224xf32, #tpu.memory_space<hbm>>
      %dma_start3A_777 = tpu.memref_squeeze %dma_start3A_776 : memref<1x1x112x224xf32, #tpu.memory_space<hbm>> -> memref<112x224xf32, #tpu.memory_space<hbm>>
      tpu.enqueue_dma source(%arg12 : memref<112x224xf32, #tpu.memory_space<vmem>>) target(%dma_start3A_777 : memref<112x224xf32, #tpu.memory_space<hbm>>) target_semaphore(%arg18 : memref<!tpu.dma_semaphore, #tpu.memory_space<semaphore_mem>>)
      %sub3A_778 = arith.constant 1 : i32
      %sub3A_779 = arith.subi %add3A_676, %sub3A_778 : i32
      %add3A_780 = arith.addi %mul3A_2, %sub3A_779 : i32
      %jit3A_781 = arith.constant 2 : i32
      %div3A_782 = arith.divsi %add3A_780, %jit3A_781 : i32
      %sign3A_783 = arith.constant 0 : i32
      %sign3A_784 = arith.cmpi sgt, %add3A_780, %sign3A_783 : i32
      %sign3A_785 = arith.extui %sign3A_784 : i1 to i32
      %sign3A_786 = arith.constant 0 : i32
      %sign3A_787 = arith.cmpi slt, %add3A_780, %sign3A_786 : i32
      %sign3A_788 = arith.extui %sign3A_787 : i1 to i32
      %sign3A_789 = arith.subi %sign3A_785, %sign3A_788 : i32
      %sign3A_790 = arith.constant 0 : i32
      %sign3A_791 = arith.cmpi sgt, %jit3A_781, %sign3A_790 : i32
      %sign3A_792 = arith.extui %sign3A_791 : i1 to i32
      %sign3A_793 = arith.constant 0 : i32
      %sign3A_794 = arith.cmpi slt, %jit3A_781, %sign3A_793 : i32
      %sign3A_795 = arith.extui %sign3A_794 : i1 to i32
      %sign3A_796 = arith.subi %sign3A_792, %sign3A_795 : i32
      %ne3A_797 = arith.cmpi ne, %sign3A_789, %sign3A_796 : i32
      %rem3A_798 = arith.remsi %add3A_780, %jit3A_781 : i32
      %ne3A_799 = arith.constant 0 : i32
      %ne3A_800 = arith.cmpi ne, %rem3A_798, %ne3A_799 : i32
      %and3A_801 = arith.andi %ne3A_797, %ne3A_800 : i1
      %sub3A_802 = arith.constant 1 : i32
      %sub3A_803 = arith.subi %div3A_782, %sub3A_802 : i32
      %select_n3A_804 = arith.select %and3A_801, %sub3A_803, %div3A_782 : i32
      %add3A_805 = arith.addi %mul3A_2, %sub3A_779 : i32
      %jit3A_806 = arith.constant 2 : i32
      %eq3A_807 = arith.constant 0 : i32
      %eq3A_808 = arith.cmpi eq, %jit3A_806, %eq3A_807 : i32
      %jit3A_809 = arith.constant 1 : i32
      %select_n3A_810 = arith.select %eq3A_808, %jit3A_809, %jit3A_806 : i32
      %rem3A_811 = arith.remsi %add3A_805, %select_n3A_810 : i32
      %ne3A_812 = arith.constant 0 : i32
      %ne3A_813 = arith.cmpi ne, %rem3A_811, %ne3A_812 : i32
      %lt3A_814 = arith.constant 0 : i32
      %lt3A_815 = arith.cmpi slt, %rem3A_811, %lt3A_814 : i32
      %lt3A_816 = arith.constant 0 : i32
      %lt3A_817 = arith.cmpi slt, %select_n3A_810, %lt3A_816 : i32
      %ne3A_818 = arith.xori %lt3A_815, %lt3A_817 : i1
      %and3A_819 = arith.andi %ne3A_818, %ne3A_813 : i1
      %add3A_820 = arith.addi %rem3A_811, %select_n3A_810 : i32
      %select_n3A_821 = arith.select %and3A_819, %add3A_820, %rem3A_811 : i32
      %mul3A_822 = arith.constant 112 : i32
      %mul3A_823 = arith.muli %select_n3A_821, %mul3A_822 : i32
      %jit3A_824 = arith.constant 192 : i32
      %div3A_825 = arith.divsi %select_n3A_804, %jit3A_824 : i32
      %sign3A_826 = arith.constant 0 : i32
      %sign3A_827 = arith.cmpi sgt, %select_n3A_804, %sign3A_826 : i32
      %sign3A_828 = arith.extui %sign3A_827 : i1 to i32
      %sign3A_829 = arith.constant 0 : i32
      %sign3A_830 = arith.cmpi slt, %select_n3A_804, %sign3A_829 : i32
      %sign3A_831 = arith.extui %sign3A_830 : i1 to i32
      %sign3A_832 = arith.subi %sign3A_828, %sign3A_831 : i32
      %sign3A_833 = arith.constant 0 : i32
      %sign3A_834 = arith.cmpi sgt, %jit3A_824, %sign3A_833 : i32
      %sign3A_835 = arith.extui %sign3A_834 : i1 to i32
      %sign3A_836 = arith.constant 0 : i32
      %sign3A_837 = arith.cmpi slt, %jit3A_824, %sign3A_836 : i32
      %sign3A_838 = arith.extui %sign3A_837 : i1 to i32
      %sign3A_839 = arith.subi %sign3A_835, %sign3A_838 : i32
      %ne3A_840 = arith.cmpi ne, %sign3A_832, %sign3A_839 : i32
      %rem3A_841 = arith.remsi %select_n3A_804, %jit3A_824 : i32
      %ne3A_842 = arith.constant 0 : i32
      %ne3A_843 = arith.cmpi ne, %rem3A_841, %ne3A_842 : i32
      %and3A_844 = arith.andi %ne3A_840, %ne3A_843 : i1
      %sub3A_845 = arith.constant 1 : i32
      %sub3A_846 = arith.subi %div3A_825, %sub3A_845 : i32
      %select_n3A_847 = arith.select %and3A_844, %sub3A_846, %div3A_825 : i32
      %jit3A_848 = arith.constant 192 : i32
      %eq3A_849 = arith.constant 0 : i32
      %eq3A_850 = arith.cmpi eq, %jit3A_848, %eq3A_849 : i32
      %jit3A_851 = arith.constant 1 : i32
      %select_n3A_852 = arith.select %eq3A_850, %jit3A_851, %jit3A_848 : i32
      %rem3A_853 = arith.remsi %select_n3A_804, %select_n3A_852 : i32
      %ne3A_854 = arith.constant 0 : i32
      %ne3A_855 = arith.cmpi ne, %rem3A_853, %ne3A_854 : i32
      %lt3A_856 = arith.constant 0 : i32
      %lt3A_857 = arith.cmpi slt, %rem3A_853, %lt3A_856 : i32
      %lt3A_858 = arith.constant 0 : i32
      %lt3A_859 = arith.cmpi slt, %select_n3A_852, %lt3A_858 : i32
      %ne3A_860 = arith.xori %lt3A_857, %lt3A_859 : i1
      %and3A_861 = arith.andi %ne3A_860, %ne3A_855 : i1
      %add3A_862 = arith.addi %rem3A_853, %select_n3A_852 : i32
      %select_n3A_863 = arith.select %and3A_861, %add3A_862, %rem3A_853 : i32
      %dma_wait3A_864 = arith.constant 0 : i32
      %dma_wait3A_865 = tpu.memref_slice %arg6[%select_n3A_847, %select_n3A_863, %mul3A_823, %dma_wait3A_864] : memref<4x192x224x224xf32, #tpu.memory_space<hbm>> -> memref<1x1x112x224xf32, #tpu.memory_space<hbm>>
      %dma_wait3A_866 = tpu.memref_squeeze %dma_wait3A_865 : memref<1x1x112x224xf32, #tpu.memory_space<hbm>> -> memref<112x224xf32, #tpu.memory_space<hbm>>
      %dma_wait3A_867 = arith.constant 0 : i32
      %dma_wait3A_868 = tpu.memref_slice %arg6[%select_n3A_847, %select_n3A_863, %mul3A_823, %dma_wait3A_867] : memref<4x192x224x224xf32, #tpu.memory_space<hbm>> -> memref<1x1x112x224xf32, #tpu.memory_space<hbm>>
      %dma_wait3A_869 = tpu.memref_squeeze %dma_wait3A_868 : memref<1x1x112x224xf32, #tpu.memory_space<hbm>> -> memref<112x224xf32, #tpu.memory_space<hbm>>
      tpu.wait_dma2 semaphore(%arg17 : memref<!tpu.dma_semaphore, #tpu.memory_space<semaphore_mem>>) src(%arg11 : memref<112x224xf32, #tpu.memory_space<vmem>>) dst(%dma_wait3A_869 : memref<112x224xf32, #tpu.memory_space<hbm>>)
      %lt3A_870 = arith.constant 15 : i32
      %lt3A_871 = arith.cmpi slt, %scan3A_272, %lt3A_870 : i32
      %convert_element_type3A_872 = arith.extui %lt3A_871 : i1 to i32
      %cond3A_873 = arith.constant 0 : i32
      %cond3A_874 = arith.cmpi ne, %convert_element_type3A_872, %cond3A_873 : i32
      scf.if %cond3A_874 {
        %add3A_875 = arith.constant 2 : i32
        %add3A_876 = arith.addi %add3A_676, %add3A_875 : i32
        %add3A_877 = arith.addi %mul3A_2, %add3A_876 : i32
        %jit3A_878 = arith.constant 2 : i32
        %div3A_879 = arith.divsi %add3A_877, %jit3A_878 : i32
        %sign3A_880 = arith.constant 0 : i32
        %sign3A_881 = arith.cmpi sgt, %add3A_877, %sign3A_880 : i32
        %sign3A_882 = arith.extui %sign3A_881 : i1 to i32
        %sign3A_883 = arith.constant 0 : i32
        %sign3A_884 = arith.cmpi slt, %add3A_877, %sign3A_883 : i32
        %sign3A_885 = arith.extui %sign3A_884 : i1 to i32
        %sign3A_886 = arith.subi %sign3A_882, %sign3A_885 : i32
        %sign3A_887 = arith.constant 0 : i32
        %sign3A_888 = arith.cmpi sgt, %jit3A_878, %sign3A_887 : i32
        %sign3A_889 = arith.extui %sign3A_888 : i1 to i32
        %sign3A_890 = arith.constant 0 : i32
        %sign3A_891 = arith.cmpi slt, %jit3A_878, %sign3A_890 : i32
        %sign3A_892 = arith.extui %sign3A_891 : i1 to i32
        %sign3A_893 = arith.subi %sign3A_889, %sign3A_892 : i32
        %ne3A_894 = arith.cmpi ne, %sign3A_886, %sign3A_893 : i32
        %rem3A_895 = arith.remsi %add3A_877, %jit3A_878 : i32
        %ne3A_896 = arith.constant 0 : i32
        %ne3A_897 = arith.cmpi ne, %rem3A_895, %ne3A_896 : i32
        %and3A_898 = arith.andi %ne3A_894, %ne3A_897 : i1
        %sub3A_899 = arith.constant 1 : i32
        %sub3A_900 = arith.subi %div3A_879, %sub3A_899 : i32
        %select_n3A_901 = arith.select %and3A_898, %sub3A_900, %div3A_879 : i32
        %add3A_902 = arith.addi %mul3A_2, %add3A_876 : i32
        %jit3A_903 = arith.constant 2 : i32
        %eq3A_904 = arith.constant 0 : i32
        %eq3A_905 = arith.cmpi eq, %jit3A_903, %eq3A_904 : i32
        %jit3A_906 = arith.constant 1 : i32
        %select_n3A_907 = arith.select %eq3A_905, %jit3A_906, %jit3A_903 : i32
        %rem3A_908 = arith.remsi %add3A_902, %select_n3A_907 : i32
        %ne3A_909 = arith.constant 0 : i32
        %ne3A_910 = arith.cmpi ne, %rem3A_908, %ne3A_909 : i32
        %lt3A_911 = arith.constant 0 : i32
        %lt3A_912 = arith.cmpi slt, %rem3A_908, %lt3A_911 : i32
        %lt3A_913 = arith.constant 0 : i32
        %lt3A_914 = arith.cmpi slt, %select_n3A_907, %lt3A_913 : i32
        %ne3A_915 = arith.xori %lt3A_912, %lt3A_914 : i1
        %and3A_916 = arith.andi %ne3A_915, %ne3A_910 : i1
        %add3A_917 = arith.addi %rem3A_908, %select_n3A_907 : i32
        %select_n3A_918 = arith.select %and3A_916, %add3A_917, %rem3A_908 : i32
        %mul3A_919 = arith.constant 112 : i32
        %mul3A_920 = arith.muli %select_n3A_918, %mul3A_919 : i32
        %jit3A_921 = arith.constant 192 : i32
        %div3A_922 = arith.divsi %select_n3A_901, %jit3A_921 : i32
        %sign3A_923 = arith.constant 0 : i32
        %sign3A_924 = arith.cmpi sgt, %select_n3A_901, %sign3A_923 : i32
        %sign3A_925 = arith.extui %sign3A_924 : i1 to i32
        %sign3A_926 = arith.constant 0 : i32
        %sign3A_927 = arith.cmpi slt, %select_n3A_901, %sign3A_926 : i32
        %sign3A_928 = arith.extui %sign3A_927 : i1 to i32
        %sign3A_929 = arith.subi %sign3A_925, %sign3A_928 : i32
        %sign3A_930 = arith.constant 0 : i32
        %sign3A_931 = arith.cmpi sgt, %jit3A_921, %sign3A_930 : i32
        %sign3A_932 = arith.extui %sign3A_931 : i1 to i32
        %sign3A_933 = arith.constant 0 : i32
        %sign3A_934 = arith.cmpi slt, %jit3A_921, %sign3A_933 : i32
        %sign3A_935 = arith.extui %sign3A_934 : i1 to i32
        %sign3A_936 = arith.subi %sign3A_932, %sign3A_935 : i32
        %ne3A_937 = arith.cmpi ne, %sign3A_929, %sign3A_936 : i32
        %rem3A_938 = arith.remsi %select_n3A_901, %jit3A_921 : i32
        %ne3A_939 = arith.constant 0 : i32
        %ne3A_940 = arith.cmpi ne, %rem3A_938, %ne3A_939 : i32
        %and3A_941 = arith.andi %ne3A_937, %ne3A_940 : i1
        %sub3A_942 = arith.constant 1 : i32
        %sub3A_943 = arith.subi %div3A_922, %sub3A_942 : i32
        %select_n3A_944 = arith.select %and3A_941, %sub3A_943, %div3A_922 : i32
        %jit3A_945 = arith.constant 192 : i32
        %eq3A_946 = arith.constant 0 : i32
        %eq3A_947 = arith.cmpi eq, %jit3A_945, %eq3A_946 : i32
        %jit3A_948 = arith.constant 1 : i32
        %select_n3A_949 = arith.select %eq3A_947, %jit3A_948, %jit3A_945 : i32
        %rem3A_950 = arith.remsi %select_n3A_901, %select_n3A_949 : i32
        %ne3A_951 = arith.constant 0 : i32
        %ne3A_952 = arith.cmpi ne, %rem3A_950, %ne3A_951 : i32
        %lt3A_953 = arith.constant 0 : i32
        %lt3A_954 = arith.cmpi slt, %rem3A_950, %lt3A_953 : i32
        %lt3A_955 = arith.constant 0 : i32
        %lt3A_956 = arith.cmpi slt, %select_n3A_949, %lt3A_955 : i32
        %ne3A_957 = arith.xori %lt3A_954, %lt3A_956 : i1
        %and3A_958 = arith.andi %ne3A_957, %ne3A_952 : i1
        %add3A_959 = arith.addi %rem3A_950, %select_n3A_949 : i32
        %select_n3A_960 = arith.select %and3A_958, %add3A_959, %rem3A_950 : i32
        %dma_start3A_961 = arith.constant 0 : i32
        %dma_start3A_962 = tpu.memref_slice %arg2[%select_n3A_944, %select_n3A_960, %mul3A_920, %dma_start3A_961] : memref<4x192x224x224xf32, #tpu.memory_space<hbm>> -> memref<1x1x112x224xf32, #tpu.memory_space<hbm>>
        %dma_start3A_963 = tpu.memref_squeeze %dma_start3A_962 : memref<1x1x112x224xf32, #tpu.memory_space<hbm>> -> memref<112x224xf32, #tpu.memory_space<hbm>>
        %dma_start3A_964 = arith.constant 0 : i32
        %dma_start3A_965 = tpu.memref_slice %arg2[%select_n3A_944, %select_n3A_960, %mul3A_920, %dma_start3A_964] : memref<4x192x224x224xf32, #tpu.memory_space<hbm>> -> memref<1x1x112x224xf32, #tpu.memory_space<hbm>>
        %dma_start3A_966 = tpu.memref_squeeze %dma_start3A_965 : memref<1x1x112x224xf32, #tpu.memory_space<hbm>> -> memref<112x224xf32, #tpu.memory_space<hbm>>
        tpu.enqueue_dma source(%dma_start3A_966 : memref<112x224xf32, #tpu.memory_space<hbm>>) target(%arg11 : memref<112x224xf32, #tpu.memory_space<vmem>>) target_semaphore(%arg14 : memref<!tpu.dma_semaphore, #tpu.memory_space<semaphore_mem>>)
      } else {
      }
    }
    %scan3A_180 = arith.constant 16 : i32
    %add3A_181 = arith.constant 47 : i32
    %add3A_182 = arith.addi %mul3A_2, %add3A_181 : i32
    %jit3A_183 = arith.constant 2 : i32
    %div3A_184 = arith.divsi %add3A_182, %jit3A_183 : i32
    %sign3A_185 = arith.constant 0 : i32
    %sign3A_186 = arith.cmpi sgt, %add3A_182, %sign3A_185 : i32
    %sign3A_187 = arith.extui %sign3A_186 : i1 to i32
    %sign3A_188 = arith.constant 0 : i32
    %sign3A_189 = arith.cmpi slt, %add3A_182, %sign3A_188 : i32
    %sign3A_190 = arith.extui %sign3A_189 : i1 to i32
    %sign3A_191 = arith.subi %sign3A_187, %sign3A_190 : i32
    %sign3A_192 = arith.constant 0 : i32
    %sign3A_193 = arith.cmpi sgt, %jit3A_183, %sign3A_192 : i32
    %sign3A_194 = arith.extui %sign3A_193 : i1 to i32
    %sign3A_195 = arith.constant 0 : i32
    %sign3A_196 = arith.cmpi slt, %jit3A_183, %sign3A_195 : i32
    %sign3A_197 = arith.extui %sign3A_196 : i1 to i32
    %sign3A_198 = arith.subi %sign3A_194, %sign3A_197 : i32
    %ne3A_199 = arith.cmpi ne, %sign3A_191, %sign3A_198 : i32
    %rem3A_200 = arith.remsi %add3A_182, %jit3A_183 : i32
    %ne3A_201 = arith.constant 0 : i32
    %ne3A_202 = arith.cmpi ne, %rem3A_200, %ne3A_201 : i32
    %and3A_203 = arith.andi %ne3A_199, %ne3A_202 : i1
    %sub3A_204 = arith.constant 1 : i32
    %sub3A_205 = arith.subi %div3A_184, %sub3A_204 : i32
    %select_n3A_206 = arith.select %and3A_203, %sub3A_205, %div3A_184 : i32
    %add3A_207 = arith.constant 47 : i32
    %add3A_208 = arith.addi %mul3A_2, %add3A_207 : i32
    %jit3A_209 = arith.constant 2 : i32
    %eq3A_210 = arith.constant 0 : i32
    %eq3A_211 = arith.cmpi eq, %jit3A_209, %eq3A_210 : i32
    %jit3A_212 = arith.constant 1 : i32
    %select_n3A_213 = arith.select %eq3A_211, %jit3A_212, %jit3A_209 : i32
    %rem3A_214 = arith.remsi %add3A_208, %select_n3A_213 : i32
    %ne3A_215 = arith.constant 0 : i32
    %ne3A_216 = arith.cmpi ne, %rem3A_214, %ne3A_215 : i32
    %lt3A_217 = arith.constant 0 : i32
    %lt3A_218 = arith.cmpi slt, %rem3A_214, %lt3A_217 : i32
    %lt3A_219 = arith.constant 0 : i32
    %lt3A_220 = arith.cmpi slt, %select_n3A_213, %lt3A_219 : i32
    %ne3A_221 = arith.xori %lt3A_218, %lt3A_220 : i1
    %and3A_222 = arith.andi %ne3A_221, %ne3A_216 : i1
    %add3A_223 = arith.addi %rem3A_214, %select_n3A_213 : i32
    %select_n3A_224 = arith.select %and3A_222, %add3A_223, %rem3A_214 : i32
    %mul3A_225 = arith.constant 112 : i32
    %mul3A_226 = arith.muli %select_n3A_224, %mul3A_225 : i32
    %jit3A_227 = arith.constant 192 : i32
    %div3A_228 = arith.divsi %select_n3A_206, %jit3A_227 : i32
    %sign3A_229 = arith.constant 0 : i32
    %sign3A_230 = arith.cmpi sgt, %select_n3A_206, %sign3A_229 : i32
    %sign3A_231 = arith.extui %sign3A_230 : i1 to i32
    %sign3A_232 = arith.constant 0 : i32
    %sign3A_233 = arith.cmpi slt, %select_n3A_206, %sign3A_232 : i32
    %sign3A_234 = arith.extui %sign3A_233 : i1 to i32
    %sign3A_235 = arith.subi %sign3A_231, %sign3A_234 : i32
    %sign3A_236 = arith.constant 0 : i32
    %sign3A_237 = arith.cmpi sgt, %jit3A_227, %sign3A_236 : i32
    %sign3A_238 = arith.extui %sign3A_237 : i1 to i32
    %sign3A_239 = arith.constant 0 : i32
    %sign3A_240 = arith.cmpi slt, %jit3A_227, %sign3A_239 : i32
    %sign3A_241 = arith.extui %sign3A_240 : i1 to i32
    %sign3A_242 = arith.subi %sign3A_238, %sign3A_241 : i32
    %ne3A_243 = arith.cmpi ne, %sign3A_235, %sign3A_242 : i32
    %rem3A_244 = arith.remsi %select_n3A_206, %jit3A_227 : i32
    %ne3A_245 = arith.constant 0 : i32
    %ne3A_246 = arith.cmpi ne, %rem3A_244, %ne3A_245 : i32
    %and3A_247 = arith.andi %ne3A_243, %ne3A_246 : i1
    %sub3A_248 = arith.constant 1 : i32
    %sub3A_249 = arith.subi %div3A_228, %sub3A_248 : i32
    %select_n3A_250 = arith.select %and3A_247, %sub3A_249, %div3A_228 : i32
    %jit3A_251 = arith.constant 192 : i32
    %eq3A_252 = arith.constant 0 : i32
    %eq3A_253 = arith.cmpi eq, %jit3A_251, %eq3A_252 : i32
    %jit3A_254 = arith.constant 1 : i32
    %select_n3A_255 = arith.select %eq3A_253, %jit3A_254, %jit3A_251 : i32
    %rem3A_256 = arith.remsi %select_n3A_206, %select_n3A_255 : i32
    %ne3A_257 = arith.constant 0 : i32
    %ne3A_258 = arith.cmpi ne, %rem3A_256, %ne3A_257 : i32
    %lt3A_259 = arith.constant 0 : i32
    %lt3A_260 = arith.cmpi slt, %rem3A_256, %lt3A_259 : i32
    %lt3A_261 = arith.constant 0 : i32
    %lt3A_262 = arith.cmpi slt, %select_n3A_255, %lt3A_261 : i32
    %ne3A_263 = arith.xori %lt3A_260, %lt3A_262 : i1
    %and3A_264 = arith.andi %ne3A_263, %ne3A_258 : i1
    %add3A_265 = arith.addi %rem3A_256, %select_n3A_255 : i32
    %select_n3A_266 = arith.select %and3A_264, %add3A_265, %rem3A_256 : i32
    %dma_wait3A = arith.constant 0 : i32
    %dma_wait3A_267 = tpu.memref_slice %arg6[%select_n3A_250, %select_n3A_266, %mul3A_226, %dma_wait3A] : memref<4x192x224x224xf32, #tpu.memory_space<hbm>> -> memref<1x1x112x224xf32, #tpu.memory_space<hbm>>
    %dma_wait3A_268 = tpu.memref_squeeze %dma_wait3A_267 : memref<1x1x112x224xf32, #tpu.memory_space<hbm>> -> memref<112x224xf32, #tpu.memory_space<hbm>>
    %dma_wait3A_269 = arith.constant 0 : i32
    %dma_wait3A_270 = tpu.memref_slice %arg6[%select_n3A_250, %select_n3A_266, %mul3A_226, %dma_wait3A_269] : memref<4x192x224x224xf32, #tpu.memory_space<hbm>> -> memref<1x1x112x224xf32, #tpu.memory_space<hbm>>
    %dma_wait3A_271 = tpu.memref_squeeze %dma_wait3A_270 : memref<1x1x112x224xf32, #tpu.memory_space<hbm>> -> memref<112x224xf32, #tpu.memory_space<hbm>>
    tpu.wait_dma2 semaphore(%arg18 : memref<!tpu.dma_semaphore, #tpu.memory_space<semaphore_mem>>) src(%arg12 : memref<112x224xf32, #tpu.memory_space<vmem>>) dst(%dma_wait3A_271 : memref<112x224xf32, #tpu.memory_space<hbm>>)
    return
  }
}

</mosaic_0001>

<sc_bundles>
// kernel: gather_offload_async_start.1
scs
__scs_entry_jumppad:
0x0: {  	(pc) =	sbr.rel $0x88, $3  }
0x1: {  	(tag) =	ssettag $0x0;
	lr =	simm.s32 $0x1  }
0x2: {  	[smem:$0x3F9E] =	sst lr;
	_ =	strace $0xD0000000  }
0x3: {  	_ = 	snop  }
0x4: {  	_ = 	snop  }
0x5: {  	_ = 	snop  }
0x6: {  	_ = 	snop  }
0x7: {  	_ = 	snop  }
__scs_overlays_trampoline_lowered:
0x8: {  	[smem:$0x3FAD] =	sst s0  }
0x9: {  	[smem:$0x3FAE] =	sst s1  }
0xa: {  	[smem:$0x3FAF] =	sst s2  }
0xb: {  	[smem:$0x3FB0] =	sst s3  }
0xc: {  	[smem:$0x3FB1] =	sst s4  }
0xd: {  	[smem:$0x3FB2] =	sst s5  }
0xe: {  	[smem:$0x3FB3] =	sst s6  }
0xf: {  	[smem:$0x3FB4] =	sst s7  }
0x10: {  	[smem:$0x3FB5] =	sst s8  }
0x11: {  	[smem:$0x3FB6] =	sst s9;
	s0 =	simm.s32 @!p0 $0x0  }
0x12: {  	s1 =	sld [smem:$0x3F9C];
	s0 =	simm.s32 @p0 $0x1  }
0x13: {  	[smem:$0x3FB7] =	sst s0;
	s0 =	simm.s32 @!p1 $0x0  }
0x14: {  	s2 =	sld [smem:$0x3F9B];
	s0 =	simm.s32 @p1 $0x1  }
0x15: {  	[smem:$0x3FB8] =	sst s0;
	s0 =	simm.s32 @!p2 $0x0  }
0x16: {  	s3 =	sld [smem:$0x3FDB];
	s0 =	simm.s32 @p2 $0x1  }
0x17: {  	s4 =	simm.s32 $0x1BF5;
	[smem:$0x3FBA] =	sst s0  }
0x18: {  	s0 =	sld [smem:$0x3F9D];
	_ =	swait.ge [sflag:s4], $0x0  }
0x19: {  	s7 =	sld [smem:$0x3F9E]  }
0x1a: {  	s8 =	sadd.s32 $0xFFFFE003, lr  }
0x1b: {  	s9 =	sadd.s32 $0xFFFFFEF7, lr;
	s5 =	simm.s32 $0xFFFFFFFF;
	p2 =	slt.u32 s8, $0xFFFFF086  }
0x1c: {  	p1 =	slt.u32 s9, $0xF7A;
	s5 =	simm.s32 @!p2 $0x0  }
0x1d: {  	s5 =	simm.s32 @p1 $0x1;
	p0 =	seq.s32 s7, s2  }
0x1e: {  	s7 =	smul.u32 @!p0 $0xF7A, s2;
	p2 =	seq.s32 @!p0 s5, $0x0  }
0x1f: {  	s9 =	smul.u32 $0xF7A, s1;
	s8 =	simm.s32 @!p0 $0x1BF5;
	p2 =	por !p2, p0  }
0x20: {  	[sflag:s8] =	ssyncset.s32 @!p0 $0xFFFFF086;
	s6 =	sadd.s32 @!p0 s3, s7;
	s7 =	simm.s32 @!p0 $0x108  }
0x21: {  	s3 =	sadd.s32 s3, s9;
	s6 =	sadd.s32 @!p0 $0x88, s6;
	s7 =	simm.s32 @p2 $0x1082  }
0x22: {  	[simem:s7], [sflag:s8] =	dma.local @!p0 [hbm:s6], $0xF7A  }
0x23: {  	s9 =	sor.u32 $0xD0000000, s2;
	s6 =	simm.s32 $0x108;
	_ =	swait.ge @!p0 [sflag:s8], $0x0  }
0x24: {  	s3 =	sadd.s32 $0x88, s3;
	s6 =	simm.s32 @!p1 $0x1082;
	[sflag:s4] =	ssyncset.s32 $0xFFFFF086  }
0x25: {  	[simem:s6], [sflag:s4] =	dma.local [hbm:s3], $0xF7A  }
0x26: {  	[smem:$0x3F9E] =	sst s1;
	(tag) =	ssettag s2;
	_ =	strace s9  }
0x27: {  	s1 =	sld [smem:$0x3FAE]  }
0x28: {  	s2 =	sld [smem:$0x3FAF]  }
0x29: {  	s4 =	sld [smem:$0x3FB1]  }
0x2a: {  	p0 =	seq.s32 s5, $0x0;
	s5 =	sld [smem:$0x3FB2]  }
0x2b: {  	s6 =	sld [smem:$0x3FB3]  }
0x2c: {  	s7 =	sld [smem:$0x3FB4]  }
0x2d: {  	s3 =	simm.s32 $0x108;
	s8 =	sld [smem:$0x3FB5]  }
0x2e: {  	s3 =	simm.s32 @!p0 $0x1082;
	s9 =	sld [smem:$0x3FB6]  }
0x2f: {  	lr =	sadd.s32 s0, s3;
	s0 =	sld [smem:$0x3FAD]  }
0x30: {  	s3 =	sld [smem:$0x3FB0]  }
0x31: {  	[smem:$0x3FB9] =	sst s10  }
0x32: {  	s10 =	sld [smem:$0x3FB7];
	_ =	sdelay $0x3  }
0x33: {  	p0 =	seq.s32 s10, $0x1;
	s10 =	sld [smem:$0x3FB9];
	_ =	sdelay $0x3  }
0x34: {  	[smem:$0x3FB9] =	sst s10  }
0x35: {  	s10 =	sld [smem:$0x3FB8];
	_ =	sdelay $0x3  }
0x36: {  	p1 =	seq.s32 s10, $0x1;
	s10 =	sld [smem:$0x3FB9];
	_ =	sdelay $0x3  }
0x37: {  	[smem:$0x3FB9] =	sst s10  }
0x38: {  	s10 =	sld [smem:$0x3FBA]  }
0x39: {  	_ = 	snop;
	(pc) =	sbr.ind lr, $3  }
0x3a: {  	_ = 	snop  }
0x3b: {  	_ = 	snop  }
0x3c: {  	p2 =	seq.s32 s10, $0x1;
	s10 =	sld [smem:$0x3FB9]  }
0x3d: {  	_ =	shalt  }
0x3e: {  	_ =	shalt  }
0x3f: {  	_ =	shalt  }
0x40: {  	_ =	shalt  }
0x41: {  	_ =	shalt  }
0x42: {  	_ =	shalt  }
0x43: {  	_ =	shalt  }
0x44: {  	_ =	shalt  }
0x45: {  	_ =	shalt  }
0x46: {  	_ =	shalt  }
0x47: {  	_ =	shalt  }
0x48: {  	_ =	shalt  }
0x49: {  	_ =	shalt  }
0x4a: {  	_ =	shalt  }
0x4b: {  	_ =	shalt  }
0x4c: {  	_ =	shalt  }
0x4d: {  	_ =	shalt  }
0x4e: {  	_ =	shalt  }
0x4f: {  	_ =	shalt  }
0x50: {  	_ =	shalt  }
0x51: {  	_ =	shalt  }
0x52: {  	_ =	shalt  }
0x53: {  	_ =	shalt  }
0x54: {  	_ =	shalt  }
0x55: {  	_ =	shalt  }
0x56: {  	_ =	shalt  }
0x57: {  	_ =	shalt  }
0x58: {  	_ =	shalt  }
0x59: {  	_ =	shalt  }
0x5a: {  	_ =	shalt  }
0x5b: {  	_ =	shalt  }
0x5c: {  	_ =	shalt  }
0x5d: {  	_ =	shalt  }
0x5e: {  	_ =	shalt  }
0x5f: {  	_ =	shalt  }
0x60: {  	_ =	shalt  }
0x61: {  	_ =	shalt  }
0x62: {  	_ =	shalt  }
0x63: {  	_ =	shalt  }
0x64: {  	_ =	shalt  }
0x65: {  	_ =	shalt  }
0x66: {  	_ =	shalt  }
0x67: {  	_ =	shalt  }
0x68: {  	_ =	shalt  }
0x69: {  	_ =	shalt  }
0x6a: {  	_ =	shalt  }
0x6b: {  	_ =	shalt  }
0x6c: {  	_ =	shalt  }
0x6d: {  	_ =	shalt  }
0x6e: {  	_ =	shalt  }
0x6f: {  	_ =	shalt  }
0x70: {  	_ =	shalt  }
0x71: {  	_ =	shalt  }
0x72: {  	_ =	shalt  }
0x73: {  	_ =	shalt  }
0x74: {  	_ =	shalt  }
0x75: {  	_ =	shalt  }
0x76: {  	_ =	shalt  }
0x77: {  	_ =	shalt  }
0x78: {  	_ =	shalt  }
0x79: {  	_ =	shalt  }
0x7a: {  	_ =	shalt  }
0x7b: {  	_ =	shalt  }
0x7c: {  	_ =	shalt  }
0x7d: {  	_ =	shalt  }
0x7e: {  	_ =	shalt  }
0x7f: {  	_ =	shalt  }
0x80: {  	_ =	shalt  }
0x81: {  	_ =	shalt  }
0x82: {  	_ =	shalt  }
0x83: {  	_ =	shalt  }
0x84: {  	_ =	shalt  }
0x85: {  	_ =	shalt  }
0x86: {  	_ =	shalt  }
0x87: {  	_ =	shalt  }
.Lfunc_end0:
.L_simem_size_0:
called_computation.1_lowered:
.L_overlay_start_0:
0x88: {  	s2 =	sld [smem:$0x3FD9]  }
0x89: {  	s3 =	sld [smem:$0x3FFE];
	_ =	sdelay $0x1  }
0x8a: {  	s1 =	srdreg.scid  }
0x8b: {  	s0 =	sand.u32 $0x1, s1  }
0x8c: {  	s17 =	sshll.u32 s0, $0xA;
	s2 =	sadd.s32 s3, s2  }
0x8d: {  	s2 =	sadd.s32 s2, s17  }
0x8e: {  	[smem:$0x3FC5] =	sst s2  }
0x8f: {  	_ = 	snop  }
0x90: {  	s18 =	sld [smem:$0x3FC8];
	(tm) =	ssettm $0x1  }
0x91: {  	s19 =	sld [smem:$0x3FFB];
	_ =	sdelay $0x3  }
0x92: {  	_ =	strace s19  }
0x93: {  	s2 =	sld [smem:$0x3FFC];
	_ =	sdelay $0x3  }
0x94: {  	_ =	strace s2  }
0x95: {  	s2 =	sld [smem:$0x3FFD];
	_ =	sdelay $0x3  }
0x96: {  	_ =	strace s2  }
0x97: {  	_ =	strace $0x8FFFFFFF  }
0x98: {  	s20 =	sld [smem:$0x3FDB];
	_ =	sdelay $0x1  }
0x99: {  	s4 =	simm.s32 $_scs_section_size  }
0x9a: {  	s5 =	simm.s32 $_size__tile_overlayer_lowered;
	s6 =	simm.s32 $_tile_overlayer_lowered  }
0x9b: {  	s7 =	simm.s32 $0x1BFF;
	s21 =	sshll.u32 s6, $0x1;
	s4 =	sadd.s32 s4, s20  }
0x9c: {  	s22 =	simm.s32 $0x0;
	s5 =	sshll.u32 s5, $0x1;
	s6 =	sadd.s32 s21, s4  }
0x9d: {  	[timem:s22], [sflag:s7] =	dma.local [hbm:s6], s5  }
0x9e: {  	_ =	swait.ge [sflag:s7], s5  }
0x9f: {  	s5 =	ssub.s32 $0x0, s5;
	[sflag:s7] =	ssyncset.done $0x0  }
0xa0: {  	[sflag:s7] =	ssyncadd.s32 s5;
	_ =	sdelay $0x1  }
0xa1: {  	s23 =	simm.s32 $0x1B8B  }
0xa2: {  	_ =	swait.ge [sflag:s23], $0x1  }
0xa3: {  	[sflag:s23] =	ssyncset.done $0x0  }
0xa4: {  	[sflag:s23] =	ssyncadd.s32 $0xFFFFFFFF  }
0xa5: {  	s5 =	sld [smem:$0x0]  }
0xa6: {  	s6 =	sand.u32 $0xFFFFFFFE, s1  }
0xa7: {  	p0 =	sne.s32 s1, s6  }
0xa8: {  	s6 =	sshll.u32 @p0 s6, $0xE  }
0xa9: {  	s6 =	sadd.s32 @p0 $0x11B8D, s6;
	s7 =	sshll.u32 @p0 s5, $0x11  }
0xaa: {  	s6 =	sor.u32 @p0 s7, s6  }
0xab: {  	[sflag:s6] =	ssyncadd.remote.s32 @p0 $0x1;
	_ =	sdelay $0x1  }
0xac: {  	s6 =	simm.s32 @p0 $0x1B8D  }
0xad: {  	_ =	swait.eq @p0 [sflag:s6], $0x1  }
0xae: {  	[sflag:s6] =	ssyncadd.s32 @p0 $0xFFFFFFFF  }
0xaf: {  	s7 =	sshll.u32 @!p0 s1, $0xE  }
0xb0: {  	s7 =	sor.u32 @!p0 $0x4000, s7;
	s6 =	simm.s32 @!p0 $0x1B8D  }
0xb1: {  	s5 =	sshll.u32 @!p0 s5, $0x11;
	s7 =	sadd.s32 @!p0 $0x11B8D, s7;
	_ =	swait.eq @!p0 [sflag:s6], $0x1  }
0xb2: {  	s5 =	sor.u32 @!p0 s5, s7;
	[sflag:s6] =	ssyncadd.s32 @!p0 $0xFFFFFFFF  }
0xb3: {  	s25 =	simm.s32 $0x1B8E;
	s24 =	sld [smem:$0x3FFE];
	[sflag:s5] =	ssyncadd.remote.s32 @!p0 $0x1  }
0xb4: {  	s26 =	simm.s32 $execute0_lowered;
	[smem:$0x3FD2] =	sst s25  }
0xb5: {  	s6 =	sshll.u32 s26, $0x1;
	_ =	strace $0x80000049;
	[dreg:$0x1] =	wrdreg $0xFFFFFFFF  }
0xb6: {  	s28 =	simm.s32 $_size_execute0_lowered;
	s4 =	sadd.s32 s4, s6;
	[dreg:$0x0] =	wrdreg $0x0  }
0xb7: {  	s6 =	sshll.u32 s28, $0x1;
	[dreg:$0x2] =	wrdreg s4  }
0xb8: {  	[dreg:$0x3] =	wrdreg s6  }
0xb9: {  	[dreg:$0x4] =	wrdreg $0xC0  }
0xba: {  	_ =	task [dreg:s22], $0x5FFFF  }
0xbb: {  	[dreg:$0x1] =	wrdreg $0xFFFFFFFF  }
0xbc: {  	[dreg:$0x0] =	wrdreg $0x60  }
0xbd: {  	[dreg:$0x2] =	wrdreg s18  }
0xbe: {  	[dreg:$0x3] =	wrdreg s24  }
0xbf: {  	[dreg:$0x4] =	wrdreg $0x9  }
0xc0: {  	_ =	task.clear_ibuf [dreg:s22], $0x5FFFF;
	_ =	strace $0x90000049  }
0xc1: {  	s29 =	simm.s32 $0x9;
	_ =	strace $0x8000004B  }
0xc2: {  	_ =	swait.ge [sflag:s29], $0x1  }
0xc3: {  	[sflag:s29] =	ssyncadd.s32 $0xFFFFFFFF  }
0xc4: {  	_ =	strace $0x9000004B  }
0xc5: {  	_ =	sfence  }
0xc6: {  	s30 =	sld [smem:$0x0];
	_ =	sdelay $0x2  }
0xc7: {  	s31 =	sshll.u32 s1, $0xD;
	s1 =	sshrl.u32 s1, $0x2  }
0xc8: {  	s4 =	sand.u32 $0x4000, s31;
	s1 =	sadd.s32 s1, s30  }
0xc9: {  	s0 =	sor.u32 s4, s0;
	s1 =	sshll.u32 s1, $0x11  }
0xca: {  	s0 =	sor.u32 s1, s0  }
0xcb: {  	s0 =	sadd.s32 $0x8F2B, s0  }
0xcc: {  	[sflag:s0] =	ssyncadd.remote.s32 $0x1  }
0xcd: {  	_ =	sfence.sel $0xFFFF  }
0xce: {  	[dreg:$0x0] =	wrdreg $0xFFFFFFFF;
	(pc) =	sbr.abs _section_cstart, $3  }
0xcf: {  	[dreg:$0x1] =	wrdreg $0xFFFFFFFF  }
0xd0: {  	_ =	task.clear_ibuf [dreg:s22], $0x2FFFF;
	_ =	strace $0x9FFFFFFF  }
0xd1: {  	(tm) =	ssettm $0x7FFFFFFF  }
tec
execute0_lowered:
.L_overlay_start_1:
0x0: {  	(tag) =	ssettag $0x1  }
0x1: {  	s2 =	rddreg [dreg:$0x0]  }
0x2: {  	s8 =	rddreg [dreg:$0x1]  }
0x3: {  	s0 =	rddreg [dreg:$0x2];
	s1 =	stileid.u32  }
0x4: {  	s3 =	srdreg.scid;
	_ =	strace $0x8000004A;
	s4 =	simm.s32 $0x1  }
0x5: {  	s7 =	simm.s32 $0x1;
	s9 =	simm.s32 $0x1;
	s10 =	simm.s32 $0x3  }
0x6: {  	s13 =	simm.s32 $0x0;
	s5 =	sand.u32 $0x1, s3;
	s6 =	sshll.u32 s1, $0x1  }
0x7: {  	s12 =	simm.s32 $0x0;
	s3 =	sadd.s32 $0x2A00, s8;
	s5 =	sor.u32 s6, s5  }
.Ltmp0:
0x8: {  	[sflag:s4] =	ssyncpa.u1 $0x0;
	p0 =	slt.u32 s5, $0x15;
	(pc) =	sbr.rel .LBB2_1-.Ltmp0, $4  }
0x9: {  	s6 =	simm.s32 $0x2;
	s7 =	simm.s32 @!p0 $0x0;
	p0 =	sne.s32 s5, $0x14  }
0xa: {  	[sflag:s6] =	ssyncpa.u1 $0x0;
	s5 =	smul.u32 $0xF0, s5;
	s9 =	simm.s32 @!p0 $0x0  }
0xb: {  	s8 =	sadd.s32 $0x3200, s8;
	[sflag:s10] =	ssyncpa.u1 $0x0;
	s7 =	sadd.s32 s9, s7  }
0xc: {  	vm0 =	vmmov $0xffff;
	s10 =	simm.s32 $0x0;
	s11 =	smov.u32 s5;
	s9 =	sadd.s32 $0x1, s7  }
.LBB2_4:
0xd: {  	v2 =	vnsel vm1, $0x0, v2  }
0xe: {  	vm1 =	vgt.s32 v0, $0x0;
	v2 =	vmin.u32 v2, $0x30BF  }
0xf: {  	v0 =	vnsel vm1, $0x0, v0  }
0x10: {  	v0 =	vmin.u32 v0, $0x30BF  }
0x11: {  	[tilespmem:s18], [sflag:$0x1] =	stream.indirect_vreg.gather [hbm4b:s2+s10], $0x1, v1, vm0, $0x4038;
	[tilespmem:$0x3C0] =	vst v63  }
0x12: {  	(ifvalue) =	ssetifvalue $0x7FFFFFFF  }
0x13: {  	[tilespmem:s15], [sflag:$0x1] =	stream.indirect_vreg.gather [hbm4b:s2+s10], $0x1, v2, vm0, $0x4038;
	[tilespmem:$0x3C0] =	vst v63  }
0x14: {  	s29 =	sadd.s32 $0x10, s15;
	(ifvalue) =	ssetifvalue $0x7FFFFFFF  }
0x15: {  	[tilespmem:s29], [sflag:$0x1] =	stream.indirect_vreg.gather [hbm4b:s2+s10], $0x1, v0, vm0, $0x4038;
	[tilespmem:$0x3C0] =	vst v63  }
0x16: {  	_ =	swait.ge [sflag:s4], $0xF0  }
0x17: {  	s30 =	sshrl.u32 s13, $0x3;
	[sflag:s4] =	ssyncset.done $0x0  }
0x18: {  	s31 =	sand.u32 $0x7, s13;
	s15 =	sadd.s32 s8, s30;
	[sflag:s4] =	ssyncadd.s32 $0xFFFFFF10  }
0x19: {  	[hbm4b:s15+s31] =	stream.linear.scatter [tilespmem:s14], [sflag:$0x3], $0xF0, $0x38;
	[tilespmem:$0x3C0] =	vst v63  }
.LBB2_5:
0x1a: {  	s15 =	sadd.s32 $0x1E00, s11  }
0x1b: {  	p1 =	sgt.s32 s15, $0x30BF  }
0x1c: {  	s15 =	smov.u32 @p1 s5;
	p1 =	sne.s32 s12, s9  }
.Ltmp1:
0x1d: {  	p0 =	slt.u32 s12, $0x2;
	(pc) =	sbr.rel @!p1 .LBB2_6-.Ltmp1, $4  }
0x1e: {  	s14 =	simm.s32 @!p0 $0x3  }
0x1f: {  	_ =	swait.ge @!p0 [sflag:s14], $0xF0  }
0x20: {  	s16 =	sadd.s32 $0x1, s12;
	s13 =	smov.u32 s11;
	[sflag:s14] =	ssyncset.done @!p0 $0x0  }
0x21: {  	s12 =	smov.u32 s16;
	s11 =	smov.u32 s15;
	[sflag:s14] =	ssyncadd.s32 @!p0 $0xFFFFFF10  }
.LBB2_1:
0x22: {  	p0 =	sge.u32 s12, s7  }
0x23: {  	s14 =	sxor.u32 @!p0 $0x1, s12  }
0x24: {  	s14 =	smul.u32 @!p0 $0x3C0, s14  }
0x25: {  	s31 =	sadd.s32 $0xFFFFFFFF, s12;
	s15 =	sshrl.u32 @!p0 s11, $0x3  }
0x26: {  	s16 =	sand.u32 @!p0 $0x7, s11;
	s15 =	sadd.s32 @!p0 s3, s15;
	s14 =	sshra.s32 @!p0 s14, $0x2  }
0x27: {  	[tilespmem:s14], [sflag:$0x2] =	stream.linear.gather @!p0 [hbm4b:s15+s16], $0xF0, $0x38;
	[tilespmem:$0x3C0] =	vst v63  }
0x28: {  	p0 =	sge.u32 s31, s7  }
.Ltmp2:
0x29: {  	_ = 	snop;
	(pc) =	sbr.rel @p0 .LBB2_5-.Ltmp2, $1  }
0x2a: {  	_ =	sdelay $0x3  }
0x2b: {  	s14 =	sand.u32 $0x1, s12  }
0x2c: {  	_ =	swait.ge [sflag:s6], $0xF0;
	p0 =	seq.s32 s14, $0x1;
	s14 =	simm.s32 $0xF0  }
0x2d: {  	[sflag:s6] =	ssyncset.done $0x0;
	s14 =	simm.s32 @!p0 $0x0  }
0x2e: {  	[sflag:s6] =	ssyncadd.s32 $0xFFFFFF10;
	(ifvalue) =	ssetifvalue $0x7FFFFFFF;
	v0 =	vld.msk [tilespmem:s14+$0x0 ss:$0x1], $0xffff;
	_ =	sdelay $0x4  }
0x2f: {  	s15 =	sadd.s32 $0x10, s14;
	vm1 =	vgt.s32 v0, $0x0  }
0x30: {  	v2 =	vld.msk [tilespmem:s15+$0x0 ss:$0x1], $0xffff;
	v1 =	vnsel vm1, $0x0, v0  }
0x31: {  	v1 =	vmin.u32 v1, $0x30BF;
	_ =	sdelay $0x2  }
0x32: {  	s17 =	simm.s32 $0x20;
	s14 =	sadd.s32 $0x1E0, s14;
	s16 =	sadd.s32 $0x10, s15  }
0x33: {  	s15 =	sadd.s32 $0x10, s14;
	s18 =	smov.u32 s14;
	v0 =	vld.msk [tilespmem:s16+$0x0 ss:$0x1], $0xffff;
	vm1 =	vgt.s32 v2, $0x0;
	(ifvalue) =	ssetifvalue $0x7FFFFFFF  }
.LBB2_3:
0x34: {  	[tilespmem:s18], [sflag:$0x1] =	stream.indirect_vreg.gather [hbm4b:s2+s10], $0x1, v1, vm0, $0x4038;
	[tilespmem:$0x3C0] =	vst v63  }
0x35: {  	s17 =	sadd.s32 $0x10, s17  }
0x36: {  	v2 =	vnsel vm1, $0x0, v2;
	p0 =	slt.u32 s17, $0xE0  }
.Ltmp3:
0x37: {  	s18 =	smov.u32 s15;
	v1 =	vmin.u32 v2, $0x30BF;
	(pc) =	sbr.rel @p0 .LBB2_3-.Ltmp3, $3  }
0x38: {  	_ =	sdelay $0x1  }
0x39: {  	s16 =	sadd.s32 $0x10, s16  }
0x3a: {  	vm1 =	vgt.s32 v0, $0x0;
	s15 =	sadd.s32 $0x10, s15;
	v2 =	vmov v0;
	(ifvalue) =	ssetifvalue $0x7FFFFFFF;
	v0 =	vld.msk [tilespmem:s16+$0x0 ss:$0x1], $0xffff  }
.Ltmp4:
0x3b: {  	_ = 	snop;
	(pc) =	sbr.rel .LBB2_4-.Ltmp4, $1  }
0x3c: {  	_ =	sdelay $0x3  }
.LBB2_6:
0x3d: {  	_ =	sfence.sel $0x180000  }
0x3e: {  	s2 =	simm.s32 $0x2;
	[bflag:$0x0] =	sbarrier.arrive $0xFFFF  }
0x3f: {  	s30 =	simm.s32 $0x3;
	[sflag:s2] =	ssyncpa.u1 $0x1  }
0x40: {  	s31 =	simm.s32 $0x1;
	[sflag:s30] =	ssyncpa.u1 $0x1  }
0x41: {  	[sflag:s31] =	ssyncpa.u1 $0x1  }
0x42: {  	p0 =	sne.s32 s1, $0x0;
	_ =	strace $0x9000004A  }
0x43: {  	s0 =	sadd.s32 @!p0 $0x100000, s0;
	[bflag:$0x2] =	sbarrier.arrive $0xFFFF  }
0x44: {  	[sflag:s0] =	ssyncadd.tile.s32 @!p0 $0x1;
	_ =	shalt  }
.Lfunc_end2:
_tile_overlayer_lowered:
.L_overlay_start_2:
0x45: {  	(tag) =	ssettag $0x2  }
0x46: {  	s0 =	rddreg [dreg:$0x0];
	s2 =	stileid.u32  }
0x47: {  	s1 =	rddreg [dreg:$0x1];
	p0 =	sne.s32 s2, $0x0  }
0x48: {  	s3 =	rddreg [dreg:$0x2];
	[bflag:$0x3] =	sbarrier.arrive $0xFFFF;
	s2 =	simm.s32 @!p0 $0x1C01  }
0x49: {  	[timem:s3], [sflag:s2] =	dma.local @!p0 [hbm:s0], s1  }
0x4a: {  	s0 =	simm.s32 @!p0 $0x1  }
0x4b: {  	_ =	swait.ge @!p0 [sflag:s0], s1  }
0x4c: {  	s1 =	ssub.s32 @!p0 $0x0, s1;
	[sflag:s0] =	ssyncset.done @!p0 $0x0  }
0x4d: {  	[sflag:s0] =	ssyncadd.s32 @!p0 s1  }
0x4e: {  	[bflag:$0x3] =	sbarrier.arrive $0xFFFF  }
0x4f: {  	_ =	shalt  }

// kernel: gather_offload_async_start.2
scs
__scs_entry_jumppad:
0x0: {  	(pc) =	sbr.rel $0x88, $3  }
0x1: {  	(tag) =	ssettag $0x0;
	lr =	simm.s32 $0x1  }
0x2: {  	[smem:$0x3F9E] =	sst lr;
	_ =	strace $0xD0000000  }
0x3: {  	_ = 	snop  }
0x4: {  	_ = 	snop  }
0x5: {  	_ = 	snop  }
0x6: {  	_ = 	snop  }
0x7: {  	_ = 	snop  }
__scs_overlays_trampoline_lowered:
0x8: {  	[smem:$0x3FAD] =	sst s0  }
0x9: {  	[smem:$0x3FAE] =	sst s1  }
0xa: {  	[smem:$0x3FAF] =	sst s2  }
0xb: {  	[smem:$0x3FB0] =	sst s3  }
0xc: {  	[smem:$0x3FB1] =	sst s4  }
0xd: {  	[smem:$0x3FB2] =	sst s5  }
0xe: {  	[smem:$0x3FB3] =	sst s6  }
0xf: {  	[smem:$0x3FB4] =	sst s7  }
0x10: {  	[smem:$0x3FB5] =	sst s8  }
0x11: {  	[smem:$0x3FB6] =	sst s9;
	s0 =	simm.s32 @!p0 $0x0  }
0x12: {  	s1 =	sld [smem:$0x3F9C];
	s0 =	simm.s32 @p0 $0x1  }
0x13: {  	[smem:$0x3FB7] =	sst s0;
	s0 =	simm.s32 @!p1 $0x0  }
0x14: {  	s2 =	sld [smem:$0x3F9B];
	s0 =	simm.s32 @p1 $0x1  }
0x15: {  	[smem:$0x3FB8] =	sst s0;
	s0 =	simm.s32 @!p2 $0x0  }
0x16: {  	s3 =	sld [smem:$0x3FDB];
	s0 =	simm.s32 @p2 $0x1  }
0x17: {  	s4 =	simm.s32 $0x1BF5;
	[smem:$0x3FBA] =	sst s0  }
0x18: {  	s0 =	sld [smem:$0x3F9D];
	_ =	swait.ge [sflag:s4], $0x0  }
0x19: {  	s7 =	sld [smem:$0x3F9E]  }
0x1a: {  	s8 =	sadd.s32 $0xFFFFE003, lr  }
0x1b: {  	s9 =	sadd.s32 $0xFFFFFEF7, lr;
	s5 =	simm.s32 $0xFFFFFFFF;
	p2 =	slt.u32 s8, $0xFFFFF086  }
0x1c: {  	p1 =	slt.u32 s9, $0xF7A;
	s5 =	simm.s32 @!p2 $0x0  }
0x1d: {  	s5 =	simm.s32 @p1 $0x1;
	p0 =	seq.s32 s7, s2  }
0x1e: {  	s7 =	smul.u32 @!p0 $0xF7A, s2;
	p2 =	seq.s32 @!p0 s5, $0x0  }
0x1f: {  	s9 =	smul.u32 $0xF7A, s1;
	s8 =	simm.s32 @!p0 $0x1BF5;
	p2 =	por !p2, p0  }
0x20: {  	[sflag:s8] =	ssyncset.s32 @!p0 $0xFFFFF086;
	s6 =	sadd.s32 @!p0 s3, s7;
	s7 =	simm.s32 @!p0 $0x108  }
0x21: {  	s3 =	sadd.s32 s3, s9;
	s6 =	sadd.s32 @!p0 $0x88, s6;
	s7 =	simm.s32 @p2 $0x1082  }
0x22: {  	[simem:s7], [sflag:s8] =	dma.local @!p0 [hbm:s6], $0xF7A  }
0x23: {  	s9 =	sor.u32 $0xD0000000, s2;
	s6 =	simm.s32 $0x108;
	_ =	swait.ge @!p0 [sflag:s8], $0x0  }
0x24: {  	s3 =	sadd.s32 $0x88, s3;
	s6 =	simm.s32 @!p1 $0x1082;
	[sflag:s4] =	ssyncset.s32 $0xFFFFF086  }
0x25: {  	[simem:s6], [sflag:s4] =	dma.local [hbm:s3], $0xF7A  }
0x26: {  	[smem:$0x3F9E] =	sst s1;
	(tag) =	ssettag s2;
	_ =	strace s9  }
0x27: {  	s1 =	sld [smem:$0x3FAE]  }
0x28: {  	s2 =	sld [smem:$0x3FAF]  }
0x29: {  	s4 =	sld [smem:$0x3FB1]  }
0x2a: {  	p0 =	seq.s32 s5, $0x0;
	s5 =	sld [smem:$0x3FB2]  }
0x2b: {  	s6 =	sld [smem:$0x3FB3]  }
0x2c: {  	s7 =	sld [smem:$0x3FB4]  }
0x2d: {  	s3 =	simm.s32 $0x108;
	s8 =	sld [smem:$0x3FB5]  }
0x2e: {  	s3 =	simm.s32 @!p0 $0x1082;
	s9 =	sld [smem:$0x3FB6]  }
0x2f: {  	lr =	sadd.s32 s0, s3;
	s0 =	sld [smem:$0x3FAD]  }
0x30: {  	s3 =	sld [smem:$0x3FB0]  }
0x31: {  	[smem:$0x3FB9] =	sst s10  }
0x32: {  	s10 =	sld [smem:$0x3FB7];
	_ =	sdelay $0x3  }
0x33: {  	p0 =	seq.s32 s10, $0x1;
	s10 =	sld [smem:$0x3FB9];
	_ =	sdelay $0x3  }
0x34: {  	[smem:$0x3FB9] =	sst s10  }
0x35: {  	s10 =	sld [smem:$0x3FB8];
	_ =	sdelay $0x3  }
0x36: {  	p1 =	seq.s32 s10, $0x1;
	s10 =	sld [smem:$0x3FB9];
	_ =	sdelay $0x3  }
0x37: {  	[smem:$0x3FB9] =	sst s10  }
0x38: {  	s10 =	sld [smem:$0x3FBA]  }
0x39: {  	_ = 	snop;
	(pc) =	sbr.ind lr, $3  }
0x3a: {  	_ = 	snop  }
0x3b: {  	_ = 	snop  }
0x3c: {  	p2 =	seq.s32 s10, $0x1;
	s10 =	sld [smem:$0x3FB9]  }
0x3d: {  	_ =	shalt  }
0x3e: {  	_ =	shalt  }
0x3f: {  	_ =	shalt  }
0x40: {  	_ =	shalt  }
0x41: {  	_ =	shalt  }
0x42: {  	_ =	shalt  }
0x43: {  	_ =	shalt  }
0x44: {  	_ =	shalt  }
0x45: {  	_ =	shalt  }
0x46: {  	_ =	shalt  }
0x47: {  	_ =	shalt  }
0x48: {  	_ =	shalt  }
0x49: {  	_ =	shalt  }
0x4a: {  	_ =	shalt  }
0x4b: {  	_ =	shalt  }
0x4c: {  	_ =	shalt  }
0x4d: {  	_ =	shalt  }
0x4e: {  	_ =	shalt  }
0x4f: {  	_ =	shalt  }
0x50: {  	_ =	shalt  }
0x51: {  	_ =	shalt  }
0x52: {  	_ =	shalt  }
0x53: {  	_ =	shalt  }
0x54: {  	_ =	shalt  }
0x55: {  	_ =	shalt  }
0x56: {  	_ =	shalt  }
0x57: {  	_ =	shalt  }
0x58: {  	_ =	shalt  }
0x59: {  	_ =	shalt  }
0x5a: {  	_ =	shalt  }
0x5b: {  	_ =	shalt  }
0x5c: {  	_ =	shalt  }
0x5d: {  	_ =	shalt  }
0x5e: {  	_ =	shalt  }
0x5f: {  	_ =	shalt  }
0x60: {  	_ =	shalt  }
0x61: {  	_ =	shalt  }
0x62: {  	_ =	shalt  }
0x63: {  	_ =	shalt  }
0x64: {  	_ =	shalt  }
0x65: {  	_ =	shalt  }
0x66: {  	_ =	shalt  }
0x67: {  	_ =	shalt  }
0x68: {  	_ =	shalt  }
0x69: {  	_ =	shalt  }
0x6a: {  	_ =	shalt  }
0x6b: {  	_ =	shalt  }
0x6c: {  	_ =	shalt  }
0x6d: {  	_ =	shalt  }
0x6e: {  	_ =	shalt  }
0x6f: {  	_ =	shalt  }
0x70: {  	_ =	shalt  }
0x71: {  	_ =	shalt  }
0x72: {  	_ =	shalt  }
0x73: {  	_ =	shalt  }
0x74: {  	_ =	shalt  }
0x75: {  	_ =	shalt  }
0x76: {  	_ =	shalt  }
0x77: {  	_ =	shalt  }
0x78: {  	_ =	shalt  }
0x79: {  	_ =	shalt  }
0x7a: {  	_ =	shalt  }
0x7b: {  	_ =	shalt  }
0x7c: {  	_ =	shalt  }
0x7d: {  	_ =	shalt  }
0x7e: {  	_ =	shalt  }
0x7f: {  	_ =	shalt  }
0x80: {  	_ =	shalt  }
0x81: {  	_ =	shalt  }
0x82: {  	_ =	shalt  }
0x83: {  	_ =	shalt  }
0x84: {  	_ =	shalt  }
0x85: {  	_ =	shalt  }
0x86: {  	_ =	shalt  }
0x87: {  	_ =	shalt  }
.Lfunc_end0:
.L_simem_size_0:
called_computation.2_lowered:
.L_overlay_start_0:
0x88: {  	s2 =	sld [smem:$0x3FD9]  }
0x89: {  	s3 =	sld [smem:$0x3FFE];
	_ =	sdelay $0x1  }
0x8a: {  	s1 =	srdreg.scid  }
0x8b: {  	s0 =	sand.u32 $0x1, s1  }
0x8c: {  	s17 =	sshll.u32 s0, $0xA;
	s2 =	sadd.s32 s3, s2  }
0x8d: {  	s2 =	sadd.s32 s2, s17  }
0x8e: {  	[smem:$0x3FC5] =	sst s2  }
0x8f: {  	_ = 	snop  }
0x90: {  	s18 =	sld [smem:$0x3FC8]  }
0x91: {  	s4 =	sld [smem:$0x3FD0];
	(tm) =	ssettm $0x1  }
0x92: {  	s19 =	sld [smem:$0x3FFB];
	_ =	sdelay $0x3  }
0x93: {  	_ =	strace s19  }
0x94: {  	s2 =	sld [smem:$0x3FFC];
	_ =	sdelay $0x3  }
0x95: {  	_ =	strace s2  }
0x96: {  	s2 =	sld [smem:$0x3FFD];
	_ =	sdelay $0x3  }
0x97: {  	_ =	strace s2  }
0x98: {  	_ =	strace $0x8FFFFFFF  }
0x99: {  	s20 =	sld [smem:$0x3FDB];
	_ =	sdelay $0x1  }
0x9a: {  	s5 =	simm.s32 $_scs_section_size  }
0x9b: {  	s6 =	simm.s32 $_size__tile_overlayer_lowered;
	s7 =	simm.s32 $_tile_overlayer_lowered  }
0x9c: {  	s8 =	simm.s32 $0x1BFF;
	s21 =	sshll.u32 s7, $0x1;
	s5 =	sadd.s32 s5, s20  }
0x9d: {  	s22 =	simm.s32 $0x0;
	s6 =	sshll.u32 s6, $0x1;
	s7 =	sadd.s32 s21, s5  }
0x9e: {  	[timem:s22], [sflag:s8] =	dma.local [hbm:s7], s6  }
0x9f: {  	_ =	swait.ge [sflag:s8], s6  }
0xa0: {  	s6 =	ssub.s32 $0x0, s6;
	[sflag:s8] =	ssyncset.done $0x0  }
0xa1: {  	[sflag:s8] =	ssyncadd.s32 s6;
	_ =	sdelay $0x1  }
0xa2: {  	s23 =	simm.s32 $0x1B8B  }
0xa3: {  	_ =	swait.ge [sflag:s23], $0x1  }
0xa4: {  	[sflag:s23] =	ssyncset.done $0x0  }
0xa5: {  	[sflag:s23] =	ssyncadd.s32 $0xFFFFFFFF  }
0xa6: {  	s6 =	sld [smem:$0x0]  }
0xa7: {  	s7 =	sand.u32 $0xFFFFFFFE, s1  }
0xa8: {  	p0 =	sne.s32 s1, s7  }
0xa9: {  	s7 =	sshll.u32 @p0 s7, $0xE  }
0xaa: {  	s7 =	sadd.s32 @p0 $0x11B8D, s7;
	s8 =	sshll.u32 @p0 s6, $0x11  }
0xab: {  	s7 =	sor.u32 @p0 s8, s7  }
0xac: {  	[sflag:s7] =	ssyncadd.remote.s32 @p0 $0x1;
	_ =	sdelay $0x1  }
0xad: {  	s7 =	simm.s32 @p0 $0x1B8D  }
0xae: {  	_ =	swait.eq @p0 [sflag:s7], $0x1  }
0xaf: {  	[sflag:s7] =	ssyncadd.s32 @p0 $0xFFFFFFFF  }
0xb0: {  	s8 =	sshll.u32 @!p0 s1, $0xE  }
0xb1: {  	s8 =	sor.u32 @!p0 $0x4000, s8;
	s7 =	simm.s32 @!p0 $0x1B8D  }
0xb2: {  	s6 =	sshll.u32 @!p0 s6, $0x11;
	s8 =	sadd.s32 @!p0 $0x11B8D, s8;
	_ =	swait.eq @!p0 [sflag:s7], $0x1  }
0xb3: {  	s6 =	sor.u32 @!p0 s6, s8;
	[sflag:s7] =	ssyncadd.s32 @!p0 $0xFFFFFFFF  }
0xb4: {  	s25 =	simm.s32 $0x1B8E;
	s24 =	sld [smem:$0x3FFE];
	[sflag:s6] =	ssyncadd.remote.s32 @!p0 $0x1  }
0xb5: {  	s26 =	simm.s32 $execute0_lowered;
	[smem:$0x3FD2] =	sst s25  }
0xb6: {  	s7 =	sshll.u32 s26, $0x1;
	_ =	strace $0x8000004C;
	[dreg:$0x1] =	wrdreg $0xFFFFFFFF  }
0xb7: {  	s28 =	simm.s32 $_size_execute0_lowered;
	s5 =	sadd.s32 s5, s7;
	[dreg:$0x0] =	wrdreg $0x0  }
0xb8: {  	s7 =	sshll.u32 s28, $0x1;
	[dreg:$0x2] =	wrdreg s5  }
0xb9: {  	[dreg:$0x3] =	wrdreg s7  }
0xba: {  	[dreg:$0x4] =	wrdreg $0xC0  }
0xbb: {  	_ =	task [dreg:s22], $0x5FFFF  }
0xbc: {  	[dreg:$0x1] =	wrdreg $0xFFFFFFFF  }
0xbd: {  	[dreg:$0x0] =	wrdreg $0x60  }
0xbe: {  	[dreg:$0x2] =	wrdreg s18  }
0xbf: {  	[dreg:$0x3] =	wrdreg s4  }
0xc0: {  	[dreg:$0x4] =	wrdreg s24  }
0xc1: {  	[dreg:$0x5] =	wrdreg $0xA  }
0xc2: {  	_ =	task.clear_ibuf [dreg:s22], $0x6FFFF;
	_ =	strace $0x9000004C  }
0xc3: {  	s29 =	simm.s32 $0xA;
	_ =	strace $0x8000004E  }
0xc4: {  	_ =	swait.ge [sflag:s29], $0x1  }
0xc5: {  	[sflag:s29] =	ssyncadd.s32 $0xFFFFFFFF  }
0xc6: {  	_ =	strace $0x9000004E  }
0xc7: {  	_ =	sfence  }
0xc8: {  	s30 =	sld [smem:$0x0];
	_ =	sdelay $0x2  }
0xc9: {  	s31 =	sshll.u32 s1, $0xD;
	s1 =	sshrl.u32 s1, $0x2  }
0xca: {  	s4 =	sand.u32 $0x4000, s31;
	s1 =	sadd.s32 s1, s30  }
0xcb: {  	s0 =	sor.u32 s4, s0;
	s1 =	sshll.u32 s1, $0x11  }
0xcc: {  	s0 =	sor.u32 s1, s0  }
0xcd: {  	s0 =	sadd.s32 $0x8F2B, s0  }
0xce: {  	[sflag:s0] =	ssyncadd.remote.s32 $0x1  }
0xcf: {  	_ =	sfence.sel $0xFFFF  }
0xd0: {  	[dreg:$0x0] =	wrdreg $0xFFFFFFFF;
	(pc) =	sbr.abs _section_cstart, $3  }
0xd1: {  	[dreg:$0x1] =	wrdreg $0xFFFFFFFF  }
0xd2: {  	_ =	task.clear_ibuf [dreg:s22], $0x2FFFF;
	_ =	strace $0x9FFFFFFF  }
0xd3: {  	(tm) =	ssettm $0x7FFFFFFF  }
tec
execute0_lowered:
.L_overlay_start_1:
0x0: {  	(tag) =	ssettag $0x1  }
0x1: {  	s2 =	rddreg [dreg:$0x0]  }
0x2: {  	s3 =	rddreg [dreg:$0x1]  }
0x3: {  	s8 =	rddreg [dreg:$0x2];
	s1 =	stileid.u32  }
0x4: {  	s4 =	srdreg.scid;
	s0 =	rddreg [dreg:$0x3];
	_ =	strace $0x8000004D  }
0x5: {  	s7 =	simm.s32 $0x1;
	s9 =	simm.s32 $0x1;
	s10 =	simm.s32 $0x3  }
0x6: {  	s13 =	simm.s32 $0x0;
	s5 =	sand.u32 $0x1, s4;
	s6 =	sshll.u32 s1, $0x1  }
0x7: {  	s12 =	simm.s32 $0x0;
	s4 =	simm.s32 $0x1;
	s5 =	sor.u32 s6, s5  }
.Ltmp0:
0x8: {  	[sflag:s4] =	ssyncpa.u1 $0x0;
	p0 =	slt.u32 s5, $0x15;
	(pc) =	sbr.rel .LBB2_1-.Ltmp0, $4  }
0x9: {  	s6 =	simm.s32 $0x2;
	s7 =	simm.s32 @!p0 $0x0;
	p0 =	sne.s32 s5, $0x14  }
0xa: {  	[sflag:s6] =	ssyncpa.u1 $0x0;
	s5 =	smul.u32 $0xF0, s5;
	s9 =	simm.s32 @!p0 $0x0  }
0xb: {  	s8 =	sadd.s32 $0x1A00, s8;
	[sflag:s10] =	ssyncpa.u1 $0x0;
	s7 =	sadd.s32 s9, s7  }
0xc: {  	vm0 =	vmmov $0xffff;
	s10 =	simm.s32 $0x0;
	s11 =	smov.u32 s5;
	s9 =	sadd.s32 $0x1, s7  }
.LBB2_4:
0xd: {  	v2 =	vnsel vm1, $0x0, v2  }
0xe: {  	vm1 =	vgt.s32 v0, $0x0;
	v2 =	vmin.u32 v2, $0x30BF  }
0xf: {  	v0 =	vnsel vm1, $0x0, v0  }
0x10: {  	v0 =	vmin.u32 v0, $0x30BF  }
0x11: {  	[tilespmem:s18], [sflag:$0x1] =	stream.indirect_vreg.gather [hbm4b:s2+s10], $0x1, v1, vm0, $0x4038;
	[tilespmem:$0x3C0] =	vst v63  }
0x12: {  	(ifvalue) =	ssetifvalue $0x7FFFFFFF  }
0x13: {  	[tilespmem:s15], [sflag:$0x1] =	stream.indirect_vreg.gather [hbm4b:s2+s10], $0x1, v2, vm0, $0x4038;
	[tilespmem:$0x3C0] =	vst v63  }
0x14: {  	s29 =	sadd.s32 $0x10, s15;
	(ifvalue) =	ssetifvalue $0x7FFFFFFF  }
0x15: {  	[tilespmem:s29], [sflag:$0x1] =	stream.indirect_vreg.gather [hbm4b:s2+s10], $0x1, v0, vm0, $0x4038;
	[tilespmem:$0x3C0] =	vst v63  }
0x16: {  	_ =	swait.ge [sflag:s4], $0xF0  }
0x17: {  	s30 =	sshrl.u32 s13, $0x3;
	[sflag:s4] =	ssyncset.done $0x0  }
0x18: {  	s31 =	sand.u32 $0x7, s13;
	s15 =	sadd.s32 s8, s30;
	[sflag:s4] =	ssyncadd.s32 $0xFFFFFF10  }
0x19: {  	[hbm4b:s15+s31] =	stream.linear.scatter [tilespmem:s14], [sflag:$0x3], $0xF0, $0x38;
	[tilespmem:$0x3C0] =	vst v63  }
.LBB2_5:
0x1a: {  	s15 =	sadd.s32 $0x1E00, s11  }
0x1b: {  	p1 =	sgt.s32 s15, $0x30BF  }
0x1c: {  	s15 =	smov.u32 @p1 s5;
	p1 =	sne.s32 s12, s9  }
.Ltmp1:
0x1d: {  	p0 =	slt.u32 s12, $0x2;
	(pc) =	sbr.rel @!p1 .LBB2_6-.Ltmp1, $4  }
0x1e: {  	s14 =	simm.s32 @!p0 $0x3  }
0x1f: {  	_ =	swait.ge @!p0 [sflag:s14], $0xF0  }
0x20: {  	s16 =	sadd.s32 $0x1, s12;
	s13 =	smov.u32 s11;
	[sflag:s14] =	ssyncset.done @!p0 $0x0  }
0x21: {  	s12 =	smov.u32 s16;
	s11 =	smov.u32 s15;
	[sflag:s14] =	ssyncadd.s32 @!p0 $0xFFFFFF10  }
.LBB2_1:
0x22: {  	p0 =	sge.u32 s12, s7  }
0x23: {  	s14 =	sxor.u32 @!p0 $0x1, s12  }
0x24: {  	s14 =	smul.u32 @!p0 $0x3C0, s14  }
0x25: {  	s31 =	sadd.s32 $0xFFFFFFFF, s12;
	s15 =	sshrl.u32 @!p0 s11, $0x3  }
0x26: {  	s16 =	sand.u32 @!p0 $0x7, s11;
	s15 =	sadd.s32 @!p0 s3, s15;
	s14 =	sshra.s32 @!p0 s14, $0x2  }
0x27: {  	[tilespmem:s14], [sflag:$0x2] =	stream.linear.gather @!p0 [hbm4b:s15+s16], $0xF0, $0x38;
	[tilespmem:$0x3C0] =	vst v63  }
0x28: {  	p0 =	sge.u32 s31, s7  }
.Ltmp2:
0x29: {  	_ = 	snop;
	(pc) =	sbr.rel @p0 .LBB2_5-.Ltmp2, $1  }
0x2a: {  	_ =	sdelay $0x3  }
0x2b: {  	s14 =	sand.u32 $0x1, s12  }
0x2c: {  	_ =	swait.ge [sflag:s6], $0xF0;
	p0 =	seq.s32 s14, $0x1;
	s14 =	simm.s32 $0xF0  }
0x2d: {  	[sflag:s6] =	ssyncset.done $0x0;
	s14 =	simm.s32 @!p0 $0x0  }
0x2e: {  	[sflag:s6] =	ssyncadd.s32 $0xFFFFFF10;
	(ifvalue) =	ssetifvalue $0x7FFFFFFF;
	v0 =	vld.msk [tilespmem:s14+$0x0 ss:$0x1], $0xffff;
	_ =	sdelay $0x4  }
0x2f: {  	s15 =	sadd.s32 $0x10, s14;
	vm1 =	vgt.s32 v0, $0x0  }
0x30: {  	v2 =	vld.msk [tilespmem:s15+$0x0 ss:$0x1], $0xffff;
	v1 =	vnsel vm1, $0x0, v0  }
0x31: {  	v1 =	vmin.u32 v1, $0x30BF;
	_ =	sdelay $0x2  }
0x32: {  	s17 =	simm.s32 $0x20;
	s14 =	sadd.s32 $0x1E0, s14;
	s16 =	sadd.s32 $0x10, s15  }
0x33: {  	s15 =	sadd.s32 $0x10, s14;
	s18 =	smov.u32 s14;
	v0 =	vld.msk [tilespmem:s16+$0x0 ss:$0x1], $0xffff;
	vm1 =	vgt.s32 v2, $0x0;
	(ifvalue) =	ssetifvalue $0x7FFFFFFF  }
.LBB2_3:
0x34: {  	[tilespmem:s18], [sflag:$0x1] =	stream.indirect_vreg.gather [hbm4b:s2+s10], $0x1, v1, vm0, $0x4038;
	[tilespmem:$0x3C0] =	vst v63  }
0x35: {  	s17 =	sadd.s32 $0x10, s17  }
0x36: {  	v2 =	vnsel vm1, $0x0, v2;
	p0 =	slt.u32 s17, $0xE0  }
.Ltmp3:
0x37: {  	s18 =	smov.u32 s15;
	v1 =	vmin.u32 v2, $0x30BF;
	(pc) =	sbr.rel @p0 .LBB2_3-.Ltmp3, $3  }
0x38: {  	_ =	sdelay $0x1  }
0x39: {  	s16 =	sadd.s32 $0x10, s16  }
0x3a: {  	vm1 =	vgt.s32 v0, $0x0;
	s15 =	sadd.s32 $0x10, s15;
	v2 =	vmov v0;
	(ifvalue) =	ssetifvalue $0x7FFFFFFF;
	v0 =	vld.msk [tilespmem:s16+$0x0 ss:$0x1], $0xffff  }
.Ltmp4:
0x3b: {  	_ = 	snop;
	(pc) =	sbr.rel .LBB2_4-.Ltmp4, $1  }
0x3c: {  	_ =	sdelay $0x3  }
.LBB2_6:
0x3d: {  	_ =	sfence.sel $0x180000  }
0x3e: {  	s2 =	simm.s32 $0x2;
	[bflag:$0x0] =	sbarrier.arrive $0xFFFF  }
0x3f: {  	s30 =	simm.s32 $0x3;
	[sflag:s2] =	ssyncpa.u1 $0x1  }
0x40: {  	s31 =	simm.s32 $0x1;
	[sflag:s30] =	ssyncpa.u1 $0x1  }
0x41: {  	[sflag:s31] =	ssyncpa.u1 $0x1  }
0x42: {  	p0 =	sne.s32 s1, $0x0;
	_ =	strace $0x9000004D  }
0x43: {  	s0 =	sadd.s32 @!p0 $0x100000, s0;
	[bflag:$0x2] =	sbarrier.arrive $0xFFFF  }
0x44: {  	[sflag:s0] =	ssyncadd.tile.s32 @!p0 $0x1;
	_ =	shalt  }
.Lfunc_end2:
_tile_overlayer_lowered:
.L_overlay_start_2:
0x45: {  	(tag) =	ssettag $0x2  }
0x46: {  	s0 =	rddreg [dreg:$0x0];
	s2 =	stileid.u32  }
0x47: {  	s1 =	rddreg [dreg:$0x1];
	p0 =	sne.s32 s2, $0x0  }
0x48: {  	s3 =	rddreg [dreg:$0x2];
	[bflag:$0x3] =	sbarrier.arrive $0xFFFF;
	s2 =	simm.s32 @!p0 $0x1C01  }
0x49: {  	[timem:s3], [sflag:s2] =	dma.local @!p0 [hbm:s0], s1  }
0x4a: {  	s0 =	simm.s32 @!p0 $0x1  }
0x4b: {  	_ =	swait.ge @!p0 [sflag:s0], s1  }
0x4c: {  	s1 =	ssub.s32 @!p0 $0x0, s1;
	[sflag:s0] =	ssyncset.done @!p0 $0x0  }
0x4d: {  	[sflag:s0] =	ssyncadd.s32 @!p0 s1  }
0x4e: {  	[bflag:$0x3] =	sbarrier.arrive $0xFFFF  }
0x4f: {  	_ =	shalt  }

// kernel: gather_offload_async_start
scs
__scs_entry_jumppad:
0x0: {  	(pc) =	sbr.rel $0x88, $3  }
0x1: {  	(tag) =	ssettag $0x0;
	lr =	simm.s32 $0x1  }
0x2: {  	[smem:$0x3F9E] =	sst lr;
	_ =	strace $0xD0000000  }
0x3: {  	_ = 	snop  }
0x4: {  	_ = 	snop  }
0x5: {  	_ = 	snop  }
0x6: {  	_ = 	snop  }
0x7: {  	_ = 	snop  }
__scs_overlays_trampoline_lowered:
0x8: {  	[smem:$0x3FAD] =	sst s0  }
0x9: {  	[smem:$0x3FAE] =	sst s1  }
0xa: {  	[smem:$0x3FAF] =	sst s2  }
0xb: {  	[smem:$0x3FB0] =	sst s3  }
0xc: {  	[smem:$0x3FB1] =	sst s4  }
0xd: {  	[smem:$0x3FB2] =	sst s5  }
0xe: {  	[smem:$0x3FB3] =	sst s6  }
0xf: {  	[smem:$0x3FB4] =	sst s7  }
0x10: {  	[smem:$0x3FB5] =	sst s8  }
0x11: {  	[smem:$0x3FB6] =	sst s9;
	s0 =	simm.s32 @!p0 $0x0  }
0x12: {  	s1 =	sld [smem:$0x3F9C];
	s0 =	simm.s32 @p0 $0x1  }
0x13: {  	[smem:$0x3FB7] =	sst s0;
	s0 =	simm.s32 @!p1 $0x0  }
0x14: {  	s2 =	sld [smem:$0x3F9B];
	s0 =	simm.s32 @p1 $0x1  }
0x15: {  	[smem:$0x3FB8] =	sst s0;
	s0 =	simm.s32 @!p2 $0x0  }
0x16: {  	s3 =	sld [smem:$0x3FDB];
	s0 =	simm.s32 @p2 $0x1  }
0x17: {  	s4 =	simm.s32 $0x1BF5;
	[smem:$0x3FBA] =	sst s0  }
0x18: {  	s0 =	sld [smem:$0x3F9D];
	_ =	swait.ge [sflag:s4], $0x0  }
0x19: {  	s7 =	sld [smem:$0x3F9E]  }
0x1a: {  	s8 =	sadd.s32 $0xFFFFE003, lr  }
0x1b: {  	s9 =	sadd.s32 $0xFFFFFEF7, lr;
	s5 =	simm.s32 $0xFFFFFFFF;
	p2 =	slt.u32 s8, $0xFFFFF086  }
0x1c: {  	p1 =	slt.u32 s9, $0xF7A;
	s5 =	simm.s32 @!p2 $0x0  }
0x1d: {  	s5 =	simm.s32 @p1 $0x1;
	p0 =	seq.s32 s7, s2  }
0x1e: {  	s7 =	smul.u32 @!p0 $0xF7A, s2;
	p2 =	seq.s32 @!p0 s5, $0x0  }
0x1f: {  	s9 =	smul.u32 $0xF7A, s1;
	s8 =	simm.s32 @!p0 $0x1BF5;
	p2 =	por !p2, p0  }
0x20: {  	[sflag:s8] =	ssyncset.s32 @!p0 $0xFFFFF086;
	s6 =	sadd.s32 @!p0 s3, s7;
	s7 =	simm.s32 @!p0 $0x108  }
0x21: {  	s3 =	sadd.s32 s3, s9;
	s6 =	sadd.s32 @!p0 $0x88, s6;
	s7 =	simm.s32 @p2 $0x1082  }
0x22: {  	[simem:s7], [sflag:s8] =	dma.local @!p0 [hbm:s6], $0xF7A  }
0x23: {  	s9 =	sor.u32 $0xD0000000, s2;
	s6 =	simm.s32 $0x108;
	_ =	swait.ge @!p0 [sflag:s8], $0x0  }
0x24: {  	s3 =	sadd.s32 $0x88, s3;
	s6 =	simm.s32 @!p1 $0x1082;
	[sflag:s4] =	ssyncset.s32 $0xFFFFF086  }
0x25: {  	[simem:s6], [sflag:s4] =	dma.local [hbm:s3], $0xF7A  }
0x26: {  	[smem:$0x3F9E] =	sst s1;
	(tag) =	ssettag s2;
	_ =	strace s9  }
0x27: {  	s1 =	sld [smem:$0x3FAE]  }
0x28: {  	s2 =	sld [smem:$0x3FAF]  }
0x29: {  	s4 =	sld [smem:$0x3FB1]  }
0x2a: {  	p0 =	seq.s32 s5, $0x0;
	s5 =	sld [smem:$0x3FB2]  }
0x2b: {  	s6 =	sld [smem:$0x3FB3]  }
0x2c: {  	s7 =	sld [smem:$0x3FB4]  }
0x2d: {  	s3 =	simm.s32 $0x108;
	s8 =	sld [smem:$0x3FB5]  }
0x2e: {  	s3 =	simm.s32 @!p0 $0x1082;
	s9 =	sld [smem:$0x3FB6]  }
0x2f: {  	lr =	sadd.s32 s0, s3;
	s0 =	sld [smem:$0x3FAD]  }
0x30: {  	s3 =	sld [smem:$0x3FB0]  }
0x31: {  	[smem:$0x3FB9] =	sst s10  }
0x32: {  	s10 =	sld [smem:$0x3FB7];
	_ =	sdelay $0x3  }
0x33: {  	p0 =	seq.s32 s10, $0x1;
	s10 =	sld [smem:$0x3FB9];
	_ =	sdelay $0x3  }
0x34: {  	[smem:$0x3FB9] =	sst s10  }
0x35: {  	s10 =	sld [smem:$0x3FB8];
	_ =	sdelay $0x3  }
0x36: {  	p1 =	seq.s32 s10, $0x1;
	s10 =	sld [smem:$0x3FB9];
	_ =	sdelay $0x3  }
0x37: {  	[smem:$0x3FB9] =	sst s10  }
0x38: {  	s10 =	sld [smem:$0x3FBA]  }
0x39: {  	_ = 	snop;
	(pc) =	sbr.ind lr, $3  }
0x3a: {  	_ = 	snop  }
0x3b: {  	_ = 	snop  }
0x3c: {  	p2 =	seq.s32 s10, $0x1;
	s10 =	sld [smem:$0x3FB9]  }
0x3d: {  	_ =	shalt  }
0x3e: {  	_ =	shalt  }
0x3f: {  	_ =	shalt  }
0x40: {  	_ =	shalt  }
0x41: {  	_ =	shalt  }
0x42: {  	_ =	shalt  }
0x43: {  	_ =	shalt  }
0x44: {  	_ =	shalt  }
0x45: {  	_ =	shalt  }
0x46: {  	_ =	shalt  }
0x47: {  	_ =	shalt  }
0x48: {  	_ =	shalt  }
0x49: {  	_ =	shalt  }
0x4a: {  	_ =	shalt  }
0x4b: {  	_ =	shalt  }
0x4c: {  	_ =	shalt  }
0x4d: {  	_ =	shalt  }
0x4e: {  	_ =	shalt  }
0x4f: {  	_ =	shalt  }
0x50: {  	_ =	shalt  }
0x51: {  	_ =	shalt  }
0x52: {  	_ =	shalt  }
0x53: {  	_ =	shalt  }
0x54: {  	_ =	shalt  }
0x55: {  	_ =	shalt  }
0x56: {  	_ =	shalt  }
0x57: {  	_ =	shalt  }
0x58: {  	_ =	shalt  }
0x59: {  	_ =	shalt  }
0x5a: {  	_ =	shalt  }
0x5b: {  	_ =	shalt  }
0x5c: {  	_ =	shalt  }
0x5d: {  	_ =	shalt  }
0x5e: {  	_ =	shalt  }
0x5f: {  	_ =	shalt  }
0x60: {  	_ =	shalt  }
0x61: {  	_ =	shalt  }
0x62: {  	_ =	shalt  }
0x63: {  	_ =	shalt  }
0x64: {  	_ =	shalt  }
0x65: {  	_ =	shalt  }
0x66: {  	_ =	shalt  }
0x67: {  	_ =	shalt  }
0x68: {  	_ =	shalt  }
0x69: {  	_ =	shalt  }
0x6a: {  	_ =	shalt  }
0x6b: {  	_ =	shalt  }
0x6c: {  	_ =	shalt  }
0x6d: {  	_ =	shalt  }
0x6e: {  	_ =	shalt  }
0x6f: {  	_ =	shalt  }
0x70: {  	_ =	shalt  }
0x71: {  	_ =	shalt  }
0x72: {  	_ =	shalt  }
0x73: {  	_ =	shalt  }
0x74: {  	_ =	shalt  }
0x75: {  	_ =	shalt  }
0x76: {  	_ =	shalt  }
0x77: {  	_ =	shalt  }
0x78: {  	_ =	shalt  }
0x79: {  	_ =	shalt  }
0x7a: {  	_ =	shalt  }
0x7b: {  	_ =	shalt  }
0x7c: {  	_ =	shalt  }
0x7d: {  	_ =	shalt  }
0x7e: {  	_ =	shalt  }
0x7f: {  	_ =	shalt  }
0x80: {  	_ =	shalt  }
0x81: {  	_ =	shalt  }
0x82: {  	_ =	shalt  }
0x83: {  	_ =	shalt  }
0x84: {  	_ =	shalt  }
0x85: {  	_ =	shalt  }
0x86: {  	_ =	shalt  }
0x87: {  	_ =	shalt  }
.Lfunc_end0:
.L_simem_size_0:
called_computation_lowered:
.L_overlay_start_0:
0x88: {  	s2 =	sld [smem:$0x3FD9]  }
0x89: {  	s3 =	sld [smem:$0x3FFE];
	_ =	sdelay $0x1  }
0x8a: {  	s1 =	srdreg.scid  }
0x8b: {  	s0 =	sand.u32 $0x1, s1  }
0x8c: {  	s17 =	sshll.u32 s0, $0xA;
	s2 =	sadd.s32 s3, s2  }
0x8d: {  	s2 =	sadd.s32 s2, s17  }
0x8e: {  	[smem:$0x3FC5] =	sst s2  }
0x8f: {  	_ = 	snop  }
0x90: {  	s2 =	sld [smem:$0x3FC8];
	(tm) =	ssettm $0x1  }
0x91: {  	s18 =	sld [smem:$0x3FFB];
	_ =	sdelay $0x3  }
0x92: {  	_ =	strace s18  }
0x93: {  	s3 =	sld [smem:$0x3FFC];
	_ =	sdelay $0x3  }
0x94: {  	_ =	strace s3  }
0x95: {  	s3 =	sld [smem:$0x3FFD];
	_ =	sdelay $0x3  }
0x96: {  	_ =	strace s3  }
0x97: {  	_ =	strace $0x8FFFFFFF  }
0x98: {  	s19 =	sld [smem:$0x3FDB];
	_ =	sdelay $0x1  }
0x99: {  	s4 =	simm.s32 $_scs_section_size  }
0x9a: {  	s5 =	simm.s32 $_size__tile_overlayer_lowered;
	s6 =	simm.s32 $_tile_overlayer_lowered  }
0x9b: {  	s22 =	simm.s32 $0x1BFF;
	s21 =	sshll.u32 s6, $0x1;
	s3 =	sadd.s32 s4, s19  }
0x9c: {  	s7 =	simm.s32 $0x0;
	s20 =	sshll.u32 s5, $0x1;
	s5 =	sadd.s32 s21, s3  }
0x9d: {  	[timem:s7], [sflag:s22] =	dma.local [hbm:s5], s20  }
0x9e: {  	_ =	swait.ge [sflag:s22], s20  }
0x9f: {  	s4 =	ssub.s32 $0x0, s20;
	[sflag:s22] =	ssyncset.done $0x0  }
0xa0: {  	[sflag:s22] =	ssyncadd.s32 s4;
	_ =	sdelay $0x1  }
0xa1: {  	s23 =	simm.s32 $0x1B8B  }
0xa2: {  	_ =	swait.ge [sflag:s23], $0x1  }
0xa3: {  	[sflag:s23] =	ssyncset.done $0x0  }
0xa4: {  	s25 =	simm.s32 $0x1B8E;
	s24 =	sld [smem:$0x3FFE];
	[sflag:s23] =	ssyncadd.s32 $0xFFFFFFFF  }
0xa5: {  	s26 =	simm.s32 $execute0_lowered;
	[smem:$0x3FD2] =	sst s25  }
0xa6: {  	s5 =	sshll.u32 s26, $0x1;
	_ =	strace $0x80000046;
	[dreg:$0x1] =	wrdreg $0xFFFFFFFF  }
0xa7: {  	s28 =	simm.s32 $_size_execute0_lowered;
	s3 =	sadd.s32 s3, s5;
	[dreg:$0x0] =	wrdreg $0x0  }
0xa8: {  	s5 =	sshll.u32 s28, $0x1;
	[dreg:$0x2] =	wrdreg s3  }
0xa9: {  	[dreg:$0x3] =	wrdreg s5  }
0xaa: {  	[dreg:$0x4] =	wrdreg $0xC0  }
0xab: {  	_ =	task [dreg:s7], $0x5FFFF  }
0xac: {  	[dreg:$0x1] =	wrdreg $0xFFFFFFFF  }
0xad: {  	[dreg:$0x0] =	wrdreg $0x60  }
0xae: {  	[dreg:$0x2] =	wrdreg s2  }
0xaf: {  	[dreg:$0x3] =	wrdreg s24  }
0xb0: {  	[dreg:$0x4] =	wrdreg $0xA  }
0xb1: {  	_ =	task.clear_ibuf [dreg:s7], $0x5FFFF;
	_ =	strace $0x90000046  }
0xb2: {  	s29 =	simm.s32 $0xA;
	_ =	strace $0x80000048  }
0xb3: {  	_ =	swait.ge [sflag:s29], $0x1  }
0xb4: {  	[sflag:s29] =	ssyncadd.s32 $0xFFFFFFFF  }
0xb5: {  	_ =	strace $0x90000048  }
0xb6: {  	_ =	sfence  }
0xb7: {  	s30 =	sld [smem:$0x0];
	_ =	sdelay $0x2  }
0xb8: {  	s31 =	sshll.u32 s1, $0xD;
	s1 =	sshrl.u32 s1, $0x2  }
0xb9: {  	s3 =	sand.u32 $0x4000, s31;
	s1 =	sadd.s32 s1, s30  }
0xba: {  	s0 =	sor.u32 s3, s0;
	s1 =	sshll.u32 s1, $0x11  }
0xbb: {  	s0 =	sor.u32 s1, s0  }
0xbc: {  	s0 =	sadd.s32 $0x8F2B, s0  }
0xbd: {  	[sflag:s0] =	ssyncadd.remote.s32 $0x1  }
0xbe: {  	_ =	sfence.sel $0xFFFF  }
0xbf: {  	[dreg:$0x0] =	wrdreg $0xFFFFFFFF;
	(pc) =	sbr.abs _section_cstart, $3  }
0xc0: {  	[dreg:$0x1] =	wrdreg $0xFFFFFFFF  }
0xc1: {  	_ =	task.clear_ibuf [dreg:s7], $0x2FFFF;
	_ =	strace $0x9FFFFFFF  }
0xc2: {  	(tm) =	ssettm $0x7FFFFFFF  }
0xc3: {  	_ =	shalt  }
tec
execute0_lowered:
.L_overlay_start_1:
0x0: {  	(tag) =	ssettag $0x1  }
0x1: {  	s2 =	rddreg [dreg:$0x0]  }
0x2: {  	s8 =	rddreg [dreg:$0x1]  }
0x3: {  	s0 =	rddreg [dreg:$0x2];
	s1 =	stileid.u32  }
0x4: {  	s3 =	srdreg.scid;
	_ =	strace $0x80000047;
	s4 =	simm.s32 $0x1  }
0x5: {  	s7 =	simm.s32 $0x1;
	s9 =	simm.s32 $0x1;
	s10 =	simm.s32 $0x3  }
0x6: {  	s13 =	simm.s32 $0x0;
	s5 =	sand.u32 $0x1, s3;
	s6 =	sshll.u32 s1, $0x1  }
0x7: {  	s12 =	simm.s32 $0x0;
	s3 =	sadd.s32 $0x1A00, s8;
	s5 =	sor.u32 s6, s5  }
.Ltmp0:
0x8: {  	[sflag:s4] =	ssyncpa.u1 $0x0;
	p0 =	slt.u32 s5, $0x15;
	(pc) =	sbr.rel .LBB2_1-.Ltmp0, $4  }
0x9: {  	s6 =	simm.s32 $0x2;
	s7 =	simm.s32 @!p0 $0x0;
	p0 =	sne.s32 s5, $0x14  }
0xa: {  	[sflag:s6] =	ssyncpa.u1 $0x0;
	s5 =	smul.u32 $0xF0, s5;
	s9 =	simm.s32 @!p0 $0x0  }
0xb: {  	s8 =	sadd.s32 $0x2200, s8;
	[sflag:s10] =	ssyncpa.u1 $0x0;
	s7 =	sadd.s32 s9, s7  }
0xc: {  	vm0 =	vmmov $0xffff;
	s10 =	simm.s32 $0x0;
	s11 =	smov.u32 s5;
	s9 =	sadd.s32 $0x1, s7  }
.LBB2_4:
0xd: {  	v2 =	vnsel vm1, $0x0, v2  }
0xe: {  	vm1 =	vgt.s32 v0, $0x0;
	v2 =	vmin.u32 v2, $0x30BF  }
0xf: {  	v0 =	vnsel vm1, $0x0, v0  }
0x10: {  	v0 =	vmin.u32 v0, $0x30BF  }
0x11: {  	[tilespmem:s18], [sflag:$0x1] =	stream.indirect_vreg.gather [hbm4b:s2+s10], $0x1, v1, vm0, $0x4038;
	[tilespmem:$0x3C0] =	vst v63  }
0x12: {  	(ifvalue) =	ssetifvalue $0x7FFFFFFF  }
0x13: {  	[tilespmem:s15], [sflag:$0x1] =	stream.indirect_vreg.gather [hbm4b:s2+s10], $0x1, v2, vm0, $0x4038;
	[tilespmem:$0x3C0] =	vst v63  }
0x14: {  	s29 =	sadd.s32 $0x10, s15;
	(ifvalue) =	ssetifvalue $0x7FFFFFFF  }
0x15: {  	[tilespmem:s29], [sflag:$0x1] =	stream.indirect_vreg.gather [hbm4b:s2+s10], $0x1, v0, vm0, $0x4038;
	[tilespmem:$0x3C0] =	vst v63  }
0x16: {  	_ =	swait.ge [sflag:s4], $0xF0  }
0x17: {  	s30 =	sshrl.u32 s13, $0x3;
	[sflag:s4] =	ssyncset.done $0x0  }
0x18: {  	s31 =	sand.u32 $0x7, s13;
	s15 =	sadd.s32 s8, s30;
	[sflag:s4] =	ssyncadd.s32 $0xFFFFFF10  }
0x19: {  	[hbm4b:s15+s31] =	stream.linear.scatter [tilespmem:s14], [sflag:$0x3], $0xF0, $0x38;
	[tilespmem:$0x3C0] =	vst v63  }
.LBB2_5:
0x1a: {  	s15 =	sadd.s32 $0x1E00, s11  }
0x1b: {  	p1 =	sgt.s32 s15, $0x30BF  }
0x1c: {  	s15 =	smov.u32 @p1 s5;
	p1 =	sne.s32 s12, s9  }
.Ltmp1:
0x1d: {  	p0 =	slt.u32 s12, $0x2;
	(pc) =	sbr.rel @!p1 .LBB2_6-.Ltmp1, $4  }
0x1e: {  	s14 =	simm.s32 @!p0 $0x3  }
0x1f: {  	_ =	swait.ge @!p0 [sflag:s14], $0xF0  }
0x20: {  	s16 =	sadd.s32 $0x1, s12;
	s13 =	smov.u32 s11;
	[sflag:s14] =	ssyncset.done @!p0 $0x0  }
0x21: {  	s12 =	smov.u32 s16;
	s11 =	smov.u32 s15;
	[sflag:s14] =	ssyncadd.s32 @!p0 $0xFFFFFF10  }
.LBB2_1:
0x22: {  	p0 =	sge.u32 s12, s7  }
0x23: {  	s14 =	sxor.u32 @!p0 $0x1, s12  }
0x24: {  	s14 =	smul.u32 @!p0 $0x3C0, s14  }
0x25: {  	s31 =	sadd.s32 $0xFFFFFFFF, s12;
	s15 =	sshrl.u32 @!p0 s11, $0x3  }
0x26: {  	s16 =	sand.u32 @!p0 $0x7, s11;
	s15 =	sadd.s32 @!p0 s3, s15;
	s14 =	sshra.s32 @!p0 s14, $0x2  }
0x27: {  	[tilespmem:s14], [sflag:$0x2] =	stream.linear.gather @!p0 [hbm4b:s15+s16], $0xF0, $0x38;
	[tilespmem:$0x3C0] =	vst v63  }
0x28: {  	p0 =	sge.u32 s31, s7  }
.Ltmp2:
0x29: {  	_ = 	snop;
	(pc) =	sbr.rel @p0 .LBB2_5-.Ltmp2, $1  }
0x2a: {  	_ =	sdelay $0x3  }
0x2b: {  	s14 =	sand.u32 $0x1, s12  }
0x2c: {  	_ =	swait.ge [sflag:s6], $0xF0;
	p0 =	seq.s32 s14, $0x1;
	s14 =	simm.s32 $0xF0  }
0x2d: {  	[sflag:s6] =	ssyncset.done $0x0;
	s14 =	simm.s32 @!p0 $0x0  }
0x2e: {  	[sflag:s6] =	ssyncadd.s32 $0xFFFFFF10;
	(ifvalue) =	ssetifvalue $0x7FFFFFFF;
	v0 =	vld.msk [tilespmem:s14+$0x0 ss:$0x1], $0xffff;
	_ =	sdelay $0x4  }
0x2f: {  	s15 =	sadd.s32 $0x10, s14;
	vm1 =	vgt.s32 v0, $0x0  }
0x30: {  	v2 =	vld.msk [tilespmem:s15+$0x0 ss:$0x1], $0xffff;
	v1 =	vnsel vm1, $0x0, v0  }
0x31: {  	v1 =	vmin.u32 v1, $0x30BF;
	_ =	sdelay $0x2  }
0x32: {  	s17 =	simm.s32 $0x20;
	s14 =	sadd.s32 $0x1E0, s14;
	s16 =	sadd.s32 $0x10, s15  }
0x33: {  	s15 =	sadd.s32 $0x10, s14;
	s18 =	smov.u32 s14;
	v0 =	vld.msk [tilespmem:s16+$0x0 ss:$0x1], $0xffff;
	vm1 =	vgt.s32 v2, $0x0;
	(ifvalue) =	ssetifvalue $0x7FFFFFFF  }
.LBB2_3:
0x34: {  	[tilespmem:s18], [sflag:$0x1] =	stream.indirect_vreg.gather [hbm4b:s2+s10], $0x1, v1, vm0, $0x4038;
	[tilespmem:$0x3C0] =	vst v63  }
0x35: {  	s17 =	sadd.s32 $0x10, s17  }
0x36: {  	v2 =	vnsel vm1, $0x0, v2;
	p0 =	slt.u32 s17, $0xE0  }
.Ltmp3:
0x37: {  	s18 =	smov.u32 s15;
	v1 =	vmin.u32 v2, $0x30BF;
	(pc) =	sbr.rel @p0 .LBB2_3-.Ltmp3, $3  }
0x38: {  	_ =	sdelay $0x1  }
0x39: {  	s16 =	sadd.s32 $0x10, s16  }
0x3a: {  	vm1 =	vgt.s32 v0, $0x0;
	s15 =	sadd.s32 $0x10, s15;
	v2 =	vmov v0;
	(ifvalue) =	ssetifvalue $0x7FFFFFFF;
	v0 =	vld.msk [tilespmem:s16+$0x0 ss:$0x1], $0xffff  }
.Ltmp4:
0x3b: {  	_ = 	snop;
	(pc) =	sbr.rel .LBB2_4-.Ltmp4, $1  }
0x3c: {  	_ =	sdelay $0x3  }
.LBB2_6:
0x3d: {  	_ =	sfence.sel $0x180000  }
0x3e: {  	s2 =	simm.s32 $0x2;
	[bflag:$0x0] =	sbarrier.arrive $0xFFFF  }
0x3f: {  	s30 =	simm.s32 $0x3;
	[sflag:s2] =	ssyncpa.u1 $0x1  }
0x40: {  	s31 =	simm.s32 $0x1;
	[sflag:s30] =	ssyncpa.u1 $0x1  }
0x41: {  	[sflag:s31] =	ssyncpa.u1 $0x1  }
0x42: {  	p0 =	sne.s32 s1, $0x0;
	_ =	strace $0x90000047  }
0x43: {  	s0 =	sadd.s32 @!p0 $0x100000, s0;
	[bflag:$0x2] =	sbarrier.arrive $0xFFFF  }
0x44: {  	[sflag:s0] =	ssyncadd.tile.s32 @!p0 $0x1;
	_ =	shalt  }
.Lfunc_end2:
_tile_overlayer_lowered:
.L_overlay_start_2:
0x45: {  	(tag) =	ssettag $0x2  }
0x46: {  	s0 =	rddreg [dreg:$0x0];
	s2 =	stileid.u32  }
0x47: {  	s1 =	rddreg [dreg:$0x1];
	p0 =	sne.s32 s2, $0x0  }
0x48: {  	s3 =	rddreg [dreg:$0x2];
	[bflag:$0x3] =	sbarrier.arrive $0xFFFF;
	s2 =	simm.s32 @!p0 $0x1C01  }
0x49: {  	[timem:s3], [sflag:s2] =	dma.local @!p0 [hbm:s0], s1  }
0x4a: {  	s0 =	simm.s32 @!p0 $0x1  }
0x4b: {  	_ =	swait.ge @!p0 [sflag:s0], s1  }
0x4c: {  	s1 =	ssub.s32 @!p0 $0x0, s1;
	[sflag:s0] =	ssyncset.done @!p0 $0x0  }
0x4d: {  	[sflag:s0] =	ssyncadd.s32 @!p0 s1  }
0x4e: {  	[bflag:$0x3] =	sbarrier.arrive $0xFFFF  }
0x4f: {  	_ =	shalt  }

// kernel: kernel.3.cloned.1.call-start
scs
__scs_entry_jumppad:
0x0: {  	(pc) =	sbr.rel $0x88, $3  }
0x1: {  	(tag) =	ssettag $0x0;
	lr =	simm.s32 $0x1  }
0x2: {  	[smem:$0x3F9E] =	sst lr;
	_ =	strace $0xD0000000  }
0x3: {  	_ = 	snop  }
0x4: {  	_ = 	snop  }
0x5: {  	_ = 	snop  }
0x6: {  	_ = 	snop  }
0x7: {  	_ = 	snop  }
__scs_overlays_trampoline_lowered:
0x8: {  	[smem:$0x3FAD] =	sst s0  }
0x9: {  	[smem:$0x3FAE] =	sst s1  }
0xa: {  	[smem:$0x3FAF] =	sst s2  }
0xb: {  	[smem:$0x3FB0] =	sst s3  }
0xc: {  	[smem:$0x3FB1] =	sst s4  }
0xd: {  	[smem:$0x3FB2] =	sst s5  }
0xe: {  	[smem:$0x3FB3] =	sst s6  }
0xf: {  	[smem:$0x3FB4] =	sst s7  }
0x10: {  	[smem:$0x3FB5] =	sst s8  }
0x11: {  	[smem:$0x3FB6] =	sst s9;
	s0 =	simm.s32 @!p0 $0x0  }
0x12: {  	s1 =	sld [smem:$0x3F9C];
	s0 =	simm.s32 @p0 $0x1  }
0x13: {  	[smem:$0x3FB7] =	sst s0;
	s0 =	simm.s32 @!p1 $0x0  }
0x14: {  	s2 =	sld [smem:$0x3F9B];
	s0 =	simm.s32 @p1 $0x1  }
0x15: {  	[smem:$0x3FB8] =	sst s0;
	s0 =	simm.s32 @!p2 $0x0  }
0x16: {  	s3 =	sld [smem:$0x3FDB];
	s0 =	simm.s32 @p2 $0x1  }
0x17: {  	s4 =	simm.s32 $0x1BF5;
	[smem:$0x3FBA] =	sst s0  }
0x18: {  	s0 =	sld [smem:$0x3F9D];
	_ =	swait.ge [sflag:s4], $0x0  }
0x19: {  	s7 =	sld [smem:$0x3F9E]  }
0x1a: {  	s8 =	sadd.s32 $0xFFFFE003, lr  }
0x1b: {  	s9 =	sadd.s32 $0xFFFFFEF7, lr;
	s5 =	simm.s32 $0xFFFFFFFF;
	p2 =	slt.u32 s8, $0xFFFFF086  }
0x1c: {  	p1 =	slt.u32 s9, $0xF7A;
	s5 =	simm.s32 @!p2 $0x0  }
0x1d: {  	s5 =	simm.s32 @p1 $0x1;
	p0 =	seq.s32 s7, s2  }
0x1e: {  	s7 =	smul.u32 @!p0 $0xF7A, s2;
	p2 =	seq.s32 @!p0 s5, $0x0  }
0x1f: {  	s9 =	smul.u32 $0xF7A, s1;
	s8 =	simm.s32 @!p0 $0x1BF5;
	p2 =	por !p2, p0  }
0x20: {  	[sflag:s8] =	ssyncset.s32 @!p0 $0xFFFFF086;
	s6 =	sadd.s32 @!p0 s3, s7;
	s7 =	simm.s32 @!p0 $0x108  }
0x21: {  	s3 =	sadd.s32 s3, s9;
	s6 =	sadd.s32 @!p0 $0x88, s6;
	s7 =	simm.s32 @p2 $0x1082  }
0x22: {  	[simem:s7], [sflag:s8] =	dma.local @!p0 [hbm:s6], $0xF7A  }
0x23: {  	s9 =	sor.u32 $0xD0000000, s2;
	s6 =	simm.s32 $0x108;
	_ =	swait.ge @!p0 [sflag:s8], $0x0  }
0x24: {  	s3 =	sadd.s32 $0x88, s3;
	s6 =	simm.s32 @!p1 $0x1082;
	[sflag:s4] =	ssyncset.s32 $0xFFFFF086  }
0x25: {  	[simem:s6], [sflag:s4] =	dma.local [hbm:s3], $0xF7A  }
0x26: {  	[smem:$0x3F9E] =	sst s1;
	(tag) =	ssettag s2;
	_ =	strace s9  }
0x27: {  	s1 =	sld [smem:$0x3FAE]  }
0x28: {  	s2 =	sld [smem:$0x3FAF]  }
0x29: {  	s4 =	sld [smem:$0x3FB1]  }
0x2a: {  	p0 =	seq.s32 s5, $0x0;
	s5 =	sld [smem:$0x3FB2]  }
0x2b: {  	s6 =	sld [smem:$0x3FB3]  }
0x2c: {  	s7 =	sld [smem:$0x3FB4]  }
0x2d: {  	s3 =	simm.s32 $0x108;
	s8 =	sld [smem:$0x3FB5]  }
0x2e: {  	s3 =	simm.s32 @!p0 $0x1082;
	s9 =	sld [smem:$0x3FB6]  }
0x2f: {  	lr =	sadd.s32 s0, s3;
	s0 =	sld [smem:$0x3FAD]  }
0x30: {  	s3 =	sld [smem:$0x3FB0]  }
0x31: {  	[smem:$0x3FB9] =	sst s10  }
0x32: {  	s10 =	sld [smem:$0x3FB7];
	_ =	sdelay $0x3  }
0x33: {  	p0 =	seq.s32 s10, $0x1;
	s10 =	sld [smem:$0x3FB9];
	_ =	sdelay $0x3  }
0x34: {  	[smem:$0x3FB9] =	sst s10  }
0x35: {  	s10 =	sld [smem:$0x3FB8];
	_ =	sdelay $0x3  }
0x36: {  	p1 =	seq.s32 s10, $0x1;
	s10 =	sld [smem:$0x3FB9];
	_ =	sdelay $0x3  }
0x37: {  	[smem:$0x3FB9] =	sst s10  }
0x38: {  	s10 =	sld [smem:$0x3FBA]  }
0x39: {  	_ = 	snop;
	(pc) =	sbr.ind lr, $3  }
0x3a: {  	_ = 	snop  }
0x3b: {  	_ = 	snop  }
0x3c: {  	p2 =	seq.s32 s10, $0x1;
	s10 =	sld [smem:$0x3FB9]  }
0x3d: {  	_ =	shalt  }
0x3e: {  	_ =	shalt  }
0x3f: {  	_ =	shalt  }
0x40: {  	_ =	shalt  }
0x41: {  	_ =	shalt  }
0x42: {  	_ =	shalt  }
0x43: {  	_ =	shalt  }
0x44: {  	_ =	shalt  }
0x45: {  	_ =	shalt  }
0x46: {  	_ =	shalt  }
0x47: {  	_ =	shalt  }
0x48: {  	_ =	shalt  }
0x49: {  	_ =	shalt  }
0x4a: {  	_ =	shalt  }
0x4b: {  	_ =	shalt  }
0x4c: {  	_ =	shalt  }
0x4d: {  	_ =	shalt  }
0x4e: {  	_ =	shalt  }
0x4f: {  	_ =	shalt  }
0x50: {  	_ =	shalt  }
0x51: {  	_ =	shalt  }
0x52: {  	_ =	shalt  }
0x53: {  	_ =	shalt  }
0x54: {  	_ =	shalt  }
0x55: {  	_ =	shalt  }
0x56: {  	_ =	shalt  }
0x57: {  	_ =	shalt  }
0x58: {  	_ =	shalt  }
0x59: {  	_ =	shalt  }
0x5a: {  	_ =	shalt  }
0x5b: {  	_ =	shalt  }
0x5c: {  	_ =	shalt  }
0x5d: {  	_ =	shalt  }
0x5e: {  	_ =	shalt  }
0x5f: {  	_ =	shalt  }
0x60: {  	_ =	shalt  }
0x61: {  	_ =	shalt  }
0x62: {  	_ =	shalt  }
0x63: {  	_ =	shalt  }
0x64: {  	_ =	shalt  }
0x65: {  	_ =	shalt  }
0x66: {  	_ =	shalt  }
0x67: {  	_ =	shalt  }
0x68: {  	_ =	shalt  }
0x69: {  	_ =	shalt  }
0x6a: {  	_ =	shalt  }
0x6b: {  	_ =	shalt  }
0x6c: {  	_ =	shalt  }
0x6d: {  	_ =	shalt  }
0x6e: {  	_ =	shalt  }
0x6f: {  	_ =	shalt  }
0x70: {  	_ =	shalt  }
0x71: {  	_ =	shalt  }
0x72: {  	_ =	shalt  }
0x73: {  	_ =	shalt  }
0x74: {  	_ =	shalt  }
0x75: {  	_ =	shalt  }
0x76: {  	_ =	shalt  }
0x77: {  	_ =	shalt  }
0x78: {  	_ =	shalt  }
0x79: {  	_ =	shalt  }
0x7a: {  	_ =	shalt  }
0x7b: {  	_ =	shalt  }
0x7c: {  	_ =	shalt  }
0x7d: {  	_ =	shalt  }
0x7e: {  	_ =	shalt  }
0x7f: {  	_ =	shalt  }
0x80: {  	_ =	shalt  }
0x81: {  	_ =	shalt  }
0x82: {  	_ =	shalt  }
0x83: {  	_ =	shalt  }
0x84: {  	_ =	shalt  }
0x85: {  	_ =	shalt  }
0x86: {  	_ =	shalt  }
0x87: {  	_ =	shalt  }
.Lfunc_end0:
.L_simem_size_0:
called_computation.3_lowered:
.L_overlay_start_0:
0x88: {  	s2 =	sld [smem:$0x3FD9]  }
0x89: {  	s3 =	sld [smem:$0x3FFE];
	_ =	sdelay $0x1  }
0x8a: {  	s1 =	srdreg.scid  }
0x8b: {  	s0 =	sand.u32 $0x1, s1  }
0x8c: {  	s17 =	sshll.u32 s0, $0xA;
	s2 =	sadd.s32 s3, s2  }
0x8d: {  	s2 =	sadd.s32 s2, s17  }
0x8e: {  	[smem:$0x3FC5] =	sst s2  }
0x8f: {  	_ = 	snop  }
0x90: {  	s2 =	sld [smem:$0x3FC9]  }
0x91: {  	s18 =	sld [smem:$0x3FD0];
	(tm) =	ssettm $0x1  }
0x92: {  	s4 =	sld [smem:$0x3FFB];
	_ =	sdelay $0x3  }
0x93: {  	_ =	strace s4  }
0x94: {  	s4 =	sld [smem:$0x3FFC];
	_ =	sdelay $0x3  }
0x95: {  	_ =	strace s4  }
0x96: {  	s4 =	sld [smem:$0x3FFD];
	_ =	sdelay $0x3  }
0x97: {  	_ =	strace s4  }
0x98: {  	_ =	strace $0x8FFFFFFF  }
0x99: {  	s19 =	sld [smem:$0x3FDB];
	_ =	sdelay $0x1  }
0x9a: {  	s5 =	simm.s32 $_scs_section_size  }
0x9b: {  	s6 =	simm.s32 $_size__tile_overlayer_lowered;
	s7 =	simm.s32 $_tile_overlayer_lowered  }
0x9c: {  	s22 =	simm.s32 $0x1BFF;
	s21 =	sshll.u32 s7, $0x1;
	s4 =	sadd.s32 s5, s19  }
0x9d: {  	s8 =	simm.s32 $0x0;
	s20 =	sshll.u32 s6, $0x1;
	s6 =	sadd.s32 s21, s4  }
0x9e: {  	[timem:s8], [sflag:s22] =	dma.local [hbm:s6], s20  }
0x9f: {  	_ =	swait.ge [sflag:s22], s20  }
0xa0: {  	s5 =	ssub.s32 $0x0, s20;
	[sflag:s22] =	ssyncset.done $0x0  }
0xa1: {  	[sflag:s22] =	ssyncadd.s32 s5;
	_ =	sdelay $0x1  }
0xa2: {  	s23 =	simm.s32 $0x1B8B  }
0xa3: {  	_ =	swait.ge [sflag:s23], $0x1  }
0xa4: {  	[sflag:s23] =	ssyncset.done $0x0  }
0xa5: {  	s25 =	simm.s32 $0x1B8E;
	s24 =	sld [smem:$0x3FFE];
	[sflag:s23] =	ssyncadd.s32 $0xFFFFFFFF  }
0xa6: {  	s26 =	simm.s32 $execute0_lowered;
	[smem:$0x3FD2] =	sst s25  }
0xa7: {  	s6 =	sshll.u32 s26, $0x1;
	_ =	strace $0x8000004F;
	[dreg:$0x1] =	wrdreg $0xFFFFFFFF  }
0xa8: {  	s28 =	simm.s32 $_size_execute0_lowered;
	s4 =	sadd.s32 s4, s6;
	[dreg:$0x0] =	wrdreg $0x0  }
0xa9: {  	s6 =	sshll.u32 s28, $0x1;
	[dreg:$0x2] =	wrdreg s4  }
0xaa: {  	[dreg:$0x3] =	wrdreg s6  }
0xab: {  	[dreg:$0x4] =	wrdreg $0xC0  }
0xac: {  	_ =	task [dreg:s8], $0x5FFFF  }
0xad: {  	[dreg:$0x1] =	wrdreg $0xFFFFFFFF  }
0xae: {  	[dreg:$0x0] =	wrdreg $0x60  }
0xaf: {  	[dreg:$0x2] =	wrdreg s2  }
0xb0: {  	[dreg:$0x3] =	wrdreg s24  }
0xb1: {  	[dreg:$0x4] =	wrdreg s18  }
0xb2: {  	[dreg:$0x5] =	wrdreg $0x9  }
0xb3: {  	_ =	task.clear_ibuf [dreg:s8], $0x6FFFF;
	_ =	strace $0x9000004F  }
0xb4: {  	s29 =	simm.s32 $0x9;
	_ =	strace $0x80000051  }
0xb5: {  	_ =	swait.ge [sflag:s29], $0x1  }
0xb6: {  	[sflag:s29] =	ssyncadd.s32 $0xFFFFFFFF  }
0xb7: {  	_ =	strace $0x90000051  }
0xb8: {  	_ =	sfence  }
0xb9: {  	s30 =	sld [smem:$0x0];
	_ =	sdelay $0x2  }
0xba: {  	s31 =	sshll.u32 s1, $0xD;
	s1 =	sshrl.u32 s1, $0x2  }
0xbb: {  	s3 =	sand.u32 $0x4000, s31;
	s1 =	sadd.s32 s1, s30  }
0xbc: {  	s0 =	sor.u32 s3, s0;
	s1 =	sshll.u32 s1, $0x11  }
0xbd: {  	s0 =	sor.u32 s1, s0  }
0xbe: {  	s0 =	sadd.s32 $0x8F2B, s0  }
0xbf: {  	[sflag:s0] =	ssyncadd.remote.s32 $0x1  }
0xc0: {  	_ =	sfence.sel $0xFFFF  }
0xc1: {  	[dreg:$0x0] =	wrdreg $0xFFFFFFFF;
	(pc) =	sbr.abs _section_cstart, $3  }
0xc2: {  	[dreg:$0x1] =	wrdreg $0xFFFFFFFF  }
0xc3: {  	_ =	task.clear_ibuf [dreg:s8], $0x2FFFF;
	_ =	strace $0x9FFFFFFF  }
0xc4: {  	(tm) =	ssettm $0x7FFFFFFF  }
0xc5: {  	_ =	shalt  }
tec
execute0_lowered:
.L_overlay_start_1:
0x0: {  	(tag) =	ssettag $0x1  }
0x1: {  	s0 =	srdreg.scid;
	s9 =	stileid.u32  }
0x2: {  	s0 =	sand.u32 $0x1, s0;
	s1 =	sshll.u32 s9, $0x1  }
0x3: {  	s4 =	sor.u32 s0, s1  }
0x4: {  	s1 =	smul.u32 $0x30, s4  }
0x5: {  	s7 =	rddreg [dreg:$0x1];
	s8 =	simm.s32 $0x1;
	s16 =	simm.s32 $0x3100  }
0x6: {  	s17 =	simm.s32 $0x6200;
	s19 =	simm.s32 $0x10300;
	s2 =	sshrl.u32 s1, $0x1  }
0x7: {  	s20 =	simm.s32 $0x17300;
	s21 =	simm.s32 $0x2;
	s3 =	smul.u32 $0x2AB, s2  }
0x8: {  	s22 =	simm.s32 $0x4;
	s23 =	simm.s32 $0x3;
	s24 =	simm.s32 $0x5  }
0x9: {  	s9 =	sshrl.u32 s9, $0x2;
	s5 =	smul.u32 $0x4008, s4;
	s3 =	sshrl.u32 s3, $0x11  }
0xa: {  	s29 =	sadd.s32 $0x2800, s7;
	s30 =	sadd.s32 $0x2000, s7;
	s3 =	smul.u32 $0xC0, s3  }
0xb: {  	p0 =	seq.s32 s4, $0x0;
	s4 =	smul.u32 $0x18, s4;
	s5 =	sshrl.u32 s5, $0x11  }
0xc: {  	s0 =	ssub.s32 $0x2, s0;
	s10 =	smul.u32 $0xC0, s5;
	s2 =	ssub.s32 s2, s3  }
0xd: {  	s7 =	sadd.s32 $0x1800, s7;
	s31 =	sshrl.u32 s0, $0x1;
	s6 =	sand.u32 $0xFFF8, s2  }
0xe: {  	s0 =	ssub.s32 s0, s31;
	s4 =	ssub.s32 s4, s10;
	p1 =	sne.s32 s6, $0x0  }
0xf: {  	s5 =	simm.s32 $0x0;
	s4 =	sand.u32 $0xFFF8, s4;
	p0 =	por !p0, !p1  }
0x10: {  	[smem:$0x7FF] =	sst s5;
	s4 =	smul.u32 $0xE000, s4;
	p0 =	por !p0, !p0  }
0x11: {  	s3 =	rddreg [dreg:$0x2];
	s6 =	smul.u32 $0xE000, s6;
	s8 =	simm.s32 @!p0 $0x0  }
0x12: {  	s2 =	rddreg [dreg:$0x0];
	s8 =	ssub.s32 s9, s8;
	s9 =	smul.u32 $0xA80000, s9  }
0x13: {  	_ =	strace $0x80000050;
	[dreg:$0x4] =	wrdreg s29;
	s8 =	smul.u32 $0xA80000, s8  }
0x14: {  	s12 =	sor.u32 $0x2, s1;
	s0 =	smax.u32 s0, $0x1;
	[dreg:$0x5] =	wrdreg s30  }
.Ltmp0:
0x15: {  	s4 =	sadd.s32 s9, s4;
	s6 =	sadd.s32 s6, s8;
	(pc) =	sbr.rel .LBB2_1-.Ltmp0, $4  }
0x16: {  	[dreg:$0x6] =	wrdreg s7;
	s4 =	sshrl.u32 s4, $0x3;
	s6 =	sshrl.u32 s6, $0x3  }
0x17: {  	[dreg:$0x9] =	wrdreg s0;
	s4 =	sadd.s32 s4, s2;
	s6 =	sadd.s32 s2, s6  }
0x18: {  	s13 =	sor.u32 $0x4, s1;
	s4 =	sadd.s32 $0xE00, s4;
	[dreg:$0x7] =	wrdreg s6  }
0x19: {  	s9 =	simm.s32 $0x1;
	[dreg:$0x8] =	wrdreg s4;
	s6 =	simm.s32 $0x0  }
.LBB2_10:
0x1a: {  	s4 =	simm.s32 $0x6  }
0x1b: {  	_ =	swait.ge [sflag:s4], $0x7000  }
0x1c: {  	s6 =	rddreg [dreg:$0xa]  }
0x1d: {  	s0 =	rddreg [dreg:$0x9];
	s6 =	sadd.s32 $0x1, s6  }
0x1e: {  	p0 =	sne.s32 s6, s0  }
.Ltmp1:
0x1f: {  	_ = 	snop;
	(pc) =	sbr.rel @!p0 .LBB2_11-.Ltmp1, $3  }
0x20: {  	_ =	sdelay $0x1  }
0x21: {  	[sflag:s4] =	ssyncset.done $0x0  }
0x22: {  	[sflag:s4] =	ssyncadd.s32 $0xFFFF9000  }
.LBB2_1:
0x23: {  	[dreg:$0xa] =	wrdreg s6  }
0x24: {  	s0 =	rddreg [dreg:$0x4];
	s4 =	simm.s32 $0x7  }
0x25: {  	[tilespmem:s5], [sflag:$0x7] =	stream.linear.gather [hbm4b:s0+s5], $0x3100, $0x38;
	[tilespmem:$0x1E300] =	vst v63  }
0x26: {  	_ =	swait.ge [sflag:s4], $0x3100  }
0x27: {  	[sflag:s4] =	ssyncset.done $0x0  }
0x28: {  	s25 =	rddreg [dreg:$0x5];
	[sflag:s4] =	ssyncadd.s32 $0xFFFFCF00  }
0x29: {  	[tilespmem:s16], [sflag:$0x7] =	stream.linear.gather [hbm4b:s25+s5], $0x3100, $0x38;
	[tilespmem:$0x1E300] =	vst v63  }
0x2a: {  	_ =	swait.ge [sflag:s4], $0x3100  }
0x2b: {  	[sflag:s4] =	ssyncset.done $0x0  }
0x2c: {  	s26 =	rddreg [dreg:$0x6];
	[sflag:s4] =	ssyncadd.s32 $0xFFFFCF00  }
0x2d: {  	[tilespmem:s17], [sflag:$0x7] =	stream.linear.gather [hbm4b:s26+s5], $0x3100, $0x38;
	[tilespmem:$0x1E300] =	vst v63  }
0x2e: {  	_ =	swait.ge [sflag:s4], $0x3100  }
0x2f: {  	[sflag:s4] =	ssyncset.done $0x0  }
0x30: {  	s30 =	simm.s32 $0x9300;
	s29 =	rddreg [dreg:$0x7];
	[sflag:s4] =	ssyncadd.s32 $0xFFFFCF00  }
0x31: {  	[tilespmem:s30], [sflag:$0x1] =	stream.linear.gather [hbm4b:s29+s5], $0x7000, $0x38;
	[tilespmem:$0x1E300] =	vst v63  }
0x32: {  	s28 =	simm.s32 $0x0;
	s31 =	rddreg [dreg:$0x8]  }
0x33: {  	[tilespmem:s19], [sflag:$0x2] =	stream.linear.gather [hbm4b:s31+s5], $0x7000, $0x38;
	[tilespmem:$0x1E300] =	vst v63  }
.LBB2_2:
0x34: {  	s29 =	smul.u32 $0x3, s28;
	_ =	sdelay $0x1  }
0x35: {  	s0 =	sadd.s32 s1, s29;
	s4 =	sand.u32 $0x1, s29  }
0x36: {  	_ =	swait.ge [sflag:s9], $0x7000;
	p1 =	seq.s32 s0, $0x0;
	p0 =	seq.s32 s4, $0x1  }
0x37: {  	s6 =	simm.s32 $0x0;
	[sflag:s9] =	ssyncset.done $0x0;
	p1 =	por !p1, !p0  }
0x38: {  	s7 =	sand.u32 $0x7800, s6;
	s4 =	simm.s32 $0x1;
	p1 =	por !p1, !p1  }
0x39: {  	s8 =	sand.u32 $0x380, s6;
	s0 =	sshrl.u32 s0, $0x1;
	s4 =	simm.s32 @!p1 $0x0  }
0x3a: {  	[sflag:s9] =	ssyncadd.s32 $0xFFFF9000;
	s6 =	ssub.s32 s0, s4;
	s4 =	sor.u32 s8, s7  }
0x3b: {  	s0 =	smulhi.u32 $0x2AAAAAAB, s6;
	s18 =	sshra.s32 s6, $0x1F;
	v0 =	vld [tilespmem:s4+$0x9300]  }
0x3c: {  	s7 =	smul.u32 $0x2AAAAAAB, s18;
	_ =	sdelay $0x1  }
0x3d: {  	s0 =	sadd.s32 s7, s0  }
0x3e: {  	s7 =	sshrl.u32 s0, $0x1F;
	s0 =	sshra.s32 s0, $0x5  }
0x3f: {  	s30 =	sadd.s32 s7, s0;
	v0 =	vmul.f32 $3.200000000e+01, v0  }
0x40: {  	s0 =	smul.u32 $0xFFFFFF40, s30  }
0x41: {  	v1 =	vadd.f32 $3.200000000e+01, v0  }
0x42: {  	s7 =	sadd.s32 s6, s0  }
0x43: {  	p1 =	slt.s32 s7, $0x0;
	s8 =	sadd.s32 $0xC0, s7;
	s0 =	smov.u32 s7;
	v0 =	vmax.f32 v1, $0.0e+00  }
0x44: {  	s0 =	smov.u32 @p1 s8;
	v0 =	vmin.f32 v0, $6.200000000e+01  }
0x45: {  	s8 =	smul.u32 $0x41, s0;
	v0 =	vtrunc.f32 v0  }
0x46: {  	v2 =	vcvt.f32.s32 v0  }
0x47: {  	v0 =	vmov s8  }
0x48: {  	v3 =	vld [tilespmem:s4+$0x9310];
	v4 =	vadd.s32 v2, v0;
	_ =	sdelay $0x4  }
0x49: {  	v3 =	vmul.f32 $3.200000000e+01, v3;
	v5 =	vld.idx.msk [tilespmem:v4+s17+$0x0], $0xffff  }
0x4a: {  	v2 =	vcvt.s32.f32 v2  }
0x4b: {  	v3 =	vadd.f32 $3.200000000e+01, v3;
	v6 =	vld.idx.msk [tilespmem:v4+s16+$0x0], $0xffff  }
0x4c: {  	v1 =	vsub.f32 v1, v2  }
0x4d: {  	v2 =	vmax.f32 v3, $0.0e+00  }
0x4e: {  	v2 =	vmin.f32 v2, $6.200000000e+01;
	v5 =	vmul.f32 v1, v5  }
0x4f: {  	v2 =	vtrunc.f32 v2;
	v4 =	vld.idx.msk [tilespmem:v4+s5+$0x0], $0xffff  }
0x50: {  	v2 =	vcvt.f32.s32 v2;
	v5 =	vadd.f32 v5, v6;
	_ =	sdelay $0x1  }
0x51: {  	v7 =	vadd.s32 v2, v0;
	v6 =	vld [tilespmem:s4+$0x9320];
	v1 =	vmul.f32 v5, v1;
	_ =	sdelay $0x1  }
0x52: {  	v1 =	vadd.f32 v1, v4;
	_ =	sdelay $0x1  }
0x53: {  	[tilespmem:s4+$0x9300] =	vst v1  }
0x54: {  	v1 =	vmul.f32 $3.200000000e+01, v6;
	v4 =	vld.idx.msk [tilespmem:v7+s17+$0x0], $0xffff  }
0x55: {  	v2 =	vcvt.s32.f32 v2  }
0x56: {  	v5 =	vld.idx.msk [tilespmem:v7+s16+$0x0], $0xffff;
	v1 =	vadd.f32 $3.200000000e+01, v1  }
0x57: {  	v2 =	vsub.f32 v3, v2  }
0x58: {  	v3 =	vmax.f32 v1, $0.0e+00  }
0x59: {  	v3 =	vmin.f32 v3, $6.200000000e+01;
	v4 =	vmul.f32 v2, v4  }
0x5a: {  	v6 =	vld.idx.msk [tilespmem:v7+s5+$0x0], $0xffff;
	v3 =	vtrunc.f32 v3  }
0x5b: {  	v3 =	vcvt.f32.s32 v3;
	v4 =	vadd.f32 v4, v5;
	_ =	sdelay $0x1  }
0x5c: {  	v5 =	vld [tilespmem:s4+$0x9330];
	v2 =	vmul.f32 v4, v2;
	v4 =	vadd.s32 v3, v0;
	_ =	sdelay $0x1  }
0x5d: {  	v2 =	vadd.f32 v2, v6;
	_ =	sdelay $0x1  }
0x5e: {  	[tilespmem:s4+$0x9310] =	vst v2  }
0x5f: {  	v2 =	vmul.f32 $3.200000000e+01, v5;
	v5 =	vld.idx.msk [tilespmem:v4+s17+$0x0], $0xffff  }
0x60: {  	v3 =	vcvt.s32.f32 v3  }
0x61: {  	v7 =	vld.idx.msk [tilespmem:v4+s16+$0x0], $0xffff;
	v2 =	vadd.f32 $3.200000000e+01, v2  }
0x62: {  	v1 =	vsub.f32 v1, v3  }
0x63: {  	v3 =	vmax.f32 v2, $0.0e+00  }
0x64: {  	s25 =	simm.s32 $0x100;
	s10 =	simm.s32 $0x80;
	v3 =	vmin.f32 v3, $6.200000000e+01;
	v5 =	vmul.f32 v1, v5  }
0x65: {  	s10 =	sand.u32 $0x380, s10;
	s8 =	sand.u32 $0x7800, s25;
	v4 =	vld.idx.msk [tilespmem:v4+s5+$0x0], $0xffff;
	v3 =	vtrunc.f32 v3  }
0x66: {  	s8 =	sor.u32 s10, s8;
	v3 =	vcvt.f32.s32 v3;
	v5 =	vadd.f32 v5, v7  }
0x67: {  	v7 =	vld [tilespmem:s8+$0x9300]  }
0x68: {  	v6 =	vld [tilespmem:s4+$0x9340];
	v1 =	vmul.f32 v5, v1;
	v5 =	vadd.s32 v3, v0;
	_ =	sdelay $0x1  }
0x69: {  	v1 =	vadd.f32 v1, v4;
	_ =	sdelay $0x1  }
0x6a: {  	v7 =	vmul.f32 $3.200000000e+01, v7;
	[tilespmem:s4+$0x9320] =	vst v1  }
0x6b: {  	v1 =	vmul.f32 $3.200000000e+01, v6;
	v6 =	vld.idx.msk [tilespmem:v5+s17+$0x0], $0xffff  }
0x6c: {  	v3 =	vcvt.s32.f32 v3;
	v7 =	vadd.f32 $3.200000000e+01, v7  }
0x6d: {  	v8 =	vld.idx.msk [tilespmem:v5+s16+$0x0], $0xffff;
	v1 =	vadd.f32 $3.200000000e+01, v1  }
0x6e: {  	v2 =	vsub.f32 v2, v3;
	v9 =	vmax.f32 v7, $0.0e+00  }
0x6f: {  	v3 =	vmax.f32 v1, $0.0e+00;
	v9 =	vmin.f32 v9, $6.200000000e+01  }
0x70: {  	v9 =	vtrunc.f32 v9;
	v3 =	vmin.f32 v3, $6.200000000e+01;
	v6 =	vmul.f32 v2, v6  }
0x71: {  	v5 =	vld.idx.msk [tilespmem:v5+s5+$0x0], $0xffff;
	v9 =	vcvt.f32.s32 v9;
	v3 =	vtrunc.f32 v3  }
0x72: {  	v3 =	vcvt.f32.s32 v3;
	v6 =	vadd.f32 v6, v8  }
0x73: {  	v8 =	vld [tilespmem:s8+$0x9310];
	v10 =	vadd.s32 v9, v0  }
0x74: {  	v4 =	vld [tilespmem:s4+$0x9350];
	v2 =	vmul.f32 v6, v2;
	v6 =	vadd.s32 v3, v0;
	_ =	sdelay $0x1  }
0x75: {  	v2 =	vadd.f32 v2, v5;
	_ =	sdelay $0x1  }
0x76: {  	v8 =	vmul.f32 $3.200000000e+01, v8;
	v11 =	vld.idx.msk [tilespmem:v10+s17+$0x0], $0xffff;
	[tilespmem:s4+$0x9330] =	vst v2  }
0x77: {  	v2 =	vmul.f32 $3.200000000e+01, v4;
	v4 =	vcvt.s32.f32 v9;
	v9 =	vld.idx.msk [tilespmem:v6+s17+$0x0], $0xffff  }
0x78: {  	v3 =	vcvt.s32.f32 v3;
	v12 =	vld.idx.msk [tilespmem:v10+s16+$0x0], $0xffff;
	v8 =	vadd.f32 $3.200000000e+01, v8  }
0x79: {  	v13 =	vld.idx.msk [tilespmem:v6+s16+$0x0], $0xffff;
	v2 =	vadd.f32 $3.200000000e+01, v2;
	v4 =	vsub.f32 v7, v4  }
0x7a: {  	v1 =	vsub.f32 v1, v3;
	v7 =	vmax.f32 v8, $0.0e+00  }
0x7b: {  	v3 =	vmax.f32 v2, $0.0e+00;
	v7 =	vmin.f32 v7, $6.200000000e+01;
	v11 =	vmul.f32 v4, v11  }
0x7c: {  	v10 =	vld.idx.msk [tilespmem:v10+s5+$0x0], $0xffff;
	v3 =	vmin.f32 v3, $6.200000000e+01;
	v7 =	vtrunc.f32 v7;
	v9 =	vmul.f32 v1, v9  }
0x7d: {  	v6 =	vld.idx.msk [tilespmem:v6+s5+$0x0], $0xffff;
	v3 =	vtrunc.f32 v3;
	v7 =	vcvt.f32.s32 v7;
	v11 =	vadd.f32 v11, v12  }
0x7e: {  	v3 =	vcvt.f32.s32 v3;
	v9 =	vadd.f32 v9, v13  }
0x7f: {  	v12 =	vld [tilespmem:s8+$0x9320];
	v13 =	vadd.s32 v7, v0;
	v4 =	vmul.f32 v11, v4  }
0x80: {  	v5 =	vld [tilespmem:s4+$0x9360];
	v11 =	vadd.s32 v3, v0;
	v1 =	vmul.f32 v9, v1  }
0x81: {  	v4 =	vadd.f32 v4, v10  }
0x82: {  	v1 =	vadd.f32 v1, v6  }
0x83: {  	[tilespmem:s8+$0x9300] =	vst v4  }
0x84: {  	v4 =	vmul.f32 $3.200000000e+01, v12;
	v10 =	vld.idx.msk [tilespmem:v13+s17+$0x0], $0xffff;
	[tilespmem:s4+$0x9340] =	vst v1  }
0x85: {  	v7 =	vcvt.s32.f32 v7;
	v1 =	vmul.f32 $3.200000000e+01, v5;
	v5 =	vld.idx.msk [tilespmem:v11+s17+$0x0], $0xffff  }
0x86: {  	v3 =	vcvt.s32.f32 v3;
	v12 =	vld.idx.msk [tilespmem:v13+s16+$0x0], $0xffff;
	v4 =	vadd.f32 $3.200000000e+01, v4  }
0x87: {  	v7 =	vsub.f32 v8, v7;
	v8 =	vld.idx.msk [tilespmem:v11+s16+$0x0], $0xffff;
	v1 =	vadd.f32 $3.200000000e+01, v1  }
0x88: {  	v2 =	vsub.f32 v2, v3;
	v14 =	vmax.f32 v4, $0.0e+00  }
0x89: {  	v14 =	vmin.f32 v14, $6.200000000e+01;
	v3 =	vmax.f32 v1, $0.0e+00;
	v10 =	vmul.f32 v7, v10  }
0x8a: {  	v13 =	vld.idx.msk [tilespmem:v13+s5+$0x0], $0xffff;
	v14 =	vtrunc.f32 v14;
	v3 =	vmin.f32 v3, $6.200000000e+01;
	v5 =	vmul.f32 v2, v5  }
0x8b: {  	v11 =	vld.idx.msk [tilespmem:v11+s5+$0x0], $0xffff;
	v3 =	vtrunc.f32 v3;
	v10 =	vadd.f32 v10, v12;
	v12 =	vcvt.f32.s32 v14  }
0x8c: {  	v3 =	vcvt.f32.s32 v3;
	v5 =	vadd.f32 v5, v8  }
0x8d: {  	v8 =	vld [tilespmem:s8+$0x9330];
	v7 =	vmul.f32 v10, v7;
	v10 =	vadd.s32 v12, v0  }
0x8e: {  	v6 =	vld [tilespmem:s4+$0x9370];
	v2 =	vmul.f32 v5, v2;
	v5 =	vadd.s32 v3, v0  }
0x8f: {  	v7 =	vadd.f32 v7, v13  }
0x90: {  	v2 =	vadd.f32 v2, v11  }
0x91: {  	[tilespmem:s8+$0x9310] =	vst v7  }
0x92: {  	v7 =	vmul.f32 $3.200000000e+01, v8;
	v8 =	vld.idx.msk [tilespmem:v10+s17+$0x0], $0xffff;
	[tilespmem:s4+$0x9350] =	vst v2  }
0x93: {  	v2 =	vmul.f32 $3.200000000e+01, v6;
	v6 =	vcvt.s32.f32 v12;
	v12 =	vld.idx.msk [tilespmem:v5+s17+$0x0], $0xffff  }
0x94: {  	s26 =	simm.s32 $0x200;
	s11 =	simm.s32 $0x100;
	v3 =	vcvt.s32.f32 v3;
	v14 =	vld.idx.msk [tilespmem:v10+s16+$0x0], $0xffff;
	v7 =	vadd.f32 $3.200000000e+01, v7  }
0x95: {  	s11 =	sand.u32 $0x380, s11;
	s10 =	sand.u32 $0x7800, s26;
	v2 =	vadd.f32 $3.200000000e+01, v2;
	v4 =	vsub.f32 v4, v6;
	v6 =	vld.idx.msk [tilespmem:v5+s16+$0x0], $0xffff  }
0x96: {  	s10 =	sor.u32 s11, s10;
	v1 =	vsub.f32 v1, v3;
	v15 =	vmax.f32 v7, $0.0e+00  }
0x97: {  	v3 =	vld [tilespmem:s10+$0x9300];
	v16 =	vmax.f32 v2, $0.0e+00;
	v15 =	vmin.f32 v15, $6.200000000e+01;
	v8 =	vmul.f32 v4, v8  }
0x98: {  	v10 =	vld.idx.msk [tilespmem:v10+s5+$0x0], $0xffff;
	v16 =	vmin.f32 v16, $6.200000000e+01;
	v15 =	vtrunc.f32 v15;
	v12 =	vmul.f32 v1, v12  }
0x99: {  	v5 =	vld.idx.msk [tilespmem:v5+s5+$0x0], $0xffff;
	v16 =	vtrunc.f32 v16;
	v8 =	vadd.f32 v8, v14;
	v14 =	vcvt.f32.s32 v15  }
0x9a: {  	v13 =	vld [tilespmem:s8+$0x9340];
	v6 =	vadd.f32 v12, v6;
	v12 =	vcvt.f32.s32 v16  }
0x9b: {  	v11 =	vld [tilespmem:s4+$0x9700];
	v4 =	vmul.f32 v8, v4;
	v8 =	vadd.s32 v14, v0  }
0x9c: {  	v1 =	vmul.f32 v6, v1;
	v6 =	vadd.s32 v12, v0  }
0x9d: {  	v4 =	vadd.f32 v4, v10  }
0x9e: {  	v3 =	vmul.f32 $3.200000000e+01, v3;
	v1 =	vadd.f32 v1, v5  }
0x9f: {  	v9 =	vld [tilespmem:s4+$0x9710];
	[tilespmem:s8+$0x9320] =	vst v4  }
0xa0: {  	v3 =	vadd.f32 $3.200000000e+01, v3;
	v10 =	vmul.f32 $3.200000000e+01, v13;
	v5 =	vmul.f32 $3.200000000e+01, v11;
	v11 =	vld.idx.msk [tilespmem:v8+s17+$0x0], $0xffff;
	[tilespmem:s4+$0x9360] =	vst v1  }
0xa1: {  	v14 =	vcvt.s32.f32 v14;
	v12 =	vcvt.s32.f32 v12;
	v15 =	vld.idx.msk [tilespmem:v6+s17+$0x0], $0xffff  }
0xa2: {  	v10 =	vadd.f32 $3.200000000e+01, v10;
	v16 =	vld.idx.msk [tilespmem:v8+s16+$0x0], $0xffff;
	v1 =	vadd.f32 $3.200000000e+01, v5;
	v5 =	vmax.f32 v3, $0.0e+00  }
0xa3: {  	v7 =	vsub.f32 v7, v14;
	v5 =	vmin.f32 v5, $6.200000000e+01;
	v14 =	vld.idx.msk [tilespmem:v6+s16+$0x0], $0xffff  }
0xa4: {  	v13 =	vld [tilespmem:s8+$0x9350];
	v2 =	vsub.f32 v2, v12;
	v17 =	vmax.f32 v10, $0.0e+00;
	v5 =	vtrunc.f32 v5  }
0xa5: {  	v12 =	vld [tilespmem:s10+$0x9310];
	v17 =	vmin.f32 v17, $6.200000000e+01;
	v18 =	vmax.f32 v1, $0.0e+00;
	v5 =	vcvt.f32.s32 v5  }
0xa6: {  	v8 =	vld.idx.msk [tilespmem:v8+s5+$0x0], $0xffff;
	v18 =	vmin.f32 v18, $6.200000000e+01;
	v11 =	vmul.f32 v7, v11;
	v15 =	vmul.f32 v2, v15  }
0xa7: {  	v6 =	vld.idx.msk [tilespmem:v6+s5+$0x0], $0xffff;
	v17 =	vtrunc.f32 v17;
	v18 =	vtrunc.f32 v18;
	v19 =	vadd.s32 v5, v0  }
0xa8: {  	v11 =	vadd.f32 v11, v16;
	v16 =	vcvt.f32.s32 v17;
	v14 =	vadd.f32 v15, v14  }
0xa9: {  	v9 =	vmul.f32 $3.200000000e+01, v9;
	v15 =	vcvt.f32.s32 v18  }
0xaa: {  	v20 =	vld [tilespmem:s8+$0x9360];
	v7 =	vmul.f32 v11, v7;
	v11 =	vadd.s32 v16, v0;
	v2 =	vmul.f32 v14, v2  }
0xab: {  	v4 =	vld [tilespmem:s4+$0x9750];
	v13 =	vmul.f32 $3.200000000e+01, v13;
	v5 =	vcvt.s32.f32 v5;
	v14 =	vadd.s32 v15, v0  }
0xac: {  	v7 =	vadd.f32 v7, v8;
	v8 =	vmul.f32 $3.200000000e+01, v12;
	v12 =	vld.idx.msk [tilespmem:v19+s17+$0x0], $0xffff;
	v2 =	vadd.f32 v2, v6  }
0xad: {  	v16 =	vcvt.s32.f32 v16;
	v6 =	vadd.f32 $3.200000000e+01, v9;
	v9 =	vadd.f32 $3.200000000e+01, v13;
	v13 =	vld.idx.msk [tilespmem:v19+s16+$0x0], $0xffff  }
0xae: {  	v15 =	vcvt.s32.f32 v15;
	[tilespmem:s8+$0x9330] =	vst v7;
	v7 =	vadd.f32 $3.200000000e+01, v8;
	v19 =	vld.idx.msk [tilespmem:v19+s5+$0x0], $0xffff  }
0xaf: {  	v3 =	vsub.f32 v3, v5;
	v10 =	vsub.f32 v10, v16;
	v8 =	vld.idx.msk [tilespmem:v11+s17+$0x0], $0xffff;
	[tilespmem:s4+$0x9370] =	vst v2  }
0xb0: {  	v1 =	vsub.f32 v1, v15;
	v2 =	vmax.f32 v9, $0.0e+00;
	v22 =	vmax.f32 v7, $0.0e+00;
	v5 =	vld.idx.msk [tilespmem:v14+s17+$0x0], $0xffff  }
0xb1: {  	v23 =	vld.idx.msk [tilespmem:v11+s16+$0x0], $0xffff;
	v21 =	vmax.f32 v6, $0.0e+00;
	v22 =	vmin.f32 v22, $6.200000000e+01;
	v12 =	vmul.f32 v3, v12  }
0xb2: {  	v21 =	vmin.f32 v21, $6.200000000e+01;
	v24 =	vld.idx.msk [tilespmem:v14+s16+$0x0], $0xffff;
	v2 =	vmin.f32 v2, $6.200000000e+01;
	v22 =	vtrunc.f32 v22  }
0xb3: {  	v18 =	vld [tilespmem:s4+$0x9720];
	v15 =	vtrunc.f32 v21;
	v2 =	vtrunc.f32 v2;
	v12 =	vadd.f32 v12, v13  }
0xb4: {  	v21 =	vld [tilespmem:s10+$0x9320];
	v16 =	vcvt.f32.s32 v22;
	v8 =	vmul.f32 v10, v8  }
0xb5: {  	v11 =	vld.idx.msk [tilespmem:v11+s5+$0x0], $0xffff;
	v3 =	vmul.f32 v12, v3;
	v5 =	vmul.f32 v1, v5  }
0xb6: {  	v2 =	vcvt.f32.s32 v2;
	v13 =	vadd.s32 v16, v0;
	v12 =	vld.idx.msk [tilespmem:v14+s5+$0x0], $0xffff;
	v8 =	vadd.f32 v8, v23  }
0xb7: {  	v17 =	vld [tilespmem:s4+$0x9740];
	v14 =	vcvt.f32.s32 v15;
	v3 =	vadd.f32 v3, v19;
	v5 =	vadd.f32 v5, v24  }
0xb8: {  	v4 =	vmul.f32 $3.200000000e+01, v4;
	v22 =	vld [tilespmem:s8+$0x9370];
	v19 =	vadd.s32 v2, v0;
	v8 =	vmul.f32 v8, v10  }
0xb9: {  	v15 =	vld [tilespmem:s4+$0x9730];
	[tilespmem:s10+$0x9300] =	vst v3;
	v3 =	vmul.f32 $3.200000000e+01, v21;
	v1 =	vmul.f32 v5, v1;
	v5 =	vadd.s32 v14, v0  }
0xba: {  	v18 =	vmul.f32 $3.200000000e+01, v18;
	v10 =	vld [tilespmem:s8+$0x9710];
	v8 =	vadd.f32 v8, v11;
	v11 =	vmul.f32 $3.200000000e+01, v20  }
0xbb: {  	v2 =	vcvt.s32.f32 v2;
	v20 =	vld.idx.msk [tilespmem:v13+s16+$0x0], $0xffff;
	v3 =	vadd.f32 $3.200000000e+01, v3;
	v1 =	vadd.f32 v1, v12  }
0xbc: {  	v17 =	vmul.f32 $3.200000000e+01, v17;
	v18 =	vadd.f32 $3.200000000e+01, v18;
	v12 =	vld.idx.msk [tilespmem:v13+s17+$0x0], $0xffff;
	v11 =	vadd.f32 $3.200000000e+01, v11;
	[tilespmem:s8+$0x9340] =	vst v8  }
0xbd: {  	v2 =	vsub.f32 v9, v2;
	v57 =	vld.idx.msk [tilespmem:v19+s17+$0x0], $0xffff;
	[tilespmem:s4+$0x9700] =	vst v1;
	v1 =	vcvt.s32.f32 v16;
	v16 =	vmax.f32 v3, $0.0e+00  }
0xbe: {  	v8 =	vmax.f32 v18, $0.0e+00;
	v25 =	vmax.f32 v11, $0.0e+00;
	v23 =	vld.idx.msk [tilespmem:v5+s17+$0x0], $0xffff;
	v16 =	vmin.f32 v16, $6.200000000e+01  }
0xbf: {  	v26 =	vld.idx.msk [tilespmem:v19+s16+$0x0], $0xffff;
	v1 =	vsub.f32 v7, v1;
	v7 =	vcvt.s32.f32 v14;
	v9 =	vtrunc.f32 v16  }
0xc0: {  	v8 =	vmin.f32 v8, $6.200000000e+01;
	v58 =	vld.idx.msk [tilespmem:v5+s16+$0x0], $0xffff;
	v14 =	vmin.f32 v25, $6.200000000e+01;
	v16 =	vcvt.f32.s32 v9  }
0xc1: {  	v9 =	vld.idx.msk [tilespmem:v19+s5+$0x0], $0xffff;
	v12 =	vmul.f32 v1, v12;
	v6 =	vsub.f32 v6, v7;
	v7 =	vtrunc.f32 v8  }
0xc2: {  	v8 =	vld.idx.msk [tilespmem:v13+s5+$0x0], $0xffff;
	v13 =	vtrunc.f32 v14;
	v19 =	vmul.f32 v2, v57  }
0xc3: {  	s31 =	simm.s32 $0x300;
	s14 =	simm.s32 $0x180;
	v21 =	vld [tilespmem:s10+$0x9330];
	v7 =	vcvt.f32.s32 v7;
	v12 =	vadd.f32 v12, v20;
	v14 =	vmul.f32 v6, v23  }
0xc4: {  	s15 =	sand.u32 $0x380, s14;
	s11 =	sand.u32 $0x7800, s31;
	v5 =	vld.idx.msk [tilespmem:v5+s5+$0x0], $0xffff;
	v59 =	vcvt.f32.s32 v13;
	v13 =	vmul.f32 $3.200000000e+01, v15;
	v19 =	vadd.f32 v19, v26  }
0xc5: {  	s11 =	sor.u32 s15, s11;
	v23 =	vadd.s32 v16, v0;
	v1 =	vmul.f32 v12, v1;
	v12 =	vld [tilespmem:s8+$0x9700];
	v14 =	vadd.f32 v14, v58  }
0xc6: {  	v15 =	vld [tilespmem:s11+$0x9300];
	v24 =	vcvt.s32.f32 v59;
	v2 =	vmul.f32 v19, v2  }
0xc7: {  	v20 =	vld [tilespmem:s10+$0x9340];
	v1 =	vadd.f32 v1, v8;
	v6 =	vmul.f32 v14, v6;
	v8 =	vadd.s32 v7, v0  }
0xc8: {  	v19 =	vmul.f32 $3.200000000e+01, v21;
	v21 =	vmul.f32 $3.200000000e+01, v22;
	v14 =	vadd.s32 v59, v0  }
0xc9: {  	v10 =	vmul.f32 $3.200000000e+01, v10;
	v11 =	vsub.f32 v11, v24;
	v6 =	vadd.f32 v6, v5;
	[tilespmem:s10+$0x9310] =	vst v1  }
0xca: {  	v2 =	vadd.f32 v2, v9;
	v9 =	vadd.f32 $3.200000000e+01, v21;
	v22 =	vmul.f32 $3.200000000e+01, v12;
	v12 =	vld.idx.msk [tilespmem:v23+s17+$0x0], $0xffff  }
0xcb: {  	v5 =	vadd.f32 $3.200000000e+01, v13;
	v13 =	vadd.f32 $3.200000000e+01, v19;
	v19 =	vld.idx.msk [tilespmem:v23+s16+$0x0], $0xffff;
	[tilespmem:s4+$0x9710] =	vst v6;
	v6 =	vcvt.s32.f32 v16  }
0xcc: {  	v60 =	vmul.f32 $3.200000000e+01, v20;
	v20 =	vmul.f32 $3.200000000e+01, v15;
	[tilespmem:s8+$0x9350] =	vst v2;
	v15 =	vmax.f32 v9, $0.0e+00;
	v2 =	vld.idx.msk [tilespmem:v8+s17+$0x0], $0xffff  }
0xcd: {  	v1 =	vadd.f32 $3.200000000e+01, v4;
	v15 =	vmin.f32 v15, $6.200000000e+01;
	v21 =	vld.idx.msk [tilespmem:v14+s17+$0x0], $0xffff;
	v6 =	vsub.f32 v3, v6  }
0xce: {  	v4 =	vmax.f32 v13, $0.0e+00;
	v16 =	vmax.f32 v5, $0.0e+00;
	v61 =	vld.idx.msk [tilespmem:v14+s16+$0x0], $0xffff;
	v3 =	vcvt.s32.f32 v7  }
0xcf: {  	v15 =	vtrunc.f32 v15;
	v7 =	vmin.f32 v16, $6.200000000e+01;
	v16 =	vld.idx.msk [tilespmem:v8+s16+$0x0], $0xffff;
	v12 =	vmul.f32 v6, v12  }
0xd0: {  	v4 =	vmin.f32 v4, $6.200000000e+01;
	v62 =	vld.idx.msk [tilespmem:v8+s5+$0x0], $0xffff;
	v27 =	vsub.f32 v18, v3;
	v3 =	vtrunc.f32 v7  }
0xd1: {  	v4 =	vtrunc.f32 v4;
	v7 =	vld.idx.msk [tilespmem:v23+s5+$0x0], $0xffff;
	v8 =	vcvt.f32.s32 v3;
	v12 =	vadd.f32 v12, v19  }
0xd2: {  	v23 =	vld [tilespmem:s10+$0x9350];
	v19 =	vcvt.f32.s32 v4;
	v2 =	vmul.f32 v27, v2  }
0xd3: {  	v3 =	vadd.f32 $3.200000000e+01, v17;
	v4 =	vmul.f32 v11, v21;
	v21 =	vld [tilespmem:s11+$0x9310];
	v6 =	vmul.f32 v12, v6  }
0xd4: {  	v18 =	vadd.s32 v19, v0;
	v2 =	vadd.f32 v2, v16;
	v12 =	vcvt.f32.s32 v15;
	v15 =	vld.idx.msk [tilespmem:v14+s5+$0x0], $0xffff  }
0xd5: {  	v16 =	vadd.f32 v4, v61;
	v4 =	vadd.f32 $3.200000000e+01, v10  }
0xd6: {  	v10 =	vadd.f32 v6, v7;
	v63 =	vmul.f32 v2, v27;
	v6 =	vadd.s32 v8, v0  }
0xd7: {  	v14 =	vadd.f32 $3.200000000e+01, v60;
	v16 =	vmul.f32 v16, v11;
	v11 =	vadd.s32 v12, v0  }
0xd8: {  	s15 =	simm.s32 $0x400;
	v17 =	vmul.f32 $3.200000000e+01, v23;
	v7 =	vadd.f32 $3.200000000e+01, v22;
	v2 =	vld [tilespmem:s8+$0x9750];
	[tilespmem:s10+$0x9320] =	vst v10;
	v10 =	vadd.f32 v63, v62  }
.LBB2_3:
0xd9: {  	p1 =	sne.s32 s15, $0x6F00;
	v20 =	vadd.f32 $3.200000000e+01, v20;
	v21 =	vmul.f32 $3.200000000e+01, v21;
	v22 =	vld.idx.msk [tilespmem:v18+s17+$0x0], $0xffff;
	v15 =	vadd.f32 v16, v15  }
0xda: {  	v24 =	vmax.f32 v7, $0.0e+00;
	v16 =	vld.idx.msk [tilespmem:v18+s16+$0x0], $0xffff;
	v23 =	vmax.f32 v14, $0.0e+00;
	[tilespmem:s4+$0x9720] =	vst v10;
	v10 =	vmax.f32 v3, $0.0e+00  }
0xdb: {  	v19 =	vcvt.s32.f32 v19;
	v25 =	vmax.f32 v20, $0.0e+00;
	[tilespmem:s8+$0x9360] =	vst v15;
	v15 =	vld.idx.msk [tilespmem:v6+s17+$0x0], $0xffff;
	v10 =	vmin.f32 v10, $6.200000000e+01  }
0xdc: {  	v24 =	vmin.f32 v24, $6.200000000e+01;
	v25 =	vmin.f32 v25, $6.200000000e+01;
	v26 =	vld.idx.msk [tilespmem:v11+s17+$0x0], $0xffff;
	v10 =	vtrunc.f32 v10  }
0xdd: {  	v8 =	vcvt.s32.f32 v8;
	v13 =	vsub.f32 v13, v19;
	v25 =	vtrunc.f32 v25;
	v19 =	vld.idx.msk [tilespmem:v6+s16+$0x0], $0xffff  }
0xde: {  	v12 =	vcvt.s32.f32 v12;
	v23 =	vmin.f32 v23, $6.200000000e+01;
	v25 =	vcvt.f32.s32 v25;
	v27 =	vld.idx.msk [tilespmem:v11+s16+$0x0], $0xffff  }
0xdf: {  	v24 =	vtrunc.f32 v24;
	v8 =	vsub.f32 v5, v8;
	v22 =	vmul.f32 v13, v22;
	v18 =	vld.idx.msk [tilespmem:v18+s5+$0x0], $0xffff  }
0xe0: {  	v9 =	vsub.f32 v9, v12;
	v5 =	vtrunc.f32 v23;
	v28 =	vadd.s32 v25, v0;
	v12 =	vld [tilespmem:s8+$0x9740]  }
0xe1: {  	v16 =	vadd.f32 v22, v16;
	v22 =	vcvt.f32.s32 v5;
	v15 =	vmul.f32 v8, v15;
	v6 =	vld.idx.msk [tilespmem:v6+s5+$0x0], $0xffff  }
0xe2: {  	v10 =	vcvt.f32.s32 v10;
	v5 =	vadd.f32 $3.200000000e+01, v17;
	v17 =	vmul.f32 v9, v26;
	v11 =	vld.idx.msk [tilespmem:v11+s5+$0x0], $0xffff  }
0xe3: {  	v13 =	vmul.f32 v16, v13;
	v16 =	vadd.s32 v22, v0;
	v15 =	vadd.f32 v15, v19;
	v23 =	vld [tilespmem:s8+$0x9720]  }
0xe4: {  	v24 =	vcvt.f32.s32 v24;
	v19 =	vadd.f32 $3.200000000e+01, v21;
	v17 =	vadd.f32 v17, v27;
	v21 =	vld [tilespmem:s10+$0x9360]  }
0xe5: {  	v13 =	vadd.f32 v13, v18;
	v8 =	vmul.f32 v15, v8;
	v15 =	vadd.s32 v10, v0;
	v26 =	vld.idx.msk [tilespmem:v28+s5+$0x0], $0xffff  }
0xe6: {  	v27 =	vmax.f32 v1, $0.0e+00;
	v9 =	vmul.f32 v17, v9;
	v17 =	vadd.s32 v24, v0;
	v18 =	vld.idx.msk [tilespmem:v28+s16+$0x0], $0xffff  }
0xe7: {  	v29 =	vmax.f32 v4, $0.0e+00;
	v6 =	vadd.f32 v8, v6;
	v28 =	vld.idx.msk [tilespmem:v28+s17+$0x0], $0xffff;
	[tilespmem:s10+$0x9330] =	vst v13;
	v13 =	vmax.f32 v5, $0.0e+00  }
0xe8: {  	v8 =	vmax.f32 v19, $0.0e+00;
	v9 =	vadd.f32 v9, v11;
	v11 =	vmin.f32 v27, $6.200000000e+01;
	v30 =	vld.idx.msk [tilespmem:v16+s16+$0x0], $0xffff  }
0xe9: {  	v29 =	vmin.f32 v29, $6.200000000e+01;
	v25 =	vcvt.s32.f32 v25;
	v13 =	vmin.f32 v13, $6.200000000e+01;
	v27 =	vld.idx.msk [tilespmem:v16+s17+$0x0], $0xffff;
	[tilespmem:s4+$0x9730] =	vst v6  }
0xea: {  	v11 =	vtrunc.f32 v11;
	v6 =	vmin.f32 v8, $6.200000000e+01;
	v8 =	vtrunc.f32 v29;
	[tilespmem:s8+$0x9370] =	vst v9;
	v9 =	vld.idx.msk [tilespmem:v15+s17+$0x0], $0xffff  }
0xeb: {  	v20 =	vsub.f32 v20, v25;
	v22 =	vcvt.s32.f32 v22;
	v13 =	vtrunc.f32 v13;
	v25 =	vld.idx.msk [tilespmem:v17+s17+$0x0], $0xffff  }
0xec: {  	v10 =	vcvt.s32.f32 v10;
	v6 =	vtrunc.f32 v6;
	v29 =	vld.idx.msk [tilespmem:v15+s16+$0x0], $0xffff  }
0xed: {  	v14 =	vsub.f32 v14, v22;
	v22 =	vcvt.s32.f32 v24;
	v28 =	vmul.f32 v20, v28;
	v24 =	vld.idx.msk [tilespmem:v17+s16+$0x0], $0xffff  }
0xee: {  	v3 =	vsub.f32 v3, v10;
	v10 =	vcvt.f32.s32 v11;
	v6 =	vcvt.f32.s32 v6;
	v31 =	vld [tilespmem:s11+$0x9320]  }
0xef: {  	v7 =	vsub.f32 v7, v22;
	v11 =	vadd.f32 v28, v18;
	v18 =	vmul.f32 v14, v27;
	v16 =	vld.idx.msk [tilespmem:v16+s5+$0x0], $0xffff  }
0xf0: {  	v13 =	vcvt.f32.s32 v13;
	v22 =	vadd.s32 v6, v0;
	v9 =	vmul.f32 v3, v9;
	v15 =	vld.idx.msk [tilespmem:v15+s5+$0x0], $0xffff  }
0xf1: {  	v11 =	vmul.f32 v11, v20;
	v18 =	vadd.f32 v18, v30;
	v20 =	vmul.f32 v7, v25;
	v17 =	vld.idx.msk [tilespmem:v17+s5+$0x0], $0xffff  }
0xf2: {  	v8 =	vcvt.f32.s32 v8;
	v25 =	vadd.s32 v13, v0;
	v9 =	vadd.f32 v9, v29;
	v27 =	vld [tilespmem:s8+$0x9730]  }
0xf3: {  	v11 =	vadd.f32 v11, v26;
	v14 =	vmul.f32 v18, v14;
	v20 =	vadd.f32 v20, v24;
	v18 =	vld [tilespmem:s10+$0x9710]  }
0xf4: {  	v23 =	vmul.f32 $3.200000000e+01, v23;
	v3 =	vmul.f32 v9, v3;
	v9 =	vadd.s32 v10, v0;
	v24 =	vld [tilespmem:s10+$0x9370]  }
0xf5: {  	v14 =	vadd.f32 v14, v16;
	v7 =	vmul.f32 v20, v7;
	v16 =	vadd.s32 v8, v0;
	[tilespmem:s11+$0x9300] =	vst v11;
	v11 =	vld [tilespmem:s11+$0x9330]  }
0xf6: {  	v21 =	vmul.f32 $3.200000000e+01, v21;
	v26 =	vmul.f32 $3.200000000e+01, v31;
	v15 =	vadd.f32 v3, v15;
	v20 =	vld.idx.msk [tilespmem:v22+s16+$0x0], $0xffff  }
0xf7: {  	v7 =	vadd.f32 v7, v17;
	v17 =	vmul.f32 $3.200000000e+01, v2;
	v28 =	vld.idx.msk [tilespmem:v22+s17+$0x0], $0xffff;
	[tilespmem:s10+$0x9340] =	vst v14;
	v14 =	vadd.f32 $3.200000000e+01, v23  }
0xf8: {  	v21 =	vadd.f32 $3.200000000e+01, v21;
	v3 =	vmul.f32 $3.200000000e+01, v12;
	v23 =	vadd.f32 $3.200000000e+01, v26;
	v26 =	vld.idx.msk [tilespmem:v25+s17+$0x0], $0xffff;
	[tilespmem:s4+$0x9740] =	vst v15  }
0xf9: {  	v12 =	vmul.f32 $3.200000000e+01, v27;
	v2 =	vmul.f32 $3.200000000e+01, v18;
	[tilespmem:s8+$0x9700] =	vst v7;
	v7 =	vmax.f32 v14, $0.0e+00;
	v15 =	vld.idx.msk [tilespmem:v9+s17+$0x0], $0xffff  }
0xfa: {  	v6 =	vcvt.s32.f32 v6;
	v27 =	vmax.f32 v21, $0.0e+00;
	v18 =	vmax.f32 v23, $0.0e+00;
	v29 =	vld.idx.msk [tilespmem:v16+s17+$0x0], $0xffff  }
0xfb: {  	v10 =	vcvt.s32.f32 v10;
	v27 =	vmin.f32 v27, $6.200000000e+01;
	v7 =	vmin.f32 v7, $6.200000000e+01;
	v30 =	vld.idx.msk [tilespmem:v9+s16+$0x0], $0xffff  }
0xfc: {  	v6 =	vsub.f32 v19, v6;
	v8 =	vcvt.s32.f32 v8;
	v18 =	vmin.f32 v18, $6.200000000e+01;
	v19 =	vld.idx.msk [tilespmem:v16+s16+$0x0], $0xffff  }
0xfd: {  	v13 =	vcvt.s32.f32 v13;
	v1 =	vsub.f32 v1, v10;
	v7 =	vtrunc.f32 v7;
	v31 =	vld.idx.msk [tilespmem:v25+s16+$0x0], $0xffff  }
0xfe: {  	v4 =	vsub.f32 v4, v8;
	v27 =	vtrunc.f32 v27;
	v10 =	vld.idx.msk [tilespmem:v22+s5+$0x0], $0xffff;
	v22 =	vmul.f32 v6, v28  }
0xff: {  	v5 =	vsub.f32 v5, v13;
	v8 =	vtrunc.f32 v18;
	v13 =	vmul.f32 v1, v15;
	v9 =	vld.idx.msk [tilespmem:v9+s5+$0x0], $0xffff  }
0x100: {  	v8 =	vcvt.f32.s32 v8;
	v18 =	vmul.f32 v4, v29;
	v15 =	vadd.f32 v22, v20;
	v16 =	vld.idx.msk [tilespmem:v16+s5+$0x0], $0xffff  }
0x101: {  	s14 =	sadd.s32 $0x80, s14;
	v7 =	vcvt.f32.s32 v7;
	v22 =	vmul.f32 v5, v26;
	v13 =	vadd.f32 v13, v30;
	v20 =	vld.idx.msk [tilespmem:v25+s5+$0x0], $0xffff  }
0x102: {  	s25 =	sand.u32 $0x7800, s15;
	s26 =	sand.u32 $0x380, s14;
	v18 =	vadd.f32 v18, v19;
	v6 =	vmul.f32 v15, v6;
	v15 =	vadd.s32 v8, v0;
	v25 =	vld [tilespmem:s10+$0x9700]  }
0x103: {  	s25 =	sor.u32 s26, s25;
	v26 =	vcvt.f32.s32 v27;
	v22 =	vadd.f32 v22, v31;
	v1 =	vmul.f32 v13, v1;
	v19 =	vld [tilespmem:s11+$0x9340]  }
0x104: {  	v4 =	vmul.f32 v18, v4;
	v27 =	vld [tilespmem:s25+$0x9300];
	v6 =	vadd.f32 v6, v10;
	v10 =	vadd.s32 v7, v0  }
0x105: {  	v18 =	vadd.s32 v26, v0;
	v5 =	vmul.f32 v22, v5;
	v1 =	vadd.f32 v1, v9  }
0x106: {  	v9 =	vmul.f32 $3.200000000e+01, v24;
	v4 =	vadd.f32 v4, v16;
	[tilespmem:s11+$0x9310] =	vst v6;
	v6 =	vmul.f32 $3.200000000e+01, v11  }
0x107: {  	v16 =	vadd.f32 v5, v20;
	v5 =	vadd.f32 $3.200000000e+01, v12;
	v11 =	vld.idx.msk [tilespmem:v15+s17+$0x0], $0xffff;
	v22 =	vmul.f32 $3.200000000e+01, v25;
	[tilespmem:s4+$0x9750] =	vst v1;
	s4 =	smov.u32 s8;
	s8 =	smov.u32 s10;
	s10 =	smov.u32 s11  }
0x108: {  	v9 =	vadd.f32 $3.200000000e+01, v9;
	s11 =	smov.u32 s25;
	v12 =	vld.idx.msk [tilespmem:v15+s16+$0x0], $0xffff;
	v13 =	vadd.f32 $3.200000000e+01, v6;
	v24 =	vmul.f32 $3.200000000e+01, v19;
	[tilespmem:s4+$0x9710] =	vst v4  }
0x109: {  	v1 =	vadd.f32 $3.200000000e+01, v17;
	v4 =	vcvt.s32.f32 v8;
	v20 =	vmul.f32 $3.200000000e+01, v27;
	[tilespmem:s8+$0x9350] =	vst v16;
	v6 =	vld.idx.msk [tilespmem:v10+s17+$0x0], $0xffff  }
0x10a: {  	v17 =	vmax.f32 v9, $0.0e+00;
	v19 =	vmax.f32 v5, $0.0e+00;
	v8 =	vmax.f32 v13, $0.0e+00;
	v16 =	vld.idx.msk [tilespmem:v18+s17+$0x0], $0xffff  }
0x10b: {  	v7 =	vcvt.s32.f32 v7;
	v19 =	vmin.f32 v19, $6.200000000e+01;
	v4 =	vsub.f32 v23, v4;
	v23 =	vld.idx.msk [tilespmem:v10+s16+$0x0], $0xffff  }
0x10c: {  	v25 =	vcvt.s32.f32 v26;
	v17 =	vmin.f32 v17, $6.200000000e+01;
	v8 =	vmin.f32 v8, $6.200000000e+01;
	v26 =	vld.idx.msk [tilespmem:v18+s16+$0x0], $0xffff  }
0x10d: {  	v7 =	vsub.f32 v14, v7;
	v14 =	vtrunc.f32 v19;
	v11 =	vmul.f32 v4, v11;
	v27 =	vld.idx.msk [tilespmem:v15+s5+$0x0], $0xffff  }
0x10e: {  	v25 =	vsub.f32 v21, v25;
	v17 =	vtrunc.f32 v17;
	v8 =	vtrunc.f32 v8;
	v28 =	vld [tilespmem:s10+$0x9350]  }
0x10f: {  	v19 =	vcvt.f32.s32 v8;
	v11 =	vadd.f32 v11, v12;
	v6 =	vmul.f32 v7, v6;
	v10 =	vld.idx.msk [tilespmem:v10+s5+$0x0], $0xffff  }
0x110: {  	v3 =	vadd.f32 $3.200000000e+01, v3;
	v8 =	vcvt.f32.s32 v14;
	v12 =	vmul.f32 v25, v16;
	v15 =	vld.idx.msk [tilespmem:v18+s5+$0x0], $0xffff  }
.Ltmp2:
0x111: {  	v11 =	vmul.f32 v11, v4;
	v18 =	vadd.s32 v19, v0;
	v6 =	vadd.f32 v6, v23;
	v21 =	vld [tilespmem:s11+$0x9310];
	(pc) =	sbr.rel @p1 .LBB2_3-.Ltmp2, $4  }
0x112: {  	v4 =	vadd.f32 $3.200000000e+01, v2;
	v14 =	vadd.f32 v12, v26;
	v12 =	vcvt.f32.s32 v17  }
0x113: {  	v2 =	vadd.f32 v11, v27;
	v23 =	vmul.f32 v6, v7;
	v6 =	vadd.s32 v8, v0  }
0x114: {  	v7 =	vadd.f32 $3.200000000e+01, v22;
	v16 =	vmul.f32 v14, v25;
	v11 =	vadd.s32 v12, v0  }
0x115: {  	s15 =	sadd.s32 $0x100, s15;
	v14 =	vadd.f32 $3.200000000e+01, v24;
	v17 =	vmul.f32 $3.200000000e+01, v28;
	v10 =	vadd.f32 v23, v10;
	[tilespmem:s10+$0x9320] =	vst v2;
	v2 =	vld [tilespmem:s8+$0x9750]  }
0x116: {  	v20 =	vadd.f32 $3.200000000e+01, v20;
	_ =	sdelay $0x1  }
0x117: {  	v22 =	vmax.f32 v20, $0.0e+00  }
0x118: {  	v22 =	vmin.f32 v22, $6.200000000e+01  }
0x119: {  	v22 =	vtrunc.f32 v22  }
0x11a: {  	v22 =	vcvt.f32.s32 v22;
	_ =	sdelay $0x1  }
0x11b: {  	v23 =	vadd.s32 v22, v0;
	_ =	sdelay $0x4  }
0x11c: {  	v21 =	vmul.f32 $3.200000000e+01, v21;
	v24 =	vld.idx.msk [tilespmem:v23+s17+$0x0], $0xffff  }
0x11d: {  	v22 =	vcvt.s32.f32 v22  }
0x11e: {  	v21 =	vadd.f32 $3.200000000e+01, v21;
	v25 =	vld.idx.msk [tilespmem:v23+s16+$0x0], $0xffff  }
0x11f: {  	v20 =	vsub.f32 v20, v22  }
0x120: {  	v22 =	vmax.f32 v21, $0.0e+00  }
0x121: {  	v22 =	vmin.f32 v22, $6.200000000e+01;
	v24 =	vmul.f32 v20, v24  }
0x122: {  	v22 =	vtrunc.f32 v22;
	v23 =	vld.idx.msk [tilespmem:v23+s5+$0x0], $0xffff  }
0x123: {  	v22 =	vcvt.f32.s32 v22;
	v24 =	vadd.f32 v24, v25;
	_ =	sdelay $0x1  }
0x124: {  	v47 =	vld [tilespmem:s11+$0x9320];
	v26 =	vadd.s32 v22, v0;
	v20 =	vmul.f32 v24, v20;
	_ =	sdelay $0x1  }
0x125: {  	v20 =	vadd.f32 v20, v23;
	_ =	sdelay $0x1  }
0x126: {  	[tilespmem:s11+$0x9300] =	vst v20  }
0x127: {  	v20 =	vmul.f32 $3.200000000e+01, v47;
	v23 =	vld.idx.msk [tilespmem:v26+s17+$0x0], $0xffff  }
0x128: {  	v22 =	vcvt.s32.f32 v22  }
0x129: {  	v48 =	vld.idx.msk [tilespmem:v26+s16+$0x0], $0xffff;
	v20 =	vadd.f32 $3.200000000e+01, v20  }
0x12a: {  	v21 =	vsub.f32 v21, v22  }
0x12b: {  	v22 =	vmax.f32 v20, $0.0e+00  }
0x12c: {  	v22 =	vmin.f32 v22, $6.200000000e+01;
	v23 =	vmul.f32 v21, v23  }
0x12d: {  	v49 =	vld.idx.msk [tilespmem:v26+s5+$0x0], $0xffff;
	v22 =	vtrunc.f32 v22  }
0x12e: {  	v22 =	vcvt.f32.s32 v22;
	v23 =	vadd.f32 v23, v48;
	_ =	sdelay $0x1  }
0x12f: {  	v50 =	vld [tilespmem:s11+$0x9330];
	v21 =	vmul.f32 v23, v21;
	v23 =	vadd.s32 v22, v0;
	_ =	sdelay $0x1  }
0x130: {  	v21 =	vadd.f32 v21, v49;
	_ =	sdelay $0x1  }
0x131: {  	[tilespmem:s11+$0x9310] =	vst v21  }
0x132: {  	v21 =	vmul.f32 $3.200000000e+01, v50;
	v52 =	vld.idx.msk [tilespmem:v23+s17+$0x0], $0xffff  }
0x133: {  	v22 =	vcvt.s32.f32 v22  }
0x134: {  	v53 =	vld.idx.msk [tilespmem:v23+s16+$0x0], $0xffff;
	v21 =	vadd.f32 $3.200000000e+01, v21  }
0x135: {  	v20 =	vsub.f32 v20, v22  }
0x136: {  	v22 =	vmax.f32 v21, $0.0e+00  }
0x137: {  	v22 =	vmin.f32 v22, $6.200000000e+01;
	v24 =	vmul.f32 v20, v52  }
0x138: {  	v23 =	vld.idx.msk [tilespmem:v23+s5+$0x0], $0xffff;
	v22 =	vtrunc.f32 v22  }
0x139: {  	v22 =	vcvt.f32.s32 v22;
	v24 =	vadd.f32 v24, v53  }
0x13a: {  	v51 =	vld [tilespmem:s11+$0x9340]  }
0x13b: {  	v54 =	vld.idx.msk [tilespmem:v18+s17+$0x0], $0xffff;
	v55 =	vadd.s32 v22, v0;
	v20 =	vmul.f32 v24, v20  }
0x13c: {  	v19 =	vcvt.s32.f32 v19  }
0x13d: {  	v27 =	vld.idx.msk [tilespmem:v18+s16+$0x0], $0xffff;
	v20 =	vadd.f32 v20, v23  }
0x13e: {  	v13 =	vsub.f32 v13, v19  }
0x13f: {  	v23 =	vmax.f32 v14, $0.0e+00;
	[tilespmem:s11+$0x9320] =	vst v20  }
0x140: {  	v25 =	vmul.f32 $3.200000000e+01, v51;
	v20 =	vmin.f32 v23, $6.200000000e+01;
	v23 =	vmul.f32 v13, v54;
	v56 =	vld.idx.msk [tilespmem:v55+s17+$0x0], $0xffff  }
0x141: {  	v18 =	vld.idx.msk [tilespmem:v18+s5+$0x0], $0xffff;
	v22 =	vcvt.s32.f32 v22;
	v20 =	vtrunc.f32 v20  }
0x142: {  	v25 =	vadd.f32 $3.200000000e+01, v25;
	v57 =	vld.idx.msk [tilespmem:v55+s16+$0x0], $0xffff;
	v23 =	vadd.f32 v23, v27;
	v20 =	vcvt.f32.s32 v20  }
0x143: {  	v21 =	vsub.f32 v21, v22  }
0x144: {  	v13 =	vmul.f32 v23, v13;
	v22 =	vadd.s32 v20, v0;
	v23 =	vmax.f32 v25, $0.0e+00  }
0x145: {  	v23 =	vmin.f32 v23, $6.200000000e+01;
	v26 =	vmul.f32 v21, v56  }
0x146: {  	v13 =	vadd.f32 v13, v18;
	v18 =	vld.idx.msk [tilespmem:v55+s5+$0x0], $0xffff;
	v23 =	vtrunc.f32 v23  }
0x147: {  	v23 =	vcvt.f32.s32 v23;
	v26 =	vadd.f32 v26, v57  }
0x148: {  	v19 =	vld [tilespmem:s11+$0x9350];
	[tilespmem:s10+$0x9330] =	vst v13  }
0x149: {  	v13 =	vld.idx.msk [tilespmem:v22+s17+$0x0], $0xffff;
	v59 =	vadd.s32 v23, v0;
	v21 =	vmul.f32 v26, v21  }
0x14a: {  	v20 =	vcvt.s32.f32 v20  }
0x14b: {  	v17 =	vadd.f32 $3.200000000e+01, v17;
	v60 =	vld.idx.msk [tilespmem:v22+s16+$0x0], $0xffff;
	v18 =	vadd.f32 v21, v18  }
0x14c: {  	v14 =	vsub.f32 v14, v20  }
0x14d: {  	v21 =	vmax.f32 v17, $0.0e+00;
	[tilespmem:s11+$0x9330] =	vst v18  }
0x14e: {  	v19 =	vmul.f32 $3.200000000e+01, v19;
	v18 =	vmin.f32 v21, $6.200000000e+01;
	v13 =	vmul.f32 v14, v13;
	v21 =	vld.idx.msk [tilespmem:v59+s17+$0x0], $0xffff  }
0x14f: {  	v22 =	vld.idx.msk [tilespmem:v22+s5+$0x0], $0xffff;
	v23 =	vcvt.s32.f32 v23;
	v18 =	vtrunc.f32 v18  }
0x150: {  	v19 =	vadd.f32 $3.200000000e+01, v19;
	v61 =	vld.idx.msk [tilespmem:v59+s16+$0x0], $0xffff;
	v18 =	vcvt.f32.s32 v18;
	v13 =	vadd.f32 v13, v60  }
0x151: {  	v23 =	vsub.f32 v25, v23  }
0x152: {  	v58 =	vld [tilespmem:s10+$0x9360];
	v28 =	vmax.f32 v19, $0.0e+00;
	v62 =	vadd.s32 v18, v0;
	v14 =	vmul.f32 v13, v14  }
0x153: {  	v28 =	vmin.f32 v28, $6.200000000e+01;
	v21 =	vmul.f32 v23, v21  }
0x154: {  	v26 =	vld.idx.msk [tilespmem:v59+s5+$0x0], $0xffff;
	v14 =	vadd.f32 v14, v22;
	v22 =	vtrunc.f32 v28  }
0x155: {  	v22 =	vcvt.f32.s32 v22;
	v21 =	vadd.f32 v21, v61  }
0x156: {  	v20 =	vld [tilespmem:s11+$0x9360];
	[tilespmem:s10+$0x9340] =	vst v14  }
0x157: {  	v14 =	vmul.f32 $3.200000000e+01, v58;
	v32 =	vld.idx.msk [tilespmem:v62+s17+$0x0], $0xffff;
	v33 =	vadd.s32 v22, v0;
	v21 =	vmul.f32 v21, v23  }
0x158: {  	v18 =	vcvt.s32.f32 v18  }
0x159: {  	v23 =	vld.idx.msk [tilespmem:v62+s16+$0x0], $0xffff;
	v29 =	vadd.f32 $3.200000000e+01, v14;
	v21 =	vadd.f32 v21, v26  }
0x15a: {  	v17 =	vsub.f32 v17, v18  }
0x15b: {  	v34 =	vmax.f32 v29, $0.0e+00;
	[tilespmem:s11+$0x9340] =	vst v21  }
0x15c: {  	v20 =	vmul.f32 $3.200000000e+01, v20;
	v21 =	vmin.f32 v34, $6.200000000e+01;
	v24 =	vmul.f32 v17, v32;
	v35 =	vld.idx.msk [tilespmem:v33+s17+$0x0], $0xffff  }
0x15d: {  	v25 =	vld.idx.msk [tilespmem:v62+s5+$0x0], $0xffff;
	v22 =	vcvt.s32.f32 v22;
	v21 =	vtrunc.f32 v21  }
0x15e: {  	v20 =	vadd.f32 $3.200000000e+01, v20;
	v36 =	vld.idx.msk [tilespmem:v33+s16+$0x0], $0xffff;
	v23 =	vadd.f32 v24, v23;
	v21 =	vcvt.f32.s32 v21  }
0x15f: {  	v19 =	vsub.f32 v19, v22  }
0x160: {  	v63 =	vld [tilespmem:s10+$0x9370];
	v17 =	vmul.f32 v23, v17;
	v22 =	vadd.s32 v21, v0;
	v23 =	vmax.f32 v20, $0.0e+00  }
0x161: {  	v23 =	vmin.f32 v23, $6.200000000e+01;
	v26 =	vmul.f32 v19, v35  }
0x162: {  	v37 =	vld.idx.msk [tilespmem:v33+s5+$0x0], $0xffff;
	v17 =	vadd.f32 v17, v25;
	v23 =	vtrunc.f32 v23  }
0x163: {  	v15 =	vadd.f32 v16, v15;
	v23 =	vcvt.f32.s32 v23;
	v24 =	vadd.f32 v26, v36  }
0x164: {  	v18 =	vld [tilespmem:s11+$0x9370];
	[tilespmem:s10+$0x9350] =	vst v17  }
0x165: {  	[tilespmem:s8+$0x9360] =	vst v15;
	v15 =	vmul.f32 $3.200000000e+01, v63;
	v17 =	vld.idx.msk [tilespmem:v22+s17+$0x0], $0xffff;
	v38 =	vadd.s32 v23, v0;
	v19 =	vmul.f32 v24, v19  }
0x166: {  	v21 =	vcvt.s32.f32 v21  }
0x167: {  	v15 =	vadd.f32 $3.200000000e+01, v15;
	v40 =	vld.idx.msk [tilespmem:v22+s16+$0x0], $0xffff;
	v19 =	vadd.f32 v19, v37  }
0x168: {  	v21 =	vsub.f32 v29, v21  }
0x169: {  	v42 =	vld [tilespmem:s11+$0x9700];
	v12 =	vcvt.s32.f32 v12;
	v30 =	vmax.f32 v15, $0.0e+00;
	[tilespmem:s11+$0x9350] =	vst v19  }
0x16a: {  	v18 =	vmul.f32 $3.200000000e+01, v18;
	v19 =	vmin.f32 v30, $6.200000000e+01;
	v17 =	vmul.f32 v21, v17;
	v44 =	vld.idx.msk [tilespmem:v38+s17+$0x0], $0xffff  }
0x16b: {  	v31 =	vsub.f32 v9, v12;
	v12 =	vld.idx.msk [tilespmem:v22+s5+$0x0], $0xffff;
	v9 =	vtrunc.f32 v19;
	v19 =	vcvt.s32.f32 v23  }
0x16c: {  	v18 =	vadd.f32 $3.200000000e+01, v18;
	v23 =	vld.idx.msk [tilespmem:v38+s16+$0x0], $0xffff;
	v17 =	vadd.f32 v17, v40  }
0x16d: {  	v39 =	vld.idx.msk [tilespmem:v11+s17+$0x0], $0xffff;
	v22 =	vcvt.f32.s32 v9;
	v19 =	vsub.f32 v20, v19  }
0x16e: {  	v16 =	vld [tilespmem:s10+$0x9700];
	v17 =	vmul.f32 v17, v21;
	v21 =	vmax.f32 v18, $0.0e+00  }
0x16f: {  	v43 =	vld.idx.msk [tilespmem:v11+s16+$0x0], $0xffff;
	v20 =	vadd.s32 v22, v0;
	v21 =	vmin.f32 v21, $6.200000000e+01;
	v46 =	vmul.f32 v19, v44  }
0x170: {  	v17 =	vadd.f32 v17, v12;
	v12 =	vtrunc.f32 v21;
	v21 =	vld.idx.msk [tilespmem:v38+s5+$0x0], $0xffff  }
0x171: {  	v41 =	vmax.f32 v7, $0.0e+00;
	v48 =	vcvt.f32.s32 v12;
	v23 =	vadd.f32 v46, v23  }
0x172: {  	v45 =	vmul.f32 v31, v39;
	v28 =	vmul.f32 $3.200000000e+01, v42;
	v25 =	vmin.f32 v41, $6.200000000e+01  }
0x173: {  	v11 =	vld.idx.msk [tilespmem:v11+s5+$0x0], $0xffff;
	v9 =	vtrunc.f32 v25;
	[tilespmem:s10+$0x9360] =	vst v17;
	v19 =	vmul.f32 v23, v19;
	v23 =	vadd.s32 v48, v0  }
0x174: {  	v16 =	vmul.f32 $3.200000000e+01, v16;
	v25 =	vadd.f32 v45, v43;
	v47 =	vcvt.f32.s32 v9;
	v17 =	vld.idx.msk [tilespmem:v20+s17+$0x0], $0xffff  }
0x175: {  	v53 =	vadd.f32 $3.200000000e+01, v28;
	v22 =	vcvt.s32.f32 v22;
	v19 =	vadd.f32 v19, v21  }
0x176: {  	v25 =	vmul.f32 v25, v31;
	v49 =	vadd.s32 v47, v0;
	v27 =	vcvt.s32.f32 v47;
	v51 =	vld.idx.msk [tilespmem:v20+s16+$0x0], $0xffff  }
0x177: {  	v16 =	vadd.f32 $3.200000000e+01, v16;
	v13 =	vld [tilespmem:s10+$0x9710];
	v15 =	vsub.f32 v15, v22;
	[tilespmem:s11+$0x9360] =	vst v19  }
0x178: {  	v11 =	vadd.f32 v25, v11;
	v56 =	vsub.f32 v7, v27;
	v7 =	vmax.f32 v53, $0.0e+00;
	v52 =	vld.idx.msk [tilespmem:v23+s17+$0x0], $0xffff  }
0x179: {  	v20 =	vld.idx.msk [tilespmem:v20+s5+$0x0], $0xffff;
	v24 =	vcvt.s32.f32 v48;
	v19 =	vmax.f32 v16, $0.0e+00;
	v17 =	vmul.f32 v15, v17  }
0x17a: {  	[tilespmem:s8+$0x9370] =	vst v11;
	v7 =	vmin.f32 v7, $6.200000000e+01;
	v19 =	vmin.f32 v19, $6.200000000e+01;
	v54 =	vld.idx.msk [tilespmem:v23+s16+$0x0], $0xffff  }
0x17b: {  	v22 =	vld.idx.msk [tilespmem:v49+s17+$0x0], $0xffff;
	v18 =	vsub.f32 v18, v24;
	v19 =	vtrunc.f32 v19;
	v17 =	vadd.f32 v17, v51  }
0x17c: {  	v14 =	vld [tilespmem:s11+$0x9710];
	v59 =	vtrunc.f32 v7;
	v19 =	vcvt.f32.s32 v19  }
0x17d: {  	v55 =	vld.idx.msk [tilespmem:v49+s16+$0x0], $0xffff;
	v15 =	vmul.f32 v17, v15;
	v58 =	vmul.f32 v18, v52  }
0x17e: {  	v60 =	vcvt.f32.s32 v59;
	v21 =	vmax.f32 v4, $0.0e+00;
	v23 =	vld.idx.msk [tilespmem:v23+s5+$0x0], $0xffff  }
0x17f: {  	v57 =	vadd.s32 v19, v0;
	v15 =	vadd.f32 v15, v20;
	v20 =	vadd.f32 v58, v54  }
0x180: {  	v8 =	vcvt.s32.f32 v8;
	v21 =	vmin.f32 v21, $6.200000000e+01;
	v22 =	vmul.f32 v56, v22  }
0x181: {  	v21 =	vtrunc.f32 v21;
	v17 =	vld.idx.msk [tilespmem:v49+s5+$0x0], $0xffff;
	[tilespmem:s10+$0x9370] =	vst v15;
	v15 =	vmul.f32 v20, v18;
	v18 =	vadd.s32 v60, v0  }
0x182: {  	v5 =	vsub.f32 v5, v8;
	v50 =	vld [tilespmem:s8+$0x9720];
	v21 =	vcvt.f32.s32 v21;
	v22 =	vadd.f32 v22, v55  }
0x183: {  	v62 =	vld [tilespmem:s8+$0x9730];
	v32 =	vmul.f32 $3.200000000e+01, v13;
	v14 =	vmul.f32 $3.200000000e+01, v14;
	v15 =	vadd.f32 v15, v23  }
0x184: {  	v2 =	vmul.f32 $3.200000000e+01, v2;
	v20 =	vmul.f32 v22, v56;
	v22 =	vadd.s32 v21, v0;
	v63 =	vld.idx.msk [tilespmem:v57+s17+$0x0], $0xffff  }
0x185: {  	v14 =	vadd.f32 $3.200000000e+01, v14;
	v37 =	vadd.f32 $3.200000000e+01, v32;
	v19 =	vcvt.s32.f32 v19;
	v38 =	vld.idx.msk [tilespmem:v57+s16+$0x0], $0xffff;
	[tilespmem:s11+$0x9370] =	vst v15  }
0x186: {  	[tilespmem:s4+$0x9720] =	vst v10;
	v27 =	vcvt.s32.f32 v60;
	v10 =	vcvt.s32.f32 v21;
	v17 =	vadd.f32 v20, v17;
	v15 =	vld.idx.msk [tilespmem:v18+s17+$0x0], $0xffff  }
0x187: {  	v29 =	vmul.f32 $3.200000000e+01, v50;
	v41 =	vmax.f32 v14, $0.0e+00;
	v12 =	vld [tilespmem:s8+$0x9740];
	v8 =	vsub.f32 v16, v19  }
0x188: {  	v25 =	vsub.f32 v53, v27;
	v4 =	vsub.f32 v4, v10;
	v19 =	vmax.f32 v37, $0.0e+00;
	[tilespmem:s8+$0x9700] =	vst v17;
	v39 =	vld.idx.msk [tilespmem:v18+s16+$0x0], $0xffff  }
0x189: {  	v10 =	vmin.f32 v41, $6.200000000e+01;
	v19 =	vmin.f32 v19, $6.200000000e+01;
	v17 =	vld.idx.msk [tilespmem:v22+s17+$0x0], $0xffff;
	v24 =	vmul.f32 v8, v63  }
0x18a: {  	v10 =	vtrunc.f32 v10;
	v19 =	vtrunc.f32 v19;
	v21 =	vld.idx.msk [tilespmem:v57+s5+$0x0], $0xffff  }
0x18b: {  	v19 =	vcvt.f32.s32 v19;
	v42 =	vld.idx.msk [tilespmem:v22+s16+$0x0], $0xffff;
	v24 =	vadd.f32 v24, v38;
	v15 =	vmul.f32 v25, v15  }
0x18c: {  	v50 =	vmul.f32 $3.200000000e+01, v62;
	v16 =	vadd.f32 $3.200000000e+01, v29;
	v10 =	vcvt.f32.s32 v10;
	v18 =	vld.idx.msk [tilespmem:v18+s5+$0x0], $0xffff  }
0x18d: {  	v61 =	vld [tilespmem:s10+$0x9720];
	v43 =	vadd.s32 v19, v0;
	v8 =	vmul.f32 v24, v8;
	v15 =	vadd.f32 v15, v39  }
0x18e: {  	v45 =	vmax.f32 v16, $0.0e+00;
	v47 =	vadd.s32 v10, v0;
	v20 =	vld [tilespmem:s11+$0x9720];
	v17 =	vmul.f32 v4, v17  }
0x18f: {  	v29 =	vmin.f32 v45, $6.200000000e+01;
	v22 =	vld.idx.msk [tilespmem:v22+s5+$0x0], $0xffff;
	v8 =	vadd.f32 v8, v21;
	v15 =	vmul.f32 v15, v25  }
0x190: {  	v12 =	vmul.f32 $3.200000000e+01, v12;
	v21 =	vtrunc.f32 v29;
	v17 =	vadd.f32 v17, v42  }
0x191: {  	v40 =	vld.idx.msk [tilespmem:v6+s17+$0x0], $0xffff;
	v10 =	vcvt.s32.f32 v10;
	v21 =	vcvt.f32.s32 v21;
	[tilespmem:s10+$0x9700] =	vst v8;
	v15 =	vadd.f32 v15, v18  }
0x192: {  	v36 =	vmax.f32 v3, $0.0e+00;
	v48 =	vld.idx.msk [tilespmem:v43+s17+$0x0], $0xffff;
	v4 =	vmul.f32 v17, v4;
	v18 =	vmul.f32 $3.200000000e+01, v61  }
0x193: {  	v44 =	vld.idx.msk [tilespmem:v6+s16+$0x0], $0xffff;
	v23 =	vmin.f32 v36, $6.200000000e+01;
	v19 =	vcvt.s32.f32 v19;
	v17 =	vadd.s32 v21, v0;
	[tilespmem:s11+$0x9700] =	vst v15  }
0x194: {  	v4 =	vadd.f32 v4, v22;
	v15 =	vadd.f32 $3.200000000e+01, v18;
	v18 =	vmul.f32 $3.200000000e+01, v20;
	v20 =	vld.idx.msk [tilespmem:v47+s17+$0x0], $0xffff  }
0x195: {  	v10 =	vsub.f32 v14, v10;
	v23 =	vtrunc.f32 v23;
	v19 =	vsub.f32 v37, v19;
	v51 =	vld.idx.msk [tilespmem:v43+s16+$0x0], $0xffff  }
0x196: {  	[tilespmem:s8+$0x9710] =	vst v4;
	v4 =	vcvt.s32.f32 v21;
	v52 =	vld.idx.msk [tilespmem:v47+s16+$0x0], $0xffff;
	v21 =	vmax.f32 v15, $0.0e+00;
	v18 =	vadd.f32 $3.200000000e+01, v18  }
0x197: {  	v8 =	vmul.f32 v5, v40;
	v24 =	vld.idx.msk [tilespmem:v43+s5+$0x0], $0xffff;
	v26 =	vmul.f32 v19, v48;
	v21 =	vmin.f32 v21, $6.200000000e+01  }
0x198: {  	v53 =	vld.idx.msk [tilespmem:v17+s17+$0x0], $0xffff;
	v4 =	vsub.f32 v16, v4;
	v16 =	vtrunc.f32 v21;
	v21 =	vmax.f32 v18, $0.0e+00  }
0x199: {  	v22 =	vadd.f32 $3.200000000e+01, v50;
	v14 =	vld.idx.msk [tilespmem:v17+s16+$0x0], $0xffff;
	v21 =	vmin.f32 v21, $6.200000000e+01;
	v20 =	vmul.f32 v10, v20  }
0x19a: {  	v25 =	vld.idx.msk [tilespmem:v47+s5+$0x0], $0xffff;
	v26 =	vadd.f32 v26, v51;
	v16 =	vcvt.f32.s32 v16;
	v21 =	vtrunc.f32 v21  }
0x19b: {  	v6 =	vld.idx.msk [tilespmem:v6+s5+$0x0], $0xffff;
	v8 =	vadd.f32 v8, v44;
	v21 =	vcvt.f32.s32 v21;
	v20 =	vadd.f32 v20, v52  }
0x19c: {  	v46 =	vld [tilespmem:s10+$0x9730];
	v55 =	vmax.f32 v22, $0.0e+00;
	v19 =	vmul.f32 v26, v19;
	v56 =	vadd.s32 v16, v0  }
0x19d: {  	v49 =	vld [tilespmem:s11+$0x9730];
	v31 =	vmul.f32 v4, v53;
	v10 =	vmul.f32 v20, v10;
	v20 =	vadd.s32 v21, v0  }
0x19e: {  	v5 =	vmul.f32 v8, v5;
	v27 =	vmin.f32 v55, $6.200000000e+01;
	v17 =	vld.idx.msk [tilespmem:v17+s5+$0x0], $0xffff;
	v19 =	vadd.f32 v19, v24  }
0x19f: {  	v27 =	vtrunc.f32 v27;
	v14 =	vadd.f32 v31, v14;
	v10 =	vadd.f32 v10, v25  }
0x1a0: {  	v2 =	vadd.f32 $3.200000000e+01, v2;
	v13 =	vld [tilespmem:s11+$0x9740];
	v23 =	vcvt.f32.s32 v23;
	v57 =	vcvt.f32.s32 v27;
	[tilespmem:s10+$0x9710] =	vst v19  }
0x1a1: {  	v5 =	vadd.f32 v5, v6;
	v19 =	vmul.f32 $3.200000000e+01, v46;
	v4 =	vmul.f32 v14, v4;
	v59 =	vld.idx.msk [tilespmem:v56+s17+$0x0], $0xffff;
	[tilespmem:s11+$0x9710] =	vst v10  }
0x1a2: {  	v6 =	vcvt.s32.f32 v16;
	v14 =	vadd.s32 v57, v0;
	v10 =	vmul.f32 $3.200000000e+01, v49;
	v16 =	vld.idx.msk [tilespmem:v20+s17+$0x0], $0xffff  }
0x1a3: {  	v21 =	vcvt.s32.f32 v21;
	v4 =	vadd.f32 v4, v17;
	v17 =	vadd.f32 $3.200000000e+01, v19;
	v19 =	vld.idx.msk [tilespmem:v56+s16+$0x0], $0xffff  }
0x1a4: {  	v8 =	vadd.s32 v23, v0;
	v6 =	vsub.f32 v15, v6;
	v15 =	vld.idx.msk [tilespmem:v20+s16+$0x0], $0xffff;
	v10 =	vadd.f32 $3.200000000e+01, v10  }
0x1a5: {  	v7 =	vld [tilespmem:s10+$0x9740];
	v12 =	vadd.f32 $3.200000000e+01, v12;
	v18 =	vsub.f32 v18, v21;
	[tilespmem:s8+$0x9720] =	vst v4;
	v4 =	vmax.f32 v17, $0.0e+00  }
0x1a6: {  	v26 =	vld.idx.msk [tilespmem:v56+s5+$0x0], $0xffff;
	v4 =	vmin.f32 v4, $6.200000000e+01;
	v27 =	vmul.f32 v6, v59;
	v60 =	vmax.f32 v10, $0.0e+00  }
0x1a7: {  	v21 =	vld.idx.msk [tilespmem:v14+s17+$0x0], $0xffff;
	v4 =	vtrunc.f32 v4;
	v28 =	vmin.f32 v60, $6.200000000e+01;
	v16 =	vmul.f32 v18, v16  }
0x1a8: {  	[tilespmem:s4+$0x9730] =	vst v5;
	v20 =	vld.idx.msk [tilespmem:v20+s5+$0x0], $0xffff;
	v4 =	vcvt.f32.s32 v4;
	v5 =	vadd.f32 v27, v19;
	v19 =	vtrunc.f32 v28  }
0x1a9: {  	v61 =	vld.idx.msk [tilespmem:v8+s17+$0x0], $0xffff;
	v24 =	vcvt.s32.f32 v57;
	v19 =	vcvt.f32.s32 v19;
	v15 =	vadd.f32 v16, v15  }
0x1aa: {  	v23 =	vcvt.s32.f32 v23;
	v5 =	vmul.f32 v5, v6;
	v6 =	vadd.s32 v4, v0;
	v16 =	vld.idx.msk [tilespmem:v14+s16+$0x0], $0xffff  }
0x1ab: {  	v62 =	vld.idx.msk [tilespmem:v8+s16+$0x0], $0xffff;
	v22 =	vsub.f32 v22, v24;
	v15 =	vmul.f32 v15, v18;
	v18 =	vadd.s32 v19, v0  }
0x1ac: {  	v13 =	vmul.f32 $3.200000000e+01, v13;
	v3 =	vsub.f32 v3, v23;
	v5 =	vadd.f32 v5, v26  }
0x1ad: {  	v11 =	vld [tilespmem:s11+$0x9750];
	v23 =	vmax.f32 v12, $0.0e+00;
	v21 =	vmul.f32 v22, v21;
	v15 =	vadd.f32 v15, v20  }
0x1ae: {  	v13 =	vadd.f32 $3.200000000e+01, v13;
	v23 =	vmin.f32 v23, $6.200000000e+01;
	v14 =	vld.idx.msk [tilespmem:v14+s5+$0x0], $0xffff;
	[tilespmem:s10+$0x9720] =	vst v5;
	v20 =	vmul.f32 v3, v61  }
0x1af: {  	v7 =	vmul.f32 $3.200000000e+01, v7;
	v23 =	vtrunc.f32 v23;
	v16 =	vadd.f32 v21, v16;
	v21 =	vld.idx.msk [tilespmem:v6+s17+$0x0], $0xffff;
	[tilespmem:s11+$0x9720] =	vst v15  }
0x1b0: {  	v4 =	vcvt.s32.f32 v4;
	v5 =	vcvt.f32.s32 v23;
	v15 =	vadd.f32 v20, v62;
	v20 =	vld.idx.msk [tilespmem:v18+s17+$0x0], $0xffff  }
0x1b1: {  	v7 =	vadd.f32 $3.200000000e+01, v7;
	v19 =	vcvt.s32.f32 v19;
	v16 =	vmul.f32 v16, v22;
	v22 =	vld.idx.msk [tilespmem:v6+s16+$0x0], $0xffff  }
0x1b2: {  	v11 =	vmul.f32 $3.200000000e+01, v11;
	v4 =	vsub.f32 v17, v4;
	v23 =	vadd.s32 v5, v0;
	v17 =	vld.idx.msk [tilespmem:v18+s16+$0x0], $0xffff  }
0x1b3: {  	v10 =	vsub.f32 v10, v19;
	v14 =	vadd.f32 v16, v14;
	v16 =	vmax.f32 v7, $0.0e+00  }
0x1b4: {  	v9 =	vld [tilespmem:s10+$0x9750];
	v16 =	vmin.f32 v16, $6.200000000e+01;
	v19 =	vmul.f32 v4, v21;
	v21 =	vmax.f32 v13, $0.0e+00  }
0x1b5: {  	v6 =	vld.idx.msk [tilespmem:v6+s5+$0x0], $0xffff;
	v16 =	vtrunc.f32 v16;
	v21 =	vmin.f32 v21, $6.200000000e+01;
	v20 =	vmul.f32 v10, v20  }
0x1b6: {  	v18 =	vld.idx.msk [tilespmem:v18+s5+$0x0], $0xffff;
	[tilespmem:s8+$0x9730] =	vst v14;
	v14 =	vcvt.f32.s32 v16;
	v16 =	vadd.f32 v19, v22;
	v19 =	vtrunc.f32 v21  }
0x1b7: {  	v54 =	vmax.f32 v1, $0.0e+00;
	v21 =	vld.idx.msk [tilespmem:v23+s17+$0x0], $0xffff;
	v19 =	vcvt.f32.s32 v19;
	v17 =	vadd.f32 v20, v17  }
0x1b8: {  	v8 =	vld.idx.msk [tilespmem:v8+s5+$0x0], $0xffff;
	v5 =	vcvt.s32.f32 v5;
	v4 =	vmul.f32 v16, v4;
	v16 =	vadd.s32 v14, v0  }
0x1b9: {  	v30 =	vmin.f32 v54, $6.200000000e+01;
	v20 =	vld.idx.msk [tilespmem:v23+s16+$0x0], $0xffff;
	v10 =	vmul.f32 v17, v10;
	v17 =	vadd.s32 v19, v0  }
0x1ba: {  	v58 =	vtrunc.f32 v30;
	v5 =	vsub.f32 v12, v5;
	v4 =	vadd.f32 v4, v6  }
0x1bb: {  	v3 =	vmul.f32 v15, v3;
	v6 =	vmax.f32 v2, $0.0e+00;
	v10 =	vadd.f32 v10, v18  }
0x1bc: {  	v22 =	vcvt.f32.s32 v58;
	v6 =	vmin.f32 v6, $6.200000000e+01;
	v15 =	vmul.f32 v5, v21;
	[tilespmem:s10+$0x9730] =	vst v4  }
0x1bd: {  	v3 =	vadd.f32 v3, v8;
	v4 =	vtrunc.f32 v6;
	v6 =	vmul.f32 $3.200000000e+01, v9;
	v8 =	vld.idx.msk [tilespmem:v16+s17+$0x0], $0xffff;
	[tilespmem:s11+$0x9730] =	vst v10  }
0x1be: {  	v12 =	vadd.s32 v22, v0;
	v9 =	vadd.f32 v15, v20;
	v10 =	vcvt.s32.f32 v14;
	v14 =	vld.idx.msk [tilespmem:v17+s17+$0x0], $0xffff  }
0x1bf: {  	v18 =	vcvt.s32.f32 v19;
	v4 =	vcvt.f32.s32 v4;
	v15 =	vld.idx.msk [tilespmem:v16+s16+$0x0], $0xffff;
	v6 =	vadd.f32 $3.200000000e+01, v6  }
0x1c0: {  	v5 =	vmul.f32 v9, v5;
	v9 =	vadd.f32 $3.200000000e+01, v11;
	v7 =	vsub.f32 v7, v10;
	v10 =	vld.idx.msk [tilespmem:v17+s16+$0x0], $0xffff  }
0x1c1: {  	v13 =	vsub.f32 v13, v18;
	v11 =	vld.idx.msk [tilespmem:v23+s5+$0x0], $0xffff;
	v19 =	vadd.s32 v4, v0;
	v20 =	vmax.f32 v6, $0.0e+00  }
0x1c2: {  	v18 =	vmin.f32 v20, $6.200000000e+01;
	v20 =	vmax.f32 v9, $0.0e+00;
	v8 =	vmul.f32 v7, v8  }
0x1c3: {  	v16 =	vld.idx.msk [tilespmem:v16+s5+$0x0], $0xffff;
	v18 =	vtrunc.f32 v18;
	v20 =	vmin.f32 v20, $6.200000000e+01;
	v14 =	vmul.f32 v13, v14  }
0x1c4: {  	v17 =	vld.idx.msk [tilespmem:v17+s5+$0x0], $0xffff;
	v18 =	vcvt.f32.s32 v18;
	v8 =	vadd.f32 v8, v15;
	v15 =	vtrunc.f32 v20  }
0x1c5: {  	v15 =	vcvt.f32.s32 v15;
	v10 =	vadd.f32 v14, v10  }
0x1c6: {  	[tilespmem:s4+$0x9740] =	vst v3;
	v3 =	vadd.f32 v5, v11;
	v5 =	vmul.f32 v8, v7;
	v7 =	vadd.s32 v18, v0  }
0x1c7: {  	v11 =	vld.idx.msk [tilespmem:v12+s16+$0x0], $0xffff;
	v0 =	vadd.s32 v15, v0;
	v10 =	vmul.f32 v10, v13  }
0x1c8: {  	v8 =	vld.idx.msk [tilespmem:v12+s17+$0x0], $0xffff;
	[tilespmem:s8+$0x9740] =	vst v3;
	v3 =	vadd.f32 v5, v16  }
0x1c9: {  	v14 =	vld.idx.msk [tilespmem:v19+s16+$0x0], $0xffff;
	v10 =	vadd.f32 v10, v17  }
0x1ca: {  	v5 =	vld.idx.msk [tilespmem:v19+s17+$0x0], $0xffff;
	v13 =	vcvt.s32.f32 v22;
	[tilespmem:s10+$0x9740] =	vst v3  }
0x1cb: {  	v3 =	vcvt.s32.f32 v4;
	v4 =	vld.idx.msk [tilespmem:v7+s17+$0x0], $0xffff;
	[tilespmem:s11+$0x9740] =	vst v10  }
0x1cc: {  	v1 =	vsub.f32 v1, v13;
	v10 =	vcvt.s32.f32 v18;
	v13 =	vld.idx.msk [tilespmem:v0+s17+$0x0], $0xffff  }
0x1cd: {  	v15 =	vcvt.s32.f32 v15;
	v2 =	vsub.f32 v2, v3;
	v3 =	vld.idx.msk [tilespmem:v7+s16+$0x0], $0xffff  }
0x1ce: {  	v8 =	vmul.f32 v1, v8;
	v6 =	vsub.f32 v6, v10;
	v10 =	vld.idx.msk [tilespmem:v0+s16+$0x0], $0xffff  }
0x1cf: {  	v12 =	vld.idx.msk [tilespmem:v12+s5+$0x0], $0xffff;
	v9 =	vsub.f32 v9, v15;
	v5 =	vmul.f32 v2, v5  }
0x1d0: {  	p1 =	slt.s32 s6, $0x1;
	p2 =	sne.s32 s7, $0x0;
	v8 =	vadd.f32 v8, v11;
	v11 =	vld.idx.msk [tilespmem:v19+s5+$0x0], $0xffff;
	v4 =	vmul.f32 v6, v4  }
0x1d1: {  	p1 =	por !p1, !p2;
	v7 =	vld.idx.msk [tilespmem:v7+s5+$0x0], $0xffff;
	v5 =	vadd.f32 v5, v14;
	v13 =	vmul.f32 v9, v13  }
0x1d2: {  	s6 =	simm.s32 $0x1;
	p1 =	por !p1, !p1;
	v0 =	vld.idx.msk [tilespmem:v0+s5+$0x0], $0xffff;
	v1 =	vmul.f32 v8, v1;
	v3 =	vadd.f32 v4, v3  }
0x1d3: {  	s6 =	simm.s32 @!p1 $0x0;
	v2 =	vmul.f32 v5, v2;
	v4 =	vadd.f32 v13, v10  }
0x1d4: {  	s0 =	smul.u32 $0xE000, s0;
	s6 =	ssub.s32 s30, s6;
	s30 =	simm.s32 $0x7000;
	v1 =	vadd.f32 v1, v12;
	v3 =	vmul.f32 v3, v6  }
0x1d5: {  	s6 =	smul.u32 $0xA80000, s6;
	s30 =	simm.s32 @!p0 $0x0;
	v2 =	vadd.f32 v2, v11;
	v4 =	vmul.f32 v4, v9  }
0x1d6: {  	s0 =	sadd.s32 s30, s0;
	[tilespmem:s4+$0x9750] =	vst v1;
	v1 =	vadd.f32 v3, v7  }
0x1d7: {  	s0 =	sadd.s32 s6, s0;
	s6 =	sadd.s32 s29, s12;
	[tilespmem:s8+$0x9750] =	vst v2;
	v0 =	vadd.f32 v4, v0  }
0x1d8: {  	s0 =	sshrl.u32 s0, $0x3;
	[tilespmem:s10+$0x9750] =	vst v1;
	s10 =	sshrl.u32 s6, $0x1  }
0x1d9: {  	s15 =	simm.s32 $0x9300;
	s0 =	sadd.s32 s3, s0;
	s14 =	smulhi.u32 $0x2AAAAAAB, s10;
	[tilespmem:s11+$0x9750] =	vst v0  }
0x1da: {  	[hbm4b:s0+s5] =	stream.linear.scatter [tilespmem:s15], [sflag:$0x4], $0x7000, $0x38;
	[tilespmem:$0x1E300] =	vst v63  }
0x1db: {  	s4 =	smulhi.u32 $0xAAAAAAAB, s6;
	s18 =	sshrl.u32 s14, $0x5  }
0x1dc: {  	s0 =	smul.u32 $0xC0, s18  }
0x1dd: {  	s25 =	sshrl.u32 s4, $0x8  }
0x1de: {  	s26 =	smul.u32 $0xA80000, s25;
	s4 =	ssub.s32 s10, s0  }
0x1df: {  	p0 =	seq.s32 s28, $0x0;
	s6 =	smul.u32 $0xE000, s4  }
0x1e0: {  	s7 =	simm.s32 @!p0 $0x6;
	s0 =	sor.u32 s30, s26  }
0x1e1: {  	_ =	swait.ge @!p0 [sflag:s7], $0x7000;
	s0 =	sadd.s32 s6, s0  }
0x1e2: {  	[sflag:s7] =	ssyncset.done @!p0 $0x0;
	s31 =	sshrl.u32 s0, $0x3  }
0x1e3: {  	s8 =	simm.s32 $0x0;
	[sflag:s7] =	ssyncadd.s32 @!p0 $0xFFFF9000;
	s0 =	sadd.s32 s2, s31  }
0x1e4: {  	[tilespmem:s20], [sflag:$0x3] =	stream.linear.gather [hbm4b:s0+s8], $0x7000, $0x38;
	[tilespmem:$0x1E300] =	vst v63  }
0x1e5: {  	_ =	swait.ge [sflag:s21], $0x7000  }
0x1e6: {  	s10 =	sand.u32 $0x7800, s8;
	s6 =	sand.u32 $0x380, s8;
	[sflag:s21] =	ssyncset.done $0x0  }
0x1e7: {  	s11 =	sor.u32 s6, s10;
	[sflag:s21] =	ssyncadd.s32 $0xFFFF9000  }
0x1e8: {  	v0 =	vld [tilespmem:s11+$0x10300];
	_ =	sdelay $0x1  }
0x1e9: {  	s0 =	sadd.s32 $0x1, s29  }
0x1ea: {  	s7 =	sadd.s32 s1, s0  }
0x1eb: {  	s14 =	sshrl.u32 s7, $0x1  }
0x1ec: {  	s15 =	smulhi.u32 $0x2AAAAAAB, s14;
	v0 =	vmul.f32 $3.200000000e+01, v0;
	_ =	sdelay $0x1  }
0x1ed: {  	s8 =	sshrl.u32 s15, $0x5;
	v1 =	vadd.f32 $3.200000000e+01, v0  }
0x1ee: {  	s8 =	smul.u32 $0xC0, s8  }
0x1ef: {  	v0 =	vmax.f32 v1, $0.0e+00  }
0x1f0: {  	s6 =	ssub.s32 s14, s8;
	v0 =	vmin.f32 v0, $6.200000000e+01  }
0x1f1: {  	s8 =	smul.u32 $0x41, s6;
	v0 =	vtrunc.f32 v0  }
0x1f2: {  	v2 =	vcvt.f32.s32 v0  }
0x1f3: {  	v0 =	vmov s8  }
0x1f4: {  	v3 =	vadd.s32 v2, v0;
	_ =	sdelay $0x4  }
0x1f5: {  	v4 =	vld.idx.msk [tilespmem:v3+s17+$0x0], $0xffff  }
0x1f6: {  	v2 =	vcvt.s32.f32 v2  }
0x1f7: {  	v5 =	vld.idx.msk [tilespmem:v3+s16+$0x0], $0xffff  }
0x1f8: {  	v1 =	vsub.f32 v1, v2;
	_ =	sdelay $0x1  }
0x1f9: {  	v2 =	vmul.f32 v1, v4  }
0x1fa: {  	v3 =	vld.idx.msk [tilespmem:v3+s5+$0x0], $0xffff  }
0x1fb: {  	v2 =	vadd.f32 v2, v5;
	_ =	sdelay $0x1  }
0x1fc: {  	v1 =	vmul.f32 v2, v1;
	_ =	sdelay $0x1  }
0x1fd: {  	v1 =	vadd.f32 v1, v3;
	_ =	sdelay $0x1  }
0x1fe: {  	s8 =	sadd.s32 $0x10300, s11;
	[tilespmem:s11+$0x10300] =	vst v1  }
0x1ff: {  	v1 =	vld [tilespmem:s8+$0x10];
	_ =	sdelay $0x4  }
0x200: {  	v1 =	vmul.f32 $3.200000000e+01, v1;
	_ =	sdelay $0x1  }
0x201: {  	v1 =	vadd.f32 $3.200000000e+01, v1;
	_ =	sdelay $0x1  }
0x202: {  	v2 =	vmax.f32 v1, $0.0e+00  }
0x203: {  	v2 =	vmin.f32 v2, $6.200000000e+01  }
0x204: {  	v2 =	vtrunc.f32 v2  }
0x205: {  	v2 =	vcvt.f32.s32 v2;
	_ =	sdelay $0x1  }
0x206: {  	v4 =	vld [tilespmem:s8+$0x20];
	v3 =	vadd.s32 v2, v0;
	_ =	sdelay $0x4  }
0x207: {  	v4 =	vmul.f32 $3.200000000e+01, v4;
	v5 =	vld.idx.msk [tilespmem:v3+s17+$0x0], $0xffff  }
0x208: {  	v2 =	vcvt.s32.f32 v2  }
0x209: {  	s25 =	simm.s32 $0x80;
	s18 =	simm.s32 $0x100;
	v4 =	vadd.f32 $3.200000000e+01, v4;
	v6 =	vld.idx.msk [tilespmem:v3+s16+$0x0], $0xffff  }
0x20a: {  	s10 =	sand.u32 $0x7800, s18;
	s11 =	sand.u32 $0x380, s25;
	v1 =	vsub.f32 v1, v2  }
0x20b: {  	s11 =	sor.u32 s11, s10;
	v2 =	vmax.f32 v4, $0.0e+00  }
0x20c: {  	v7 =	vld [tilespmem:s11+$0x10300];
	v2 =	vmin.f32 v2, $6.200000000e+01;
	v5 =	vmul.f32 v1, v5  }
0x20d: {  	v2 =	vtrunc.f32 v2;
	v3 =	vld.idx.msk [tilespmem:v3+s5+$0x0], $0xffff  }
0x20e: {  	v2 =	vcvt.f32.s32 v2;
	v5 =	vadd.f32 v5, v6;
	_ =	sdelay $0x1  }
0x20f: {  	v6 =	vadd.s32 v2, v0;
	v1 =	vmul.f32 v5, v1;
	v5 =	vld [tilespmem:s8+$0x30]  }
0x210: {  	v7 =	vmul.f32 $3.200000000e+01, v7  }
0x211: {  	v1 =	vadd.f32 v1, v3  }
0x212: {  	v3 =	vadd.f32 $3.200000000e+01, v7  }
0x213: {  	[tilespmem:s8+$0x10] =	vst v1  }
0x214: {  	v1 =	vmax.f32 v3, $0.0e+00;
	v7 =	vld.idx.msk [tilespmem:v6+s17+$0x0], $0xffff;
	v5 =	vmul.f32 $3.200000000e+01, v5  }
0x215: {  	v2 =	vcvt.s32.f32 v2;
	v1 =	vmin.f32 v1, $6.200000000e+01  }
0x216: {  	v8 =	vld.idx.msk [tilespmem:v6+s16+$0x0], $0xffff;
	v1 =	vtrunc.f32 v1;
	v5 =	vadd.f32 $3.200000000e+01, v5  }
0x217: {  	v2 =	vsub.f32 v4, v2;
	v1 =	vcvt.f32.s32 v1  }
0x218: {  	v4 =	vmax.f32 v5, $0.0e+00  }
0x219: {  	v9 =	vadd.s32 v1, v0;
	v7 =	vmul.f32 v2, v7;
	v4 =	vmin.f32 v4, $6.200000000e+01  }
0x21a: {  	v6 =	vld.idx.msk [tilespmem:v6+s5+$0x0], $0xffff;
	v4 =	vtrunc.f32 v4  }
0x21b: {  	v7 =	vadd.f32 v7, v8;
	v4 =	vcvt.f32.s32 v4;
	_ =	sdelay $0x1  }
0x21c: {  	v8 =	vld [tilespmem:s8+$0x40];
	v2 =	vmul.f32 v7, v2;
	v7 =	vadd.s32 v4, v0  }
0x21d: {  	v10 =	vld.idx.msk [tilespmem:v9+s17+$0x0], $0xffff  }
0x21e: {  	v1 =	vcvt.s32.f32 v1;
	v2 =	vadd.f32 v2, v6  }
0x21f: {  	v6 =	vld.idx.msk [tilespmem:v9+s16+$0x0], $0xffff  }
0x220: {  	v1 =	vsub.f32 v3, v1;
	[tilespmem:s8+$0x20] =	vst v2  }
0x221: {  	v2 =	vmul.f32 $3.200000000e+01, v8;
	v3 =	vld.idx.msk [tilespmem:v7+s17+$0x0], $0xffff  }
0x222: {  	v4 =	vcvt.s32.f32 v4;
	v8 =	vld.idx.msk [tilespmem:v9+s5+$0x0], $0xffff;
	v9 =	vmul.f32 v1, v10  }
0x223: {  	v10 =	vld.idx.msk [tilespmem:v7+s16+$0x0], $0xffff;
	v2 =	vadd.f32 $3.200000000e+01, v2  }
0x224: {  	v4 =	vsub.f32 v5, v4;
	v6 =	vadd.f32 v9, v6  }
0x225: {  	v5 =	vmax.f32 v2, $0.0e+00  }
0x226: {  	v1 =	vmul.f32 v6, v1;
	v5 =	vmin.f32 v5, $6.200000000e+01;
	v3 =	vmul.f32 v4, v3  }
0x227: {  	v6 =	vld.idx.msk [tilespmem:v7+s5+$0x0], $0xffff;
	v5 =	vtrunc.f32 v5  }
0x228: {  	v1 =	vadd.f32 v1, v8;
	v5 =	vcvt.f32.s32 v5;
	v3 =	vadd.f32 v3, v10;
	_ =	sdelay $0x1  }
0x229: {  	s10 =	sadd.s32 $0x10300, s11;
	v7 =	vld [tilespmem:s8+$0x50];
	[tilespmem:s11+$0x10300] =	vst v1;
	v1 =	vmul.f32 v3, v4;
	v3 =	vadd.s32 v5, v0  }
0x22a: {  	v4 =	vld [tilespmem:s10+$0x10]  }
0x22b: {  	v1 =	vadd.f32 v1, v6;
	_ =	sdelay $0x1  }
0x22c: {  	[tilespmem:s8+$0x30] =	vst v1  }
0x22d: {  	v1 =	vmul.f32 $3.200000000e+01, v7;
	v6 =	vld.idx.msk [tilespmem:v3+s17+$0x0], $0xffff  }
0x22e: {  	v5 =	vcvt.s32.f32 v5;
	v4 =	vmul.f32 $3.200000000e+01, v4  }
0x22f: {  	v7 =	vld.idx.msk [tilespmem:v3+s16+$0x0], $0xffff;
	v1 =	vadd.f32 $3.200000000e+01, v1  }
0x230: {  	v2 =	vsub.f32 v2, v5;
	v4 =	vadd.f32 $3.200000000e+01, v4  }
0x231: {  	v5 =	vmax.f32 v1, $0.0e+00  }
0x232: {  	v8 =	vmax.f32 v4, $0.0e+00;
	v5 =	vmin.f32 v5, $6.200000000e+01;
	v6 =	vmul.f32 v2, v6  }
0x233: {  	v3 =	vld.idx.msk [tilespmem:v3+s5+$0x0], $0xffff;
	v8 =	vmin.f32 v8, $6.200000000e+01;
	v5 =	vtrunc.f32 v5  }
0x234: {  	v8 =	vtrunc.f32 v8;
	v5 =	vcvt.f32.s32 v5;
	v6 =	vadd.f32 v6, v7  }
0x235: {  	v7 =	vcvt.f32.s32 v8  }
0x236: {  	v8 =	vld [tilespmem:s8+$0x60];
	v2 =	vmul.f32 v6, v2;
	v6 =	vadd.s32 v5, v0  }
0x237: {  	s26 =	simm.s32 $0x200;
	s14 =	simm.s32 $0x100;
	v10 =	vld [tilespmem:s10+$0x20];
	v9 =	vadd.s32 v7, v0  }
0x238: {  	s14 =	sand.u32 $0x380, s14;
	s11 =	sand.u32 $0x7800, s26;
	v2 =	vadd.f32 v2, v3  }
0x239: {  	s14 =	sor.u32 s14, s11  }
0x23a: {  	v3 =	vld [tilespmem:s14+$0x10300];
	[tilespmem:s8+$0x40] =	vst v2  }
0x23b: {  	v2 =	vmul.f32 $3.200000000e+01, v8;
	v8 =	vld.idx.msk [tilespmem:v6+s17+$0x0], $0xffff  }
0x23c: {  	v10 =	vmul.f32 $3.200000000e+01, v10;
	v5 =	vcvt.s32.f32 v5;
	v11 =	vld.idx.msk [tilespmem:v9+s17+$0x0], $0xffff  }
0x23d: {  	v7 =	vcvt.s32.f32 v7;
	v12 =	vld.idx.msk [tilespmem:v6+s16+$0x0], $0xffff;
	v2 =	vadd.f32 $3.200000000e+01, v2  }
0x23e: {  	v10 =	vadd.f32 $3.200000000e+01, v10;
	v1 =	vsub.f32 v1, v5;
	v13 =	vld.idx.msk [tilespmem:v9+s16+$0x0], $0xffff  }
0x23f: {  	v4 =	vsub.f32 v4, v7;
	v5 =	vmax.f32 v2, $0.0e+00  }
0x240: {  	v7 =	vmax.f32 v10, $0.0e+00;
	v5 =	vmin.f32 v5, $6.200000000e+01;
	v8 =	vmul.f32 v1, v8  }
0x241: {  	v7 =	vmin.f32 v7, $6.200000000e+01;
	v6 =	vld.idx.msk [tilespmem:v6+s5+$0x0], $0xffff;
	v11 =	vmul.f32 v4, v11;
	v5 =	vtrunc.f32 v5  }
0x242: {  	v7 =	vtrunc.f32 v7;
	v9 =	vld.idx.msk [tilespmem:v9+s5+$0x0], $0xffff;
	v5 =	vcvt.f32.s32 v5;
	v8 =	vadd.f32 v8, v12  }
0x243: {  	v7 =	vcvt.f32.s32 v7;
	v3 =	vmul.f32 $3.200000000e+01, v3;
	v11 =	vadd.f32 v11, v13  }
0x244: {  	v12 =	vld [tilespmem:s8+$0x70];
	v1 =	vmul.f32 v8, v1;
	v8 =	vadd.s32 v5, v0  }
0x245: {  	v14 =	vadd.s32 v7, v0;
	v3 =	vadd.f32 $3.200000000e+01, v3;
	v13 =	vld [tilespmem:s10+$0x30];
	v4 =	vmul.f32 v11, v4  }
0x246: {  	v1 =	vadd.f32 v1, v6  }
0x247: {  	v4 =	vadd.f32 v4, v9;
	v9 =	vmax.f32 v3, $0.0e+00  }
0x248: {  	v5 =	vcvt.s32.f32 v5;
	v9 =	vmin.f32 v9, $6.200000000e+01;
	[tilespmem:s8+$0x50] =	vst v1  }
0x249: {  	v11 =	vmul.f32 $3.200000000e+01, v12;
	[tilespmem:s10+$0x10] =	vst v4;
	v4 =	vtrunc.f32 v9;
	v9 =	vld.idx.msk [tilespmem:v8+s17+$0x0], $0xffff  }
0x24a: {  	v1 =	vmul.f32 $3.200000000e+01, v13;
	v12 =	vld.idx.msk [tilespmem:v14+s17+$0x0], $0xffff;
	v4 =	vcvt.f32.s32 v4  }
0x24b: {  	v7 =	vcvt.s32.f32 v7;
	v11 =	vadd.f32 $3.200000000e+01, v11;
	v13 =	vld.idx.msk [tilespmem:v8+s16+$0x0], $0xffff  }
0x24c: {  	v2 =	vsub.f32 v2, v5;
	v15 =	vld.idx.msk [tilespmem:v14+s16+$0x0], $0xffff;
	v1 =	vadd.f32 $3.200000000e+01, v1;
	v16 =	vadd.s32 v4, v0  }
0x24d: {  	v5 =	vsub.f32 v10, v7;
	v7 =	vmax.f32 v11, $0.0e+00  }
0x24e: {  	v6 =	vld [tilespmem:s8+$0x400];
	v10 =	vmax.f32 v1, $0.0e+00;
	v7 =	vmin.f32 v7, $6.200000000e+01;
	v9 =	vmul.f32 v2, v9  }
0x24f: {  	v8 =	vld.idx.msk [tilespmem:v8+s5+$0x0], $0xffff;
	v10 =	vmin.f32 v10, $6.200000000e+01;
	v7 =	vtrunc.f32 v7;
	v12 =	vmul.f32 v5, v12  }
0x250: {  	v14 =	vld.idx.msk [tilespmem:v14+s5+$0x0], $0xffff;
	v10 =	vtrunc.f32 v10;
	v7 =	vcvt.f32.s32 v7;
	v9 =	vadd.f32 v9, v13  }
0x251: {  	v10 =	vcvt.f32.s32 v10;
	v12 =	vadd.f32 v12, v15;
	v13 =	vld.idx.msk [tilespmem:v16+s17+$0x0], $0xffff  }
0x252: {  	v4 =	vcvt.s32.f32 v4;
	v15 =	vld [tilespmem:s10+$0x40];
	v2 =	vmul.f32 v9, v2;
	v9 =	vadd.s32 v7, v0  }
0x253: {  	v17 =	vld.idx.msk [tilespmem:v16+s16+$0x0], $0xffff;
	v5 =	vmul.f32 v12, v5;
	v12 =	vadd.s32 v10, v0  }
0x254: {  	v3 =	vsub.f32 v3, v4;
	v2 =	vadd.f32 v2, v8  }
0x255: {  	v4 =	vadd.f32 v5, v14  }
0x256: {  	v5 =	vld.idx.msk [tilespmem:v16+s5+$0x0], $0xffff;
	v8 =	vmul.f32 v3, v13;
	[tilespmem:s8+$0x60] =	vst v2  }
0x257: {  	v2 =	vmul.f32 $3.200000000e+01, v6;
	v6 =	vmul.f32 $3.200000000e+01, v15;
	[tilespmem:s10+$0x20] =	vst v4;
	v4 =	vld.idx.msk [tilespmem:v9+s17+$0x0], $0xffff  }
0x258: {  	v7 =	vcvt.s32.f32 v7;
	v13 =	vld.idx.msk [tilespmem:v12+s17+$0x0], $0xffff;
	v8 =	vadd.f32 v8, v17  }
0x259: {  	v10 =	vcvt.s32.f32 v10;
	v14 =	vld.idx.msk [tilespmem:v9+s16+$0x0], $0xffff;
	v2 =	vadd.f32 $3.200000000e+01, v2;
	v6 =	vadd.f32 $3.200000000e+01, v6  }
0x25a: {  	v7 =	vsub.f32 v11, v7;
	v15 =	vld.idx.msk [tilespmem:v12+s16+$0x0], $0xffff;
	v3 =	vmul.f32 v8, v3  }
0x25b: {  	v1 =	vsub.f32 v1, v10;
	v8 =	vmax.f32 v6, $0.0e+00;
	v11 =	vmax.f32 v2, $0.0e+00  }
0x25c: {  	v9 =	vld.idx.msk [tilespmem:v9+s5+$0x0], $0xffff;
	v10 =	vmin.f32 v11, $6.200000000e+01;
	v3 =	vadd.f32 v3, v5;
	v4 =	vmul.f32 v7, v4  }
0x25d: {  	v12 =	vld.idx.msk [tilespmem:v12+s5+$0x0], $0xffff;
	v5 =	vmin.f32 v8, $6.200000000e+01;
	v8 =	vtrunc.f32 v10;
	v10 =	vmul.f32 v1, v13  }
0x25e: {  	s11 =	sadd.s32 $0x10300, s14;
	v11 =	vld [tilespmem:s8+$0x410];
	v5 =	vtrunc.f32 v5;
	[tilespmem:s14+$0x10300] =	vst v3  }
0x25f: {  	v3 =	vcvt.f32.s32 v8;
	v4 =	vadd.f32 v4, v14;
	v8 =	vadd.f32 v10, v15;
	v10 =	vld [tilespmem:s11+$0x10]  }
0x260: {  	v5 =	vcvt.f32.s32 v5  }
0x261: {  	v13 =	vld [tilespmem:s10+$0x50];
	v4 =	vmul.f32 v4, v7;
	v7 =	vadd.s32 v3, v0  }
0x262: {  	v1 =	vmul.f32 v8, v1;
	v8 =	vadd.s32 v5, v0  }
0x263: {  	v4 =	vadd.f32 v4, v9  }
0x264: {  	v17 =	vld [tilespmem:s8+$0x420];
	v1 =	vadd.f32 v1, v12;
	v9 =	vmul.f32 $3.200000000e+01, v11;
	v10 =	vmul.f32 $3.200000000e+01, v10  }
0x265: {  	v18 =	vld [tilespmem:s11+$0x20];
	[tilespmem:s8+$0x70] =	vst v4  }
0x266: {  	v4 =	vmul.f32 $3.200000000e+01, v13;
	[tilespmem:s10+$0x30] =	vst v1;
	v1 =	vadd.f32 $3.200000000e+01, v9;
	v9 =	vld.idx.msk [tilespmem:v7+s17+$0x0], $0xffff;
	v10 =	vadd.f32 $3.200000000e+01, v10  }
0x267: {  	s15 =	simm.s32 $0x300;
	s14 =	simm.s32 $0x180;
	v3 =	vcvt.s32.f32 v3;
	v5 =	vcvt.s32.f32 v5;
	v12 =	vld.idx.msk [tilespmem:v8+s17+$0x0], $0xffff  }
0x268: {  	s15 =	sand.u32 $0x7800, s15;
	s25 =	sand.u32 $0x380, s14;
	v14 =	vld.idx.msk [tilespmem:v7+s16+$0x0], $0xffff;
	v13 =	vadd.f32 $3.200000000e+01, v4;
	v4 =	vmax.f32 v1, $0.0e+00;
	v16 =	vmax.f32 v10, $0.0e+00  }
0x269: {  	s25 =	sor.u32 s25, s15;
	v2 =	vsub.f32 v2, v3;
	v15 =	vld.idx.msk [tilespmem:v8+s16+$0x0], $0xffff;
	v4 =	vmin.f32 v4, $6.200000000e+01;
	v16 =	vmin.f32 v16, $6.200000000e+01  }
0x26a: {  	v11 =	vld [tilespmem:s25+$0x10300];
	v5 =	vsub.f32 v6, v5;
	v4 =	vtrunc.f32 v4;
	v16 =	vtrunc.f32 v16  }
0x26b: {  	v6 =	vld.idx.msk [tilespmem:v7+s5+$0x0], $0xffff;
	v3 =	vmax.f32 v13, $0.0e+00;
	v7 =	vmul.f32 v2, v9;
	v9 =	vcvt.f32.s32 v16  }
0x26c: {  	v8 =	vld.idx.msk [tilespmem:v8+s5+$0x0], $0xffff;
	v3 =	vmin.f32 v3, $6.200000000e+01;
	v4 =	vcvt.f32.s32 v4;
	v12 =	vmul.f32 v5, v12  }
0x26d: {  	v16 =	vld [tilespmem:s10+$0x60];
	v3 =	vtrunc.f32 v3;
	v7 =	vadd.f32 v7, v14;
	v14 =	vadd.s32 v9, v0  }
0x26e: {  	v19 =	vld [tilespmem:s8+$0x430];
	v12 =	vadd.f32 v12, v15;
	v15 =	vcvt.f32.s32 v3;
	v3 =	vmul.f32 $3.200000000e+01, v17  }
0x26f: {  	v2 =	vmul.f32 v7, v2;
	v7 =	vadd.s32 v4, v0  }
0x270: {  	v5 =	vmul.f32 v12, v5;
	v20 =	vadd.s32 v15, v0;
	v3 =	vadd.f32 $3.200000000e+01, v3  }
0x271: {  	v12 =	vld [tilespmem:s8+$0x440];
	v15 =	vcvt.s32.f32 v15;
	v2 =	vadd.f32 v2, v6;
	v6 =	vmul.f32 $3.200000000e+01, v11  }
0x272: {  	v5 =	vadd.f32 v5, v8;
	v8 =	vmul.f32 $3.200000000e+01, v16;
	v11 =	vmul.f32 $3.200000000e+01, v18;
	v17 =	vld.idx.msk [tilespmem:v14+s17+$0x0], $0xffff  }
0x273: {  	v21 =	vld.idx.msk [tilespmem:v14+s16+$0x0], $0xffff;
	[tilespmem:s8+$0x400] =	vst v2;
	v2 =	vmul.f32 $3.200000000e+01, v19;
	v19 =	vcvt.s32.f32 v9  }
0x274: {  	v16 =	vmax.f32 v3, $0.0e+00;
	v9 =	vadd.f32 $3.200000000e+01, v6;
	v11 =	vadd.f32 $3.200000000e+01, v11;
	v18 =	vld.idx.msk [tilespmem:v7+s17+$0x0], $0xffff  }
0x275: {  	v6 =	vcvt.s32.f32 v4;
	[tilespmem:s10+$0x40] =	vst v5;
	v4 =	vadd.f32 $3.200000000e+01, v8;
	v8 =	vld.idx.msk [tilespmem:v7+s16+$0x0], $0xffff;
	v10 =	vsub.f32 v10, v19  }
0x276: {  	v15 =	vsub.f32 v13, v15;
	v5 =	vmin.f32 v16, $6.200000000e+01;
	v19 =	vld.idx.msk [tilespmem:v20+s17+$0x0], $0xffff;
	v16 =	vmax.f32 v11, $0.0e+00  }
0x277: {  	v14 =	vld.idx.msk [tilespmem:v14+s5+$0x0], $0xffff;
	v1 =	vsub.f32 v1, v6;
	v6 =	vmin.f32 v16, $6.200000000e+01;
	v16 =	vmul.f32 v10, v17  }
0x278: {  	v5 =	vtrunc.f32 v5;
	v23 =	vld.idx.msk [tilespmem:v20+s16+$0x0], $0xffff;
	v22 =	vmax.f32 v4, $0.0e+00;
	v6 =	vtrunc.f32 v6  }
0x279: {  	v63 =	vld.idx.msk [tilespmem:v7+s5+$0x0], $0xffff;
	v17 =	vcvt.f32.s32 v6;
	v18 =	vmul.f32 v1, v18;
	v6 =	vadd.f32 v16, v21  }
0x27a: {  	v7 =	vcvt.f32.s32 v5;
	v13 =	vmin.f32 v22, $6.200000000e+01;
	v22 =	vld [tilespmem:s10+$0x70]  }
0x27b: {  	v21 =	vld [tilespmem:s10+$0x400];
	v8 =	vadd.f32 v18, v8;
	v5 =	vmul.f32 v6, v10;
	v10 =	vmul.f32 v15, v19  }
0x27c: {  	v13 =	vtrunc.f32 v13;
	v16 =	vadd.s32 v17, v0;
	v6 =	vadd.s32 v7, v0;
	v19 =	vld [tilespmem:s11+$0x30]  }
0x27d: {  	v1 =	vmul.f32 v8, v1;
	v8 =	vadd.f32 v10, v23;
	v10 =	vcvt.f32.s32 v13;
	v13 =	vld.idx.msk [tilespmem:v20+s5+$0x0], $0xffff  }
0x27e: {  	v5 =	vadd.f32 v5, v14  }
0x27f: {  	v2 =	vadd.f32 $3.200000000e+01, v2;
	v20 =	vmax.f32 v9, $0.0e+00;
	v14 =	vadd.f32 v1, v63  }
0x280: {  	v1 =	vmul.f32 $3.200000000e+01, v12;
	[tilespmem:s11+$0x10] =	vst v5;
	v15 =	vmul.f32 v8, v15;
	v8 =	vadd.s32 v10, v0  }
0x281: {  	s15 =	simm.s32 $0x400;
	v5 =	vmul.f32 $3.200000000e+01, v21;
	v12 =	vmul.f32 $3.200000000e+01, v22;
	v18 =	vld.idx.msk [tilespmem:v16+s17+$0x0], $0xffff;
	[tilespmem:s8+$0x410] =	vst v14;
	v14 =	vmax.f32 v2, $0.0e+00  }
.LBB2_5:
0x282: {  	p0 =	sne.s32 s15, $0x6F00;
	v20 =	vmin.f32 v20, $6.200000000e+01;
	v19 =	vmul.f32 $3.200000000e+01, v19;
	v13 =	vadd.f32 v15, v13;
	v15 =	vld.idx.msk [tilespmem:v6+s17+$0x0], $0xffff  }
0x283: {  	v17 =	vcvt.s32.f32 v17;
	v14 =	vmin.f32 v14, $6.200000000e+01;
	v20 =	vtrunc.f32 v20;
	v21 =	vld.idx.msk [tilespmem:v16+s16+$0x0], $0xffff  }
0x284: {  	v7 =	vcvt.s32.f32 v7;
	v20 =	vcvt.f32.s32 v20;
	v19 =	vadd.f32 $3.200000000e+01, v19;
	[tilespmem:s10+$0x50] =	vst v13;
	v13 =	vld.idx.msk [tilespmem:v6+s16+$0x0], $0xffff  }
0x285: {  	v12 =	vadd.f32 $3.200000000e+01, v12;
	v14 =	vtrunc.f32 v14;
	v11 =	vsub.f32 v11, v17;
	v17 =	vld.idx.msk [tilespmem:v8+s17+$0x0], $0xffff  }
0x286: {  	v3 =	vsub.f32 v3, v7;
	v22 =	vadd.s32 v20, v0;
	v16 =	vld.idx.msk [tilespmem:v16+s5+$0x0], $0xffff;
	v23 =	vmax.f32 v19, $0.0e+00  }
0x287: {  	v10 =	vcvt.s32.f32 v10;
	v7 =	vmul.f32 v11, v18;
	v18 =	vmin.f32 v23, $6.200000000e+01;
	v23 =	vld.idx.msk [tilespmem:v8+s16+$0x0], $0xffff  }
0x288: {  	v24 =	vmax.f32 v12, $0.0e+00;
	v15 =	vmul.f32 v3, v15;
	v18 =	vtrunc.f32 v18;
	v6 =	vld.idx.msk [tilespmem:v6+s5+$0x0], $0xffff  }
0x289: {  	v4 =	vsub.f32 v4, v10;
	v7 =	vadd.f32 v7, v21;
	v18 =	vcvt.f32.s32 v18;
	v21 =	vld [tilespmem:s11+$0x40]  }
0x28a: {  	v14 =	vcvt.f32.s32 v14;
	v10 =	vmin.f32 v24, $6.200000000e+01;
	v13 =	vadd.f32 v15, v13  }
0x28b: {  	v7 =	vmul.f32 v7, v11;
	v15 =	vmul.f32 v4, v17;
	v11 =	vadd.s32 v18, v0;
	v8 =	vld.idx.msk [tilespmem:v8+s5+$0x0], $0xffff  }
0x28c: {  	v10 =	vtrunc.f32 v10;
	v3 =	vmul.f32 v13, v3;
	v13 =	vadd.s32 v14, v0;
	v17 =	vld.idx.msk [tilespmem:v22+s17+$0x0], $0xffff  }
0x28d: {  	v10 =	vcvt.f32.s32 v10;
	v7 =	vadd.f32 v7, v16;
	v15 =	vadd.f32 v15, v23;
	v16 =	vld [tilespmem:s8+$0x450]  }
0x28e: {  	v20 =	vcvt.s32.f32 v20;
	v3 =	vadd.f32 v3, v6;
	v23 =	vld.idx.msk [tilespmem:v22+s16+$0x0], $0xffff;
	v21 =	vmul.f32 $3.200000000e+01, v21  }
0x28f: {  	v1 =	vadd.f32 $3.200000000e+01, v1;
	v4 =	vmul.f32 v15, v4;
	v6 =	vld.idx.msk [tilespmem:v22+s5+$0x0], $0xffff;
	[tilespmem:s11+$0x20] =	vst v7;
	v7 =	vadd.s32 v10, v0  }
0x290: {  	v5 =	vadd.f32 $3.200000000e+01, v5;
	v9 =	vsub.f32 v9, v20;
	v15 =	vld.idx.msk [tilespmem:v11+s16+$0x0], $0xffff;
	[tilespmem:s8+$0x420] =	vst v3  }
0x291: {  	v3 =	vadd.f32 $3.200000000e+01, v21;
	v4 =	vadd.f32 v4, v8;
	v8 =	vld.idx.msk [tilespmem:v13+s17+$0x0], $0xffff  }
0x292: {  	v21 =	vmax.f32 v1, $0.0e+00;
	v17 =	vmul.f32 v9, v17;
	v20 =	vld.idx.msk [tilespmem:v11+s17+$0x0], $0xffff  }
0x293: {  	v14 =	vcvt.s32.f32 v14;
	v22 =	vmax.f32 v3, $0.0e+00;
	[tilespmem:s10+$0x60] =	vst v4;
	v4 =	vmax.f32 v5, $0.0e+00;
	v24 =	vld.idx.msk [tilespmem:v13+s16+$0x0], $0xffff  }
0x294: {  	v18 =	vcvt.s32.f32 v18;
	v21 =	vmin.f32 v21, $6.200000000e+01;
	v17 =	vadd.f32 v17, v23;
	v23 =	vld.idx.msk [tilespmem:v7+s17+$0x0], $0xffff  }
0x295: {  	v2 =	vsub.f32 v2, v14;
	v14 =	vtrunc.f32 v21;
	v4 =	vmin.f32 v4, $6.200000000e+01;
	v25 =	vld [tilespmem:s10+$0x410]  }
0x296: {  	v10 =	vcvt.s32.f32 v10;
	v9 =	vmul.f32 v17, v9;
	v17 =	vsub.f32 v19, v18;
	v18 =	vld.idx.msk [tilespmem:v7+s16+$0x0], $0xffff  }
0x297: {  	v19 =	vmin.f32 v22, $6.200000000e+01;
	v4 =	vtrunc.f32 v4;
	v8 =	vmul.f32 v2, v8;
	v13 =	vld.idx.msk [tilespmem:v13+s5+$0x0], $0xffff  }
0x298: {  	v10 =	vsub.f32 v12, v10;
	v6 =	vadd.f32 v9, v6;
	v9 =	vld.idx.msk [tilespmem:v11+s5+$0x0], $0xffff;
	v11 =	vmul.f32 v17, v20  }
0x299: {  	v14 =	vcvt.f32.s32 v14;
	v12 =	vtrunc.f32 v19;
	v8 =	vadd.f32 v8, v24;
	v19 =	vld [tilespmem:s11+$0x50]  }
0x29a: {  	s26 =	sadd.s32 $0x10300, s25;
	[tilespmem:s25+$0x10300] =	vst v6;
	v6 =	vadd.f32 v11, v15;
	v11 =	vcvt.f32.s32 v12;
	v7 =	vld.idx.msk [tilespmem:v7+s5+$0x0], $0xffff;
	v12 =	vmul.f32 v10, v23  }
0x29b: {  	v4 =	vcvt.f32.s32 v4;
	v2 =	vmul.f32 v8, v2;
	v8 =	vadd.s32 v14, v0;
	v15 =	vld [tilespmem:s26+$0x10]  }
0x29c: {  	s14 =	sadd.s32 $0x80, s14;
	v6 =	vmul.f32 v6, v17;
	v17 =	vadd.s32 v11, v0;
	v12 =	vadd.f32 v12, v18  }
0x29d: {  	s18 =	sand.u32 $0x380, s14;
	s25 =	sand.u32 $0x7800, s15;
	v2 =	vadd.f32 v2, v13;
	v13 =	vmul.f32 $3.200000000e+01, v16  }
0x29e: {  	s25 =	sor.u32 s18, s25;
	v6 =	vadd.f32 v6, v9;
	v9 =	vmul.f32 v12, v10;
	v10 =	vadd.s32 v4, v0  }
0x29f: {  	v18 =	vmul.f32 $3.200000000e+01, v25;
	v16 =	vmul.f32 $3.200000000e+01, v19;
	v12 =	vld [tilespmem:s25+$0x10300];
	[tilespmem:s8+$0x430] =	vst v2  }
0x2a0: {  	v13 =	vadd.f32 $3.200000000e+01, v13;
	v2 =	vmul.f32 $3.200000000e+01, v15;
	[tilespmem:s11+$0x30] =	vst v6;
	v6 =	vadd.f32 v9, v7;
	v7 =	vld.idx.msk [tilespmem:v8+s17+$0x0], $0xffff  }
0x2a1: {  	v15 =	vadd.f32 $3.200000000e+01, v16;
	v16 =	vadd.f32 $3.200000000e+01, v18;
	v9 =	vld.idx.msk [tilespmem:v17+s16+$0x0], $0xffff  }
0x2a2: {  	v18 =	vmax.f32 v13, $0.0e+00;
	v2 =	vadd.f32 $3.200000000e+01, v2;
	[tilespmem:s10+$0x70] =	vst v6;
	v6 =	vcvt.s32.f32 v14;
	v14 =	vld.idx.msk [tilespmem:v8+s16+$0x0], $0xffff  }
0x2a3: {  	v18 =	vmin.f32 v18, $6.200000000e+01;
	v19 =	vmax.f32 v15, $0.0e+00;
	v21 =	vmax.f32 v16, $0.0e+00;
	v20 =	vld.idx.msk [tilespmem:v10+s17+$0x0], $0xffff  }
0x2a4: {  	v21 =	vmin.f32 v21, $6.200000000e+01;
	v22 =	vmax.f32 v2, $0.0e+00;
	v23 =	vld.idx.msk [tilespmem:v17+s17+$0x0], $0xffff;
	v1 =	vsub.f32 v1, v6  }
0x2a5: {  	v11 =	vcvt.s32.f32 v11;
	v4 =	vcvt.s32.f32 v4;
	v6 =	vmin.f32 v22, $6.200000000e+01;
	v22 =	vld.idx.msk [tilespmem:v10+s16+$0x0], $0xffff  }
0x2a6: {  	v19 =	vmin.f32 v19, $6.200000000e+01;
	v6 =	vtrunc.f32 v6;
	v8 =	vld.idx.msk [tilespmem:v8+s5+$0x0], $0xffff;
	v7 =	vmul.f32 v1, v7  }
0x2a7: {  	v4 =	vsub.f32 v5, v4;
	v18 =	vtrunc.f32 v18;
	v6 =	vcvt.f32.s32 v6;
	v5 =	vld [tilespmem:s10+$0x430]  }
0x2a8: {  	v3 =	vsub.f32 v3, v11;
	v11 =	vld [tilespmem:s10+$0x420];
	v7 =	vadd.f32 v7, v14;
	v14 =	vcvt.f32.s32 v18  }
0x2a9: {  	v21 =	vtrunc.f32 v21;
	v20 =	vmul.f32 v4, v20;
	v18 =	vadd.s32 v6, v0;
	v10 =	vld.idx.msk [tilespmem:v10+s5+$0x0], $0xffff  }
0x2aa: {  	v23 =	vmul.f32 v3, v23;
	v17 =	vld.idx.msk [tilespmem:v17+s5+$0x0], $0xffff;
	v1 =	vmul.f32 v7, v1;
	v7 =	vadd.s32 v14, v0  }
0x2ab: {  	v19 =	vtrunc.f32 v19;
	v21 =	vcvt.f32.s32 v21;
	v20 =	vadd.f32 v20, v22;
	v24 =	vld [tilespmem:s11+$0x60]  }
0x2ac: {  	v19 =	vcvt.f32.s32 v19;
	v9 =	vadd.f32 v23, v9;
	v22 =	vld [tilespmem:s26+$0x20];
	v1 =	vadd.f32 v1, v8  }
0x2ad: {  	v4 =	vmul.f32 v20, v4;
	v8 =	vadd.s32 v21, v0;
	v11 =	vmul.f32 $3.200000000e+01, v11;
	v20 =	vld [tilespmem:s10+$0x440]  }
0x2ae: {  	v25 =	vadd.s32 v19, v0;
	v9 =	vmul.f32 v9, v3;
	v23 =	vld.idx.msk [tilespmem:v18+s16+$0x0], $0xffff;
	[tilespmem:s8+$0x440] =	vst v1  }
0x2af: {  	v1 =	vmul.f32 $3.200000000e+01, v12;
	v4 =	vadd.f32 v4, v10;
	v3 =	vadd.f32 $3.200000000e+01, v11;
	v10 =	vld.idx.msk [tilespmem:v7+s17+$0x0], $0xffff  }
0x2b0: {  	v5 =	vmul.f32 $3.200000000e+01, v5;
	v11 =	vadd.f32 v9, v17;
	v12 =	vld.idx.msk [tilespmem:v18+s17+$0x0], $0xffff;
	v17 =	vmul.f32 $3.200000000e+01, v24  }
0x2b1: {  	v14 =	vcvt.s32.f32 v14;
	v22 =	vmul.f32 $3.200000000e+01, v22;
	[tilespmem:s10+$0x400] =	vst v4;
	v24 =	vmax.f32 v3, $0.0e+00;
	v26 =	vld.idx.msk [tilespmem:v7+s16+$0x0], $0xffff  }
0x2b2: {  	v9 =	vadd.f32 $3.200000000e+01, v1;
	[tilespmem:s11+$0x40] =	vst v11;
	v4 =	vadd.f32 $3.200000000e+01, v17;
	v1 =	vld.idx.msk [tilespmem:v8+s17+$0x0], $0xffff;
	v17 =	vmin.f32 v24, $6.200000000e+01  }
0x2b3: {  	v6 =	vcvt.s32.f32 v6;
	v13 =	vsub.f32 v13, v14;
	v11 =	vadd.f32 $3.200000000e+01, v22;
	v22 =	vld.idx.msk [tilespmem:v25+s17+$0x0], $0xffff  }
0x2b4: {  	v21 =	vcvt.s32.f32 v21;
	v27 =	vtrunc.f32 v17;
	v14 =	vmax.f32 v4, $0.0e+00;
	v24 =	vld.idx.msk [tilespmem:v8+s16+$0x0], $0xffff  }
0x2b5: {  	v2 =	vsub.f32 v2, v6;
	v6 =	vmax.f32 v11, $0.0e+00;
	v28 =	vld.idx.msk [tilespmem:v7+s5+$0x0], $0xffff;
	v7 =	vmul.f32 v13, v10  }
0x2b6: {  	v21 =	vsub.f32 v16, v21;
	v10 =	vld.idx.msk [tilespmem:v18+s5+$0x0], $0xffff;
	v6 =	vmin.f32 v6, $6.200000000e+01;
	v18 =	vcvt.s32.f32 v19  }
0x2b7: {  	v12 =	vmul.f32 v2, v12;
	v6 =	vtrunc.f32 v6;
	v29 =	vld.idx.msk [tilespmem:v25+s16+$0x0], $0xffff;
	v7 =	vadd.f32 v7, v26  }
0x2b8: {  	v1 =	vmul.f32 v21, v1;
	v17 =	vcvt.f32.s32 v6;
	v6 =	vmin.f32 v14, $6.200000000e+01;
	v8 =	vld.idx.msk [tilespmem:v8+s5+$0x0], $0xffff  }
0x2b9: {  	v12 =	vadd.f32 v12, v23;
	v14 =	vsub.f32 v15, v18;
	v18 =	vld [tilespmem:s11+$0x400];
	v15 =	vmul.f32 v7, v13  }
0x2ba: {  	v1 =	vadd.f32 v1, v24;
	v7 =	vcvt.f32.s32 v27;
	v16 =	vadd.s32 v17, v0;
	v23 =	vld [tilespmem:s11+$0x70]  }
0x2bb: {  	v2 =	vmul.f32 v12, v2;
	v12 =	vmul.f32 v14, v22;
	v13 =	vld.idx.msk [tilespmem:v25+s5+$0x0], $0xffff;
	v15 =	vadd.f32 v15, v28  }
.Ltmp3:
0x2bc: {  	v22 =	vtrunc.f32 v6;
	v1 =	vmul.f32 v1, v21;
	v6 =	vadd.s32 v7, v0;
	v19 =	vld [tilespmem:s26+$0x30];
	(pc) =	sbr.rel @p0 .LBB2_5-.Ltmp3, $4  }
0x2bd: {  	v21 =	vadd.f32 v2, v10;
	v10 =	vcvt.f32.s32 v22;
	v12 =	vadd.f32 v12, v29;
	[tilespmem:s8+$0x450] =	vst v15;
	s8 =	smov.u32 s10;
	s10 =	smov.u32 s11;
	s11 =	smov.u32 s26  }
0x2be: {  	v2 =	vadd.f32 $3.200000000e+01, v5;
	v22 =	vadd.f32 v1, v8;
	v1 =	vmul.f32 $3.200000000e+01, v20  }
0x2bf: {  	v8 =	vadd.s32 v10, v0;
	v15 =	vmul.f32 v12, v14;
	v5 =	vmul.f32 $3.200000000e+01, v18;
	[tilespmem:s11+$0x10] =	vst v21  }
0x2c0: {  	s15 =	sadd.s32 $0x100, s15;
	v20 =	vmax.f32 v9, $0.0e+00;
	v14 =	vmax.f32 v2, $0.0e+00;
	v12 =	vmul.f32 $3.200000000e+01, v23;
	v18 =	vld.idx.msk [tilespmem:v16+s17+$0x0], $0xffff;
	[tilespmem:s8+$0x410] =	vst v22  }
0x2c1: {  	v20 =	vmin.f32 v20, $6.200000000e+01  }
0x2c2: {  	v20 =	vtrunc.f32 v20  }
0x2c3: {  	v20 =	vcvt.f32.s32 v20;
	_ =	sdelay $0x1  }
0x2c4: {  	v21 =	vadd.s32 v20, v0;
	_ =	sdelay $0x4  }
0x2c5: {  	v22 =	vld.idx.msk [tilespmem:v21+s17+$0x0], $0xffff  }
0x2c6: {  	v20 =	vcvt.s32.f32 v20  }
0x2c7: {  	v23 =	vld.idx.msk [tilespmem:v21+s16+$0x0], $0xffff  }
0x2c8: {  	v9 =	vsub.f32 v9, v20;
	_ =	sdelay $0x1  }
0x2c9: {  	v20 =	vmul.f32 v9, v22  }
0x2ca: {  	v21 =	vld.idx.msk [tilespmem:v21+s5+$0x0], $0xffff  }
0x2cb: {  	v20 =	vadd.f32 v20, v23;
	_ =	sdelay $0x1  }
0x2cc: {  	v9 =	vmul.f32 v20, v9;
	_ =	sdelay $0x1  }
0x2cd: {  	v9 =	vadd.f32 v9, v21;
	_ =	sdelay $0x1  }
0x2ce: {  	s14 =	sadd.s32 $0x10300, s25;
	[tilespmem:s25+$0x10300] =	vst v9  }
0x2cf: {  	v9 =	vld [tilespmem:s14+$0x10];
	_ =	sdelay $0x4  }
0x2d0: {  	v9 =	vmul.f32 $3.200000000e+01, v9;
	_ =	sdelay $0x1  }
0x2d1: {  	v9 =	vadd.f32 $3.200000000e+01, v9;
	_ =	sdelay $0x1  }
0x2d2: {  	v20 =	vmax.f32 v9, $0.0e+00  }
0x2d3: {  	v20 =	vmin.f32 v20, $6.200000000e+01  }
0x2d4: {  	v20 =	vtrunc.f32 v20  }
0x2d5: {  	v20 =	vcvt.f32.s32 v20;
	_ =	sdelay $0x1  }
0x2d6: {  	v22 =	vld [tilespmem:s14+$0x20];
	v21 =	vadd.s32 v20, v0;
	_ =	sdelay $0x4  }
0x2d7: {  	v22 =	vmul.f32 $3.200000000e+01, v22;
	v23 =	vld.idx.msk [tilespmem:v21+s17+$0x0], $0xffff  }
0x2d8: {  	v20 =	vcvt.s32.f32 v20  }
0x2d9: {  	v22 =	vadd.f32 $3.200000000e+01, v22;
	v24 =	vld.idx.msk [tilespmem:v21+s16+$0x0], $0xffff  }
0x2da: {  	v9 =	vsub.f32 v9, v20  }
0x2db: {  	v20 =	vmax.f32 v22, $0.0e+00  }
0x2dc: {  	v20 =	vmin.f32 v20, $6.200000000e+01;
	v23 =	vmul.f32 v9, v23  }
0x2dd: {  	v20 =	vtrunc.f32 v20;
	v21 =	vld.idx.msk [tilespmem:v21+s5+$0x0], $0xffff  }
0x2de: {  	v20 =	vcvt.f32.s32 v20;
	v23 =	vadd.f32 v23, v24;
	_ =	sdelay $0x1  }
0x2df: {  	v40 =	vadd.s32 v20, v0;
	v9 =	vmul.f32 v23, v9  }
0x2e0: {  	v23 =	vld [tilespmem:s14+$0x30]  }
0x2e1: {  	v19 =	vmul.f32 $3.200000000e+01, v19;
	v9 =	vadd.f32 v9, v21  }
0x2e2: {  	v17 =	vcvt.s32.f32 v17  }
0x2e3: {  	v19 =	vadd.f32 $3.200000000e+01, v19;
	v21 =	vld.idx.msk [tilespmem:v16+s16+$0x0], $0xffff;
	[tilespmem:s14+$0x10] =	vst v9  }
0x2e4: {  	v9 =	vsub.f32 v11, v17;
	v11 =	vld.idx.msk [tilespmem:v40+s17+$0x0], $0xffff  }
0x2e5: {  	v20 =	vcvt.s32.f32 v20;
	v17 =	vmul.f32 $3.200000000e+01, v23;
	v23 =	vmax.f32 v19, $0.0e+00  }
0x2e6: {  	v16 =	vld.idx.msk [tilespmem:v16+s5+$0x0], $0xffff;
	v18 =	vmul.f32 v9, v18;
	v23 =	vmin.f32 v23, $6.200000000e+01  }
0x2e7: {  	v20 =	vsub.f32 v22, v20;
	v25 =	vld.idx.msk [tilespmem:v40+s16+$0x0], $0xffff;
	v17 =	vadd.f32 $3.200000000e+01, v17;
	v23 =	vtrunc.f32 v23  }
0x2e8: {  	v18 =	vadd.f32 v18, v21;
	v21 =	vcvt.f32.s32 v23  }
0x2e9: {  	v22 =	vmax.f32 v17, $0.0e+00;
	v11 =	vmul.f32 v20, v11  }
0x2ea: {  	v23 =	vld [tilespmem:s11+$0x40];
	v22 =	vmin.f32 v22, $6.200000000e+01;
	v9 =	vmul.f32 v18, v9;
	v18 =	vadd.s32 v21, v0  }
0x2eb: {  	v24 =	vld.idx.msk [tilespmem:v40+s5+$0x0], $0xffff;
	v22 =	vtrunc.f32 v22  }
0x2ec: {  	v11 =	vadd.f32 v11, v25;
	v22 =	vcvt.f32.s32 v22;
	v9 =	vadd.f32 v9, v16  }
0x2ed: {  	v16 =	vld [tilespmem:s14+$0x40]  }
0x2ee: {  	v11 =	vmul.f32 v11, v20;
	v20 =	vadd.s32 v22, v0;
	[tilespmem:s11+$0x20] =	vst v9  }
0x2ef: {  	v9 =	vmul.f32 $3.200000000e+01, v23;
	v23 =	vld.idx.msk [tilespmem:v18+s17+$0x0], $0xffff  }
0x2f0: {  	v21 =	vcvt.s32.f32 v21;
	v11 =	vadd.f32 v11, v24  }
0x2f1: {  	v41 =	vld.idx.msk [tilespmem:v18+s16+$0x0], $0xffff;
	v9 =	vadd.f32 $3.200000000e+01, v9  }
0x2f2: {  	v16 =	vmul.f32 $3.200000000e+01, v16;
	[tilespmem:s14+$0x20] =	vst v11;
	v11 =	vsub.f32 v19, v21  }
0x2f3: {  	v22 =	vcvt.s32.f32 v22;
	v21 =	vmax.f32 v9, $0.0e+00;
	v19 =	vld.idx.msk [tilespmem:v20+s17+$0x0], $0xffff  }
0x2f4: {  	v18 =	vld.idx.msk [tilespmem:v18+s5+$0x0], $0xffff;
	v21 =	vmin.f32 v21, $6.200000000e+01;
	v16 =	vadd.f32 $3.200000000e+01, v16;
	v23 =	vmul.f32 v11, v23  }
0x2f5: {  	v17 =	vsub.f32 v17, v22;
	v42 =	vld.idx.msk [tilespmem:v20+s16+$0x0], $0xffff;
	v21 =	vtrunc.f32 v21  }
0x2f6: {  	v21 =	vcvt.f32.s32 v21;
	v22 =	vadd.f32 v23, v41;
	v23 =	vmax.f32 v16, $0.0e+00  }
0x2f7: {  	v23 =	vmin.f32 v23, $6.200000000e+01  }
0x2f8: {  	v43 =	vld [tilespmem:s11+$0x50];
	v19 =	vmul.f32 v17, v19;
	v11 =	vmul.f32 v22, v11;
	v22 =	vadd.s32 v21, v0  }
0x2f9: {  	v20 =	vld.idx.msk [tilespmem:v20+s5+$0x0], $0xffff;
	v23 =	vtrunc.f32 v23  }
0x2fa: {  	v23 =	vcvt.f32.s32 v23;
	v19 =	vadd.f32 v19, v42;
	v11 =	vadd.f32 v11, v18  }
0x2fb: {  	v18 =	vld [tilespmem:s14+$0x50]  }
0x2fc: {  	v17 =	vmul.f32 v19, v17;
	v19 =	vadd.s32 v23, v0;
	[tilespmem:s11+$0x30] =	vst v11  }
0x2fd: {  	v11 =	vmul.f32 $3.200000000e+01, v43;
	v44 =	vld.idx.msk [tilespmem:v22+s17+$0x0], $0xffff  }
0x2fe: {  	v17 =	vadd.f32 v17, v20;
	v20 =	vcvt.s32.f32 v21  }
0x2ff: {  	v21 =	vld.idx.msk [tilespmem:v22+s16+$0x0], $0xffff;
	v11 =	vadd.f32 $3.200000000e+01, v11  }
0x300: {  	v13 =	vadd.f32 v15, v13;
	[tilespmem:s14+$0x30] =	vst v17;
	v9 =	vsub.f32 v9, v20;
	v17 =	vmul.f32 $3.200000000e+01, v18  }
0x301: {  	v15 =	vmax.f32 v11, $0.0e+00;
	v20 =	vcvt.s32.f32 v23;
	v18 =	vld.idx.msk [tilespmem:v19+s17+$0x0], $0xffff  }
0x302: {  	[tilespmem:s10+$0x50] =	vst v13;
	v13 =	vld.idx.msk [tilespmem:v22+s5+$0x0], $0xffff;
	v15 =	vmin.f32 v15, $6.200000000e+01;
	v23 =	vmul.f32 v9, v44;
	v17 =	vadd.f32 $3.200000000e+01, v17  }
0x303: {  	v45 =	vld.idx.msk [tilespmem:v19+s16+$0x0], $0xffff;
	v15 =	vtrunc.f32 v15;
	v16 =	vsub.f32 v16, v20  }
0x304: {  	v15 =	vcvt.f32.s32 v15;
	v21 =	vadd.f32 v23, v21;
	v22 =	vmax.f32 v17, $0.0e+00  }
0x305: {  	v10 =	vcvt.s32.f32 v10;
	v7 =	vcvt.s32.f32 v7;
	v20 =	vld.idx.msk [tilespmem:v8+s17+$0x0], $0xffff;
	v22 =	vmin.f32 v22, $6.200000000e+01  }
0x306: {  	v23 =	vld [tilespmem:s11+$0x60];
	v18 =	vmul.f32 v16, v18;
	v9 =	vmul.f32 v21, v9;
	v21 =	vadd.s32 v15, v0  }
0x307: {  	v12 =	vadd.f32 $3.200000000e+01, v12;
	v4 =	vsub.f32 v4, v10;
	v19 =	vld.idx.msk [tilespmem:v19+s5+$0x0], $0xffff;
	v22 =	vtrunc.f32 v22  }
0x308: {  	v46 =	vld.idx.msk [tilespmem:v8+s16+$0x0], $0xffff;
	v22 =	vcvt.f32.s32 v22;
	v18 =	vadd.f32 v18, v45;
	v9 =	vadd.f32 v9, v13  }
0x309: {  	v10 =	vmin.f32 v14, $6.200000000e+01;
	v3 =	vsub.f32 v3, v7;
	v47 =	vmax.f32 v12, $0.0e+00;
	v13 =	vld [tilespmem:s14+$0x60]  }
0x30a: {  	v8 =	vld.idx.msk [tilespmem:v8+s5+$0x0], $0xffff;
	v15 =	vcvt.s32.f32 v15;
	v14 =	vmul.f32 v18, v16;
	v16 =	vadd.s32 v22, v0;
	[tilespmem:s11+$0x40] =	vst v9  }
0x30b: {  	v20 =	vmul.f32 v4, v20;
	v23 =	vmul.f32 $3.200000000e+01, v23;
	v9 =	vmin.f32 v47, $6.200000000e+01;
	v48 =	vld.idx.msk [tilespmem:v21+s17+$0x0], $0xffff  }
0x30c: {  	v11 =	vsub.f32 v11, v15;
	v15 =	vld.idx.msk [tilespmem:v6+s16+$0x0], $0xffff;
	v9 =	vtrunc.f32 v9;
	v14 =	vadd.f32 v14, v19  }
0x30d: {  	v19 =	vadd.f32 v20, v46;
	v7 =	vcvt.f32.s32 v9;
	v9 =	vadd.f32 $3.200000000e+01, v23;
	v20 =	vld.idx.msk [tilespmem:v21+s16+$0x0], $0xffff  }
0x30e: {  	v18 =	vld.idx.msk [tilespmem:v6+s17+$0x0], $0xffff;
	v13 =	vmul.f32 $3.200000000e+01, v13;
	[tilespmem:s14+$0x40] =	vst v14  }
0x30f: {  	v22 =	vcvt.s32.f32 v22;
	v4 =	vmul.f32 v19, v4;
	v23 =	vmax.f32 v9, $0.0e+00;
	v14 =	vld.idx.msk [tilespmem:v16+s17+$0x0], $0xffff  }
0x310: {  	v23 =	vmin.f32 v23, $6.200000000e+01;
	v13 =	vadd.f32 $3.200000000e+01, v13;
	v49 =	vld.idx.msk [tilespmem:v16+s16+$0x0], $0xffff;
	v24 =	vmul.f32 v11, v48  }
0x311: {  	v17 =	vsub.f32 v17, v22;
	v4 =	vadd.f32 v4, v8;
	v8 =	vld.idx.msk [tilespmem:v21+s5+$0x0], $0xffff;
	v21 =	vtrunc.f32 v23  }
0x312: {  	v21 =	vcvt.f32.s32 v21;
	v22 =	vmax.f32 v13, $0.0e+00;
	v20 =	vadd.f32 v24, v20  }
0x313: {  	v6 =	vld.idx.msk [tilespmem:v6+s5+$0x0], $0xffff;
	v19 =	vadd.s32 v7, v0;
	v18 =	vmul.f32 v3, v18;
	v22 =	vmin.f32 v22, $6.200000000e+01  }
0x314: {  	v23 =	vld [tilespmem:s11+$0x70];
	[tilespmem:s10+$0x60] =	vst v4;
	v14 =	vmul.f32 v17, v14;
	v4 =	vmul.f32 v20, v11;
	v11 =	vadd.s32 v21, v0  }
0x315: {  	v10 =	vtrunc.f32 v10;
	v16 =	vld.idx.msk [tilespmem:v16+s5+$0x0], $0xffff;
	v15 =	vadd.f32 v18, v15;
	v20 =	vtrunc.f32 v22  }
0x316: {  	v20 =	vcvt.f32.s32 v20;
	v14 =	vadd.f32 v14, v49;
	v4 =	vadd.f32 v4, v8  }
0x317: {  	v5 =	vadd.f32 $3.200000000e+01, v5;
	v7 =	vcvt.s32.f32 v7;
	v15 =	vmul.f32 v15, v3;
	v8 =	vld [tilespmem:s14+$0x70]  }
0x318: {  	v10 =	vcvt.f32.s32 v10;
	v22 =	vld.idx.msk [tilespmem:v19+s17+$0x0], $0xffff;
	v14 =	vmul.f32 v14, v17;
	v17 =	vadd.s32 v20, v0;
	[tilespmem:s11+$0x50] =	vst v4  }
0x319: {  	v7 =	vsub.f32 v12, v7;
	v12 =	vcvt.s32.f32 v21;
	v23 =	vmul.f32 $3.200000000e+01, v23;
	v50 =	vld.idx.msk [tilespmem:v11+s17+$0x0], $0xffff  }
0x31a: {  	v6 =	vadd.f32 v15, v6;
	v14 =	vadd.f32 v14, v16;
	v16 =	vld.idx.msk [tilespmem:v19+s16+$0x0], $0xffff  }
0x31b: {  	v3 =	vadd.s32 v10, v0;
	v9 =	vsub.f32 v9, v12;
	v15 =	vadd.f32 $3.200000000e+01, v23;
	v21 =	vld.idx.msk [tilespmem:v11+s16+$0x0], $0xffff  }
0x31c: {  	v4 =	vmax.f32 v5, $0.0e+00;
	v20 =	vcvt.s32.f32 v20;
	v8 =	vmul.f32 $3.200000000e+01, v8;
	[tilespmem:s14+$0x50] =	vst v14  }
0x31d: {  	v4 =	vmin.f32 v4, $6.200000000e+01;
	v23 =	vmax.f32 v15, $0.0e+00;
	v14 =	vmul.f32 v7, v22;
	v12 =	vld.idx.msk [tilespmem:v17+s17+$0x0], $0xffff  }
0x31e: {  	v11 =	vld.idx.msk [tilespmem:v11+s5+$0x0], $0xffff;
	v23 =	vmin.f32 v23, $6.200000000e+01;
	v8 =	vadd.f32 $3.200000000e+01, v8;
	v24 =	vmul.f32 v9, v50  }
0x31f: {  	v13 =	vsub.f32 v13, v20;
	v51 =	vld.idx.msk [tilespmem:v17+s16+$0x0], $0xffff;
	v14 =	vadd.f32 v14, v16;
	v16 =	vtrunc.f32 v23  }
0x320: {  	v19 =	vld.idx.msk [tilespmem:v19+s5+$0x0], $0xffff;
	v20 =	vadd.f32 v24, v21;
	v16 =	vcvt.f32.s32 v16;
	v21 =	vmax.f32 v8, $0.0e+00  }
0x321: {  	v4 =	vtrunc.f32 v4;
	v22 =	vld [tilespmem:s10+$0x410];
	v7 =	vmul.f32 v14, v7;
	v14 =	vmin.f32 v21, $6.200000000e+01  }
0x322: {  	v18 =	vld [tilespmem:s11+$0x400];
	v12 =	vmul.f32 v13, v12;
	v9 =	vmul.f32 v20, v9;
	v20 =	vadd.s32 v16, v0  }
0x323: {  	v4 =	vcvt.f32.s32 v4;
	v17 =	vld.idx.msk [tilespmem:v17+s5+$0x0], $0xffff;
	v14 =	vtrunc.f32 v14  }
0x324: {  	v14 =	vcvt.f32.s32 v14;
	v12 =	vadd.f32 v12, v51;
	v9 =	vadd.f32 v9, v11  }
0x325: {  	[tilespmem:s8+$0x420] =	vst v6;
	v21 =	vadd.s32 v4, v0;
	v6 =	vadd.f32 v7, v19;
	v7 =	vld [tilespmem:s14+$0x400]  }
0x326: {  	v22 =	vmul.f32 $3.200000000e+01, v22;
	v11 =	vmul.f32 v12, v13;
	v12 =	vadd.s32 v14, v0;
	v13 =	vld.idx.msk [tilespmem:v3+s17+$0x0], $0xffff;
	[tilespmem:s11+$0x60] =	vst v9  }
0x327: {  	v10 =	vcvt.s32.f32 v10;
	[tilespmem:s10+$0x70] =	vst v6;
	v6 =	vmul.f32 $3.200000000e+01, v18;
	v18 =	vld.idx.msk [tilespmem:v20+s17+$0x0], $0xffff  }
0x328: {  	v9 =	vadd.f32 $3.200000000e+01, v22;
	v19 =	vld.idx.msk [tilespmem:v20+s16+$0x0], $0xffff;
	v11 =	vadd.f32 v11, v17  }
0x329: {  	v10 =	vsub.f32 v2, v10;
	v16 =	vcvt.s32.f32 v16;
	v6 =	vadd.f32 $3.200000000e+01, v6;
	v20 =	vld.idx.msk [tilespmem:v20+s5+$0x0], $0xffff  }
0x32a: {  	v4 =	vcvt.s32.f32 v4;
	v14 =	vcvt.s32.f32 v14;
	v17 =	vld.idx.msk [tilespmem:v21+s17+$0x0], $0xffff;
	v2 =	vmax.f32 v9, $0.0e+00;
	[tilespmem:s14+$0x60] =	vst v11  }
0x32b: {  	v7 =	vmul.f32 $3.200000000e+01, v7;
	v22 =	vmax.f32 v6, $0.0e+00;
	v11 =	vsub.f32 v15, v16;
	v15 =	vld.idx.msk [tilespmem:v12+s17+$0x0], $0xffff  }
0x32c: {  	v8 =	vsub.f32 v8, v14;
	v14 =	vld [tilespmem:s10+$0x420];
	v2 =	vmin.f32 v2, $6.200000000e+01;
	v22 =	vmin.f32 v22, $6.200000000e+01  }
0x32d: {  	v7 =	vadd.f32 $3.200000000e+01, v7;
	v2 =	vtrunc.f32 v2;
	v52 =	vld.idx.msk [tilespmem:v12+s16+$0x0], $0xffff;
	v18 =	vmul.f32 v11, v18  }
0x32e: {  	v5 =	vsub.f32 v5, v4;
	v16 =	vld.idx.msk [tilespmem:v21+s16+$0x0], $0xffff;
	v4 =	vtrunc.f32 v22;
	v13 =	vmul.f32 v10, v13  }
0x32f: {  	v53 =	vld.idx.msk [tilespmem:v3+s16+$0x0], $0xffff;
	v22 =	vcvt.f32.s32 v4;
	v4 =	vadd.f32 v18, v19;
	v18 =	vmax.f32 v7, $0.0e+00  }
0x330: {  	v12 =	vld.idx.msk [tilespmem:v12+s5+$0x0], $0xffff;
	v17 =	vmul.f32 v5, v17;
	v18 =	vmin.f32 v18, $6.200000000e+01;
	v15 =	vmul.f32 v8, v15  }
0x331: {  	v19 =	vld.idx.msk [tilespmem:v21+s5+$0x0], $0xffff;
	v4 =	vmul.f32 v4, v11;
	v11 =	vadd.s32 v22, v0;
	v18 =	vtrunc.f32 v18  }
0x332: {  	v14 =	vmul.f32 $3.200000000e+01, v14;
	v21 =	vld [tilespmem:s11+$0x410];
	v18 =	vcvt.f32.s32 v18;
	v15 =	vadd.f32 v15, v52  }
0x333: {  	v23 =	vld [tilespmem:s8+$0x450];
	v16 =	vadd.f32 v17, v16;
	v17 =	vcvt.f32.s32 v2;
	v2 =	vadd.f32 v4, v20  }
0x334: {  	v20 =	vld [tilespmem:s14+$0x410];
	v8 =	vmul.f32 v15, v8;
	v15 =	vadd.s32 v18, v0  }
0x335: {  	v13 =	vadd.f32 v13, v53;
	v14 =	vadd.f32 $3.200000000e+01, v14;
	v5 =	vmul.f32 v16, v5;
	[tilespmem:s11+$0x70] =	vst v2  }
0x336: {  	v16 =	vadd.s32 v17, v0;
	v4 =	vadd.f32 $3.200000000e+01, v1;
	v54 =	vld.idx.msk [tilespmem:v11+s17+$0x0], $0xffff;
	v8 =	vadd.f32 v8, v12  }
0x337: {  	v1 =	vld [tilespmem:s10+$0x430];
	v5 =	vadd.f32 v5, v19;
	v19 =	vcvt.s32.f32 v22;
	v12 =	vmul.f32 $3.200000000e+01, v21  }
0x338: {  	v23 =	vmul.f32 $3.200000000e+01, v23;
	v10 =	vmul.f32 v13, v10;
	v22 =	vmax.f32 v14, $0.0e+00;
	v55 =	vld.idx.msk [tilespmem:v11+s16+$0x0], $0xffff;
	[tilespmem:s14+$0x70] =	vst v8  }
0x339: {  	[tilespmem:s10+$0x400] =	vst v5;
	v6 =	vsub.f32 v6, v19;
	v5 =	vadd.f32 $3.200000000e+01, v12;
	v8 =	vmul.f32 $3.200000000e+01, v20;
	v12 =	vld.idx.msk [tilespmem:v15+s17+$0x0], $0xffff  }
0x33a: {  	v17 =	vcvt.s32.f32 v17;
	v2 =	vld [tilespmem:s10+$0x440];
	v18 =	vcvt.s32.f32 v18;
	v19 =	vmin.f32 v22, $6.200000000e+01  }
0x33b: {  	v56 =	vld.idx.msk [tilespmem:v15+s16+$0x0], $0xffff;
	v20 =	vmax.f32 v5, $0.0e+00;
	v22 =	vmul.f32 v6, v54;
	v8 =	vadd.f32 $3.200000000e+01, v8  }
0x33c: {  	v9 =	vsub.f32 v9, v17;
	v13 =	vld.idx.msk [tilespmem:v16+s17+$0x0], $0xffff;
	v7 =	vsub.f32 v7, v18;
	v20 =	vmin.f32 v20, $6.200000000e+01  }
0x33d: {  	v11 =	vld.idx.msk [tilespmem:v11+s5+$0x0], $0xffff;
	v20 =	vtrunc.f32 v20;
	v22 =	vadd.f32 v22, v55;
	v57 =	vmax.f32 v8, $0.0e+00  }
0x33e: {  	v18 =	vld.idx.msk [tilespmem:v16+s16+$0x0], $0xffff;
	v20 =	vcvt.f32.s32 v20;
	v24 =	vmin.f32 v57, $6.200000000e+01;
	v12 =	vmul.f32 v7, v12  }
0x33f: {  	v21 =	vmax.f32 v4, $0.0e+00;
	v15 =	vld.idx.msk [tilespmem:v15+s5+$0x0], $0xffff;
	v6 =	vmul.f32 v22, v6;
	v17 =	vtrunc.f32 v24  }
0x340: {  	v22 =	vld [tilespmem:s11+$0x420];
	v58 =	vadd.s32 v20, v0;
	v17 =	vcvt.f32.s32 v17;
	v12 =	vadd.f32 v12, v56  }
0x341: {  	v16 =	vld.idx.msk [tilespmem:v16+s5+$0x0], $0xffff;
	v19 =	vtrunc.f32 v19;
	v21 =	vmin.f32 v21, $6.200000000e+01;
	v13 =	vmul.f32 v9, v13  }
0x342: {  	v6 =	vadd.f32 v6, v11;
	v11 =	vld [tilespmem:s14+$0x420];
	v7 =	vmul.f32 v12, v7;
	v12 =	vadd.s32 v17, v0  }
0x343: {  	v21 =	vtrunc.f32 v21;
	v13 =	vadd.f32 v13, v18;
	v18 =	vcvt.f32.s32 v19  }
0x344: {  	v1 =	vmul.f32 $3.200000000e+01, v1;
	v21 =	vcvt.f32.s32 v21;
	[tilespmem:s11+$0x400] =	vst v6;
	v6 =	vadd.f32 v7, v15  }
0x345: {  	v7 =	vmul.f32 v13, v9;
	v9 =	vadd.s32 v18, v0;
	v13 =	vmul.f32 $3.200000000e+01, v22;
	v15 =	vld.idx.msk [tilespmem:v58+s17+$0x0], $0xffff  }
0x346: {  	v2 =	vmul.f32 $3.200000000e+01, v2;
	v20 =	vcvt.s32.f32 v20;
	v22 =	vld.idx.msk [tilespmem:v58+s16+$0x0], $0xffff;
	[tilespmem:s14+$0x400] =	vst v6  }
0x347: {  	v11 =	vmul.f32 $3.200000000e+01, v11;
	v6 =	vadd.f32 v7, v16;
	v7 =	vadd.f32 $3.200000000e+01, v13;
	v13 =	vld.idx.msk [tilespmem:v12+s17+$0x0], $0xffff  }
0x348: {  	v3 =	vld.idx.msk [tilespmem:v3+s5+$0x0], $0xffff;
	v16 =	vadd.f32 $3.200000000e+01, v1;
	v1 =	vsub.f32 v5, v20;
	v5 =	vcvt.s32.f32 v17  }
0x349: {  	v11 =	vadd.f32 $3.200000000e+01, v11;
	[tilespmem:s10+$0x410] =	vst v6;
	v6 =	vcvt.s32.f32 v18;
	v17 =	vmax.f32 v7, $0.0e+00;
	v18 =	vld.idx.msk [tilespmem:v12+s16+$0x0], $0xffff  }
0x34a: {  	v5 =	vsub.f32 v8, v5;
	v20 =	vld.idx.msk [tilespmem:v9+s17+$0x0], $0xffff;
	v17 =	vmin.f32 v17, $6.200000000e+01;
	v15 =	vmul.f32 v1, v15  }
0x34b: {  	v12 =	vld.idx.msk [tilespmem:v12+s5+$0x0], $0xffff;
	v6 =	vsub.f32 v14, v6;
	v8 =	vtrunc.f32 v17;
	v17 =	vmax.f32 v11, $0.0e+00  }
0x34c: {  	v14 =	vld.idx.msk [tilespmem:v58+s5+$0x0], $0xffff;
	v15 =	vadd.f32 v15, v22;
	v17 =	vmin.f32 v17, $6.200000000e+01;
	v13 =	vmul.f32 v5, v13  }
0x34d: {  	v3 =	vadd.f32 v10, v3;
	v60 =	vld.idx.msk [tilespmem:v9+s16+$0x0], $0xffff;
	v8 =	vcvt.f32.s32 v8;
	v17 =	vtrunc.f32 v17  }
0x34e: {  	v1 =	vmul.f32 v15, v1;
	v15 =	vcvt.f32.s32 v17;
	v13 =	vadd.f32 v13, v18  }
0x34f: {  	v59 =	vld [tilespmem:s11+$0x430];
	v22 =	vmax.f32 v16, $0.0e+00;
	v18 =	vmul.f32 v6, v20;
	v20 =	vadd.s32 v8, v0  }
0x350: {  	v17 =	vmin.f32 v22, $6.200000000e+01;
	v22 =	vld [tilespmem:s14+$0x430];
	v5 =	vmul.f32 v13, v5;
	v13 =	vadd.s32 v15, v0  }
0x351: {  	v26 =	vadd.s32 v21, v0;
	v10 =	vcvt.s32.f32 v21;
	v9 =	vld.idx.msk [tilespmem:v9+s5+$0x0], $0xffff;
	v14 =	vadd.f32 v1, v14  }
0x352: {  	v17 =	vtrunc.f32 v17;
	v18 =	vadd.f32 v18, v60;
	v5 =	vadd.f32 v5, v12  }
0x353: {  	v19 =	vld [tilespmem:s11+$0x440];
	v4 =	vsub.f32 v4, v10;
	v17 =	vcvt.f32.s32 v17;
	v15 =	vcvt.s32.f32 v15;
	[tilespmem:s11+$0x410] =	vst v14  }
0x354: {  	v1 =	vadd.f32 $3.200000000e+01, v23;
	v6 =	vmul.f32 v18, v6;
	v18 =	vmul.f32 $3.200000000e+01, v59;
	v23 =	vld.idx.msk [tilespmem:v20+s17+$0x0], $0xffff;
	[tilespmem:s14+$0x410] =	vst v5  }
0x355: {  	v14 =	vadd.s32 v17, v0;
	v5 =	vcvt.s32.f32 v8;
	v8 =	vmul.f32 $3.200000000e+01, v22;
	v10 =	vld.idx.msk [tilespmem:v13+s17+$0x0], $0xffff  }
0x356: {  	v17 =	vcvt.s32.f32 v17;
	v6 =	vadd.f32 v6, v9;
	v9 =	vadd.f32 $3.200000000e+01, v18;
	v18 =	vld.idx.msk [tilespmem:v20+s16+$0x0], $0xffff  }
0x357: {  	[tilespmem:s8+$0x430] =	vst v3;
	v12 =	vmax.f32 v1, $0.0e+00;
	v5 =	vsub.f32 v7, v5;
	v7 =	vadd.f32 $3.200000000e+01, v8;
	v8 =	vld.idx.msk [tilespmem:v13+s16+$0x0], $0xffff  }
0x358: {  	v11 =	vsub.f32 v11, v15;
	v3 =	vmin.f32 v12, $6.200000000e+01;
	v12 =	vld.idx.msk [tilespmem:v26+s17+$0x0], $0xffff;
	[tilespmem:s10+$0x420] =	vst v6;
	v6 =	vmax.f32 v9, $0.0e+00  }
0x359: {  	v20 =	vld.idx.msk [tilespmem:v20+s5+$0x0], $0xffff;
	v6 =	vmin.f32 v6, $6.200000000e+01;
	v22 =	vmul.f32 v5, v23;
	v23 =	vmax.f32 v7, $0.0e+00  }
0x35a: {  	v13 =	vld.idx.msk [tilespmem:v13+s5+$0x0], $0xffff;
	v6 =	vtrunc.f32 v6;
	v23 =	vmin.f32 v23, $6.200000000e+01;
	v10 =	vmul.f32 v11, v10  }
0x35b: {  	v15 =	vld.idx.msk [tilespmem:v14+s17+$0x0], $0xffff;
	v6 =	vcvt.f32.s32 v6;
	v18 =	vadd.f32 v22, v18;
	v22 =	vtrunc.f32 v23  }
0x35c: {  	v16 =	vsub.f32 v16, v17;
	v17 =	vld [tilespmem:s14+$0x440];
	v8 =	vadd.f32 v10, v8;
	v10 =	vcvt.f32.s32 v22  }
0x35d: {  	v2 =	vadd.f32 $3.200000000e+01, v2;
	v22 =	vld.idx.msk [tilespmem:v14+s16+$0x0], $0xffff;
	v5 =	vmul.f32 v18, v5;
	v18 =	vadd.s32 v6, v0  }
0x35e: {  	v23 =	vld.idx.msk [tilespmem:v26+s16+$0x0], $0xffff;
	v8 =	vmul.f32 v8, v11;
	v11 =	vadd.s32 v10, v0  }
0x35f: {  	v61 =	vmax.f32 v2, $0.0e+00;
	v5 =	vadd.f32 v5, v20  }
0x360: {  	v21 =	vld [tilespmem:s10+$0x450];
	v3 =	vtrunc.f32 v3;
	v15 =	vmul.f32 v16, v15;
	v8 =	vadd.f32 v8, v13  }
0x361: {  	v12 =	vmul.f32 v4, v12;
	v14 =	vld.idx.msk [tilespmem:v14+s5+$0x0], $0xffff;
	v6 =	vcvt.s32.f32 v6;
	v20 =	vmin.f32 v61, $6.200000000e+01;
	[tilespmem:s11+$0x420] =	vst v5  }
0x362: {  	v13 =	vtrunc.f32 v20;
	v5 =	vadd.f32 v15, v22;
	v15 =	vmul.f32 $3.200000000e+01, v19;
	v19 =	vld.idx.msk [tilespmem:v18+s17+$0x0], $0xffff;
	[tilespmem:s14+$0x420] =	vst v8  }
0x363: {  	v13 =	vcvt.f32.s32 v13;
	v8 =	vadd.f32 v12, v23;
	v12 =	vmul.f32 $3.200000000e+01, v17;
	v17 =	vld.idx.msk [tilespmem:v11+s17+$0x0], $0xffff  }
0x364: {  	v10 =	vcvt.s32.f32 v10;
	v5 =	vmul.f32 v5, v16;
	v15 =	vadd.f32 $3.200000000e+01, v15;
	v16 =	vld.idx.msk [tilespmem:v18+s16+$0x0], $0xffff  }
0x365: {  	v6 =	vsub.f32 v9, v6;
	v20 =	vadd.s32 v13, v0;
	v9 =	vadd.f32 $3.200000000e+01, v12;
	v12 =	vld.idx.msk [tilespmem:v11+s16+$0x0], $0xffff  }
0x366: {  	v62 =	vld [tilespmem:s11+$0x450];
	v7 =	vsub.f32 v7, v10;
	v5 =	vadd.f32 v5, v14;
	v14 =	vmax.f32 v15, $0.0e+00  }
0x367: {  	v10 =	vld.idx.msk [tilespmem:v26+s5+$0x0], $0xffff;
	v14 =	vmin.f32 v14, $6.200000000e+01;
	v19 =	vmul.f32 v6, v19;
	v22 =	vmax.f32 v9, $0.0e+00  }
0x368: {  	v18 =	vld.idx.msk [tilespmem:v18+s5+$0x0], $0xffff;
	v14 =	vtrunc.f32 v14;
	v22 =	vmin.f32 v22, $6.200000000e+01;
	v17 =	vmul.f32 v7, v17  }
0x369: {  	v11 =	vld.idx.msk [tilespmem:v11+s5+$0x0], $0xffff;
	[tilespmem:s10+$0x430] =	vst v5;
	v5 =	vadd.f32 v19, v16;
	v14 =	vcvt.f32.s32 v14;
	v16 =	vtrunc.f32 v22  }
0x36a: {  	v19 =	vmul.f32 $3.200000000e+01, v21;
	v21 =	vld.idx.msk [tilespmem:v20+s17+$0x0], $0xffff;
	v16 =	vcvt.f32.s32 v16;
	v12 =	vadd.f32 v17, v12  }
0x36b: {  	v13 =	vcvt.s32.f32 v13;
	v22 =	vld [tilespmem:s14+$0x450];
	v5 =	vmul.f32 v5, v6;
	v6 =	vadd.s32 v14, v0  }
0x36c: {  	v17 =	vld.idx.msk [tilespmem:v20+s16+$0x0], $0xffff;
	v19 =	vadd.f32 $3.200000000e+01, v19;
	v7 =	vmul.f32 v12, v7;
	v12 =	vadd.s32 v16, v0  }
0x36d: {  	v3 =	vcvt.f32.s32 v3;
	v2 =	vsub.f32 v2, v13;
	v5 =	vadd.f32 v5, v18  }
0x36e: {  	v4 =	vmul.f32 v8, v4;
	v8 =	vmax.f32 v19, $0.0e+00;
	v7 =	vadd.f32 v7, v11  }
0x36f: {  	v16 =	vcvt.s32.f32 v16;
	v8 =	vmin.f32 v8, $6.200000000e+01;
	v13 =	vmul.f32 v2, v21;
	[tilespmem:s11+$0x430] =	vst v5  }
0x370: {  	v4 =	vadd.f32 v4, v10;
	v5 =	vtrunc.f32 v8;
	v8 =	vmul.f32 $3.200000000e+01, v62;
	v10 =	vld.idx.msk [tilespmem:v6+s17+$0x0], $0xffff;
	[tilespmem:s14+$0x430] =	vst v7  }
0x371: {  	v7 =	vadd.f32 v13, v17;
	v13 =	vcvt.s32.f32 v14;
	v14 =	vmul.f32 $3.200000000e+01, v22;
	v17 =	vld.idx.msk [tilespmem:v12+s17+$0x0], $0xffff  }
0x372: {  	v11 =	vadd.s32 v3, v0;
	v5 =	vcvt.f32.s32 v5;
	v18 =	vld.idx.msk [tilespmem:v6+s16+$0x0], $0xffff;
	v8 =	vadd.f32 $3.200000000e+01, v8  }
0x373: {  	v2 =	vmul.f32 v7, v2;
	v7 =	vsub.f32 v15, v13;
	v13 =	vadd.f32 $3.200000000e+01, v14;
	v14 =	vld.idx.msk [tilespmem:v12+s16+$0x0], $0xffff  }
0x374: {  	v9 =	vsub.f32 v9, v16;
	v15 =	vld.idx.msk [tilespmem:v20+s5+$0x0], $0xffff;
	v20 =	vadd.s32 v5, v0;
	v21 =	vmax.f32 v8, $0.0e+00  }
0x375: {  	v16 =	vmin.f32 v21, $6.200000000e+01;
	v10 =	vmul.f32 v7, v10;
	v21 =	vmax.f32 v13, $0.0e+00  }
0x376: {  	v6 =	vld.idx.msk [tilespmem:v6+s5+$0x0], $0xffff;
	v16 =	vtrunc.f32 v16;
	v21 =	vmin.f32 v21, $6.200000000e+01;
	v17 =	vmul.f32 v9, v17  }
0x377: {  	v12 =	vld.idx.msk [tilespmem:v12+s5+$0x0], $0xffff;
	v16 =	vcvt.f32.s32 v16;
	v10 =	vadd.f32 v10, v18;
	v18 =	vtrunc.f32 v21  }
0x378: {  	v14 =	vadd.f32 v17, v14;
	v17 =	vcvt.f32.s32 v18  }
0x379: {  	[tilespmem:s8+$0x440] =	vst v4;
	v2 =	vadd.f32 v2, v15;
	v4 =	vmul.f32 v10, v7;
	v7 =	vadd.s32 v16, v0  }
0x37a: {  	v10 =	vld.idx.msk [tilespmem:v11+s17+$0x0], $0xffff;
	v9 =	vmul.f32 v14, v9;
	v0 =	vadd.s32 v17, v0  }
0x37b: {  	[tilespmem:s10+$0x440] =	vst v2;
	v14 =	vld.idx.msk [tilespmem:v11+s16+$0x0], $0xffff;
	v2 =	vadd.f32 v4, v6  }
0x37c: {  	v4 =	vld.idx.msk [tilespmem:v20+s17+$0x0], $0xffff;
	v6 =	vadd.f32 v9, v12  }
0x37d: {  	v3 =	vcvt.s32.f32 v3;
	v9 =	vld.idx.msk [tilespmem:v20+s16+$0x0], $0xffff;
	[tilespmem:s11+$0x440] =	vst v2  }
0x37e: {  	v2 =	vcvt.s32.f32 v5;
	v5 =	vld.idx.msk [tilespmem:v7+s17+$0x0], $0xffff;
	[tilespmem:s14+$0x440] =	vst v6  }
0x37f: {  	v1 =	vsub.f32 v1, v3;
	v3 =	vcvt.s32.f32 v16;
	v6 =	vld.idx.msk [tilespmem:v0+s17+$0x0], $0xffff  }
0x380: {  	v15 =	vcvt.s32.f32 v17;
	v12 =	vld.idx.msk [tilespmem:v7+s16+$0x0], $0xffff;
	v2 =	vsub.f32 v19, v2  }
0x381: {  	v3 =	vsub.f32 v8, v3;
	v10 =	vmul.f32 v1, v10;
	v8 =	vld.idx.msk [tilespmem:v0+s16+$0x0], $0xffff  }
0x382: {  	v11 =	vld.idx.msk [tilespmem:v11+s5+$0x0], $0xffff;
	v13 =	vsub.f32 v13, v15;
	v4 =	vmul.f32 v2, v4  }
0x383: {  	v10 =	vadd.f32 v10, v14;
	v14 =	vld.idx.msk [tilespmem:v20+s5+$0x0], $0xffff;
	v5 =	vmul.f32 v3, v5  }
0x384: {  	s7 =	smulhi.u32 $0xAAAAAAAB, s7;
	v7 =	vld.idx.msk [tilespmem:v7+s5+$0x0], $0xffff;
	v4 =	vadd.f32 v4, v9;
	v6 =	vmul.f32 v13, v6  }
0x385: {  	v0 =	vld.idx.msk [tilespmem:v0+s5+$0x0], $0xffff;
	v1 =	vmul.f32 v10, v1;
	v5 =	vadd.f32 v5, v12  }
0x386: {  	s0 =	sand.u32 $0x1, s0;
	s7 =	sshrl.u32 s7, $0x8;
	v2 =	vmul.f32 v4, v2;
	v4 =	vadd.f32 v6, v8  }
0x387: {  	p0 =	seq.s32 s0, $0x1;
	s26 =	smul.u32 $0xA80000, s7;
	s7 =	simm.s32 $0x7000;
	v1 =	vadd.f32 v1, v11;
	v3 =	vmul.f32 v5, v3  }
0x388: {  	s6 =	smul.u32 $0xE000, s6;
	s7 =	simm.s32 @!p0 $0x0;
	v2 =	vadd.f32 v2, v14;
	v4 =	vmul.f32 v4, v13  }
0x389: {  	s0 =	sor.u32 s7, s26;
	[tilespmem:s8+$0x450] =	vst v1;
	v1 =	vadd.f32 v3, v7  }
0x38a: {  	s0 =	sadd.s32 s6, s0;
	[tilespmem:s10+$0x450] =	vst v2;
	v0 =	vadd.f32 v4, v0  }
0x38b: {  	s0 =	sshrl.u32 s0, $0x3;
	[tilespmem:s11+$0x450] =	vst v1  }
0x38c: {  	p0 =	seq.s32 s28, $0xF;
	s0 =	sadd.s32 s3, s0;
	[tilespmem:s14+$0x450] =	vst v0  }
0x38d: {  	[hbm4b:s0+s5] =	stream.linear.scatter [tilespmem:s19], [sflag:$0x5], $0x7000, $0x38;
	[tilespmem:$0x1E300] =	vst v63  }
0x38e: {  	s0 =	sadd.s32 @!p0 $0x3, s29  }
0x38f: {  	s6 =	sadd.s32 @!p0 s1, s0  }
0x390: {  	s7 =	sshrl.u32 @!p0 s6, $0x1  }
0x391: {  	s8 =	smulhi.u32 @!p0 $0x2AAAAAAB, s7;
	_ =	sdelay $0x1  }
0x392: {  	s0 =	sand.u32 @!p0 $0x1, s0;
	s6 =	smulhi.u32 @!p0 $0xAAAAAAAB, s6;
	s8 =	sshrl.u32 @!p0 s8, $0x5  }
0x393: {  	p1 =	seq.s32 @!p0 s0, $0x1;
	s8 =	smul.u32 @!p0 $0xC0, s8  }
0x394: {  	p1 =	por !p1, p0;
	s6 =	sshrl.u32 @!p0 s6, $0x8  }
0x395: {  	s6 =	smul.u32 @!p0 $0xA80000, s6;
	s0 =	ssub.s32 @!p0 s7, s8;
	s7 =	simm.s32 @!p0 $0x7000  }
0x396: {  	s0 =	smul.u32 @!p0 $0xE000, s0;
	s7 =	simm.s32 @p1 $0x0  }
0x397: {  	_ =	swait.ge [sflag:s22], $0x7000;
	s6 =	sor.u32 @!p0 s7, s6  }
0x398: {  	[sflag:s22] =	ssyncset.done $0x0;
	s0 =	sadd.s32 @!p0 s0, s6  }
0x399: {  	[sflag:s22] =	ssyncadd.s32 $0xFFFF9000;
	s0 =	sshrl.u32 @!p0 s0, $0x3  }
0x39a: {  	s7 =	simm.s32 @!p0 $0x9300;
	s6 =	simm.s32 @!p0 $0x0;
	s0 =	sadd.s32 @!p0 s2, s0  }
0x39b: {  	[tilespmem:s7], [sflag:$0x1] =	stream.linear.gather @!p0 [hbm4b:s0+s6], $0x7000, $0x38;
	[tilespmem:$0x1E300] =	vst v63  }
0x39c: {  	s7 =	simm.s32 $0x0;
	_ =	swait.ge [sflag:s23], $0x7000  }
0x39d: {  	s8 =	sand.u32 $0x7800, s7;
	s0 =	sand.u32 $0x380, s7;
	[sflag:s23] =	ssyncset.done $0x0  }
0x39e: {  	s6 =	sor.u32 s0, s8;
	[sflag:s23] =	ssyncadd.s32 $0xFFFF9000  }
0x39f: {  	v0 =	vld [tilespmem:s6+$0x17300];
	_ =	sdelay $0x4  }
0x3a0: {  	v0 =	vmul.f32 $3.200000000e+01, v0;
	_ =	sdelay $0x1  }
0x3a1: {  	v1 =	vadd.f32 $3.200000000e+01, v0;
	_ =	sdelay $0x1  }
0x3a2: {  	v0 =	vmax.f32 v1, $0.0e+00  }
0x3a3: {  	v0 =	vmin.f32 v0, $6.200000000e+01  }
0x3a4: {  	s10 =	smul.u32 $0x41, s4;
	v0 =	vtrunc.f32 v0  }
0x3a5: {  	v2 =	vcvt.f32.s32 v0  }
0x3a6: {  	v0 =	vmov s10  }
0x3a7: {  	v3 =	vadd.s32 v2, v0;
	_ =	sdelay $0x4  }
0x3a8: {  	v4 =	vld.idx.msk [tilespmem:v3+s17+$0x0], $0xffff  }
0x3a9: {  	v2 =	vcvt.s32.f32 v2  }
0x3aa: {  	v5 =	vld.idx.msk [tilespmem:v3+s16+$0x0], $0xffff  }
0x3ab: {  	v1 =	vsub.f32 v1, v2;
	_ =	sdelay $0x1  }
0x3ac: {  	v2 =	vmul.f32 v1, v4  }
0x3ad: {  	v3 =	vld.idx.msk [tilespmem:v3+s5+$0x0], $0xffff  }
0x3ae: {  	v2 =	vadd.f32 v2, v5;
	_ =	sdelay $0x1  }
0x3af: {  	v1 =	vmul.f32 v2, v1;
	_ =	sdelay $0x1  }
0x3b0: {  	v1 =	vadd.f32 v1, v3;
	_ =	sdelay $0x1  }
0x3b1: {  	s0 =	sadd.s32 $0x17300, s6;
	[tilespmem:s6+$0x17300] =	vst v1  }
0x3b2: {  	v1 =	vld [tilespmem:s0+$0x10];
	_ =	sdelay $0x4  }
0x3b3: {  	v1 =	vmul.f32 $3.200000000e+01, v1;
	_ =	sdelay $0x1  }
0x3b4: {  	v1 =	vadd.f32 $3.200000000e+01, v1;
	_ =	sdelay $0x1  }
0x3b5: {  	v2 =	vmax.f32 v1, $0.0e+00  }
0x3b6: {  	v2 =	vmin.f32 v2, $6.200000000e+01  }
0x3b7: {  	v2 =	vtrunc.f32 v2  }
0x3b8: {  	v2 =	vcvt.f32.s32 v2;
	_ =	sdelay $0x1  }
0x3b9: {  	v4 =	vld [tilespmem:s0+$0x20];
	v3 =	vadd.s32 v2, v0;
	_ =	sdelay $0x4  }
0x3ba: {  	v4 =	vmul.f32 $3.200000000e+01, v4;
	v5 =	vld.idx.msk [tilespmem:v3+s17+$0x0], $0xffff  }
0x3bb: {  	v2 =	vcvt.s32.f32 v2  }
0x3bc: {  	s11 =	simm.s32 $0x100;
	s14 =	simm.s32 $0x80;
	v4 =	vadd.f32 $3.200000000e+01, v4;
	v6 =	vld.idx.msk [tilespmem:v3+s16+$0x0], $0xffff  }
0x3bd: {  	s4 =	sand.u32 $0x7800, s11;
	s6 =	sand.u32 $0x380, s14;
	v1 =	vsub.f32 v1, v2  }
0x3be: {  	s6 =	sor.u32 s6, s4;
	v2 =	vmax.f32 v4, $0.0e+00  }
0x3bf: {  	v7 =	vld [tilespmem:s6+$0x17300];
	v2 =	vmin.f32 v2, $6.200000000e+01;
	v5 =	vmul.f32 v1, v5  }
0x3c0: {  	v2 =	vtrunc.f32 v2;
	v3 =	vld.idx.msk [tilespmem:v3+s5+$0x0], $0xffff  }
0x3c1: {  	v2 =	vcvt.f32.s32 v2;
	v5 =	vadd.f32 v5, v6;
	_ =	sdelay $0x1  }
0x3c2: {  	v6 =	vadd.s32 v2, v0;
	v1 =	vmul.f32 v5, v1;
	v5 =	vld [tilespmem:s0+$0x30]  }
0x3c3: {  	v7 =	vmul.f32 $3.200000000e+01, v7  }
0x3c4: {  	v1 =	vadd.f32 v1, v3  }
0x3c5: {  	v3 =	vadd.f32 $3.200000000e+01, v7  }
0x3c6: {  	[tilespmem:s0+$0x10] =	vst v1  }
0x3c7: {  	v1 =	vmax.f32 v3, $0.0e+00;
	v7 =	vld.idx.msk [tilespmem:v6+s17+$0x0], $0xffff;
	v5 =	vmul.f32 $3.200000000e+01, v5  }
0x3c8: {  	v2 =	vcvt.s32.f32 v2;
	v1 =	vmin.f32 v1, $6.200000000e+01  }
0x3c9: {  	v8 =	vld.idx.msk [tilespmem:v6+s16+$0x0], $0xffff;
	v1 =	vtrunc.f32 v1;
	v5 =	vadd.f32 $3.200000000e+01, v5  }
0x3ca: {  	v2 =	vsub.f32 v4, v2;
	v1 =	vcvt.f32.s32 v1  }
0x3cb: {  	v4 =	vmax.f32 v5, $0.0e+00  }
0x3cc: {  	v9 =	vadd.s32 v1, v0;
	v7 =	vmul.f32 v2, v7;
	v4 =	vmin.f32 v4, $6.200000000e+01  }
0x3cd: {  	v6 =	vld.idx.msk [tilespmem:v6+s5+$0x0], $0xffff;
	v4 =	vtrunc.f32 v4  }
0x3ce: {  	v7 =	vadd.f32 v7, v8;
	v4 =	vcvt.f32.s32 v4;
	_ =	sdelay $0x1  }
0x3cf: {  	v8 =	vld [tilespmem:s0+$0x40];
	v2 =	vmul.f32 v7, v2;
	v7 =	vadd.s32 v4, v0  }
0x3d0: {  	v10 =	vld.idx.msk [tilespmem:v9+s17+$0x0], $0xffff  }
0x3d1: {  	v1 =	vcvt.s32.f32 v1;
	v2 =	vadd.f32 v2, v6  }
0x3d2: {  	v6 =	vld.idx.msk [tilespmem:v9+s16+$0x0], $0xffff  }
0x3d3: {  	v1 =	vsub.f32 v3, v1;
	[tilespmem:s0+$0x20] =	vst v2  }
0x3d4: {  	v2 =	vmul.f32 $3.200000000e+01, v8;
	v3 =	vld.idx.msk [tilespmem:v7+s17+$0x0], $0xffff  }
0x3d5: {  	v4 =	vcvt.s32.f32 v4;
	v8 =	vld.idx.msk [tilespmem:v9+s5+$0x0], $0xffff;
	v9 =	vmul.f32 v1, v10  }
0x3d6: {  	v10 =	vld.idx.msk [tilespmem:v7+s16+$0x0], $0xffff;
	v2 =	vadd.f32 $3.200000000e+01, v2  }
0x3d7: {  	v4 =	vsub.f32 v5, v4;
	v6 =	vadd.f32 v9, v6  }
0x3d8: {  	v5 =	vmax.f32 v2, $0.0e+00  }
0x3d9: {  	v1 =	vmul.f32 v6, v1;
	v5 =	vmin.f32 v5, $6.200000000e+01;
	v3 =	vmul.f32 v4, v3  }
0x3da: {  	v6 =	vld.idx.msk [tilespmem:v7+s5+$0x0], $0xffff;
	v5 =	vtrunc.f32 v5  }
0x3db: {  	v1 =	vadd.f32 v1, v8;
	v5 =	vcvt.f32.s32 v5;
	v3 =	vadd.f32 v3, v10;
	_ =	sdelay $0x1  }
0x3dc: {  	s4 =	sadd.s32 $0x17300, s6;
	v7 =	vld [tilespmem:s0+$0x50];
	[tilespmem:s6+$0x17300] =	vst v1;
	v1 =	vmul.f32 v3, v4;
	v3 =	vadd.s32 v5, v0  }
0x3dd: {  	v4 =	vld [tilespmem:s4+$0x10]  }
0x3de: {  	v1 =	vadd.f32 v1, v6;
	_ =	sdelay $0x1  }
0x3df: {  	[tilespmem:s0+$0x30] =	vst v1  }
0x3e0: {  	v1 =	vmul.f32 $3.200000000e+01, v7;
	v6 =	vld.idx.msk [tilespmem:v3+s17+$0x0], $0xffff  }
0x3e1: {  	v5 =	vcvt.s32.f32 v5;
	v4 =	vmul.f32 $3.200000000e+01, v4  }
0x3e2: {  	v7 =	vld.idx.msk [tilespmem:v3+s16+$0x0], $0xffff;
	v1 =	vadd.f32 $3.200000000e+01, v1  }
0x3e3: {  	v2 =	vsub.f32 v2, v5;
	v4 =	vadd.f32 $3.200000000e+01, v4  }
0x3e4: {  	v5 =	vmax.f32 v1, $0.0e+00  }
0x3e5: {  	v8 =	vmax.f32 v4, $0.0e+00;
	v5 =	vmin.f32 v5, $6.200000000e+01;
	v6 =	vmul.f32 v2, v6  }
0x3e6: {  	v3 =	vld.idx.msk [tilespmem:v3+s5+$0x0], $0xffff;
	v8 =	vmin.f32 v8, $6.200000000e+01;
	v5 =	vtrunc.f32 v5  }
0x3e7: {  	v8 =	vtrunc.f32 v8;
	v5 =	vcvt.f32.s32 v5;
	v6 =	vadd.f32 v6, v7  }
0x3e8: {  	v7 =	vcvt.f32.s32 v8  }
0x3e9: {  	v8 =	vld [tilespmem:s0+$0x60];
	v2 =	vmul.f32 v6, v2;
	v6 =	vadd.s32 v5, v0  }
0x3ea: {  	s15 =	simm.s32 $0x200;
	s18 =	simm.s32 $0x100;
	v10 =	vld [tilespmem:s4+$0x20];
	v9 =	vadd.s32 v7, v0  }
0x3eb: {  	s7 =	sand.u32 $0x380, s18;
	s6 =	sand.u32 $0x7800, s15;
	v2 =	vadd.f32 v2, v3  }
0x3ec: {  	s7 =	sor.u32 s7, s6  }
0x3ed: {  	v3 =	vld [tilespmem:s7+$0x17300];
	[tilespmem:s0+$0x40] =	vst v2  }
0x3ee: {  	v2 =	vmul.f32 $3.200000000e+01, v8;
	v8 =	vld.idx.msk [tilespmem:v6+s17+$0x0], $0xffff  }
0x3ef: {  	v10 =	vmul.f32 $3.200000000e+01, v10;
	v5 =	vcvt.s32.f32 v5;
	v11 =	vld.idx.msk [tilespmem:v9+s17+$0x0], $0xffff  }
0x3f0: {  	v7 =	vcvt.s32.f32 v7;
	v12 =	vld.idx.msk [tilespmem:v6+s16+$0x0], $0xffff;
	v2 =	vadd.f32 $3.200000000e+01, v2  }
0x3f1: {  	v10 =	vadd.f32 $3.200000000e+01, v10;
	v1 =	vsub.f32 v1, v5;
	v13 =	vld.idx.msk [tilespmem:v9+s16+$0x0], $0xffff  }
0x3f2: {  	v4 =	vsub.f32 v4, v7;
	v5 =	vmax.f32 v2, $0.0e+00  }
0x3f3: {  	v7 =	vmax.f32 v10, $0.0e+00;
	v5 =	vmin.f32 v5, $6.200000000e+01;
	v8 =	vmul.f32 v1, v8  }
0x3f4: {  	v7 =	vmin.f32 v7, $6.200000000e+01;
	v6 =	vld.idx.msk [tilespmem:v6+s5+$0x0], $0xffff;
	v11 =	vmul.f32 v4, v11;
	v5 =	vtrunc.f32 v5  }
0x3f5: {  	v7 =	vtrunc.f32 v7;
	v9 =	vld.idx.msk [tilespmem:v9+s5+$0x0], $0xffff;
	v5 =	vcvt.f32.s32 v5;
	v8 =	vadd.f32 v8, v12  }
0x3f6: {  	v7 =	vcvt.f32.s32 v7;
	v3 =	vmul.f32 $3.200000000e+01, v3;
	v11 =	vadd.f32 v11, v13  }
0x3f7: {  	v12 =	vld [tilespmem:s0+$0x70];
	v1 =	vmul.f32 v8, v1;
	v8 =	vadd.s32 v5, v0  }
0x3f8: {  	v14 =	vadd.s32 v7, v0;
	v3 =	vadd.f32 $3.200000000e+01, v3;
	v13 =	vld [tilespmem:s4+$0x30];
	v4 =	vmul.f32 v11, v4  }
0x3f9: {  	v1 =	vadd.f32 v1, v6  }
0x3fa: {  	v4 =	vadd.f32 v4, v9;
	v9 =	vmax.f32 v3, $0.0e+00  }
0x3fb: {  	v5 =	vcvt.s32.f32 v5;
	v9 =	vmin.f32 v9, $6.200000000e+01;
	[tilespmem:s0+$0x50] =	vst v1  }
0x3fc: {  	v11 =	vmul.f32 $3.200000000e+01, v12;
	[tilespmem:s4+$0x10] =	vst v4;
	v4 =	vtrunc.f32 v9;
	v9 =	vld.idx.msk [tilespmem:v8+s17+$0x0], $0xffff  }
0x3fd: {  	v1 =	vmul.f32 $3.200000000e+01, v13;
	v12 =	vld.idx.msk [tilespmem:v14+s17+$0x0], $0xffff;
	v4 =	vcvt.f32.s32 v4  }
0x3fe: {  	v7 =	vcvt.s32.f32 v7;
	v11 =	vadd.f32 $3.200000000e+01, v11;
	v13 =	vld.idx.msk [tilespmem:v8+s16+$0x0], $0xffff  }
0x3ff: {  	v2 =	vsub.f32 v2, v5;
	v15 =	vld.idx.msk [tilespmem:v14+s16+$0x0], $0xffff;
	v1 =	vadd.f32 $3.200000000e+01, v1;
	v16 =	vadd.s32 v4, v0  }
0x400: {  	v5 =	vsub.f32 v10, v7;
	v7 =	vmax.f32 v11, $0.0e+00  }
0x401: {  	v6 =	vld [tilespmem:s0+$0x400];
	v10 =	vmax.f32 v1, $0.0e+00;
	v7 =	vmin.f32 v7, $6.200000000e+01;
	v9 =	vmul.f32 v2, v9  }
0x402: {  	v8 =	vld.idx.msk [tilespmem:v8+s5+$0x0], $0xffff;
	v10 =	vmin.f32 v10, $6.200000000e+01;
	v7 =	vtrunc.f32 v7;
	v12 =	vmul.f32 v5, v12  }
0x403: {  	v14 =	vld.idx.msk [tilespmem:v14+s5+$0x0], $0xffff;
	v10 =	vtrunc.f32 v10;
	v7 =	vcvt.f32.s32 v7;
	v9 =	vadd.f32 v9, v13  }
0x404: {  	v10 =	vcvt.f32.s32 v10;
	v12 =	vadd.f32 v12, v15;
	v13 =	vld.idx.msk [tilespmem:v16+s17+$0x0], $0xffff  }
0x405: {  	v4 =	vcvt.s32.f32 v4;
	v15 =	vld [tilespmem:s4+$0x40];
	v2 =	vmul.f32 v9, v2;
	v9 =	vadd.s32 v7, v0  }
0x406: {  	v17 =	vld.idx.msk [tilespmem:v16+s16+$0x0], $0xffff;
	v5 =	vmul.f32 v12, v5;
	v12 =	vadd.s32 v10, v0  }
0x407: {  	v3 =	vsub.f32 v3, v4;
	v2 =	vadd.f32 v2, v8  }
0x408: {  	v4 =	vadd.f32 v5, v14  }
0x409: {  	v5 =	vld.idx.msk [tilespmem:v16+s5+$0x0], $0xffff;
	v8 =	vmul.f32 v3, v13;
	[tilespmem:s0+$0x60] =	vst v2  }
0x40a: {  	v2 =	vmul.f32 $3.200000000e+01, v6;
	v6 =	vmul.f32 $3.200000000e+01, v15;
	[tilespmem:s4+$0x20] =	vst v4;
	v4 =	vld.idx.msk [tilespmem:v9+s17+$0x0], $0xffff  }
0x40b: {  	v7 =	vcvt.s32.f32 v7;
	v13 =	vld.idx.msk [tilespmem:v12+s17+$0x0], $0xffff;
	v8 =	vadd.f32 v8, v17  }
0x40c: {  	v10 =	vcvt.s32.f32 v10;
	v14 =	vld.idx.msk [tilespmem:v9+s16+$0x0], $0xffff;
	v2 =	vadd.f32 $3.200000000e+01, v2;
	v6 =	vadd.f32 $3.200000000e+01, v6  }
0x40d: {  	v7 =	vsub.f32 v11, v7;
	v15 =	vld.idx.msk [tilespmem:v12+s16+$0x0], $0xffff;
	v3 =	vmul.f32 v8, v3  }
0x40e: {  	v1 =	vsub.f32 v1, v10;
	v8 =	vmax.f32 v6, $0.0e+00;
	v11 =	vmax.f32 v2, $0.0e+00  }
0x40f: {  	v9 =	vld.idx.msk [tilespmem:v9+s5+$0x0], $0xffff;
	v10 =	vmin.f32 v11, $6.200000000e+01;
	v3 =	vadd.f32 v3, v5;
	v4 =	vmul.f32 v7, v4  }
0x410: {  	v12 =	vld.idx.msk [tilespmem:v12+s5+$0x0], $0xffff;
	v5 =	vmin.f32 v8, $6.200000000e+01;
	v8 =	vtrunc.f32 v10;
	v10 =	vmul.f32 v1, v13  }
0x411: {  	s6 =	sadd.s32 $0x17300, s7;
	v11 =	vld [tilespmem:s0+$0x410];
	v5 =	vtrunc.f32 v5;
	[tilespmem:s7+$0x17300] =	vst v3  }
0x412: {  	v3 =	vcvt.f32.s32 v8;
	v4 =	vadd.f32 v4, v14;
	v8 =	vadd.f32 v10, v15;
	v10 =	vld [tilespmem:s6+$0x10]  }
0x413: {  	v5 =	vcvt.f32.s32 v5  }
0x414: {  	v13 =	vld [tilespmem:s4+$0x50];
	v4 =	vmul.f32 v4, v7;
	v7 =	vadd.s32 v3, v0  }
0x415: {  	v1 =	vmul.f32 v8, v1;
	v8 =	vadd.s32 v5, v0  }
0x416: {  	v4 =	vadd.f32 v4, v9  }
0x417: {  	v17 =	vld [tilespmem:s0+$0x420];
	v1 =	vadd.f32 v1, v12;
	v9 =	vmul.f32 $3.200000000e+01, v11;
	v10 =	vmul.f32 $3.200000000e+01, v10  }
0x418: {  	v18 =	vld [tilespmem:s6+$0x20];
	[tilespmem:s0+$0x70] =	vst v4  }
0x419: {  	v4 =	vmul.f32 $3.200000000e+01, v13;
	[tilespmem:s4+$0x30] =	vst v1;
	v1 =	vadd.f32 $3.200000000e+01, v9;
	v9 =	vld.idx.msk [tilespmem:v7+s17+$0x0], $0xffff;
	v10 =	vadd.f32 $3.200000000e+01, v10  }
0x41a: {  	s25 =	simm.s32 $0x300;
	s7 =	simm.s32 $0x180;
	v3 =	vcvt.s32.f32 v3;
	v5 =	vcvt.s32.f32 v5;
	v12 =	vld.idx.msk [tilespmem:v8+s17+$0x0], $0xffff  }
0x41b: {  	s8 =	sand.u32 $0x7800, s25;
	s26 =	sand.u32 $0x380, s7;
	v14 =	vld.idx.msk [tilespmem:v7+s16+$0x0], $0xffff;
	v13 =	vadd.f32 $3.200000000e+01, v4;
	v4 =	vmax.f32 v1, $0.0e+00;
	v16 =	vmax.f32 v10, $0.0e+00  }
0x41c: {  	s8 =	sor.u32 s26, s8;
	v2 =	vsub.f32 v2, v3;
	v15 =	vld.idx.msk [tilespmem:v8+s16+$0x0], $0xffff;
	v4 =	vmin.f32 v4, $6.200000000e+01;
	v16 =	vmin.f32 v16, $6.200000000e+01  }
0x41d: {  	v11 =	vld [tilespmem:s8+$0x17300];
	v5 =	vsub.f32 v6, v5;
	v4 =	vtrunc.f32 v4;
	v16 =	vtrunc.f32 v16  }
0x41e: {  	v6 =	vld.idx.msk [tilespmem:v7+s5+$0x0], $0xffff;
	v3 =	vmax.f32 v13, $0.0e+00;
	v7 =	vmul.f32 v2, v9;
	v9 =	vcvt.f32.s32 v16  }
0x41f: {  	v8 =	vld.idx.msk [tilespmem:v8+s5+$0x0], $0xffff;
	v3 =	vmin.f32 v3, $6.200000000e+01;
	v4 =	vcvt.f32.s32 v4;
	v12 =	vmul.f32 v5, v12  }
0x420: {  	v16 =	vld [tilespmem:s4+$0x60];
	v3 =	vtrunc.f32 v3;
	v7 =	vadd.f32 v7, v14;
	v14 =	vadd.s32 v9, v0  }
0x421: {  	v19 =	vld [tilespmem:s0+$0x430];
	v12 =	vadd.f32 v12, v15;
	v15 =	vcvt.f32.s32 v3;
	v3 =	vmul.f32 $3.200000000e+01, v17  }
0x422: {  	v2 =	vmul.f32 v7, v2;
	v7 =	vadd.s32 v4, v0  }
0x423: {  	v5 =	vmul.f32 v12, v5;
	v20 =	vadd.s32 v15, v0;
	v3 =	vadd.f32 $3.200000000e+01, v3  }
0x424: {  	v12 =	vld [tilespmem:s0+$0x440];
	v15 =	vcvt.s32.f32 v15;
	v2 =	vadd.f32 v2, v6;
	v6 =	vmul.f32 $3.200000000e+01, v11  }
0x425: {  	v5 =	vadd.f32 v5, v8;
	v8 =	vmul.f32 $3.200000000e+01, v16;
	v11 =	vmul.f32 $3.200000000e+01, v18;
	v17 =	vld.idx.msk [tilespmem:v14+s17+$0x0], $0xffff  }
0x426: {  	v21 =	vld.idx.msk [tilespmem:v14+s16+$0x0], $0xffff;
	[tilespmem:s0+$0x400] =	vst v2;
	v2 =	vmul.f32 $3.200000000e+01, v19;
	v19 =	vcvt.s32.f32 v9  }
0x427: {  	v16 =	vmax.f32 v3, $0.0e+00;
	v9 =	vadd.f32 $3.200000000e+01, v6;
	v11 =	vadd.f32 $3.200000000e+01, v11;
	v18 =	vld.idx.msk [tilespmem:v7+s17+$0x0], $0xffff  }
0x428: {  	v6 =	vcvt.s32.f32 v4;
	[tilespmem:s4+$0x40] =	vst v5;
	v4 =	vadd.f32 $3.200000000e+01, v8;
	v8 =	vld.idx.msk [tilespmem:v7+s16+$0x0], $0xffff;
	v10 =	vsub.f32 v10, v19  }
0x429: {  	v15 =	vsub.f32 v13, v15;
	v5 =	vmin.f32 v16, $6.200000000e+01;
	v19 =	vld.idx.msk [tilespmem:v20+s17+$0x0], $0xffff;
	v16 =	vmax.f32 v11, $0.0e+00  }
0x42a: {  	v14 =	vld.idx.msk [tilespmem:v14+s5+$0x0], $0xffff;
	v1 =	vsub.f32 v1, v6;
	v6 =	vmin.f32 v16, $6.200000000e+01;
	v16 =	vmul.f32 v10, v17  }
0x42b: {  	v5 =	vtrunc.f32 v5;
	v23 =	vld.idx.msk [tilespmem:v20+s16+$0x0], $0xffff;
	v22 =	vmax.f32 v4, $0.0e+00;
	v6 =	vtrunc.f32 v6  }
0x42c: {  	v63 =	vld.idx.msk [tilespmem:v7+s5+$0x0], $0xffff;
	v17 =	vcvt.f32.s32 v6;
	v18 =	vmul.f32 v1, v18;
	v6 =	vadd.f32 v16, v21  }
0x42d: {  	v7 =	vcvt.f32.s32 v5;
	v13 =	vmin.f32 v22, $6.200000000e+01;
	v22 =	vld [tilespmem:s4+$0x70]  }
0x42e: {  	v21 =	vld [tilespmem:s4+$0x400];
	v8 =	vadd.f32 v18, v8;
	v5 =	vmul.f32 v6, v10;
	v10 =	vmul.f32 v15, v19  }
0x42f: {  	v13 =	vtrunc.f32 v13;
	v16 =	vadd.s32 v17, v0;
	v6 =	vadd.s32 v7, v0;
	v19 =	vld [tilespmem:s6+$0x30]  }
0x430: {  	v1 =	vmul.f32 v8, v1;
	v8 =	vadd.f32 v10, v23;
	v10 =	vcvt.f32.s32 v13;
	v13 =	vld.idx.msk [tilespmem:v20+s5+$0x0], $0xffff  }
0x431: {  	v5 =	vadd.f32 v5, v14  }
0x432: {  	v2 =	vadd.f32 $3.200000000e+01, v2;
	v20 =	vmax.f32 v9, $0.0e+00;
	v14 =	vadd.f32 v1, v63  }
0x433: {  	v1 =	vmul.f32 $3.200000000e+01, v12;
	[tilespmem:s6+$0x10] =	vst v5;
	v15 =	vmul.f32 v8, v15;
	v8 =	vadd.s32 v10, v0  }
0x434: {  	s10 =	simm.s32 $0x400;
	v5 =	vmul.f32 $3.200000000e+01, v21;
	v12 =	vmul.f32 $3.200000000e+01, v22;
	v18 =	vld.idx.msk [tilespmem:v16+s17+$0x0], $0xffff;
	[tilespmem:s0+$0x410] =	vst v14;
	v14 =	vmax.f32 v2, $0.0e+00  }
.LBB2_7:
0x435: {  	p1 =	sne.s32 s10, $0x6F00;
	v20 =	vmin.f32 v20, $6.200000000e+01;
	v19 =	vmul.f32 $3.200000000e+01, v19;
	v13 =	vadd.f32 v15, v13;
	v15 =	vld.idx.msk [tilespmem:v6+s17+$0x0], $0xffff  }
0x436: {  	v17 =	vcvt.s32.f32 v17;
	v14 =	vmin.f32 v14, $6.200000000e+01;
	v20 =	vtrunc.f32 v20;
	v21 =	vld.idx.msk [tilespmem:v16+s16+$0x0], $0xffff  }
0x437: {  	v7 =	vcvt.s32.f32 v7;
	v20 =	vcvt.f32.s32 v20;
	v19 =	vadd.f32 $3.200000000e+01, v19;
	[tilespmem:s4+$0x50] =	vst v13;
	v13 =	vld.idx.msk [tilespmem:v6+s16+$0x0], $0xffff  }
0x438: {  	v12 =	vadd.f32 $3.200000000e+01, v12;
	v14 =	vtrunc.f32 v14;
	v11 =	vsub.f32 v11, v17;
	v17 =	vld.idx.msk [tilespmem:v8+s17+$0x0], $0xffff  }
0x439: {  	v3 =	vsub.f32 v3, v7;
	v22 =	vadd.s32 v20, v0;
	v16 =	vld.idx.msk [tilespmem:v16+s5+$0x0], $0xffff;
	v23 =	vmax.f32 v19, $0.0e+00  }
0x43a: {  	v10 =	vcvt.s32.f32 v10;
	v7 =	vmul.f32 v11, v18;
	v18 =	vmin.f32 v23, $6.200000000e+01;
	v23 =	vld.idx.msk [tilespmem:v8+s16+$0x0], $0xffff  }
0x43b: {  	v24 =	vmax.f32 v12, $0.0e+00;
	v15 =	vmul.f32 v3, v15;
	v18 =	vtrunc.f32 v18;
	v6 =	vld.idx.msk [tilespmem:v6+s5+$0x0], $0xffff  }
0x43c: {  	v4 =	vsub.f32 v4, v10;
	v7 =	vadd.f32 v7, v21;
	v18 =	vcvt.f32.s32 v18;
	v21 =	vld [tilespmem:s6+$0x40]  }
0x43d: {  	v14 =	vcvt.f32.s32 v14;
	v10 =	vmin.f32 v24, $6.200000000e+01;
	v13 =	vadd.f32 v15, v13  }
0x43e: {  	v7 =	vmul.f32 v7, v11;
	v15 =	vmul.f32 v4, v17;
	v11 =	vadd.s32 v18, v0;
	v8 =	vld.idx.msk [tilespmem:v8+s5+$0x0], $0xffff  }
0x43f: {  	v10 =	vtrunc.f32 v10;
	v3 =	vmul.f32 v13, v3;
	v13 =	vadd.s32 v14, v0;
	v17 =	vld.idx.msk [tilespmem:v22+s17+$0x0], $0xffff  }
0x440: {  	v10 =	vcvt.f32.s32 v10;
	v7 =	vadd.f32 v7, v16;
	v15 =	vadd.f32 v15, v23;
	v16 =	vld [tilespmem:s0+$0x450]  }
0x441: {  	v20 =	vcvt.s32.f32 v20;
	v3 =	vadd.f32 v3, v6;
	v23 =	vld.idx.msk [tilespmem:v22+s16+$0x0], $0xffff;
	v21 =	vmul.f32 $3.200000000e+01, v21  }
0x442: {  	v1 =	vadd.f32 $3.200000000e+01, v1;
	v4 =	vmul.f32 v15, v4;
	v6 =	vld.idx.msk [tilespmem:v22+s5+$0x0], $0xffff;
	[tilespmem:s6+$0x20] =	vst v7;
	v7 =	vadd.s32 v10, v0  }
0x443: {  	v5 =	vadd.f32 $3.200000000e+01, v5;
	v9 =	vsub.f32 v9, v20;
	v15 =	vld.idx.msk [tilespmem:v11+s16+$0x0], $0xffff;
	[tilespmem:s0+$0x420] =	vst v3  }
0x444: {  	v3 =	vadd.f32 $3.200000000e+01, v21;
	v4 =	vadd.f32 v4, v8;
	v8 =	vld.idx.msk [tilespmem:v13+s17+$0x0], $0xffff  }
0x445: {  	v21 =	vmax.f32 v1, $0.0e+00;
	v17 =	vmul.f32 v9, v17;
	v20 =	vld.idx.msk [tilespmem:v11+s17+$0x0], $0xffff  }
0x446: {  	v14 =	vcvt.s32.f32 v14;
	v22 =	vmax.f32 v3, $0.0e+00;
	[tilespmem:s4+$0x60] =	vst v4;
	v4 =	vmax.f32 v5, $0.0e+00;
	v24 =	vld.idx.msk [tilespmem:v13+s16+$0x0], $0xffff  }
0x447: {  	v18 =	vcvt.s32.f32 v18;
	v21 =	vmin.f32 v21, $6.200000000e+01;
	v17 =	vadd.f32 v17, v23;
	v23 =	vld.idx.msk [tilespmem:v7+s17+$0x0], $0xffff  }
0x448: {  	v2 =	vsub.f32 v2, v14;
	v14 =	vtrunc.f32 v21;
	v4 =	vmin.f32 v4, $6.200000000e+01;
	v25 =	vld [tilespmem:s4+$0x410]  }
0x449: {  	v10 =	vcvt.s32.f32 v10;
	v9 =	vmul.f32 v17, v9;
	v17 =	vsub.f32 v19, v18;
	v18 =	vld.idx.msk [tilespmem:v7+s16+$0x0], $0xffff  }
0x44a: {  	v19 =	vmin.f32 v22, $6.200000000e+01;
	v4 =	vtrunc.f32 v4;
	v8 =	vmul.f32 v2, v8;
	v13 =	vld.idx.msk [tilespmem:v13+s5+$0x0], $0xffff  }
0x44b: {  	v10 =	vsub.f32 v12, v10;
	v6 =	vadd.f32 v9, v6;
	v9 =	vld.idx.msk [tilespmem:v11+s5+$0x0], $0xffff;
	v11 =	vmul.f32 v17, v20  }
0x44c: {  	v14 =	vcvt.f32.s32 v14;
	v12 =	vtrunc.f32 v19;
	v8 =	vadd.f32 v8, v24;
	v19 =	vld [tilespmem:s6+$0x50]  }
0x44d: {  	s11 =	sadd.s32 $0x17300, s8;
	[tilespmem:s8+$0x17300] =	vst v6;
	v6 =	vadd.f32 v11, v15;
	v11 =	vcvt.f32.s32 v12;
	v7 =	vld.idx.msk [tilespmem:v7+s5+$0x0], $0xffff;
	v12 =	vmul.f32 v10, v23  }
0x44e: {  	v4 =	vcvt.f32.s32 v4;
	v2 =	vmul.f32 v8, v2;
	v8 =	vadd.s32 v14, v0;
	v15 =	vld [tilespmem:s11+$0x10]  }
0x44f: {  	s7 =	sadd.s32 $0x80, s7;
	v6 =	vmul.f32 v6, v17;
	v17 =	vadd.s32 v11, v0;
	v12 =	vadd.f32 v12, v18  }
0x450: {  	s14 =	sand.u32 $0x380, s7;
	s8 =	sand.u32 $0x7800, s10;
	v2 =	vadd.f32 v2, v13;
	v13 =	vmul.f32 $3.200000000e+01, v16  }
0x451: {  	s8 =	sor.u32 s14, s8;
	v6 =	vadd.f32 v6, v9;
	v9 =	vmul.f32 v12, v10;
	v10 =	vadd.s32 v4, v0  }
0x452: {  	v18 =	vmul.f32 $3.200000000e+01, v25;
	v16 =	vmul.f32 $3.200000000e+01, v19;
	v12 =	vld [tilespmem:s8+$0x17300];
	[tilespmem:s0+$0x430] =	vst v2  }
0x453: {  	v13 =	vadd.f32 $3.200000000e+01, v13;
	v2 =	vmul.f32 $3.200000000e+01, v15;
	[tilespmem:s6+$0x30] =	vst v6;
	v6 =	vadd.f32 v9, v7;
	v7 =	vld.idx.msk [tilespmem:v8+s17+$0x0], $0xffff  }
0x454: {  	v15 =	vadd.f32 $3.200000000e+01, v16;
	v16 =	vadd.f32 $3.200000000e+01, v18;
	v9 =	vld.idx.msk [tilespmem:v17+s16+$0x0], $0xffff  }
0x455: {  	v18 =	vmax.f32 v13, $0.0e+00;
	v2 =	vadd.f32 $3.200000000e+01, v2;
	[tilespmem:s4+$0x70] =	vst v6;
	v6 =	vcvt.s32.f32 v14;
	v14 =	vld.idx.msk [tilespmem:v8+s16+$0x0], $0xffff  }
0x456: {  	v18 =	vmin.f32 v18, $6.200000000e+01;
	v19 =	vmax.f32 v15, $0.0e+00;
	v21 =	vmax.f32 v16, $0.0e+00;
	v20 =	vld.idx.msk [tilespmem:v10+s17+$0x0], $0xffff  }
0x457: {  	v21 =	vmin.f32 v21, $6.200000000e+01;
	v22 =	vmax.f32 v2, $0.0e+00;
	v23 =	vld.idx.msk [tilespmem:v17+s17+$0x0], $0xffff;
	v1 =	vsub.f32 v1, v6  }
0x458: {  	v11 =	vcvt.s32.f32 v11;
	v4 =	vcvt.s32.f32 v4;
	v6 =	vmin.f32 v22, $6.200000000e+01;
	v22 =	vld.idx.msk [tilespmem:v10+s16+$0x0], $0xffff  }
0x459: {  	v19 =	vmin.f32 v19, $6.200000000e+01;
	v6 =	vtrunc.f32 v6;
	v8 =	vld.idx.msk [tilespmem:v8+s5+$0x0], $0xffff;
	v7 =	vmul.f32 v1, v7  }
0x45a: {  	v4 =	vsub.f32 v5, v4;
	v18 =	vtrunc.f32 v18;
	v6 =	vcvt.f32.s32 v6;
	v5 =	vld [tilespmem:s4+$0x430]  }
0x45b: {  	v3 =	vsub.f32 v3, v11;
	v11 =	vld [tilespmem:s4+$0x420];
	v7 =	vadd.f32 v7, v14;
	v14 =	vcvt.f32.s32 v18  }
0x45c: {  	v21 =	vtrunc.f32 v21;
	v20 =	vmul.f32 v4, v20;
	v18 =	vadd.s32 v6, v0;
	v10 =	vld.idx.msk [tilespmem:v10+s5+$0x0], $0xffff  }
0x45d: {  	v23 =	vmul.f32 v3, v23;
	v17 =	vld.idx.msk [tilespmem:v17+s5+$0x0], $0xffff;
	v1 =	vmul.f32 v7, v1;
	v7 =	vadd.s32 v14, v0  }
0x45e: {  	v19 =	vtrunc.f32 v19;
	v21 =	vcvt.f32.s32 v21;
	v20 =	vadd.f32 v20, v22;
	v24 =	vld [tilespmem:s6+$0x60]  }
0x45f: {  	v19 =	vcvt.f32.s32 v19;
	v9 =	vadd.f32 v23, v9;
	v22 =	vld [tilespmem:s11+$0x20];
	v1 =	vadd.f32 v1, v8  }
0x460: {  	v4 =	vmul.f32 v20, v4;
	v8 =	vadd.s32 v21, v0;
	v11 =	vmul.f32 $3.200000000e+01, v11;
	v20 =	vld [tilespmem:s4+$0x440]  }
0x461: {  	v25 =	vadd.s32 v19, v0;
	v9 =	vmul.f32 v9, v3;
	v23 =	vld.idx.msk [tilespmem:v18+s16+$0x0], $0xffff;
	[tilespmem:s0+$0x440] =	vst v1  }
0x462: {  	v1 =	vmul.f32 $3.200000000e+01, v12;
	v4 =	vadd.f32 v4, v10;
	v3 =	vadd.f32 $3.200000000e+01, v11;
	v10 =	vld.idx.msk [tilespmem:v7+s17+$0x0], $0xffff  }
0x463: {  	v5 =	vmul.f32 $3.200000000e+01, v5;
	v11 =	vadd.f32 v9, v17;
	v12 =	vld.idx.msk [tilespmem:v18+s17+$0x0], $0xffff;
	v17 =	vmul.f32 $3.200000000e+01, v24  }
0x464: {  	v14 =	vcvt.s32.f32 v14;
	v22 =	vmul.f32 $3.200000000e+01, v22;
	[tilespmem:s4+$0x400] =	vst v4;
	v24 =	vmax.f32 v3, $0.0e+00;
	v26 =	vld.idx.msk [tilespmem:v7+s16+$0x0], $0xffff  }
0x465: {  	v9 =	vadd.f32 $3.200000000e+01, v1;
	[tilespmem:s6+$0x40] =	vst v11;
	v4 =	vadd.f32 $3.200000000e+01, v17;
	v1 =	vld.idx.msk [tilespmem:v8+s17+$0x0], $0xffff;
	v17 =	vmin.f32 v24, $6.200000000e+01  }
0x466: {  	v6 =	vcvt.s32.f32 v6;
	v13 =	vsub.f32 v13, v14;
	v11 =	vadd.f32 $3.200000000e+01, v22;
	v22 =	vld.idx.msk [tilespmem:v25+s17+$0x0], $0xffff  }
0x467: {  	v21 =	vcvt.s32.f32 v21;
	v27 =	vtrunc.f32 v17;
	v14 =	vmax.f32 v4, $0.0e+00;
	v24 =	vld.idx.msk [tilespmem:v8+s16+$0x0], $0xffff  }
0x468: {  	v2 =	vsub.f32 v2, v6;
	v6 =	vmax.f32 v11, $0.0e+00;
	v28 =	vld.idx.msk [tilespmem:v7+s5+$0x0], $0xffff;
	v7 =	vmul.f32 v13, v10  }
0x469: {  	v21 =	vsub.f32 v16, v21;
	v10 =	vld.idx.msk [tilespmem:v18+s5+$0x0], $0xffff;
	v6 =	vmin.f32 v6, $6.200000000e+01;
	v18 =	vcvt.s32.f32 v19  }
0x46a: {  	v12 =	vmul.f32 v2, v12;
	v6 =	vtrunc.f32 v6;
	v29 =	vld.idx.msk [tilespmem:v25+s16+$0x0], $0xffff;
	v7 =	vadd.f32 v7, v26  }
0x46b: {  	v1 =	vmul.f32 v21, v1;
	v17 =	vcvt.f32.s32 v6;
	v6 =	vmin.f32 v14, $6.200000000e+01;
	v8 =	vld.idx.msk [tilespmem:v8+s5+$0x0], $0xffff  }
0x46c: {  	v12 =	vadd.f32 v12, v23;
	v14 =	vsub.f32 v15, v18;
	v18 =	vld [tilespmem:s6+$0x400];
	v15 =	vmul.f32 v7, v13  }
0x46d: {  	v1 =	vadd.f32 v1, v24;
	v7 =	vcvt.f32.s32 v27;
	v16 =	vadd.s32 v17, v0;
	v23 =	vld [tilespmem:s6+$0x70]  }
0x46e: {  	v2 =	vmul.f32 v12, v2;
	v12 =	vmul.f32 v14, v22;
	v13 =	vld.idx.msk [tilespmem:v25+s5+$0x0], $0xffff;
	v15 =	vadd.f32 v15, v28  }
.Ltmp4:
0x46f: {  	v22 =	vtrunc.f32 v6;
	v1 =	vmul.f32 v1, v21;
	v6 =	vadd.s32 v7, v0;
	v19 =	vld [tilespmem:s11+$0x30];
	(pc) =	sbr.rel @p1 .LBB2_7-.Ltmp4, $4  }
0x470: {  	v21 =	vadd.f32 v2, v10;
	v10 =	vcvt.f32.s32 v22;
	v12 =	vadd.f32 v12, v29;
	[tilespmem:s0+$0x450] =	vst v15;
	s0 =	smov.u32 s4;
	s4 =	smov.u32 s6;
	s6 =	smov.u32 s11  }
0x471: {  	v2 =	vadd.f32 $3.200000000e+01, v5;
	v22 =	vadd.f32 v1, v8;
	v1 =	vmul.f32 $3.200000000e+01, v20  }
0x472: {  	v8 =	vadd.s32 v10, v0;
	v15 =	vmul.f32 v12, v14;
	v5 =	vmul.f32 $3.200000000e+01, v18;
	[tilespmem:s6+$0x10] =	vst v21  }
0x473: {  	s10 =	sadd.s32 $0x100, s10;
	v20 =	vmax.f32 v9, $0.0e+00;
	v14 =	vmax.f32 v2, $0.0e+00;
	v12 =	vmul.f32 $3.200000000e+01, v23;
	v18 =	vld.idx.msk [tilespmem:v16+s17+$0x0], $0xffff;
	[tilespmem:s0+$0x410] =	vst v22  }
0x474: {  	v20 =	vmin.f32 v20, $6.200000000e+01  }
0x475: {  	v20 =	vtrunc.f32 v20  }
0x476: {  	v20 =	vcvt.f32.s32 v20;
	_ =	sdelay $0x1  }
0x477: {  	v21 =	vadd.s32 v20, v0;
	_ =	sdelay $0x4  }
0x478: {  	v22 =	vld.idx.msk [tilespmem:v21+s17+$0x0], $0xffff  }
0x479: {  	v20 =	vcvt.s32.f32 v20  }
0x47a: {  	v23 =	vld.idx.msk [tilespmem:v21+s16+$0x0], $0xffff  }
0x47b: {  	v9 =	vsub.f32 v9, v20;
	_ =	sdelay $0x1  }
0x47c: {  	v20 =	vmul.f32 v9, v22  }
0x47d: {  	v21 =	vld.idx.msk [tilespmem:v21+s5+$0x0], $0xffff  }
0x47e: {  	v20 =	vadd.f32 v20, v23;
	_ =	sdelay $0x1  }
0x47f: {  	v9 =	vmul.f32 v20, v9;
	_ =	sdelay $0x1  }
0x480: {  	v9 =	vadd.f32 v9, v21;
	_ =	sdelay $0x1  }
0x481: {  	s7 =	sadd.s32 $0x17300, s8;
	[tilespmem:s8+$0x17300] =	vst v9  }
0x482: {  	v9 =	vld [tilespmem:s7+$0x10];
	_ =	sdelay $0x4  }
0x483: {  	v9 =	vmul.f32 $3.200000000e+01, v9;
	_ =	sdelay $0x1  }
0x484: {  	v9 =	vadd.f32 $3.200000000e+01, v9;
	_ =	sdelay $0x1  }
0x485: {  	v30 =	vmax.f32 v9, $0.0e+00  }
0x486: {  	v20 =	vmin.f32 v30, $6.200000000e+01  }
0x487: {  	v20 =	vtrunc.f32 v20  }
0x488: {  	v20 =	vcvt.f32.s32 v20;
	_ =	sdelay $0x1  }
0x489: {  	v32 =	vld [tilespmem:s7+$0x20];
	v31 =	vadd.s32 v20, v0;
	_ =	sdelay $0x4  }
0x48a: {  	v22 =	vmul.f32 $3.200000000e+01, v32;
	v33 =	vld.idx.msk [tilespmem:v31+s17+$0x0], $0xffff  }
0x48b: {  	v20 =	vcvt.s32.f32 v20  }
0x48c: {  	v22 =	vadd.f32 $3.200000000e+01, v22;
	v24 =	vld.idx.msk [tilespmem:v31+s16+$0x0], $0xffff  }
0x48d: {  	v9 =	vsub.f32 v9, v20  }
0x48e: {  	v34 =	vmax.f32 v22, $0.0e+00  }
0x48f: {  	v20 =	vmin.f32 v34, $6.200000000e+01;
	v23 =	vmul.f32 v9, v33  }
0x490: {  	v20 =	vtrunc.f32 v20;
	v21 =	vld.idx.msk [tilespmem:v31+s5+$0x0], $0xffff  }
0x491: {  	v20 =	vcvt.f32.s32 v20;
	v23 =	vadd.f32 v23, v24  }
0x492: {  	v36 =	vld [tilespmem:s7+$0x30]  }
0x493: {  	v35 =	vadd.s32 v20, v0;
	v9 =	vmul.f32 v23, v9  }
0x494: {  	v19 =	vmul.f32 $3.200000000e+01, v19;
	v17 =	vcvt.s32.f32 v17  }
0x495: {  	v37 =	vld.idx.msk [tilespmem:v16+s16+$0x0], $0xffff;
	v9 =	vadd.f32 v9, v21  }
0x496: {  	v19 =	vadd.f32 $3.200000000e+01, v19;
	v38 =	vsub.f32 v11, v17  }
0x497: {  	v40 =	vmul.f32 $3.200000000e+01, v36;
	[tilespmem:s7+$0x10] =	vst v9  }
0x498: {  	v41 =	vmax.f32 v19, $0.0e+00;
	v18 =	vmul.f32 v38, v18;
	v39 =	vld.idx.msk [tilespmem:v35+s17+$0x0], $0xffff  }
0x499: {  	v42 =	vld.idx.msk [tilespmem:v16+s5+$0x0], $0xffff;
	v17 =	vadd.f32 $3.200000000e+01, v40;
	v20 =	vcvt.s32.f32 v20;
	v23 =	vmin.f32 v41, $6.200000000e+01  }
0x49a: {  	v18 =	vadd.f32 v18, v37;
	v23 =	vtrunc.f32 v23;
	v25 =	vld.idx.msk [tilespmem:v35+s16+$0x0], $0xffff  }
0x49b: {  	v44 =	vmax.f32 v17, $0.0e+00;
	v20 =	vsub.f32 v22, v20;
	v43 =	vcvt.f32.s32 v23  }
0x49c: {  	v45 =	vld [tilespmem:s6+$0x40];
	v22 =	vmin.f32 v44, $6.200000000e+01  }
0x49d: {  	v9 =	vmul.f32 v18, v38;
	v46 =	vadd.s32 v43, v0;
	v11 =	vmul.f32 v20, v39  }
0x49e: {  	v22 =	vtrunc.f32 v22;
	v24 =	vld.idx.msk [tilespmem:v35+s5+$0x0], $0xffff  }
0x49f: {  	v22 =	vcvt.f32.s32 v22;
	v9 =	vadd.f32 v9, v42;
	v11 =	vadd.f32 v11, v25;
	_ =	sdelay $0x1  }
0x4a0: {  	v49 =	vmul.f32 $3.200000000e+01, v45;
	v47 =	vld [tilespmem:s7+$0x40];
	v48 =	vadd.s32 v22, v0;
	[tilespmem:s6+$0x20] =	vst v9;
	v11 =	vmul.f32 v11, v20  }
0x4a1: {  	v50 =	vld.idx.msk [tilespmem:v46+s17+$0x0], $0xffff  }
0x4a2: {  	v21 =	vcvt.s32.f32 v43;
	v9 =	vadd.f32 $3.200000000e+01, v49;
	v11 =	vadd.f32 v11, v24  }
0x4a3: {  	v51 =	vld.idx.msk [tilespmem:v46+s16+$0x0], $0xffff  }
0x4a4: {  	v52 =	vsub.f32 v19, v21;
	v54 =	vmax.f32 v9, $0.0e+00;
	[tilespmem:s7+$0x20] =	vst v11  }
0x4a5: {  	v16 =	vmul.f32 $3.200000000e+01, v47;
	v22 =	vcvt.s32.f32 v22;
	v21 =	vmin.f32 v54, $6.200000000e+01;
	v53 =	vld.idx.msk [tilespmem:v48+s17+$0x0], $0xffff  }
0x4a6: {  	v18 =	vld.idx.msk [tilespmem:v46+s5+$0x0], $0xffff;
	v21 =	vtrunc.f32 v21;
	v23 =	vmul.f32 v52, v50  }
0x4a7: {  	v16 =	vadd.f32 $3.200000000e+01, v16;
	v21 =	vcvt.f32.s32 v21;
	v55 =	vld.idx.msk [tilespmem:v48+s16+$0x0], $0xffff  }
0x4a8: {  	v17 =	vsub.f32 v17, v22;
	v56 =	vadd.f32 v23, v51  }
0x4a9: {  	v58 =	vld [tilespmem:s6+$0x50];
	v57 =	vmax.f32 v16, $0.0e+00;
	v59 =	vadd.s32 v21, v0  }
0x4aa: {  	v23 =	vmin.f32 v57, $6.200000000e+01;
	v11 =	vmul.f32 v56, v52;
	v19 =	vmul.f32 v17, v53  }
0x4ab: {  	v23 =	vtrunc.f32 v23;
	v20 =	vld.idx.msk [tilespmem:v48+s5+$0x0], $0xffff  }
0x4ac: {  	v23 =	vcvt.f32.s32 v23;
	v11 =	vadd.f32 v11, v18;
	v19 =	vadd.f32 v19, v55;
	_ =	sdelay $0x1  }
0x4ad: {  	v62 =	vmul.f32 $3.200000000e+01, v58;
	v60 =	vld [tilespmem:s7+$0x50];
	v61 =	vadd.s32 v23, v0;
	[tilespmem:s6+$0x30] =	vst v11;
	v17 =	vmul.f32 v19, v17  }
0x4ae: {  	v63 =	vld.idx.msk [tilespmem:v59+s17+$0x0], $0xffff  }
0x4af: {  	v27 =	vcvt.s32.f32 v21;
	v11 =	vadd.f32 $3.200000000e+01, v62;
	v17 =	vadd.f32 v17, v20  }
0x4b0: {  	v28 =	vld.idx.msk [tilespmem:v59+s16+$0x0], $0xffff  }
0x4b1: {  	v13 =	vadd.f32 v15, v13;
	v9 =	vsub.f32 v9, v27;
	v31 =	vmax.f32 v11, $0.0e+00;
	[tilespmem:s7+$0x30] =	vst v17  }
0x4b2: {  	v29 =	vmul.f32 $3.200000000e+01, v60;
	v32 =	vcvt.s32.f32 v23;
	v15 =	vmin.f32 v31, $6.200000000e+01;
	v30 =	vld.idx.msk [tilespmem:v61+s17+$0x0], $0xffff  }
0x4b3: {  	v35 =	vld.idx.msk [tilespmem:v59+s5+$0x0], $0xffff;
	v15 =	vtrunc.f32 v15;
	v33 =	vmul.f32 v9, v63  }
0x4b4: {  	v15 =	vcvt.f32.s32 v15;
	v17 =	vadd.f32 $3.200000000e+01, v29;
	v34 =	vld.idx.msk [tilespmem:v61+s16+$0x0], $0xffff  }
0x4b5: {  	v38 =	vld [tilespmem:s6+$0x60];
	v16 =	vsub.f32 v16, v32;
	v21 =	vadd.f32 v33, v28  }
0x4b6: {  	[tilespmem:s4+$0x50] =	vst v13;
	v39 =	vadd.s32 v15, v0;
	v37 =	vmax.f32 v17, $0.0e+00  }
0x4b7: {  	v36 =	vld.idx.msk [tilespmem:v8+s17+$0x0], $0xffff;
	v9 =	vmul.f32 v21, v9;
	v22 =	vmin.f32 v37, $6.200000000e+01;
	v18 =	vmul.f32 v16, v30  }
0x4b8: {  	v19 =	vld.idx.msk [tilespmem:v61+s5+$0x0], $0xffff;
	v22 =	vtrunc.f32 v22  }
0x4b9: {  	v42 =	vld [tilespmem:s7+$0x60];
	v9 =	vadd.f32 v9, v35;
	v22 =	vcvt.f32.s32 v22;
	v18 =	vadd.f32 v18, v34  }
0x4ba: {  	v10 =	vcvt.s32.f32 v10;
	v23 =	vmul.f32 $3.200000000e+01, v38  }
0x4bb: {  	v12 =	vadd.f32 $3.200000000e+01, v12;
	v40 =	vld.idx.msk [tilespmem:v8+s16+$0x0], $0xffff;
	[tilespmem:s6+$0x40] =	vst v9;
	v44 =	vadd.s32 v22, v0;
	v43 =	vmul.f32 v18, v16  }
0x4bc: {  	v4 =	vsub.f32 v4, v10;
	v52 =	vadd.f32 $3.200000000e+01, v23;
	v48 =	vld.idx.msk [tilespmem:v39+s17+$0x0], $0xffff  }
0x4bd: {  	v41 =	vmin.f32 v14, $6.200000000e+01;
	v15 =	vcvt.s32.f32 v15;
	v14 =	vadd.f32 v43, v19  }
0x4be: {  	v13 =	vmul.f32 $3.200000000e+01, v42;
	v23 =	vmax.f32 v52, $0.0e+00;
	v20 =	vmul.f32 v4, v36;
	v53 =	vld.idx.msk [tilespmem:v39+s16+$0x0], $0xffff  }
0x4bf: {  	v49 =	vld.idx.msk [tilespmem:v8+s5+$0x0], $0xffff;
	v46 =	vmax.f32 v12, $0.0e+00;
	v23 =	vmin.f32 v23, $6.200000000e+01;
	v11 =	vsub.f32 v11, v15;
	[tilespmem:s7+$0x40] =	vst v14  }
0x4c0: {  	v13 =	vadd.f32 $3.200000000e+01, v13;
	v58 =	vtrunc.f32 v23;
	v50 =	vadd.f32 v20, v40;
	v14 =	vld.idx.msk [tilespmem:v44+s17+$0x0], $0xffff  }
0x4c1: {  	v47 =	vmin.f32 v46, $6.200000000e+01;
	v57 =	vld.idx.msk [tilespmem:v39+s5+$0x0], $0xffff;
	v22 =	vcvt.s32.f32 v22;
	v24 =	vmul.f32 v11, v48  }
0x4c2: {  	v60 =	vmax.f32 v13, $0.0e+00;
	v21 =	vcvt.f32.s32 v58;
	v4 =	vmul.f32 v50, v4;
	v56 =	vld.idx.msk [tilespmem:v44+s16+$0x0], $0xffff  }
0x4c3: {  	v9 =	vtrunc.f32 v47;
	v17 =	vsub.f32 v17, v22;
	v20 =	vadd.f32 v24, v53  }
0x4c4: {  	v31 =	vld [tilespmem:s7+$0x70];
	v63 =	vadd.s32 v21, v0;
	v4 =	vadd.f32 v4, v49;
	v51 =	vcvt.f32.s32 v9  }
0x4c5: {  	v61 =	vld [tilespmem:s6+$0x70];
	v22 =	vmin.f32 v60, $6.200000000e+01;
	v62 =	vmul.f32 v20, v11;
	v14 =	vmul.f32 v17, v14  }
0x4c6: {  	v55 =	vadd.s32 v51, v0;
	v28 =	vtrunc.f32 v22;
	v16 =	vld.idx.msk [tilespmem:v44+s5+$0x0], $0xffff  }
0x4c7: {  	v45 =	vld.idx.msk [tilespmem:v6+s17+$0x0], $0xffff;
	[tilespmem:s4+$0x60] =	vst v4;
	v20 =	vcvt.f32.s32 v28;
	v4 =	vadd.f32 v62, v57;
	v14 =	vadd.f32 v14, v56  }
0x4c8: {  	v7 =	vcvt.s32.f32 v7;
	v10 =	vtrunc.f32 v41;
	v41 =	vld [tilespmem:s4+$0x410]  }
0x4c9: {  	v54 =	vld.idx.msk [tilespmem:v6+s16+$0x0], $0xffff;
	v32 =	vadd.s32 v20, v0;
	[tilespmem:s6+$0x50] =	vst v4;
	v14 =	vmul.f32 v14, v17  }
0x4ca: {  	v5 =	vadd.f32 $3.200000000e+01, v5;
	v3 =	vsub.f32 v3, v7;
	v23 =	vmul.f32 $3.200000000e+01, v61;
	v34 =	vld.idx.msk [tilespmem:v63+s17+$0x0], $0xffff  }
0x4cb: {  	v8 =	vmul.f32 $3.200000000e+01, v31;
	v36 =	vcvt.s32.f32 v21;
	v29 =	vld.idx.msk [tilespmem:v55+s17+$0x0], $0xffff;
	v14 =	vadd.f32 v14, v16  }
0x4cc: {  	v10 =	vcvt.f32.s32 v10;
	v7 =	vcvt.s32.f32 v51;
	v37 =	vadd.f32 $3.200000000e+01, v23;
	v38 =	vld.idx.msk [tilespmem:v63+s16+$0x0], $0xffff  }
0x4cd: {  	v33 =	vmax.f32 v5, $0.0e+00;
	v8 =	vadd.f32 $3.200000000e+01, v8;
	v9 =	vsub.f32 v52, v36;
	v35 =	vld.idx.msk [tilespmem:v55+s16+$0x0], $0xffff;
	[tilespmem:s7+$0x50] =	vst v14  }
0x4ce: {  	v7 =	vsub.f32 v12, v7;
	v18 =	vmul.f32 v3, v45;
	v23 =	vmax.f32 v37, $0.0e+00;
	v40 =	vld.idx.msk [tilespmem:v32+s17+$0x0], $0xffff  }
0x4cf: {  	v59 =	vld.idx.msk [tilespmem:v6+s5+$0x0], $0xffff;
	v45 =	vmax.f32 v8, $0.0e+00;
	v20 =	vcvt.s32.f32 v20;
	v24 =	vmul.f32 v9, v34  }
0x4d0: {  	v23 =	vmin.f32 v23, $6.200000000e+01;
	v15 =	vadd.f32 v18, v54;
	v39 =	vmul.f32 v7, v29;
	v42 =	vld.idx.msk [tilespmem:v32+s16+$0x0], $0xffff  }
0x4d1: {  	v30 =	vld [tilespmem:s6+$0x400];
	v43 =	vtrunc.f32 v23;
	v13 =	vsub.f32 v13, v20;
	v44 =	vadd.f32 v24, v38  }
0x4d2: {  	v15 =	vmul.f32 v15, v3;
	v11 =	vld.idx.msk [tilespmem:v63+s5+$0x0], $0xffff;
	v16 =	vcvt.f32.s32 v43;
	v14 =	vadd.f32 v39, v35  }
0x4d3: {  	v50 =	vld [tilespmem:s7+$0x400];
	v46 =	vmin.f32 v45, $6.200000000e+01;
	v9 =	vmul.f32 v44, v9;
	v12 =	vmul.f32 v13, v40  }
0x4d4: {  	v3 =	vadd.s32 v10, v0;
	v17 =	vld.idx.msk [tilespmem:v32+s5+$0x0], $0xffff;
	v7 =	vmul.f32 v14, v7;
	v14 =	vtrunc.f32 v46  }
0x4d5: {  	v23 =	vld [tilespmem:s0+$0x450];
	v47 =	vadd.s32 v16, v0;
	v14 =	vcvt.f32.s32 v14;
	v12 =	vadd.f32 v12, v42  }
0x4d6: {  	v19 =	vld.idx.msk [tilespmem:v55+s5+$0x0], $0xffff;
	v54 =	vmul.f32 $3.200000000e+01, v30;
	v6 =	vadd.f32 v15, v59;
	v4 =	vmin.f32 v33, $6.200000000e+01  }
0x4d7: {  	v28 =	vld [tilespmem:s4+$0x420];
	v9 =	vadd.f32 v9, v11;
	v52 =	vadd.s32 v14, v0;
	v51 =	vmul.f32 v12, v13  }
0x4d8: {  	v10 =	vcvt.s32.f32 v10;
	[tilespmem:s0+$0x420] =	vst v6;
	v33 =	vld [tilespmem:s6+$0x410];
	v4 =	vtrunc.f32 v4  }
0x4d9: {  	v22 =	vmul.f32 $3.200000000e+01, v41;
	v53 =	vld.idx.msk [tilespmem:v3+s17+$0x0], $0xffff;
	v4 =	vcvt.f32.s32 v4;
	[tilespmem:s6+$0x60] =	vst v9;
	v11 =	vadd.f32 v51, v17  }
0x4da: {  	v10 =	vsub.f32 v2, v10;
	v23 =	vmul.f32 $3.200000000e+01, v23;
	v6 =	vadd.f32 $3.200000000e+01, v54;
	v55 =	vld.idx.msk [tilespmem:v47+s17+$0x0], $0xffff  }
0x4db: {  	v48 =	vadd.s32 v4, v0;
	v4 =	vcvt.s32.f32 v4;
	v16 =	vcvt.s32.f32 v16;
	v58 =	vld.idx.msk [tilespmem:v47+s16+$0x0], $0xffff;
	[tilespmem:s7+$0x60] =	vst v11  }
0x4dc: {  	v62 =	vmax.f32 v6, $0.0e+00;
	v49 =	vadd.f32 v7, v19;
	v7 =	vmul.f32 $3.200000000e+01, v50;
	v60 =	vld.idx.msk [tilespmem:v52+s17+$0x0], $0xffff  }
0x4dd: {  	v5 =	vsub.f32 v5, v4;
	v59 =	vsub.f32 v37, v16;
	v37 =	vld [tilespmem:s7+$0x410];
	v14 =	vcvt.s32.f32 v14  }
0x4de: {  	v9 =	vadd.f32 $3.200000000e+01, v22;
	v22 =	vmin.f32 v62, $6.200000000e+01;
	v7 =	vadd.f32 $3.200000000e+01, v7;
	v63 =	vld.idx.msk [tilespmem:v52+s16+$0x0], $0xffff  }
0x4df: {  	v27 =	vtrunc.f32 v22;
	v20 =	vld.idx.msk [tilespmem:v47+s5+$0x0], $0xffff;
	[tilespmem:s4+$0x70] =	vst v49;
	v8 =	vsub.f32 v8, v14;
	v18 =	vmul.f32 v59, v55  }
0x4e0: {  	v57 =	vmax.f32 v9, $0.0e+00;
	v22 =	vcvt.f32.s32 v27;
	v56 =	vld.idx.msk [tilespmem:v48+s17+$0x0], $0xffff;
	v30 =	vmax.f32 v7, $0.0e+00  }
0x4e1: {  	v61 =	vld.idx.msk [tilespmem:v48+s16+$0x0], $0xffff;
	v29 =	vadd.f32 v18, v58;
	v18 =	vmin.f32 v30, $6.200000000e+01;
	v15 =	vmul.f32 v8, v60  }
0x4e2: {  	v2 =	vmin.f32 v57, $6.200000000e+01;
	v14 =	vmul.f32 $3.200000000e+01, v28;
	v18 =	vtrunc.f32 v18;
	v12 =	vld.idx.msk [tilespmem:v52+s5+$0x0], $0xffff  }
0x4e3: {  	v31 =	vld.idx.msk [tilespmem:v48+s5+$0x0], $0xffff;
	v48 =	vmul.f32 $3.200000000e+01, v37;
	v18 =	vcvt.f32.s32 v18;
	v15 =	vadd.f32 v15, v63  }
0x4e4: {  	v34 =	vld.idx.msk [tilespmem:v3+s16+$0x0], $0xffff;
	v32 =	vadd.s32 v22, v0;
	v2 =	vtrunc.f32 v2;
	v4 =	vmul.f32 v29, v59  }
0x4e5: {  	v42 =	vmul.f32 $3.200000000e+01, v33;
	v38 =	vadd.s32 v18, v0;
	v8 =	vmul.f32 v15, v8  }
0x4e6: {  	v3 =	vld.idx.msk [tilespmem:v3+s5+$0x0], $0xffff;
	v14 =	vadd.f32 $3.200000000e+01, v14;
	v17 =	vmul.f32 v5, v56;
	v36 =	vadd.f32 v4, v20  }
0x4e7: {  	v39 =	vld [tilespmem:s4+$0x430];
	v43 =	vcvt.s32.f32 v22;
	v13 =	vmul.f32 v10, v53;
	v8 =	vadd.f32 v8, v12  }
0x4e8: {  	v35 =	vcvt.f32.s32 v2;
	v2 =	vld [tilespmem:s4+$0x440];
	v45 =	vmax.f32 v14, $0.0e+00;
	v16 =	vadd.f32 v17, v61;
	[tilespmem:s6+$0x70] =	vst v36  }
0x4e9: {  	v47 =	vadd.f32 $3.200000000e+01, v42;
	v13 =	vadd.f32 v13, v34;
	v51 =	vmin.f32 v45, $6.200000000e+01;
	v41 =	vld.idx.msk [tilespmem:v32+s17+$0x0], $0xffff;
	[tilespmem:s7+$0x70] =	vst v8  }
0x4ea: {  	v40 =	vadd.s32 v35, v0;
	v19 =	vtrunc.f32 v51;
	v5 =	vmul.f32 v16, v5;
	v49 =	vld.idx.msk [tilespmem:v38+s17+$0x0], $0xffff  }
0x4eb: {  	v6 =	vsub.f32 v6, v43;
	v10 =	vmul.f32 v13, v10;
	v18 =	vcvt.s32.f32 v18;
	v46 =	vld.idx.msk [tilespmem:v32+s16+$0x0], $0xffff  }
0x4ec: {  	v17 =	vcvt.s32.f32 v35;
	v5 =	vadd.f32 v5, v31;
	v8 =	vadd.f32 $3.200000000e+01, v48;
	v54 =	vld.idx.msk [tilespmem:v38+s16+$0x0], $0xffff  }
0x4ed: {  	v58 =	vld [tilespmem:s6+$0x420];
	v2 =	vmul.f32 $3.200000000e+01, v2;
	v52 =	vmax.f32 v47, $0.0e+00;
	v7 =	vsub.f32 v7, v18  }
0x4ee: {  	v20 =	vmin.f32 v52, $6.200000000e+01;
	v11 =	vld.idx.msk [tilespmem:v32+s5+$0x0], $0xffff;
	[tilespmem:s4+$0x400] =	vst v5;
	v53 =	vmul.f32 v6, v41;
	v56 =	vmax.f32 v8, $0.0e+00  }
0x4ef: {  	v20 =	vtrunc.f32 v20;
	v50 =	vld.idx.msk [tilespmem:v40+s17+$0x0], $0xffff;
	v24 =	vmin.f32 v56, $6.200000000e+01;
	v12 =	vmul.f32 v7, v49  }
0x4f0: {  	v20 =	vcvt.f32.s32 v20;
	v22 =	vadd.f32 v53, v46;
	v15 =	vld.idx.msk [tilespmem:v38+s5+$0x0], $0xffff;
	v57 =	vtrunc.f32 v24  }
0x4f1: {  	v9 =	vsub.f32 v9, v17;
	v55 =	vld.idx.msk [tilespmem:v40+s16+$0x0], $0xffff;
	v17 =	vcvt.f32.s32 v57;
	v12 =	vadd.f32 v12, v54  }
0x4f2: {  	v4 =	vadd.f32 $3.200000000e+01, v1;
	v59 =	vadd.s32 v20, v0;
	v6 =	vmul.f32 v22, v6  }
0x4f3: {  	v61 =	vld [tilespmem:s7+$0x420];
	v1 =	vmul.f32 $3.200000000e+01, v39;
	v62 =	vadd.s32 v17, v0;
	v7 =	vmul.f32 v12, v7  }
0x4f4: {  	v3 =	vadd.f32 v10, v3;
	v13 =	vmul.f32 v9, v50;
	v6 =	vadd.f32 v6, v11  }
0x4f5: {  	v2 =	vadd.f32 $3.200000000e+01, v2;
	v29 =	vmul.f32 $3.200000000e+01, v58;
	v16 =	vld.idx.msk [tilespmem:v40+s5+$0x0], $0xffff;
	v26 =	vadd.f32 v7, v15  }
0x4f6: {  	v44 =	vmax.f32 v4, $0.0e+00;
	v60 =	vld [tilespmem:s6+$0x430];
	v63 =	vcvt.f32.s32 v19;
	v13 =	vadd.f32 v13, v55;
	[tilespmem:s6+$0x400] =	vst v6  }
0x4f7: {  	v21 =	vmin.f32 v44, $6.200000000e+01;
	v33 =	vadd.f32 $3.200000000e+01, v29;
	v20 =	vcvt.s32.f32 v20;
	v30 =	vld.idx.msk [tilespmem:v59+s17+$0x0], $0xffff;
	[tilespmem:s7+$0x400] =	vst v26  }
0x4f8: {  	v28 =	vadd.s32 v63, v0;
	v27 =	vmul.f32 v13, v9;
	v11 =	vmul.f32 $3.200000000e+01, v61;
	v34 =	vld.idx.msk [tilespmem:v62+s17+$0x0], $0xffff  }
0x4f9: {  	v21 =	vtrunc.f32 v21;
	v35 =	vsub.f32 v47, v20;
	v31 =	vld.idx.msk [tilespmem:v59+s16+$0x0], $0xffff;
	v36 =	vcvt.s32.f32 v17  }
0x4fa: {  	v21 =	vcvt.f32.s32 v21;
	v32 =	vadd.f32 v27, v16;
	v11 =	vadd.f32 $3.200000000e+01, v11;
	v39 =	vld.idx.msk [tilespmem:v62+s16+$0x0], $0xffff  }
0x4fb: {  	v37 =	vcvt.s32.f32 v63;
	v50 =	vld [tilespmem:s7+$0x430];
	v38 =	vmax.f32 v33, $0.0e+00;
	v5 =	vsub.f32 v8, v36  }
0x4fc: {  	v42 =	vld.idx.msk [tilespmem:v59+s5+$0x0], $0xffff;
	[tilespmem:s4+$0x410] =	vst v32;
	v43 =	vmax.f32 v11, $0.0e+00;
	v17 =	vmin.f32 v38, $6.200000000e+01;
	v15 =	vmul.f32 v35, v30  }
0x4fd: {  	v40 =	vld.idx.msk [tilespmem:v28+s17+$0x0], $0xffff;
	v41 =	vtrunc.f32 v17;
	v17 =	vmin.f32 v43, $6.200000000e+01;
	v13 =	vmul.f32 v5, v34  }
0x4fe: {  	v8 =	vcvt.f32.s32 v41;
	v17 =	vtrunc.f32 v17;
	v15 =	vadd.f32 v15, v31;
	v12 =	vld.idx.msk [tilespmem:v62+s5+$0x0], $0xffff  }
0x4ff: {  	v16 =	vadd.f32 $3.200000000e+01, v1;
	v44 =	vld.idx.msk [tilespmem:v28+s16+$0x0], $0xffff;
	v46 =	vcvt.f32.s32 v17;
	v13 =	vadd.f32 v13, v39  }
0x500: {  	v6 =	vsub.f32 v14, v37;
	v49 =	vadd.s32 v8, v0;
	v1 =	vmul.f32 v15, v35  }
0x501: {  	v55 =	vmul.f32 $3.200000000e+01, v60;
	v51 =	vadd.s32 v46, v0;
	v5 =	vmul.f32 v13, v5  }
0x502: {  	v19 =	vld [tilespmem:s6+$0x440];
	v45 =	vmax.f32 v16, $0.0e+00;
	v48 =	vmul.f32 v6, v40;
	v14 =	vadd.f32 v1, v42  }
0x503: {  	v58 =	vmul.f32 $3.200000000e+01, v50;
	v47 =	vmin.f32 v45, $6.200000000e+01;
	v9 =	vld.idx.msk [tilespmem:v28+s5+$0x0], $0xffff;
	v5 =	vadd.f32 v5, v12  }
0x504: {  	v60 =	vadd.f32 $3.200000000e+01, v55;
	v17 =	vtrunc.f32 v47;
	v18 =	vadd.f32 v48, v44;
	[tilespmem:s6+$0x410] =	vst v14  }
0x505: {  	v52 =	vcvt.s32.f32 v21;
	v63 =	vadd.f32 $3.200000000e+01, v58;
	v17 =	vcvt.f32.s32 v17;
	v56 =	vld.idx.msk [tilespmem:v49+s17+$0x0], $0xffff;
	[tilespmem:s7+$0x410] =	vst v5  }
0x506: {  	v29 =	vmax.f32 v60, $0.0e+00;
	v57 =	vcvt.s32.f32 v8;
	v6 =	vmul.f32 v18, v6;
	v59 =	vld.idx.msk [tilespmem:v51+s17+$0x0], $0xffff  }
0x507: {  	v32 =	vmax.f32 v63, $0.0e+00;
	v45 =	vmul.f32 $3.200000000e+01, v19;
	v15 =	vcvt.s32.f32 v46;
	v61 =	vld.idx.msk [tilespmem:v49+s16+$0x0], $0xffff  }
0x508: {  	v54 =	vadd.s32 v17, v0;
	v6 =	vadd.f32 v6, v9;
	v5 =	vsub.f32 v33, v57;
	v27 =	vld.idx.msk [tilespmem:v51+s16+$0x0], $0xffff  }
0x509: {  	v40 =	vmax.f32 v2, $0.0e+00;
	v26 =	vadd.s32 v21, v0;
	v11 =	vsub.f32 v11, v15  }
0x50a: {  	v38 =	vld [tilespmem:s7+$0x440];
	v1 =	vadd.f32 $3.200000000e+01, v23;
	[tilespmem:s4+$0x420] =	vst v6;
	v6 =	vmin.f32 v29, $6.200000000e+01;
	v31 =	vmul.f32 v5, v56  }
0x50b: {  	v23 =	vmin.f32 v32, $6.200000000e+01;
	v6 =	vtrunc.f32 v6;
	v20 =	vld.idx.msk [tilespmem:v49+s5+$0x0], $0xffff;
	v10 =	vmul.f32 v11, v59  }
0x50c: {  	v6 =	vcvt.f32.s32 v6;
	v33 =	vtrunc.f32 v23;
	v13 =	vld.idx.msk [tilespmem:v51+s5+$0x0], $0xffff;
	v18 =	vadd.f32 v31, v61  }
0x50d: {  	[tilespmem:s0+$0x430] =	vst v3;
	v17 =	vcvt.s32.f32 v17;
	v30 =	vld.idx.msk [tilespmem:v54+s17+$0x0], $0xffff;
	v35 =	vcvt.f32.s32 v33;
	v8 =	vadd.f32 v10, v27  }
0x50e: {  	v41 =	vmin.f32 v40, $6.200000000e+01;
	v28 =	vld.idx.msk [tilespmem:v26+s17+$0x0], $0xffff;
	v37 =	vadd.s32 v6, v0;
	v5 =	vmul.f32 v18, v5  }
0x50f: {  	v43 =	vtrunc.f32 v41;
	v36 =	vld.idx.msk [tilespmem:v54+s16+$0x0], $0xffff;
	v39 =	vadd.s32 v35, v0;
	v8 =	vmul.f32 v8, v11  }
0x510: {  	v21 =	vld [tilespmem:s4+$0x450];
	v16 =	vsub.f32 v16, v17;
	v53 =	vmax.f32 v1, $0.0e+00;
	v5 =	vadd.f32 v5, v20  }
0x511: {  	v48 =	vmul.f32 $3.200000000e+01, v38;
	v34 =	vld.idx.msk [tilespmem:v26+s16+$0x0], $0xffff;
	v62 =	vmin.f32 v53, $6.200000000e+01;
	v8 =	vadd.f32 v8, v13  }
0x512: {  	v4 =	vsub.f32 v4, v52;
	v14 =	vld.idx.msk [tilespmem:v54+s5+$0x0], $0xffff;
	v3 =	vtrunc.f32 v62;
	v15 =	vmul.f32 v16, v30;
	[tilespmem:s6+$0x420] =	vst v5  }
0x513: {  	v52 =	vadd.f32 $3.200000000e+01, v48;
	v3 =	vcvt.f32.s32 v3;
	v6 =	vcvt.s32.f32 v6;
	v46 =	vld.idx.msk [tilespmem:v37+s17+$0x0], $0xffff;
	[tilespmem:s7+$0x420] =	vst v8  }
0x514: {  	v12 =	vmul.f32 v4, v28;
	v44 =	vadd.f32 v15, v36;
	v15 =	vadd.f32 $3.200000000e+01, v45;
	v49 =	vld.idx.msk [tilespmem:v39+s17+$0x0], $0xffff  }
0x515: {  	v6 =	vsub.f32 v60, v6;
	v56 =	vmax.f32 v52, $0.0e+00;
	v10 =	vcvt.s32.f32 v35;
	v50 =	vld.idx.msk [tilespmem:v37+s16+$0x0], $0xffff  }
0x516: {  	v54 =	vmax.f32 v15, $0.0e+00;
	v22 =	vmin.f32 v56, $6.200000000e+01;
	v5 =	vmul.f32 v44, v16;
	v53 =	vld.idx.msk [tilespmem:v39+s16+$0x0], $0xffff  }
0x517: {  	v42 =	vld [tilespmem:s6+$0x450];
	v58 =	vtrunc.f32 v22;
	v7 =	vsub.f32 v63, v10;
	v13 =	vcvt.f32.s32 v43  }
0x518: {  	v63 =	vld [tilespmem:s7+$0x450];
	v5 =	vadd.f32 v5, v14;
	v14 =	vmin.f32 v54, $6.200000000e+01;
	v19 =	vmul.f32 v6, v46  }
0x519: {  	v18 =	vld.idx.msk [tilespmem:v37+s5+$0x0], $0xffff;
	v14 =	vtrunc.f32 v14;
	v17 =	vmul.f32 v7, v49  }
0x51a: {  	v51 =	vadd.s32 v13, v0;
	v14 =	vcvt.f32.s32 v14;
	v11 =	vld.idx.msk [tilespmem:v39+s5+$0x0], $0xffff;
	v57 =	vadd.f32 v19, v50  }
0x51b: {  	v55 =	vld.idx.msk [tilespmem:v26+s5+$0x0], $0xffff;
	v47 =	vadd.f32 v12, v34;
	v16 =	vcvt.f32.s32 v58;
	v12 =	vadd.f32 v17, v53  }
0x51c: {  	v29 =	vmul.f32 $3.200000000e+01, v42;
	[tilespmem:s4+$0x430] =	vst v5;
	v62 =	vadd.s32 v14, v0;
	v5 =	vmul.f32 v57, v6  }
0x51d: {  	v59 =	vmul.f32 $3.200000000e+01, v21;
	v25 =	vadd.s32 v16, v0;
	v7 =	vmul.f32 v12, v7  }
0x51e: {  	v4 =	vmul.f32 v47, v4;
	v16 =	vcvt.s32.f32 v16;
	v5 =	vadd.f32 v5, v18  }
0x51f: {  	v33 =	vmul.f32 $3.200000000e+01, v63;
	v19 =	vadd.f32 $3.200000000e+01, v59;
	v60 =	vld.idx.msk [tilespmem:v51+s17+$0x0], $0xffff;
	v7 =	vadd.f32 v7, v11  }
0x520: {  	v4 =	vadd.f32 v4, v55;
	v27 =	vadd.s32 v3, v0;
	v13 =	vcvt.s32.f32 v13;
	v61 =	vld.idx.msk [tilespmem:v51+s16+$0x0], $0xffff;
	[tilespmem:s6+$0x430] =	vst v5  }
0x521: {  	v9 =	vsub.f32 v52, v16;
	v37 =	vadd.f32 $3.200000000e+01, v33;
	v26 =	vmax.f32 v19, $0.0e+00;
	v30 =	vld.idx.msk [tilespmem:v62+s17+$0x0], $0xffff;
	[tilespmem:s7+$0x430] =	vst v7  }
0x522: {  	v2 =	vsub.f32 v2, v13;
	v32 =	vcvt.s32.f32 v14;
	v8 =	vmin.f32 v26, $6.200000000e+01;
	v34 =	vld.idx.msk [tilespmem:v25+s17+$0x0], $0xffff  }
0x523: {  	v43 =	vmax.f32 v37, $0.0e+00;
	v28 =	vtrunc.f32 v8;
	v8 =	vadd.f32 $3.200000000e+01, v29;
	v35 =	vld.idx.msk [tilespmem:v62+s16+$0x0], $0xffff  }
0x524: {  	v36 =	vsub.f32 v15, v32;
	v21 =	vmin.f32 v43, $6.200000000e+01;
	v13 =	vmul.f32 v2, v60;
	v38 =	vld.idx.msk [tilespmem:v25+s16+$0x0], $0xffff  }
0x525: {  	v39 =	vld.idx.msk [tilespmem:v51+s5+$0x0], $0xffff;
	v44 =	vtrunc.f32 v21;
	v5 =	vcvt.f32.s32 v28;
	v41 =	vmax.f32 v8, $0.0e+00  }
0x526: {  	v42 =	vmin.f32 v41, $6.200000000e+01;
	v31 =	vadd.f32 v13, v61;
	v10 =	vmul.f32 v36, v30  }
0x527: {  	v6 =	vld.idx.msk [tilespmem:v62+s5+$0x0], $0xffff;
	v40 =	vadd.s32 v5, v0;
	v16 =	vtrunc.f32 v42;
	v17 =	vmul.f32 v9, v34  }
0x528: {  	v16 =	vcvt.f32.s32 v16;
	v2 =	vmul.f32 v31, v2;
	v12 =	vld.idx.msk [tilespmem:v25+s5+$0x0], $0xffff;
	v10 =	vadd.f32 v10, v35  }
0x529: {  	v45 =	vcvt.f32.s32 v44;
	v14 =	vadd.f32 v17, v38  }
0x52a: {  	[tilespmem:s0+$0x440] =	vst v4;
	v47 =	vadd.s32 v16, v0;
	v2 =	vadd.f32 v2, v39;
	v46 =	vmul.f32 v10, v36  }
0x52b: {  	v48 =	vld.idx.msk [tilespmem:v27+s17+$0x0], $0xffff;
	v49 =	vadd.s32 v45, v0;
	v9 =	vmul.f32 v14, v9  }
0x52c: {  	v50 =	vld.idx.msk [tilespmem:v27+s16+$0x0], $0xffff;
	[tilespmem:s4+$0x440] =	vst v2;
	v51 =	vadd.f32 v46, v6  }
0x52d: {  	v52 =	vld.idx.msk [tilespmem:v40+s17+$0x0], $0xffff;
	v53 =	vadd.f32 v9, v12  }
0x52e: {  	v3 =	vcvt.s32.f32 v3;
	v54 =	vld.idx.msk [tilespmem:v40+s16+$0x0], $0xffff;
	[tilespmem:s6+$0x440] =	vst v51  }
0x52f: {  	v55 =	vcvt.s32.f32 v5;
	v56 =	vld.idx.msk [tilespmem:v47+s17+$0x0], $0xffff;
	[tilespmem:s7+$0x440] =	vst v53  }
0x530: {  	v1 =	vsub.f32 v1, v3;
	v57 =	vcvt.s32.f32 v16;
	v6 =	vld.idx.msk [tilespmem:v49+s17+$0x0], $0xffff  }
0x531: {  	v59 =	vcvt.s32.f32 v45;
	v2 =	vsub.f32 v19, v55;
	v58 =	vld.idx.msk [tilespmem:v47+s16+$0x0], $0xffff  }
0x532: {  	v3 =	vsub.f32 v8, v57;
	v10 =	vmul.f32 v1, v48;
	v60 =	vld.idx.msk [tilespmem:v49+s16+$0x0], $0xffff  }
0x533: {  	v11 =	vld.idx.msk [tilespmem:v27+s5+$0x0], $0xffff;
	v13 =	vsub.f32 v37, v59;
	v4 =	vmul.f32 v2, v52  }
0x534: {  	v61 =	vld.idx.msk [tilespmem:v40+s5+$0x0], $0xffff;
	v10 =	vadd.f32 v10, v50;
	v5 =	vmul.f32 v3, v56  }
0x535: {  	v7 =	vld.idx.msk [tilespmem:v47+s5+$0x0], $0xffff;
	v4 =	vadd.f32 v4, v54;
	v6 =	vmul.f32 v13, v6  }
0x536: {  	v1 =	vmul.f32 v10, v1;
	v0 =	vld.idx.msk [tilespmem:v49+s5+$0x0], $0xffff;
	v5 =	vadd.f32 v5, v58  }
0x537: {  	v2 =	vmul.f32 v4, v2;
	v62 =	vadd.f32 v6, v60  }
0x538: {  	v1 =	vadd.f32 v1, v11;
	v3 =	vmul.f32 v5, v3  }
0x539: {  	v2 =	vadd.f32 v2, v61;
	v4 =	vmul.f32 v62, v13  }
0x53a: {  	[tilespmem:s0+$0x450] =	vst v1;
	v63 =	vadd.f32 v3, v7  }
0x53b: {  	[tilespmem:s4+$0x450] =	vst v2;
	v0 =	vadd.f32 v4, v0  }
0x53c: {  	[tilespmem:s6+$0x450] =	vst v63  }
.Ltmp5:
0x53d: {  	s31 =	sadd.s32 s3, s31;
	[tilespmem:s7+$0x450] =	vst v0;
	(pc) =	sbr.rel @p0 .LBB2_10-.Ltmp5, $4  }
0x53e: {  	[hbm4b:s31+s5] =	stream.linear.scatter [tilespmem:s20], [sflag:$0x6], $0x7000, $0x38;
	[tilespmem:$0x1E300] =	vst v63  }
0x53f: {  	_ =	swait.ge [sflag:s24], $0x7000  }
0x540: {  	[sflag:s24] =	ssyncset.done $0x0  }
0x541: {  	[sflag:s24] =	ssyncadd.s32 $0xFFFF9000  }
0x542: {  	s0 =	sadd.s32 s29, s13  }
0x543: {  	s4 =	sshrl.u32 s0, $0x1  }
0x544: {  	s6 =	smulhi.u32 $0x2AAAAAAB, s4;
	_ =	sdelay $0x1  }
0x545: {  	s0 =	smulhi.u32 $0xAAAAAAAB, s0;
	s6 =	sshrl.u32 s6, $0x5  }
0x546: {  	s6 =	smul.u32 $0xC0, s6  }
0x547: {  	s0 =	sshrl.u32 s0, $0x8  }
0x548: {  	s0 =	smul.u32 $0xA80000, s0;
	s4 =	ssub.s32 s4, s6  }
0x549: {  	s4 =	smul.u32 $0xE000, s4  }
.Ltmp6:
0x54a: {  	s0 =	sor.u32 s30, s0;
	(pc) =	sbr.rel .LBB2_2-.Ltmp6, $4  }
0x54b: {  	s0 =	sadd.s32 s4, s0  }
0x54c: {  	s0 =	sshrl.u32 s0, $0x3  }
0x54d: {  	s28 =	sadd.s32 $0x1, s28;
	s0 =	sadd.s32 s2, s0  }
0x54e: {  	[tilespmem:s19], [sflag:$0x2] =	stream.linear.gather [hbm4b:s0+s5], $0x7000, $0x38;
	[tilespmem:$0x1E300] =	vst v63  }
.LBB2_11:
0x54f: {  	_ =	sfence.sel $0x180000  }
0x550: {  	[bflag:$0x0] =	sbarrier.arrive $0xFFFF  }
0x551: {  	_ =	strace $0x90000050  }
0x552: {  	s0 =	stileid.u32;
	[bflag:$0x2] =	sbarrier.arrive $0xFFFF  }
0x553: {  	p0 =	sne.s32 s0, $0x0;
	s0 =	rddreg [dreg:$0x3]  }
0x554: {  	s0 =	sadd.s32 @!p0 $0x100000, s0  }
0x555: {  	[sflag:s0] =	ssyncadd.tile.s32 @!p0 $0x1;
	_ =	shalt  }
.Lfunc_end2:
_tile_overlayer_lowered:
.L_overlay_start_2:
0x556: {  	(tag) =	ssettag $0x2  }
0x557: {  	s0 =	rddreg [dreg:$0x0];
	s2 =	stileid.u32  }
0x558: {  	s1 =	rddreg [dreg:$0x1];
	p0 =	sne.s32 s2, $0x0  }
0x559: {  	s3 =	rddreg [dreg:$0x2];
	[bflag:$0x3] =	sbarrier.arrive $0xFFFF;
	s2 =	simm.s32 @!p0 $0x1C07  }
0x55a: {  	[timem:s3], [sflag:s2] =	dma.local @!p0 [hbm:s0], s1  }
0x55b: {  	s0 =	simm.s32 @!p0 $0x7  }
0x55c: {  	_ =	swait.ge @!p0 [sflag:s0], s1  }
0x55d: {  	s1 =	ssub.s32 @!p0 $0x0, s1;
	[sflag:s0] =	ssyncset.done @!p0 $0x0  }
0x55e: {  	[sflag:s0] =	ssyncadd.s32 @!p0 s1  }
0x55f: {  	[bflag:$0x3] =	sbarrier.arrive $0xFFFF  }
0x560: {  	_ =	shalt  }

</sc_bundles>
